<compile_context>
chip_gen: v7x
topology: tpu7x:2x2x1
jax: 0.10.2.dev20260603
libtpu: 0.0.44.dev20260713+nightly
codegen_flags: <defaults>
</compile_context>

<pallas_src>
import functools

import jax
import jax.numpy as jnp
from jax import lax
from jax.experimental import pallas as pl
from jax.experimental.pallas import tpu as pltpu
from jax.experimental.pallas import tpu_sc as plsc

_N = 10000
_E = 160000
_D = 256
_H = _D // 2
_NC = 2
_NS = 16
_EPT = _E // _NS
_C = 80
_NCHUNK = _EPT // _C
_EPTP = _NCHUNK * _C
_NACC = _N + 16
_RPT = 624
_RTAIL = _N - _NS * _RPT
_ZTAIL = _NACC - _NS * _RPT
_BN = 1000


def _seg_sum_sc(yA, yB, comb, zrow, zdeg, with_deg):
    mesh = plsc.VectorSubcoreMesh(core_axis_name="c", subcore_axis_name="s")
    out_type = [jax.ShapeDtypeStruct((_N, _H), jnp.float32),
                jax.ShapeDtypeStruct((_N, _H), jnp.float32)]
    if with_deg:
        out_type.append(jax.ShapeDtypeStruct((_NACC,), jnp.float32))

    @functools.partial(
        pl.kernel,
        out_type=tuple(out_type),
        mesh=mesh,
        scratch_types=[
            pltpu.VMEM((_EPTP,), jnp.int32),
            pltpu.VMEM((3, _C), jnp.int32),
            pltpu.VMEM((_C,), jnp.int32),
            pltpu.VMEM((_C,), jnp.int32),
            pltpu.VMEM((_C,), jnp.int32),
            pltpu.VMEM((_C, _H), jnp.float32),
            pltpu.VMEM((_C, _H), jnp.float32),
            pltpu.VMEM((_C, _H), jnp.float32),
            pltpu.VMEM((_C,), jnp.float32),
            pltpu.VMEM_SHARED((_NACC, _H), jnp.float32),
            pltpu.VMEM_SHARED((_NACC,), jnp.float32),
            pltpu.SemaphoreType.DMA,
            pltpu.SemaphoreType.DMA,
            pltpu.SemaphoreType.DMA,
            pltpu.SemaphoreType.DMA,
            pltpu.SemaphoreType.DMA,
            pltpu.SemaphoreType.DMA,
        ],
    )
    def k(yA_hbm, yB_hbm, comb_hbm, zrow_hbm, zdeg_hbm,
          *out_and_scratch):
        if with_deg:
            sA_out, sB_out, deg_out = out_and_scratch[:3]
            scr = out_and_scratch[3:]
        else:
            sA_out, sB_out = out_and_scratch[:2]
            scr = out_and_scratch[2:]
        (comb_st, src_sl, dst0, dst1, dst2, buf0, buf1, buf2, ones_v,
         acc_sh, deg_sh, g0, g1, g2, s0, s1, s2) = scr
        dstV = (dst0, dst1, dst2)
        bufV = (buf0, buf1, buf2)
        gsem = (g0, g1, g2)
        ssem = (s0, s1, s2)
        c = lax.axis_index("c")
        s = lax.axis_index("s")
        if with_deg:
            for i in range(_C // 16):
                ones_v[pl.ds(i * 16, 16)] = jnp.ones((16,), jnp.float32)

        base = s * _EPTP
        pltpu.async_copy(comb_hbm.at[pl.ds(base, _EPTP)], comb_st, g0)

        zlo = s * _RPT
        pltpu.sync_copy(zrow_hbm.at[pl.ds(zlo, _RPT)],
                        acc_sh.at[pl.ds(zlo, _RPT)])

        @pl.when(s == _NS - 1)
        def _():
            pltpu.sync_copy(zrow_hbm.at[pl.ds(_NS * _RPT, _ZTAIL)],
                            acc_sh.at[pl.ds(_NS * _RPT, _ZTAIL)])

        if with_deg:
            @pl.when(jnp.logical_and(s == 0, c == 0))
            def _():
                pltpu.sync_copy(zdeg_hbm, deg_sh)

        pltpu.make_async_copy(comb_hbm.at[pl.ds(0, _EPTP)], comb_st, g0).wait()
        plsc.subcore_barrier()

        def unpack(kk, j):
            for i in range(_C // 16):
                v = comb_st[pl.ds(kk * _C + i * 16, 16)]
                src_sl[j, pl.ds(i * 16, 16)] = \
                    lax.shift_right_logical(v, 14)
                dstV[j][pl.ds(i * 16, 16)] = lax.bitwise_and(v, 16383)

        def gather(kk, j):
            del kk
            idx = src_sl.at[j]

            @pl.when(c == 0)
            def _():
                pltpu.async_copy(yA_hbm.at[idx], bufV[j], gsem[j])

            @pl.when(c == 1)
            def _():
                pltpu.async_copy(yB_hbm.at[idx], bufV[j], gsem[j])

        def wait_gather(j):
            pltpu.make_async_copy(
                yA_hbm.at[src_sl.at[j]], bufV[j], gsem[j]).wait()

        def ascatter(kk, j):
            del kk
            pltpu.async_copy(bufV[j], acc_sh.at[dstV[j]], ssem[j], add=True)
            if with_deg:
                @pl.when(c == 0)
                def _():
                    pltpu.async_copy(ones_v, deg_sh.at[dstV[j]], ssem[j],
                                     add=True)

        def wait_scatter(j):
            pltpu.make_async_copy(
                bufV[j], acc_sh.at[dstV[j]], ssem[j]).wait()
            if with_deg:
                @pl.when(c == 0)
                def _():
                    pltpu.make_async_copy(
                        ones_v, deg_sh.at[dstV[j]], ssem[j]).wait()

        unpack(0, 0)
        gather(0, 0)
        unpack(1, 1)
        gather(1, 1)

        def process(kk, j, j2):
            wait_gather(j)
            ascatter(kk, j)
            wait_scatter(j2)
            unpack(kk + 2, j2)
            gather(kk + 2, j2)

        wait_gather(0)
        ascatter(0, 0)
        unpack(2, 2)
        gather(2, 2)
        wait_gather(1)
        ascatter(1, 1)
        wait_scatter(0)
        unpack(3, 0)
        gather(3, 0)

        @pl.loop(0, (_NCHUNK - 5) // 3)
        def _(i):
            k0 = 3 * i + 2
            process(k0, 2, 1)
            process(k0 + 1, 0, 2)
            process(k0 + 2, 1, 0)

        process(_NCHUNK - 3, 2, 1)
        wait_gather(0)
        ascatter(_NCHUNK - 2, 0)
        wait_gather(1)
        ascatter(_NCHUNK - 1, 1)
        wait_scatter(2)
        wait_scatter(0)
        wait_scatter(1)

        plsc.subcore_barrier()
        @pl.when(c == 0)
        def _():
            pltpu.sync_copy(acc_sh.at[pl.ds(s * _RPT, _RPT)],
                            sA_out.at[pl.ds(s * _RPT, _RPT)])

            @pl.when(s == _NS - 1)
            def _():
                pltpu.sync_copy(acc_sh.at[pl.ds(_NS * _RPT, _RTAIL)],
                                sA_out.at[pl.ds(_NS * _RPT, _RTAIL)])

        @pl.when(c == 1)
        def _():
            pltpu.sync_copy(acc_sh.at[pl.ds(s * _RPT, _RPT)],
                            sB_out.at[pl.ds(s * _RPT, _RPT)])

            @pl.when(s == _NS - 1)
            def _():
                pltpu.sync_copy(acc_sh.at[pl.ds(_NS * _RPT, _RTAIL)],
                                sB_out.at[pl.ds(_NS * _RPT, _RTAIL)])

        if with_deg:
            @pl.when(jnp.logical_and(s == 0, c == 0))
            def _():
                pltpu.sync_copy(deg_sh, deg_out)

    return k(yA, yB, comb, zrow, zdeg)


def _mm(a, b):
    return jnp.dot(a, b, preferred_element_type=jnp.float32)


def _tc_y(x, Wl):
    def body(x_ref, wl_ref, yA_ref, yB_ref):
        y = _mm(x_ref[...], wl_ref[...])
        yA_ref[...] = y[:, :_H]
        yB_ref[...] = y[:, _H:]

    return pl.pallas_call(
        body,
        grid=(_N // _BN,),
        in_specs=[
            pl.BlockSpec((_BN, _D), lambda i: (i, 0)),
            pl.BlockSpec((_D, _D), lambda i: (0, 0)),
        ],
        out_specs=[
            pl.BlockSpec((_BN, _H), lambda i: (i, 0)),
            pl.BlockSpec((_BN, _H), lambda i: (i, 0)),
        ],
        out_shape=[
            jax.ShapeDtypeStruct((_N, _H), jnp.float32),
            jax.ShapeDtypeStruct((_N, _H), jnp.float32),
        ],
    )(x, Wl)


def _tc_z(x, Wr, b):
    def body(x_ref, wr_ref, b_ref, z_ref):
        z_ref[...] = _mm(x_ref[...], wr_ref[...]) + b_ref[...]

    return pl.pallas_call(
        body,
        grid=(_N // _BN,),
        in_specs=[
            pl.BlockSpec((_BN, _D), lambda i: (i, 0)),
            pl.BlockSpec((_D, _D), lambda i: (0, 0)),
            pl.BlockSpec((1, _D), lambda i: (0, 0)),
        ],
        out_specs=pl.BlockSpec((_BN, _D), lambda i: (i, 0)),
        out_shape=jax.ShapeDtypeStruct((_N, _D), jnp.float32),
    )(x, Wr, b.reshape(1, _D))


def _tc_mid(sA, sB, deg, z, Wl):
    def body(sA_ref, sB_ref, deg_ref, z_ref, wl_ref,
             yA_ref, yB_ref, hA_ref, hB_ref):
        rd = 1.0 / jnp.maximum(deg_ref[...], 1.0)
        zb = z_ref[...]
        hA = jnp.maximum(sA_ref[...] * rd + zb[:, :_H], 0.0)
        hB = jnp.maximum(sB_ref[...] * rd + zb[:, _H:], 0.0)
        hA_ref[...] = hA
        hB_ref[...] = hB
        wl = wl_ref[...]
        y2 = _mm(hA, wl[:_H, :]) + _mm(hB, wl[_H:, :])
        yA_ref[...] = y2[:, :_H]
        yB_ref[...] = y2[:, _H:]

    return pl.pallas_call(
        body,
        grid=(_N // _BN,),
        in_specs=[
            pl.BlockSpec((_BN, _H), lambda i: (i, 0)),
            pl.BlockSpec((_BN, _H), lambda i: (i, 0)),
            pl.BlockSpec((_BN, 1), lambda i: (i, 0)),
            pl.BlockSpec((_BN, _D), lambda i: (i, 0)),
            pl.BlockSpec((_D, _D), lambda i: (0, 0)),
        ],
        out_specs=[
            pl.BlockSpec((_BN, _H), lambda i: (i, 0)),
            pl.BlockSpec((_BN, _H), lambda i: (i, 0)),
            pl.BlockSpec((_BN, _H), lambda i: (i, 0)),
            pl.BlockSpec((_BN, _H), lambda i: (i, 0)),
        ],
        out_shape=[
            jax.ShapeDtypeStruct((_N, _H), jnp.float32),
            jax.ShapeDtypeStruct((_N, _H), jnp.float32),
            jax.ShapeDtypeStruct((_N, _H), jnp.float32),
            jax.ShapeDtypeStruct((_N, _H), jnp.float32),
        ],
    )(sA, sB, deg, z, Wl)


def _tc_z2(hA, hB, Wr, b):
    def body(hA_ref, hB_ref, wr_ref, b_ref, z_ref):
        wr = wr_ref[...]
        z_ref[...] = (_mm(hA_ref[...], wr[:_H, :]) +
                      _mm(hB_ref[...], wr[_H:, :]) + b_ref[...])

    return pl.pallas_call(
        body,
        grid=(_N // _BN,),
        in_specs=[
            pl.BlockSpec((_BN, _H), lambda i: (i, 0)),
            pl.BlockSpec((_BN, _H), lambda i: (i, 0)),
            pl.BlockSpec((_D, _D), lambda i: (0, 0)),
            pl.BlockSpec((1, _D), lambda i: (0, 0)),
        ],
        out_specs=pl.BlockSpec((_BN, _D), lambda i: (i, 0)),
        out_shape=jax.ShapeDtypeStruct((_N, _D), jnp.float32),
    )(hA, hB, Wr, b.reshape(1, _D))


def _tc_post(sA, sB, deg, z):
    def body(sA_ref, sB_ref, deg_ref, z_ref, o_ref):
        rd = 1.0 / jnp.maximum(deg_ref[...], 1.0)
        o_ref[...] = jnp.concatenate(
            [sA_ref[...] * rd, sB_ref[...] * rd], axis=1) + z_ref[...]

    return pl.pallas_call(
        body,
        grid=(_N // _BN,),
        in_specs=[
            pl.BlockSpec((_BN, _H), lambda i: (i, 0)),
            pl.BlockSpec((_BN, _H), lambda i: (i, 0)),
            pl.BlockSpec((_BN, 1), lambda i: (i, 0)),
            pl.BlockSpec((_BN, _D), lambda i: (i, 0)),
        ],
        out_specs=pl.BlockSpec((_BN, _D), lambda i: (i, 0)),
        out_shape=jax.ShapeDtypeStruct((_N, _D), jnp.float32),
    )(sA, sB, deg, z)


def kernel(x, edge_index, Wl1, Wr1, b1, Wl2, Wr2, b2):
    src = edge_index[0].astype(jnp.int32)
    dst = edge_index[1].astype(jnp.int32)
    comb = (src << 14) | dst
    zrow = jnp.zeros((_NACC, _H), jnp.float32)
    zdeg = jnp.zeros((_NACC,), jnp.float32)

    yA1, yB1 = _tc_y(x, Wl1)
    s1A, s1B, deg1 = _seg_sum_sc(yA1, yB1, comb, zrow, zdeg, with_deg=True)
    z1 = _tc_z(x, Wr1, b1)
    deg = deg1[:_N].reshape(_N, 1)
    y2A, y2B, hA, hB = _tc_mid(s1A, s1B, deg, z1, Wl2)
    s2A, s2B = _seg_sum_sc(y2A, y2B, comb, zrow, zdeg, with_deg=False)
    z2 = _tc_z2(hA, hB, Wr2, b2)
    return _tc_post(s2A, s2B, deg, z2)

# --- scband reference (transcript-rebuilt; emitter-appended) ---
"""Pipeline reference for scband-gnnencoder-44427141710621 (READ-ONLY COPY).

The authoritative reference and input builder live on the scoring server;
editing this copy changes nothing except your own understanding.
"""

import jax, jax.numpy as jnp
import numpy as np

N = 10000
E = 160000
D = 256

def _sage_conv(x, edge_index, Wl, Wr, b):
    # PyG SAGEConv (mean aggregation, root_weight=True, bias=True):
    # out = lin_l(mean_{j in N(i)} x_j) + lin_r(x_i)
    src = edge_index[0]
    dst = edge_index[1]
    msgs = jnp.take(x, src, axis=0)
    agg = jax.ops.segment_sum(msgs, dst, num_segments=x.shape[0])
    deg = jax.ops.segment_sum(jnp.ones((edge_index.shape[1],), dtype=x.dtype), dst, num_segments=x.shape[0])
    agg = agg / jnp.clip(deg, 1.0, None)[:, None]
    return agg @ Wl + x @ Wr + b

def setup_inputs(seed: int = 0) -> dict:
    key = jax.random.key(seed)
    ks = jax.random.split(key, 8)
    x = jax.random.normal(ks[0], (N, D), dtype=jnp.float32)
    edge_index = jax.random.randint(ks[1], (2, E), 0, N, dtype=jnp.int64)
    s = 1.0 / np.sqrt(D)
    Wl1 = jax.random.normal(ks[2], (D, D), dtype=jnp.float32) * s
    Wr1 = jax.random.normal(ks[3], (D, D), dtype=jnp.float32) * s
    b1 = jnp.zeros((D,), dtype=jnp.float32)
    Wl2 = jax.random.normal(ks[4], (D, D), dtype=jnp.float32) * s
    Wr2 = jax.random.normal(ks[5], (D, D), dtype=jnp.float32) * s
    b2 = jnp.zeros((D,), dtype=jnp.float32)
    return {"x": x, "edge_index": edge_index, "Wl1": Wl1, "Wr1": Wr1, "b1": b1, "Wl2": Wl2, "Wr2": Wr2, "b2": b2}

def reference(x, edge_index, Wl1, Wr1, b1, Wl2, Wr2, b2):
    h = _sage_conv(x, edge_index, Wl1, Wr1, b1)
    h = jax.nn.relu(h)
    # dropout is identity in eval mode
    out = _sage_conv(h, edge_index, Wl2, Wr2, b2)
    return out

if __name__ == "__main__":
    import jax
    _d = setup_inputs()
    print(jax.jit(kernel)(*tuple(_d.values())))

</pallas_src>

<mosaic_0001>
#map = affine_map<(d0, d1) -> (0, 0)>
#map1 = affine_map<(d0, d1) -> (0)>
module attributes {stable_mosaic.version = 14 : i64} {
  func.func @k(%arg0: i32, %arg1: i32, %arg2: memref<10000x128xf32, #tpu.memory_space<hbm>>, %arg3: memref<10000x128xf32, #tpu.memory_space<hbm>>, %arg4: memref<160000xi32, #tpu.memory_space<hbm>>, %arg5: memref<10016x128xf32, #tpu.memory_space<hbm>>, %arg6: memref<10016xf32, #tpu.memory_space<hbm>>, %arg7: memref<10000x128xf32, #tpu.memory_space<hbm>>, %arg8: memref<10000x128xf32, #tpu.memory_space<hbm>>, %arg9: memref<10016xf32, #tpu.memory_space<hbm>>, %arg10: memref<10000xi32, #tpu.memory_space<vmem>>, %arg11: memref<3x80xi32, #tpu.memory_space<vmem>>, %arg12: memref<80xi32, #tpu.memory_space<vmem>>, %arg13: memref<80xi32, #tpu.memory_space<vmem>>, %arg14: memref<80xi32, #tpu.memory_space<vmem>>, %arg15: memref<80x128xf32, #tpu.memory_space<vmem>>, %arg16: memref<80x128xf32, #tpu.memory_space<vmem>>, %arg17: memref<80x128xf32, #tpu.memory_space<vmem>>, %arg18: memref<80xf32, #tpu.memory_space<vmem>>, %arg19: memref<10016x128xf32, #tpu.memory_space<vmem_shared>>, %arg20: memref<10016xf32, #tpu.memory_space<vmem_shared>>, %arg21: memref<!tpu.dma_semaphore, #tpu.memory_space<semaphore_mem>>, %arg22: memref<!tpu.dma_semaphore, #tpu.memory_space<semaphore_mem>>, %arg23: memref<!tpu.dma_semaphore, #tpu.memory_space<semaphore_mem>>, %arg24: memref<!tpu.dma_semaphore, #tpu.memory_space<semaphore_mem>>, %arg25: memref<!tpu.dma_semaphore, #tpu.memory_space<semaphore_mem>>, %arg26: memref<!tpu.dma_semaphore, #tpu.memory_space<semaphore_mem>>) attributes {dimension_semantics = [#tpu.dimension_semantics<core_parallel>, #tpu.dimension_semantics<subcore_parallel>], iteration_bounds = array<i64: 2, 16>, scalar_prefetch = 0 : i64, scratch_operands = 17 : i64, tpu.core_type = #tpu.core_type<sc_vector_subcore>, window_params = [{transform_indices = #map}, {transform_indices = #map}, {transform_indices = #map1}, {transform_indices = #map}, {transform_indices = #map1}, {transform_indices = #map}, {transform_indices = #map}, {transform_indices = #map1}]} {
    %broadcast_in_dim3A = arith.constant 1.000000e+00 : f32
    %broadcast_in_dim3A_0 = vector.broadcast %broadcast_in_dim3A : f32 to vector<16xf32>
    %swap3A = arith.constant 0 : index
    %swap3A_1 = tpu.vector_load %arg18[%swap3A] {strides = array<i32>} : memref<80xf32, #tpu.memory_space<vmem>>, vector<16xf32>,
    %swap3A_2 = vector.shape_cast %swap3A_1 : vector<16xf32> to vector<16xf32>
    %swap3A_3 = vector.shape_cast %broadcast_in_dim3A_0 : vector<16xf32> to vector<16xf32>
    tpu.vector_store %arg18[%swap3A], %swap3A_3 {strides = array<i32>} : memref<80xf32, #tpu.memory_space<vmem>>, vector<16xf32>,
    %broadcast_in_dim3A_4 = arith.constant 1.000000e+00 : f32
    %broadcast_in_dim3A_5 = vector.broadcast %broadcast_in_dim3A_4 : f32 to vector<16xf32>
    %swap3A_6 = arith.constant 16 : index
    %swap3A_7 = tpu.vector_load %arg18[%swap3A_6] {strides = array<i32>} : memref<80xf32, #tpu.memory_space<vmem>>, vector<16xf32>,
    %swap3A_8 = vector.shape_cast %swap3A_7 : vector<16xf32> to vector<16xf32>
    %swap3A_9 = vector.shape_cast %broadcast_in_dim3A_5 : vector<16xf32> to vector<16xf32>
    tpu.vector_store %arg18[%swap3A_6], %swap3A_9 {strides = array<i32>} : memref<80xf32, #tpu.memory_space<vmem>>, vector<16xf32>,
    %broadcast_in_dim3A_10 = arith.constant 1.000000e+00 : f32
    %broadcast_in_dim3A_11 = vector.broadcast %broadcast_in_dim3A_10 : f32 to vector<16xf32>
    %swap3A_12 = arith.constant 32 : index
    %swap3A_13 = tpu.vector_load %arg18[%swap3A_12] {strides = array<i32>} : memref<80xf32, #tpu.memory_space<vmem>>, vector<16xf32>,
    %swap3A_14 = vector.shape_cast %swap3A_13 : vector<16xf32> to vector<16xf32>
    %swap3A_15 = vector.shape_cast %broadcast_in_dim3A_11 : vector<16xf32> to vector<16xf32>
    tpu.vector_store %arg18[%swap3A_12], %swap3A_15 {strides = array<i32>} : memref<80xf32, #tpu.memory_space<vmem>>, vector<16xf32>,
    %broadcast_in_dim3A_16 = arith.constant 1.000000e+00 : f32
    %broadcast_in_dim3A_17 = vector.broadcast %broadcast_in_dim3A_16 : f32 to vector<16xf32>
    %swap3A_18 = arith.constant 48 : index
    %swap3A_19 = tpu.vector_load %arg18[%swap3A_18] {strides = array<i32>} : memref<80xf32, #tpu.memory_space<vmem>>, vector<16xf32>,
    %swap3A_20 = vector.shape_cast %swap3A_19 : vector<16xf32> to vector<16xf32>
    %swap3A_21 = vector.shape_cast %broadcast_in_dim3A_17 : vector<16xf32> to vector<16xf32>
    tpu.vector_store %arg18[%swap3A_18], %swap3A_21 {strides = array<i32>} : memref<80xf32, #tpu.memory_space<vmem>>, vector<16xf32>,
    %broadcast_in_dim3A_22 = arith.constant 1.000000e+00 : f32
    %broadcast_in_dim3A_23 = vector.broadcast %broadcast_in_dim3A_22 : f32 to vector<16xf32>
    %swap3A_24 = arith.constant 64 : index
    %swap3A_25 = tpu.vector_load %arg18[%swap3A_24] {strides = array<i32>} : memref<80xf32, #tpu.memory_space<vmem>>, vector<16xf32>,
    %swap3A_26 = vector.shape_cast %swap3A_25 : vector<16xf32> to vector<16xf32>
    %swap3A_27 = vector.shape_cast %broadcast_in_dim3A_23 : vector<16xf32> to vector<16xf32>
    tpu.vector_store %arg18[%swap3A_24], %swap3A_27 {strides = array<i32>} : memref<80xf32, #tpu.memory_space<vmem>>, vector<16xf32>,
    %mul3A = arith.constant 10000 : i32
    %mul3A_28 = arith.muli %arg1, %mul3A : i32
    %dma_start3A = tpu.memref_slice %arg4[%mul3A_28] : memref<160000xi32, #tpu.memory_space<hbm>> -> memref<10000xi32, #tpu.memory_space<hbm>>
    %dma_start3A_29 = tpu.memref_slice %arg4[%mul3A_28] : memref<160000xi32, #tpu.memory_space<hbm>> -> memref<10000xi32, #tpu.memory_space<hbm>>
    tpu.enqueue_dma source(%dma_start3A_29 : memref<10000xi32, #tpu.memory_space<hbm>>) target(%arg10 : memref<10000xi32, #tpu.memory_space<vmem>>) target_semaphore(%arg21 : memref<!tpu.dma_semaphore, #tpu.memory_space<semaphore_mem>>)
    %mul3A_30 = arith.constant 624 : i32
    %mul3A_31 = arith.muli %arg1, %mul3A_30 : i32
    "tpu.region"() ({
      %run_scoped3A = tpu.sem_alloc : memref<!tpu.dma_semaphore, #tpu.memory_space<semaphore_mem>>
      %dma_start3A_715 = arith.constant 0 : i32
      %dma_start3A_716 = tpu.memref_slice %arg19[%mul3A_31, %dma_start3A_715] : memref<10016x128xf32, #tpu.memory_space<vmem_shared>> -> memref<624x128xf32, #tpu.memory_space<vmem_shared>>
      %dma_start3A_717 = arith.constant 0 : i32
      %dma_start3A_718 = tpu.memref_slice %arg5[%mul3A_31, %dma_start3A_717] : memref<10016x128xf32, #tpu.memory_space<hbm>> -> memref<624x128xf32, #tpu.memory_space<hbm>>
      tpu.enqueue_dma source(%dma_start3A_718 : memref<624x128xf32, #tpu.memory_space<hbm>>) target(%dma_start3A_716 : memref<624x128xf32, #tpu.memory_space<vmem_shared>>) target_semaphore(%run_scoped3A : memref<!tpu.dma_semaphore, #tpu.memory_space<semaphore_mem>>)
      %dma_wait3A_719 = arith.constant 0 : i32
      %dma_wait3A_720 = tpu.memref_slice %arg19[%mul3A_31, %dma_wait3A_719] : memref<10016x128xf32, #tpu.memory_space<vmem_shared>> -> memref<624x128xf32, #tpu.memory_space<vmem_shared>>
      %dma_wait3A_721 = arith.constant 0 : i32
      %dma_wait3A_722 = tpu.memref_slice %arg5[%mul3A_31, %dma_wait3A_721] : memref<10016x128xf32, #tpu.memory_space<hbm>> -> memref<624x128xf32, #tpu.memory_space<hbm>>
      tpu.wait_dma2 semaphore(%run_scoped3A : memref<!tpu.dma_semaphore, #tpu.memory_space<semaphore_mem>>) src(%dma_wait3A_722 : memref<624x128xf32, #tpu.memory_space<hbm>>) dst(%dma_wait3A_720 : memref<624x128xf32, #tpu.memory_space<vmem_shared>>)
      tpu.yield
    }) : () -> ()
    %eq3A = arith.constant 15 : i32
    %eq3A_32 = arith.cmpi eq, %arg1, %eq3A : i32
    %convert_element_type3A = arith.extui %eq3A_32 : i1 to i32
    %cond3A = arith.constant 0 : i32
    %cond3A_33 = arith.cmpi ne, %convert_element_type3A, %cond3A : i32
    scf.if %cond3A_33 {
      "tpu.region"() ({
        %run_scoped3A = tpu.sem_alloc : memref<!tpu.dma_semaphore, #tpu.memory_space<semaphore_mem>>
        %dma_start3A_715 = arith.constant 9984 : i32
        %dma_start3A_716 = arith.constant 0 : i32
        %dma_start3A_717 = tpu.memref_slice %arg19[%dma_start3A_715, %dma_start3A_716] : memref<10016x128xf32, #tpu.memory_space<vmem_shared>> -> memref<32x128xf32, #tpu.memory_space<vmem_shared>>
        %dma_start3A_718 = arith.constant 9984 : i32
        %dma_start3A_719 = arith.constant 0 : i32
        %dma_start3A_720 = tpu.memref_slice %arg5[%dma_start3A_718, %dma_start3A_719] : memref<10016x128xf32, #tpu.memory_space<hbm>> -> memref<32x128xf32, #tpu.memory_space<hbm>>
        tpu.enqueue_dma source(%dma_start3A_720 : memref<32x128xf32, #tpu.memory_space<hbm>>) target(%dma_start3A_717 : memref<32x128xf32, #tpu.memory_space<vmem_shared>>) target_semaphore(%run_scoped3A : memref<!tpu.dma_semaphore, #tpu.memory_space<semaphore_mem>>)
        %dma_wait3A_721 = arith.constant 9984 : i32
        %dma_wait3A_722 = arith.constant 0 : i32
        %dma_wait3A_723 = tpu.memref_slice %arg19[%dma_wait3A_721, %dma_wait3A_722] : memref<10016x128xf32, #tpu.memory_space<vmem_shared>> -> memref<32x128xf32, #tpu.memory_space<vmem_shared>>
        %dma_wait3A_724 = arith.constant 9984 : i32
        %dma_wait3A_725 = arith.constant 0 : i32
        %dma_wait3A_726 = tpu.memref_slice %arg5[%dma_wait3A_724, %dma_wait3A_725] : memref<10016x128xf32, #tpu.memory_space<hbm>> -> memref<32x128xf32, #tpu.memory_space<hbm>>
        tpu.wait_dma2 semaphore(%run_scoped3A : memref<!tpu.dma_semaphore, #tpu.memory_space<semaphore_mem>>) src(%dma_wait3A_726 : memref<32x128xf32, #tpu.memory_space<hbm>>) dst(%dma_wait3A_723 : memref<32x128xf32, #tpu.memory_space<vmem_shared>>)
        tpu.yield
      }) : () -> ()
    } else {
    }
    %eq3A_34 = arith.constant 0 : i32
    %eq3A_35 = arith.cmpi eq, %arg1, %eq3A_34 : i32
    %eq3A_36 = arith.constant 0 : i32
    %eq3A_37 = arith.cmpi eq, %arg0, %eq3A_36 : i32
    %and3A = arith.andi %eq3A_35, %eq3A_37 : i1
    %convert_element_type3A_38 = arith.extui %and3A : i1 to i32
    %cond3A_39 = arith.constant 0 : i32
    %cond3A_40 = arith.cmpi ne, %convert_element_type3A_38, %cond3A_39 : i32
    scf.if %cond3A_40 {
      "tpu.region"() ({
        %run_scoped3A = tpu.sem_alloc : memref<!tpu.dma_semaphore, #tpu.memory_space<semaphore_mem>>
        tpu.enqueue_dma source(%arg6 : memref<10016xf32, #tpu.memory_space<hbm>>) target(%arg20 : memref<10016xf32, #tpu.memory_space<vmem_shared>>) target_semaphore(%run_scoped3A : memref<!tpu.dma_semaphore, #tpu.memory_space<semaphore_mem>>)
        tpu.wait_dma2 semaphore(%run_scoped3A : memref<!tpu.dma_semaphore, #tpu.memory_space<semaphore_mem>>) src(%arg6 : memref<10016xf32, #tpu.memory_space<hbm>>) dst(%arg20 : memref<10016xf32, #tpu.memory_space<vmem_shared>>)
        tpu.yield
      }) : () -> ()
    } else {
    }
    %dma_wait3A = arith.constant 0 : i32
    %dma_wait3A_41 = tpu.memref_slice %arg4[%dma_wait3A] : memref<160000xi32, #tpu.memory_space<hbm>> -> memref<10000xi32, #tpu.memory_space<hbm>>
    %dma_wait3A_42 = arith.constant 0 : i32
    %dma_wait3A_43 = tpu.memref_slice %arg4[%dma_wait3A_42] : memref<160000xi32, #tpu.memory_space<hbm>> -> memref<10000xi32, #tpu.memory_space<hbm>>
    tpu.wait_dma2 semaphore(%arg21 : memref<!tpu.dma_semaphore, #tpu.memory_space<semaphore_mem>>) src(%dma_wait3A_43 : memref<10000xi32, #tpu.memory_space<hbm>>) dst(%arg10 : memref<10000xi32, #tpu.memory_space<vmem>>)
    %barrier3A = arith.constant 0 : index
    tpu.barrier barrier_id(%barrier3A)
    %get3A = arith.constant 0 : index
    %get3A_44 = tpu.vector_load %arg10[%get3A] {strides = array<i32>} : memref<10000xi32, #tpu.memory_space<vmem>>, vector<16xi32>,
    %get3A_45 = vector.shape_cast %get3A_44 : vector<16xi32> to vector<16xi32>
    %shift_right_logical3A = arith.constant 14 : i32
    %shift_right_logical3A_46 = vector.broadcast %shift_right_logical3A : i32 to vector<16xi32>
    %shift_right_logical3A_47 = arith.shrui %get3A_45, %shift_right_logical3A_46 : vector<16xi32>
    %swap3A_48 = arith.constant 0 : i32
    %swap3A_49 = arith.index_cast %swap3A_48 : i32 to index
    %swap3A_50 = arith.constant 0 : index
    %swap3A_51 = tpu.vector_load %arg11[%swap3A_49, %swap3A_50] {strides = array<i32>} : memref<3x80xi32, #tpu.memory_space<vmem>>, vector<1x16xi32>,
    %swap3A_52 = vector.shape_cast %swap3A_51 : vector<1x16xi32> to vector<16xi32>
    %swap3A_53 = vector.shape_cast %shift_right_logical3A_47 : vector<16xi32> to vector<1x16xi32>
    tpu.vector_store %arg11[%swap3A_49, %swap3A_50], %swap3A_53 {strides = array<i32>} : memref<3x80xi32, #tpu.memory_space<vmem>>, vector<1x16xi32>,
    %and3A_54 = arith.constant 16383 : i32
    %and3A_55 = vector.broadcast %and3A_54 : i32 to vector<16xi32>
    %and3A_56 = arith.andi %get3A_45, %and3A_55 : vector<16xi32>
    %swap3A_57 = arith.constant 0 : index
    %swap3A_58 = tpu.vector_load %arg12[%swap3A_57] {strides = array<i32>} : memref<80xi32, #tpu.memory_space<vmem>>, vector<16xi32>,
    %swap3A_59 = vector.shape_cast %swap3A_58 : vector<16xi32> to vector<16xi32>
    %swap3A_60 = vector.shape_cast %and3A_56 : vector<16xi32> to vector<16xi32>
    tpu.vector_store %arg12[%swap3A_57], %swap3A_60 {strides = array<i32>} : memref<80xi32, #tpu.memory_space<vmem>>, vector<16xi32>,
    %get3A_61 = arith.constant 16 : index
    %get3A_62 = tpu.vector_load %arg10[%get3A_61] {strides = array<i32>} : memref<10000xi32, #tpu.memory_space<vmem>>, vector<16xi32>,
    %get3A_63 = vector.shape_cast %get3A_62 : vector<16xi32> to vector<16xi32>
    %shift_right_logical3A_64 = arith.constant 14 : i32
    %shift_right_logical3A_65 = vector.broadcast %shift_right_logical3A_64 : i32 to vector<16xi32>
    %shift_right_logical3A_66 = arith.shrui %get3A_63, %shift_right_logical3A_65 : vector<16xi32>
    %swap3A_67 = arith.constant 0 : i32
    %swap3A_68 = arith.index_cast %swap3A_67 : i32 to index
    %swap3A_69 = arith.constant 16 : index
    %swap3A_70 = tpu.vector_load %arg11[%swap3A_68, %swap3A_69] {strides = array<i32>} : memref<3x80xi32, #tpu.memory_space<vmem>>, vector<1x16xi32>,
    %swap3A_71 = vector.shape_cast %swap3A_70 : vector<1x16xi32> to vector<16xi32>
    %swap3A_72 = vector.shape_cast %shift_right_logical3A_66 : vector<16xi32> to vector<1x16xi32>
    tpu.vector_store %arg11[%swap3A_68, %swap3A_69], %swap3A_72 {strides = array<i32>} : memref<3x80xi32, #tpu.memory_space<vmem>>, vector<1x16xi32>,
    %and3A_73 = arith.constant 16383 : i32
    %and3A_74 = vector.broadcast %and3A_73 : i32 to vector<16xi32>
    %and3A_75 = arith.andi %get3A_63, %and3A_74 : vector<16xi32>
    %swap3A_76 = arith.constant 16 : index
    %swap3A_77 = tpu.vector_load %arg12[%swap3A_76] {strides = array<i32>} : memref<80xi32, #tpu.memory_space<vmem>>, vector<16xi32>,
    %swap3A_78 = vector.shape_cast %swap3A_77 : vector<16xi32> to vector<16xi32>
    %swap3A_79 = vector.shape_cast %and3A_75 : vector<16xi32> to vector<16xi32>
    tpu.vector_store %arg12[%swap3A_76], %swap3A_79 {strides = array<i32>} : memref<80xi32, #tpu.memory_space<vmem>>, vector<16xi32>,
    %get3A_80 = arith.constant 32 : index
    %get3A_81 = tpu.vector_load %arg10[%get3A_80] {strides = array<i32>} : memref<10000xi32, #tpu.memory_space<vmem>>, vector<16xi32>,
    %get3A_82 = vector.shape_cast %get3A_81 : vector<16xi32> to vector<16xi32>
    %shift_right_logical3A_83 = arith.constant 14 : i32
    %shift_right_logical3A_84 = vector.broadcast %shift_right_logical3A_83 : i32 to vector<16xi32>
    %shift_right_logical3A_85 = arith.shrui %get3A_82, %shift_right_logical3A_84 : vector<16xi32>
    %swap3A_86 = arith.constant 0 : i32
    %swap3A_87 = arith.index_cast %swap3A_86 : i32 to index
    %swap3A_88 = arith.constant 32 : index
    %swap3A_89 = tpu.vector_load %arg11[%swap3A_87, %swap3A_88] {strides = array<i32>} : memref<3x80xi32, #tpu.memory_space<vmem>>, vector<1x16xi32>,
    %swap3A_90 = vector.shape_cast %swap3A_89 : vector<1x16xi32> to vector<16xi32>
    %swap3A_91 = vector.shape_cast %shift_right_logical3A_85 : vector<16xi32> to vector<1x16xi32>
    tpu.vector_store %arg11[%swap3A_87, %swap3A_88], %swap3A_91 {strides = array<i32>} : memref<3x80xi32, #tpu.memory_space<vmem>>, vector<1x16xi32>,
    %and3A_92 = arith.constant 16383 : i32
    %and3A_93 = vector.broadcast %and3A_92 : i32 to vector<16xi32>
    %and3A_94 = arith.andi %get3A_82, %and3A_93 : vector<16xi32>
    %swap3A_95 = arith.constant 32 : index
    %swap3A_96 = tpu.vector_load %arg12[%swap3A_95] {strides = array<i32>} : memref<80xi32, #tpu.memory_space<vmem>>, vector<16xi32>,
    %swap3A_97 = vector.shape_cast %swap3A_96 : vector<16xi32> to vector<16xi32>
    %swap3A_98 = vector.shape_cast %and3A_94 : vector<16xi32> to vector<16xi32>
    tpu.vector_store %arg12[%swap3A_95], %swap3A_98 {strides = array<i32>} : memref<80xi32, #tpu.memory_space<vmem>>, vector<16xi32>,
    %get3A_99 = arith.constant 48 : index
    %get3A_100 = tpu.vector_load %arg10[%get3A_99] {strides = array<i32>} : memref<10000xi32, #tpu.memory_space<vmem>>, vector<16xi32>,
    %get3A_101 = vector.shape_cast %get3A_100 : vector<16xi32> to vector<16xi32>
    %shift_right_logical3A_102 = arith.constant 14 : i32
    %shift_right_logical3A_103 = vector.broadcast %shift_right_logical3A_102 : i32 to vector<16xi32>
    %shift_right_logical3A_104 = arith.shrui %get3A_101, %shift_right_logical3A_103 : vector<16xi32>
    %swap3A_105 = arith.constant 0 : i32
    %swap3A_106 = arith.index_cast %swap3A_105 : i32 to index
    %swap3A_107 = arith.constant 48 : index
    %swap3A_108 = tpu.vector_load %arg11[%swap3A_106, %swap3A_107] {strides = array<i32>} : memref<3x80xi32, #tpu.memory_space<vmem>>, vector<1x16xi32>,
    %swap3A_109 = vector.shape_cast %swap3A_108 : vector<1x16xi32> to vector<16xi32>
    %swap3A_110 = vector.shape_cast %shift_right_logical3A_104 : vector<16xi32> to vector<1x16xi32>
    tpu.vector_store %arg11[%swap3A_106, %swap3A_107], %swap3A_110 {strides = array<i32>} : memref<3x80xi32, #tpu.memory_space<vmem>>, vector<1x16xi32>,
    %and3A_111 = arith.constant 16383 : i32
    %and3A_112 = vector.broadcast %and3A_111 : i32 to vector<16xi32>
    %and3A_113 = arith.andi %get3A_101, %and3A_112 : vector<16xi32>
    %swap3A_114 = arith.constant 48 : index
    %swap3A_115 = tpu.vector_load %arg12[%swap3A_114] {strides = array<i32>} : memref<80xi32, #tpu.memory_space<vmem>>, vector<16xi32>,
    %swap3A_116 = vector.shape_cast %swap3A_115 : vector<16xi32> to vector<16xi32>
    %swap3A_117 = vector.shape_cast %and3A_113 : vector<16xi32> to vector<16xi32>
    tpu.vector_store %arg12[%swap3A_114], %swap3A_117 {strides = array<i32>} : memref<80xi32, #tpu.memory_space<vmem>>, vector<16xi32>,
    %get3A_118 = arith.constant 64 : index
    %get3A_119 = tpu.vector_load %arg10[%get3A_118] {strides = array<i32>} : memref<10000xi32, #tpu.memory_space<vmem>>, vector<16xi32>,
    %get3A_120 = vector.shape_cast %get3A_119 : vector<16xi32> to vector<16xi32>
    %shift_right_logical3A_121 = arith.constant 14 : i32
    %shift_right_logical3A_122 = vector.broadcast %shift_right_logical3A_121 : i32 to vector<16xi32>
    %shift_right_logical3A_123 = arith.shrui %get3A_120, %shift_right_logical3A_122 : vector<16xi32>
    %swap3A_124 = arith.constant 0 : i32
    %swap3A_125 = arith.index_cast %swap3A_124 : i32 to index
    %swap3A_126 = arith.constant 64 : index
    %swap3A_127 = tpu.vector_load %arg11[%swap3A_125, %swap3A_126] {strides = array<i32>} : memref<3x80xi32, #tpu.memory_space<vmem>>, vector<1x16xi32>,
    %swap3A_128 = vector.shape_cast %swap3A_127 : vector<1x16xi32> to vector<16xi32>
    %swap3A_129 = vector.shape_cast %shift_right_logical3A_123 : vector<16xi32> to vector<1x16xi32>
    tpu.vector_store %arg11[%swap3A_125, %swap3A_126], %swap3A_129 {strides = array<i32>} : memref<3x80xi32, #tpu.memory_space<vmem>>, vector<1x16xi32>,
    %and3A_130 = arith.constant 16383 : i32
    %and3A_131 = vector.broadcast %and3A_130 : i32 to vector<16xi32>
    %and3A_132 = arith.andi %get3A_120, %and3A_131 : vector<16xi32>
    %swap3A_133 = arith.constant 64 : index
    %swap3A_134 = tpu.vector_load %arg12[%swap3A_133] {strides = array<i32>} : memref<80xi32, #tpu.memory_space<vmem>>, vector<16xi32>,
    %swap3A_135 = vector.shape_cast %swap3A_134 : vector<16xi32> to vector<16xi32>
    %swap3A_136 = vector.shape_cast %and3A_132 : vector<16xi32> to vector<16xi32>
    tpu.vector_store %arg12[%swap3A_133], %swap3A_136 {strides = array<i32>} : memref<80xi32, #tpu.memory_space<vmem>>, vector<16xi32>,
    %eq3A_137 = arith.constant 0 : i32
    %eq3A_138 = arith.cmpi eq, %arg0, %eq3A_137 : i32
    %convert_element_type3A_139 = arith.extui %eq3A_138 : i1 to i32
    %cond3A_140 = arith.constant 0 : i32
    %cond3A_141 = arith.constant 0 : i32
    %cond3A_142 = arith.cmpi ne, %convert_element_type3A_139, %cond3A_141 : i32
    scf.if %cond3A_142 {
      %dma_start3A_715 = arith.constant 0 : i32
      %dma_start3A_716 = tpu.memref_slice %arg11[%cond3A_140, %dma_start3A_715] : memref<3x80xi32, #tpu.memory_space<vmem>> -> memref<1x80xi32, #tpu.memory_space<vmem>>
      %dma_start3A_717 = tpu.memref_squeeze %dma_start3A_716 : memref<1x80xi32, #tpu.memory_space<vmem>> -> memref<80xi32, #tpu.memory_space<vmem>>
      %dma_start3A_718 = arith.constant 0 : i32
      %dma_start3A_719 = arith.constant 0 : i32
      %dma_start3A_720 = tpu.memref_slice %arg2[%dma_start3A_718, %dma_start3A_719] : memref<10000x128xf32, #tpu.memory_space<hbm>> -> memref<10000x128xf32, #tpu.memory_space<hbm>>
      tpu.enqueue_indirect_dma source(%dma_start3A_720 : memref<10000x128xf32, #tpu.memory_space<hbm>>) target(%arg15 : memref<80x128xf32, #tpu.memory_space<vmem>>) offsets(%dma_start3A_717 : memref<80xi32, #tpu.memory_space<vmem>>) semaphore(%arg21 : memref<!tpu.dma_semaphore, #tpu.memory_space<semaphore_mem>>)
    } else {
    }
    %eq3A_143 = arith.constant 1 : i32
    %eq3A_144 = arith.cmpi eq, %arg0, %eq3A_143 : i32
    %convert_element_type3A_145 = arith.extui %eq3A_144 : i1 to i32
    %cond3A_146 = arith.constant 0 : i32
    %cond3A_147 = arith.constant 0 : i32
    %cond3A_148 = arith.cmpi ne, %convert_element_type3A_145, %cond3A_147 : i32
    scf.if %cond3A_148 {
      %dma_start3A_715 = arith.constant 0 : i32
      %dma_start3A_716 = tpu.memref_slice %arg11[%cond3A_146, %dma_start3A_715] : memref<3x80xi32, #tpu.memory_space<vmem>> -> memref<1x80xi32, #tpu.memory_space<vmem>>
      %dma_start3A_717 = tpu.memref_squeeze %dma_start3A_716 : memref<1x80xi32, #tpu.memory_space<vmem>> -> memref<80xi32, #tpu.memory_space<vmem>>
      %dma_start3A_718 = arith.constant 0 : i32
      %dma_start3A_719 = arith.constant 0 : i32
      %dma_start3A_720 = tpu.memref_slice %arg3[%dma_start3A_718, %dma_start3A_719] : memref<10000x128xf32, #tpu.memory_space<hbm>> -> memref<10000x128xf32, #tpu.memory_space<hbm>>
      tpu.enqueue_indirect_dma source(%dma_start3A_720 : memref<10000x128xf32, #tpu.memory_space<hbm>>) target(%arg15 : memref<80x128xf32, #tpu.memory_space<vmem>>) offsets(%dma_start3A_717 : memref<80xi32, #tpu.memory_space<vmem>>) semaphore(%arg21 : memref<!tpu.dma_semaphore, #tpu.memory_space<semaphore_mem>>)
    } else {
    }
    %get3A_149 = arith.constant 80 : index
    %get3A_150 = tpu.vector_load %arg10[%get3A_149] {strides = array<i32>} : memref<10000xi32, #tpu.memory_space<vmem>>, vector<16xi32>,
    %get3A_151 = vector.shape_cast %get3A_150 : vector<16xi32> to vector<16xi32>
    %shift_right_logical3A_152 = arith.constant 14 : i32
    %shift_right_logical3A_153 = vector.broadcast %shift_right_logical3A_152 : i32 to vector<16xi32>
    %shift_right_logical3A_154 = arith.shrui %get3A_151, %shift_right_logical3A_153 : vector<16xi32>
    %swap3A_155 = arith.constant 1 : i32
    %swap3A_156 = arith.index_cast %swap3A_155 : i32 to index
    %swap3A_157 = arith.constant 0 : index
    %swap3A_158 = tpu.vector_load %arg11[%swap3A_156, %swap3A_157] {strides = array<i32>} : memref<3x80xi32, #tpu.memory_space<vmem>>, vector<1x16xi32>,
    %swap3A_159 = vector.shape_cast %swap3A_158 : vector<1x16xi32> to vector<16xi32>
    %swap3A_160 = vector.shape_cast %shift_right_logical3A_154 : vector<16xi32> to vector<1x16xi32>
    tpu.vector_store %arg11[%swap3A_156, %swap3A_157], %swap3A_160 {strides = array<i32>} : memref<3x80xi32, #tpu.memory_space<vmem>>, vector<1x16xi32>,
    %and3A_161 = arith.constant 16383 : i32
    %and3A_162 = vector.broadcast %and3A_161 : i32 to vector<16xi32>
    %and3A_163 = arith.andi %get3A_151, %and3A_162 : vector<16xi32>
    %swap3A_164 = arith.constant 0 : index
    %swap3A_165 = tpu.vector_load %arg13[%swap3A_164] {strides = array<i32>} : memref<80xi32, #tpu.memory_space<vmem>>, vector<16xi32>,
    %swap3A_166 = vector.shape_cast %swap3A_165 : vector<16xi32> to vector<16xi32>
    %swap3A_167 = vector.shape_cast %and3A_163 : vector<16xi32> to vector<16xi32>
    tpu.vector_store %arg13[%swap3A_164], %swap3A_167 {strides = array<i32>} : memref<80xi32, #tpu.memory_space<vmem>>, vector<16xi32>,
    %get3A_168 = arith.constant 96 : index
    %get3A_169 = tpu.vector_load %arg10[%get3A_168] {strides = array<i32>} : memref<10000xi32, #tpu.memory_space<vmem>>, vector<16xi32>,
    %get3A_170 = vector.shape_cast %get3A_169 : vector<16xi32> to vector<16xi32>
    %shift_right_logical3A_171 = arith.constant 14 : i32
    %shift_right_logical3A_172 = vector.broadcast %shift_right_logical3A_171 : i32 to vector<16xi32>
    %shift_right_logical3A_173 = arith.shrui %get3A_170, %shift_right_logical3A_172 : vector<16xi32>
    %swap3A_174 = arith.constant 1 : i32
    %swap3A_175 = arith.index_cast %swap3A_174 : i32 to index
    %swap3A_176 = arith.constant 16 : index
    %swap3A_177 = tpu.vector_load %arg11[%swap3A_175, %swap3A_176] {strides = array<i32>} : memref<3x80xi32, #tpu.memory_space<vmem>>, vector<1x16xi32>,
    %swap3A_178 = vector.shape_cast %swap3A_177 : vector<1x16xi32> to vector<16xi32>
    %swap3A_179 = vector.shape_cast %shift_right_logical3A_173 : vector<16xi32> to vector<1x16xi32>
    tpu.vector_store %arg11[%swap3A_175, %swap3A_176], %swap3A_179 {strides = array<i32>} : memref<3x80xi32, #tpu.memory_space<vmem>>, vector<1x16xi32>,
    %and3A_180 = arith.constant 16383 : i32
    %and3A_181 = vector.broadcast %and3A_180 : i32 to vector<16xi32>
    %and3A_182 = arith.andi %get3A_170, %and3A_181 : vector<16xi32>
    %swap3A_183 = arith.constant 16 : index
    %swap3A_184 = tpu.vector_load %arg13[%swap3A_183] {strides = array<i32>} : memref<80xi32, #tpu.memory_space<vmem>>, vector<16xi32>,
    %swap3A_185 = vector.shape_cast %swap3A_184 : vector<16xi32> to vector<16xi32>
    %swap3A_186 = vector.shape_cast %and3A_182 : vector<16xi32> to vector<16xi32>
    tpu.vector_store %arg13[%swap3A_183], %swap3A_186 {strides = array<i32>} : memref<80xi32, #tpu.memory_space<vmem>>, vector<16xi32>,
    %get3A_187 = arith.constant 112 : index
    %get3A_188 = tpu.vector_load %arg10[%get3A_187] {strides = array<i32>} : memref<10000xi32, #tpu.memory_space<vmem>>, vector<16xi32>,
    %get3A_189 = vector.shape_cast %get3A_188 : vector<16xi32> to vector<16xi32>
    %shift_right_logical3A_190 = arith.constant 14 : i32
    %shift_right_logical3A_191 = vector.broadcast %shift_right_logical3A_190 : i32 to vector<16xi32>
    %shift_right_logical3A_192 = arith.shrui %get3A_189, %shift_right_logical3A_191 : vector<16xi32>
    %swap3A_193 = arith.constant 1 : i32
    %swap3A_194 = arith.index_cast %swap3A_193 : i32 to index
    %swap3A_195 = arith.constant 32 : index
    %swap3A_196 = tpu.vector_load %arg11[%swap3A_194, %swap3A_195] {strides = array<i32>} : memref<3x80xi32, #tpu.memory_space<vmem>>, vector<1x16xi32>,
    %swap3A_197 = vector.shape_cast %swap3A_196 : vector<1x16xi32> to vector<16xi32>
    %swap3A_198 = vector.shape_cast %shift_right_logical3A_192 : vector<16xi32> to vector<1x16xi32>
    tpu.vector_store %arg11[%swap3A_194, %swap3A_195], %swap3A_198 {strides = array<i32>} : memref<3x80xi32, #tpu.memory_space<vmem>>, vector<1x16xi32>,
    %and3A_199 = arith.constant 16383 : i32
    %and3A_200 = vector.broadcast %and3A_199 : i32 to vector<16xi32>
    %and3A_201 = arith.andi %get3A_189, %and3A_200 : vector<16xi32>
    %swap3A_202 = arith.constant 32 : index
    %swap3A_203 = tpu.vector_load %arg13[%swap3A_202] {strides = array<i32>} : memref<80xi32, #tpu.memory_space<vmem>>, vector<16xi32>,
    %swap3A_204 = vector.shape_cast %swap3A_203 : vector<16xi32> to vector<16xi32>
    %swap3A_205 = vector.shape_cast %and3A_201 : vector<16xi32> to vector<16xi32>
    tpu.vector_store %arg13[%swap3A_202], %swap3A_205 {strides = array<i32>} : memref<80xi32, #tpu.memory_space<vmem>>, vector<16xi32>,
    %get3A_206 = arith.constant 128 : index
    %get3A_207 = tpu.vector_load %arg10[%get3A_206] {strides = array<i32>} : memref<10000xi32, #tpu.memory_space<vmem>>, vector<16xi32>,
    %get3A_208 = vector.shape_cast %get3A_207 : vector<16xi32> to vector<16xi32>
    %shift_right_logical3A_209 = arith.constant 14 : i32
    %shift_right_logical3A_210 = vector.broadcast %shift_right_logical3A_209 : i32 to vector<16xi32>
    %shift_right_logical3A_211 = arith.shrui %get3A_208, %shift_right_logical3A_210 : vector<16xi32>
    %swap3A_212 = arith.constant 1 : i32
    %swap3A_213 = arith.index_cast %swap3A_212 : i32 to index
    %swap3A_214 = arith.constant 48 : index
    %swap3A_215 = tpu.vector_load %arg11[%swap3A_213, %swap3A_214] {strides = array<i32>} : memref<3x80xi32, #tpu.memory_space<vmem>>, vector<1x16xi32>,
    %swap3A_216 = vector.shape_cast %swap3A_215 : vector<1x16xi32> to vector<16xi32>
    %swap3A_217 = vector.shape_cast %shift_right_logical3A_211 : vector<16xi32> to vector<1x16xi32>
    tpu.vector_store %arg11[%swap3A_213, %swap3A_214], %swap3A_217 {strides = array<i32>} : memref<3x80xi32, #tpu.memory_space<vmem>>, vector<1x16xi32>,
    %and3A_218 = arith.constant 16383 : i32
    %and3A_219 = vector.broadcast %and3A_218 : i32 to vector<16xi32>
    %and3A_220 = arith.andi %get3A_208, %and3A_219 : vector<16xi32>
    %swap3A_221 = arith.constant 48 : index
    %swap3A_222 = tpu.vector_load %arg13[%swap3A_221] {strides = array<i32>} : memref<80xi32, #tpu.memory_space<vmem>>, vector<16xi32>,
    %swap3A_223 = vector.shape_cast %swap3A_222 : vector<16xi32> to vector<16xi32>
    %swap3A_224 = vector.shape_cast %and3A_220 : vector<16xi32> to vector<16xi32>
    tpu.vector_store %arg13[%swap3A_221], %swap3A_224 {strides = array<i32>} : memref<80xi32, #tpu.memory_space<vmem>>, vector<16xi32>,
    %get3A_225 = arith.constant 144 : index
    %get3A_226 = tpu.vector_load %arg10[%get3A_225] {strides = array<i32>} : memref<10000xi32, #tpu.memory_space<vmem>>, vector<16xi32>,
    %get3A_227 = vector.shape_cast %get3A_226 : vector<16xi32> to vector<16xi32>
    %shift_right_logical3A_228 = arith.constant 14 : i32
    %shift_right_logical3A_229 = vector.broadcast %shift_right_logical3A_228 : i32 to vector<16xi32>
    %shift_right_logical3A_230 = arith.shrui %get3A_227, %shift_right_logical3A_229 : vector<16xi32>
    %swap3A_231 = arith.constant 1 : i32
    %swap3A_232 = arith.index_cast %swap3A_231 : i32 to index
    %swap3A_233 = arith.constant 64 : index
    %swap3A_234 = tpu.vector_load %arg11[%swap3A_232, %swap3A_233] {strides = array<i32>} : memref<3x80xi32, #tpu.memory_space<vmem>>, vector<1x16xi32>,
    %swap3A_235 = vector.shape_cast %swap3A_234 : vector<1x16xi32> to vector<16xi32>
    %swap3A_236 = vector.shape_cast %shift_right_logical3A_230 : vector<16xi32> to vector<1x16xi32>
    tpu.vector_store %arg11[%swap3A_232, %swap3A_233], %swap3A_236 {strides = array<i32>} : memref<3x80xi32, #tpu.memory_space<vmem>>, vector<1x16xi32>,
    %and3A_237 = arith.constant 16383 : i32
    %and3A_238 = vector.broadcast %and3A_237 : i32 to vector<16xi32>
    %and3A_239 = arith.andi %get3A_227, %and3A_238 : vector<16xi32>
    %swap3A_240 = arith.constant 64 : index
    %swap3A_241 = tpu.vector_load %arg13[%swap3A_240] {strides = array<i32>} : memref<80xi32, #tpu.memory_space<vmem>>, vector<16xi32>,
    %swap3A_242 = vector.shape_cast %swap3A_241 : vector<16xi32> to vector<16xi32>
    %swap3A_243 = vector.shape_cast %and3A_239 : vector<16xi32> to vector<16xi32>
    tpu.vector_store %arg13[%swap3A_240], %swap3A_243 {strides = array<i32>} : memref<80xi32, #tpu.memory_space<vmem>>, vector<16xi32>,
    %eq3A_244 = arith.constant 0 : i32
    %eq3A_245 = arith.cmpi eq, %arg0, %eq3A_244 : i32
    %convert_element_type3A_246 = arith.extui %eq3A_245 : i1 to i32
    %cond3A_247 = arith.constant 1 : i32
    %cond3A_248 = arith.constant 0 : i32
    %cond3A_249 = arith.cmpi ne, %convert_element_type3A_246, %cond3A_248 : i32
    scf.if %cond3A_249 {
      %dma_start3A_715 = arith.constant 0 : i32
      %dma_start3A_716 = tpu.memref_slice %arg11[%cond3A_247, %dma_start3A_715] : memref<3x80xi32, #tpu.memory_space<vmem>> -> memref<1x80xi32, #tpu.memory_space<vmem>>
      %dma_start3A_717 = tpu.memref_squeeze %dma_start3A_716 : memref<1x80xi32, #tpu.memory_space<vmem>> -> memref<80xi32, #tpu.memory_space<vmem>>
      %dma_start3A_718 = arith.constant 0 : i32
      %dma_start3A_719 = arith.constant 0 : i32
      %dma_start3A_720 = tpu.memref_slice %arg2[%dma_start3A_718, %dma_start3A_719] : memref<10000x128xf32, #tpu.memory_space<hbm>> -> memref<10000x128xf32, #tpu.memory_space<hbm>>
      tpu.enqueue_indirect_dma source(%dma_start3A_720 : memref<10000x128xf32, #tpu.memory_space<hbm>>) target(%arg16 : memref<80x128xf32, #tpu.memory_space<vmem>>) offsets(%dma_start3A_717 : memref<80xi32, #tpu.memory_space<vmem>>) semaphore(%arg22 : memref<!tpu.dma_semaphore, #tpu.memory_space<semaphore_mem>>)
    } else {
    }
    %eq3A_250 = arith.constant 1 : i32
    %eq3A_251 = arith.cmpi eq, %arg0, %eq3A_250 : i32
    %convert_element_type3A_252 = arith.extui %eq3A_251 : i1 to i32
    %cond3A_253 = arith.constant 1 : i32
    %cond3A_254 = arith.constant 0 : i32
    %cond3A_255 = arith.cmpi ne, %convert_element_type3A_252, %cond3A_254 : i32
    scf.if %cond3A_255 {
      %dma_start3A_715 = arith.constant 0 : i32
      %dma_start3A_716 = tpu.memref_slice %arg11[%cond3A_253, %dma_start3A_715] : memref<3x80xi32, #tpu.memory_space<vmem>> -> memref<1x80xi32, #tpu.memory_space<vmem>>
      %dma_start3A_717 = tpu.memref_squeeze %dma_start3A_716 : memref<1x80xi32, #tpu.memory_space<vmem>> -> memref<80xi32, #tpu.memory_space<vmem>>
      %dma_start3A_718 = arith.constant 0 : i32
      %dma_start3A_719 = arith.constant 0 : i32
      %dma_start3A_720 = tpu.memref_slice %arg3[%dma_start3A_718, %dma_start3A_719] : memref<10000x128xf32, #tpu.memory_space<hbm>> -> memref<10000x128xf32, #tpu.memory_space<hbm>>
      tpu.enqueue_indirect_dma source(%dma_start3A_720 : memref<10000x128xf32, #tpu.memory_space<hbm>>) target(%arg16 : memref<80x128xf32, #tpu.memory_space<vmem>>) offsets(%dma_start3A_717 : memref<80xi32, #tpu.memory_space<vmem>>) semaphore(%arg22 : memref<!tpu.dma_semaphore, #tpu.memory_space<semaphore_mem>>)
    } else {
    }
    %dma_wait3A_256 = arith.constant 0 : i32
    %dma_wait3A_257 = arith.constant 0 : i32
    %dma_wait3A_258 = tpu.memref_slice %arg11[%dma_wait3A_256, %dma_wait3A_257] : memref<3x80xi32, #tpu.memory_space<vmem>> -> memref<1x80xi32, #tpu.memory_space<vmem>>
    %dma_wait3A_259 = tpu.memref_squeeze %dma_wait3A_258 : memref<1x80xi32, #tpu.memory_space<vmem>> -> memref<80xi32, #tpu.memory_space<vmem>>
    %dma_wait3A_260 = arith.constant 0 : i32
    %dma_wait3A_261 = arith.constant 0 : i32
    %dma_wait3A_262 = tpu.memref_slice %arg2[%dma_wait3A_260, %dma_wait3A_261] : memref<10000x128xf32, #tpu.memory_space<hbm>> -> memref<10000x128xf32, #tpu.memory_space<hbm>>
    tpu.wait_indirect_dma semaphore(%arg21 : memref<!tpu.dma_semaphore, #tpu.memory_space<semaphore_mem>>) src(%dma_wait3A_262 : memref<10000x128xf32, #tpu.memory_space<hbm>>) dst(%arg15 : memref<80x128xf32, #tpu.memory_space<vmem>>)
    %dma_start3A_263 = arith.constant 0 : i32
    %dma_start3A_264 = arith.constant 0 : i32
    %dma_start3A_265 = tpu.memref_slice %arg19[%dma_start3A_263, %dma_start3A_264] : memref<10016x128xf32, #tpu.memory_space<vmem_shared>> -> memref<10016x128xf32, #tpu.memory_space<vmem_shared>>
    tpu.enqueue_indirect_dma source(%arg15 : memref<80x128xf32, #tpu.memory_space<vmem>>) target(%dma_start3A_265 : memref<10016x128xf32, #tpu.memory_space<vmem_shared>>) offsets(%arg12 : memref<80xi32, #tpu.memory_space<vmem>>) semaphore(%arg24 : memref<!tpu.dma_semaphore, #tpu.memory_space<semaphore_mem>>) {add = true}
    %eq3A_266 = arith.constant 0 : i32
    %eq3A_267 = arith.cmpi eq, %arg0, %eq3A_266 : i32
    %convert_element_type3A_268 = arith.extui %eq3A_267 : i1 to i32
    %cond3A_269 = arith.constant 0 : i32
    %cond3A_270 = arith.cmpi ne, %convert_element_type3A_268, %cond3A_269 : i32
    scf.if %cond3A_270 {
      %dma_start3A_715 = arith.constant 0 : i32
      %dma_start3A_716 = tpu.memref_slice %arg20[%dma_start3A_715] : memref<10016xf32, #tpu.memory_space<vmem_shared>> -> memref<10016xf32, #tpu.memory_space<vmem_shared>>
      tpu.enqueue_indirect_dma source(%arg18 : memref<80xf32, #tpu.memory_space<vmem>>) target(%dma_start3A_716 : memref<10016xf32, #tpu.memory_space<vmem_shared>>) offsets(%arg12 : memref<80xi32, #tpu.memory_space<vmem>>) semaphore(%arg24 : memref<!tpu.dma_semaphore, #tpu.memory_space<semaphore_mem>>) {add = true}
    } else {
    }
    %get3A_271 = arith.constant 160 : index
    %get3A_272 = tpu.vector_load %arg10[%get3A_271] {strides = array<i32>} : memref<10000xi32, #tpu.memory_space<vmem>>, vector<16xi32>,
    %get3A_273 = vector.shape_cast %get3A_272 : vector<16xi32> to vector<16xi32>
    %shift_right_logical3A_274 = arith.constant 14 : i32
    %shift_right_logical3A_275 = vector.broadcast %shift_right_logical3A_274 : i32 to vector<16xi32>
    %shift_right_logical3A_276 = arith.shrui %get3A_273, %shift_right_logical3A_275 : vector<16xi32>
    %swap3A_277 = arith.constant 2 : i32
    %swap3A_278 = arith.index_cast %swap3A_277 : i32 to index
    %swap3A_279 = arith.constant 0 : index
    %swap3A_280 = tpu.vector_load %arg11[%swap3A_278, %swap3A_279] {strides = array<i32>} : memref<3x80xi32, #tpu.memory_space<vmem>>, vector<1x16xi32>,
    %swap3A_281 = vector.shape_cast %swap3A_280 : vector<1x16xi32> to vector<16xi32>
    %swap3A_282 = vector.shape_cast %shift_right_logical3A_276 : vector<16xi32> to vector<1x16xi32>
    tpu.vector_store %arg11[%swap3A_278, %swap3A_279], %swap3A_282 {strides = array<i32>} : memref<3x80xi32, #tpu.memory_space<vmem>>, vector<1x16xi32>,
    %and3A_283 = arith.constant 16383 : i32
    %and3A_284 = vector.broadcast %and3A_283 : i32 to vector<16xi32>
    %and3A_285 = arith.andi %get3A_273, %and3A_284 : vector<16xi32>
    %swap3A_286 = arith.constant 0 : index
    %swap3A_287 = tpu.vector_load %arg14[%swap3A_286] {strides = array<i32>} : memref<80xi32, #tpu.memory_space<vmem>>, vector<16xi32>,
    %swap3A_288 = vector.shape_cast %swap3A_287 : vector<16xi32> to vector<16xi32>
    %swap3A_289 = vector.shape_cast %and3A_285 : vector<16xi32> to vector<16xi32>
    tpu.vector_store %arg14[%swap3A_286], %swap3A_289 {strides = array<i32>} : memref<80xi32, #tpu.memory_space<vmem>>, vector<16xi32>,
    %get3A_290 = arith.constant 176 : index
    %get3A_291 = tpu.vector_load %arg10[%get3A_290] {strides = array<i32>} : memref<10000xi32, #tpu.memory_space<vmem>>, vector<16xi32>,
    %get3A_292 = vector.shape_cast %get3A_291 : vector<16xi32> to vector<16xi32>
    %shift_right_logical3A_293 = arith.constant 14 : i32
    %shift_right_logical3A_294 = vector.broadcast %shift_right_logical3A_293 : i32 to vector<16xi32>
    %shift_right_logical3A_295 = arith.shrui %get3A_292, %shift_right_logical3A_294 : vector<16xi32>
    %swap3A_296 = arith.constant 2 : i32
    %swap3A_297 = arith.index_cast %swap3A_296 : i32 to index
    %swap3A_298 = arith.constant 16 : index
    %swap3A_299 = tpu.vector_load %arg11[%swap3A_297, %swap3A_298] {strides = array<i32>} : memref<3x80xi32, #tpu.memory_space<vmem>>, vector<1x16xi32>,
    %swap3A_300 = vector.shape_cast %swap3A_299 : vector<1x16xi32> to vector<16xi32>
    %swap3A_301 = vector.shape_cast %shift_right_logical3A_295 : vector<16xi32> to vector<1x16xi32>
    tpu.vector_store %arg11[%swap3A_297, %swap3A_298], %swap3A_301 {strides = array<i32>} : memref<3x80xi32, #tpu.memory_space<vmem>>, vector<1x16xi32>,
    %and3A_302 = arith.constant 16383 : i32
    %and3A_303 = vector.broadcast %and3A_302 : i32 to vector<16xi32>
    %and3A_304 = arith.andi %get3A_292, %and3A_303 : vector<16xi32>
    %swap3A_305 = arith.constant 16 : index
    %swap3A_306 = tpu.vector_load %arg14[%swap3A_305] {strides = array<i32>} : memref<80xi32, #tpu.memory_space<vmem>>, vector<16xi32>,
    %swap3A_307 = vector.shape_cast %swap3A_306 : vector<16xi32> to vector<16xi32>
    %swap3A_308 = vector.shape_cast %and3A_304 : vector<16xi32> to vector<16xi32>
    tpu.vector_store %arg14[%swap3A_305], %swap3A_308 {strides = array<i32>} : memref<80xi32, #tpu.memory_space<vmem>>, vector<16xi32>,
    %get3A_309 = arith.constant 192 : index
    %get3A_310 = tpu.vector_load %arg10[%get3A_309] {strides = array<i32>} : memref<10000xi32, #tpu.memory_space<vmem>>, vector<16xi32>,
    %get3A_311 = vector.shape_cast %get3A_310 : vector<16xi32> to vector<16xi32>
    %shift_right_logical3A_312 = arith.constant 14 : i32
    %shift_right_logical3A_313 = vector.broadcast %shift_right_logical3A_312 : i32 to vector<16xi32>
    %shift_right_logical3A_314 = arith.shrui %get3A_311, %shift_right_logical3A_313 : vector<16xi32>
    %swap3A_315 = arith.constant 2 : i32
    %swap3A_316 = arith.index_cast %swap3A_315 : i32 to index
    %swap3A_317 = arith.constant 32 : index
    %swap3A_318 = tpu.vector_load %arg11[%swap3A_316, %swap3A_317] {strides = array<i32>} : memref<3x80xi32, #tpu.memory_space<vmem>>, vector<1x16xi32>,
    %swap3A_319 = vector.shape_cast %swap3A_318 : vector<1x16xi32> to vector<16xi32>
    %swap3A_320 = vector.shape_cast %shift_right_logical3A_314 : vector<16xi32> to vector<1x16xi32>
    tpu.vector_store %arg11[%swap3A_316, %swap3A_317], %swap3A_320 {strides = array<i32>} : memref<3x80xi32, #tpu.memory_space<vmem>>, vector<1x16xi32>,
    %and3A_321 = arith.constant 16383 : i32
    %and3A_322 = vector.broadcast %and3A_321 : i32 to vector<16xi32>
    %and3A_323 = arith.andi %get3A_311, %and3A_322 : vector<16xi32>
    %swap3A_324 = arith.constant 32 : index
    %swap3A_325 = tpu.vector_load %arg14[%swap3A_324] {strides = array<i32>} : memref<80xi32, #tpu.memory_space<vmem>>, vector<16xi32>,
    %swap3A_326 = vector.shape_cast %swap3A_325 : vector<16xi32> to vector<16xi32>
    %swap3A_327 = vector.shape_cast %and3A_323 : vector<16xi32> to vector<16xi32>
    tpu.vector_store %arg14[%swap3A_324], %swap3A_327 {strides = array<i32>} : memref<80xi32, #tpu.memory_space<vmem>>, vector<16xi32>,
    %get3A_328 = arith.constant 208 : index
    %get3A_329 = tpu.vector_load %arg10[%get3A_328] {strides = array<i32>} : memref<10000xi32, #tpu.memory_space<vmem>>, vector<16xi32>,
    %get3A_330 = vector.shape_cast %get3A_329 : vector<16xi32> to vector<16xi32>
    %shift_right_logical3A_331 = arith.constant 14 : i32
    %shift_right_logical3A_332 = vector.broadcast %shift_right_logical3A_331 : i32 to vector<16xi32>
    %shift_right_logical3A_333 = arith.shrui %get3A_330, %shift_right_logical3A_332 : vector<16xi32>
    %swap3A_334 = arith.constant 2 : i32
    %swap3A_335 = arith.index_cast %swap3A_334 : i32 to index
    %swap3A_336 = arith.constant 48 : index
    %swap3A_337 = tpu.vector_load %arg11[%swap3A_335, %swap3A_336] {strides = array<i32>} : memref<3x80xi32, #tpu.memory_space<vmem>>, vector<1x16xi32>,
    %swap3A_338 = vector.shape_cast %swap3A_337 : vector<1x16xi32> to vector<16xi32>
    %swap3A_339 = vector.shape_cast %shift_right_logical3A_333 : vector<16xi32> to vector<1x16xi32>
    tpu.vector_store %arg11[%swap3A_335, %swap3A_336], %swap3A_339 {strides = array<i32>} : memref<3x80xi32, #tpu.memory_space<vmem>>, vector<1x16xi32>,
    %and3A_340 = arith.constant 16383 : i32
    %and3A_341 = vector.broadcast %and3A_340 : i32 to vector<16xi32>
    %and3A_342 = arith.andi %get3A_330, %and3A_341 : vector<16xi32>
    %swap3A_343 = arith.constant 48 : index
    %swap3A_344 = tpu.vector_load %arg14[%swap3A_343] {strides = array<i32>} : memref<80xi32, #tpu.memory_space<vmem>>, vector<16xi32>,
    %swap3A_345 = vector.shape_cast %swap3A_344 : vector<16xi32> to vector<16xi32>
    %swap3A_346 = vector.shape_cast %and3A_342 : vector<16xi32> to vector<16xi32>
    tpu.vector_store %arg14[%swap3A_343], %swap3A_346 {strides = array<i32>} : memref<80xi32, #tpu.memory_space<vmem>>, vector<16xi32>,
    %get3A_347 = arith.constant 224 : index
    %get3A_348 = tpu.vector_load %arg10[%get3A_347] {strides = array<i32>} : memref<10000xi32, #tpu.memory_space<vmem>>, vector<16xi32>,
    %get3A_349 = vector.shape_cast %get3A_348 : vector<16xi32> to vector<16xi32>
    %shift_right_logical3A_350 = arith.constant 14 : i32
    %shift_right_logical3A_351 = vector.broadcast %shift_right_logical3A_350 : i32 to vector<16xi32>
    %shift_right_logical3A_352 = arith.shrui %get3A_349, %shift_right_logical3A_351 : vector<16xi32>
    %swap3A_353 = arith.constant 2 : i32
    %swap3A_354 = arith.index_cast %swap3A_353 : i32 to index
    %swap3A_355 = arith.constant 64 : index
    %swap3A_356 = tpu.vector_load %arg11[%swap3A_354, %swap3A_355] {strides = array<i32>} : memref<3x80xi32, #tpu.memory_space<vmem>>, vector<1x16xi32>,
    %swap3A_357 = vector.shape_cast %swap3A_356 : vector<1x16xi32> to vector<16xi32>
    %swap3A_358 = vector.shape_cast %shift_right_logical3A_352 : vector<16xi32> to vector<1x16xi32>
    tpu.vector_store %arg11[%swap3A_354, %swap3A_355], %swap3A_358 {strides = array<i32>} : memref<3x80xi32, #tpu.memory_space<vmem>>, vector<1x16xi32>,
    %and3A_359 = arith.constant 16383 : i32
    %and3A_360 = vector.broadcast %and3A_359 : i32 to vector<16xi32>
    %and3A_361 = arith.andi %get3A_349, %and3A_360 : vector<16xi32>
    %swap3A_362 = arith.constant 64 : index
    %swap3A_363 = tpu.vector_load %arg14[%swap3A_362] {strides = array<i32>} : memref<80xi32, #tpu.memory_space<vmem>>, vector<16xi32>,
    %swap3A_364 = vector.shape_cast %swap3A_363 : vector<16xi32> to vector<16xi32>
    %swap3A_365 = vector.shape_cast %and3A_361 : vector<16xi32> to vector<16xi32>
    tpu.vector_store %arg14[%swap3A_362], %swap3A_365 {strides = array<i32>} : memref<80xi32, #tpu.memory_space<vmem>>, vector<16xi32>,
    %eq3A_366 = arith.constant 0 : i32
    %eq3A_367 = arith.cmpi eq, %arg0, %eq3A_366 : i32
    %convert_element_type3A_368 = arith.extui %eq3A_367 : i1 to i32
    %cond3A_369 = arith.constant 2 : i32
    %cond3A_370 = arith.constant 0 : i32
    %cond3A_371 = arith.cmpi ne, %convert_element_type3A_368, %cond3A_370 : i32
    scf.if %cond3A_371 {
      %dma_start3A_715 = arith.constant 0 : i32
      %dma_start3A_716 = tpu.memref_slice %arg11[%cond3A_369, %dma_start3A_715] : memref<3x80xi32, #tpu.memory_space<vmem>> -> memref<1x80xi32, #tpu.memory_space<vmem>>
      %dma_start3A_717 = tpu.memref_squeeze %dma_start3A_716 : memref<1x80xi32, #tpu.memory_space<vmem>> -> memref<80xi32, #tpu.memory_space<vmem>>
      %dma_start3A_718 = arith.constant 0 : i32
      %dma_start3A_719 = arith.constant 0 : i32
      %dma_start3A_720 = tpu.memref_slice %arg2[%dma_start3A_718, %dma_start3A_719] : memref<10000x128xf32, #tpu.memory_space<hbm>> -> memref<10000x128xf32, #tpu.memory_space<hbm>>
      tpu.enqueue_indirect_dma source(%dma_start3A_720 : memref<10000x128xf32, #tpu.memory_space<hbm>>) target(%arg17 : memref<80x128xf32, #tpu.memory_space<vmem>>) offsets(%dma_start3A_717 : memref<80xi32, #tpu.memory_space<vmem>>) semaphore(%arg23 : memref<!tpu.dma_semaphore, #tpu.memory_space<semaphore_mem>>)
    } else {
    }
    %eq3A_372 = arith.constant 1 : i32
    %eq3A_373 = arith.cmpi eq, %arg0, %eq3A_372 : i32
    %convert_element_type3A_374 = arith.extui %eq3A_373 : i1 to i32
    %cond3A_375 = arith.constant 2 : i32
    %cond3A_376 = arith.constant 0 : i32
    %cond3A_377 = arith.cmpi ne, %convert_element_type3A_374, %cond3A_376 : i32
    scf.if %cond3A_377 {
      %dma_start3A_715 = arith.constant 0 : i32
      %dma_start3A_716 = tpu.memref_slice %arg11[%cond3A_375, %dma_start3A_715] : memref<3x80xi32, #tpu.memory_space<vmem>> -> memref<1x80xi32, #tpu.memory_space<vmem>>
      %dma_start3A_717 = tpu.memref_squeeze %dma_start3A_716 : memref<1x80xi32, #tpu.memory_space<vmem>> -> memref<80xi32, #tpu.memory_space<vmem>>
      %dma_start3A_718 = arith.constant 0 : i32
      %dma_start3A_719 = arith.constant 0 : i32
      %dma_start3A_720 = tpu.memref_slice %arg3[%dma_start3A_718, %dma_start3A_719] : memref<10000x128xf32, #tpu.memory_space<hbm>> -> memref<10000x128xf32, #tpu.memory_space<hbm>>
      tpu.enqueue_indirect_dma source(%dma_start3A_720 : memref<10000x128xf32, #tpu.memory_space<hbm>>) target(%arg17 : memref<80x128xf32, #tpu.memory_space<vmem>>) offsets(%dma_start3A_717 : memref<80xi32, #tpu.memory_space<vmem>>) semaphore(%arg23 : memref<!tpu.dma_semaphore, #tpu.memory_space<semaphore_mem>>)
    } else {
    }
    %dma_wait3A_378 = arith.constant 1 : i32
    %dma_wait3A_379 = arith.constant 0 : i32
    %dma_wait3A_380 = tpu.memref_slice %arg11[%dma_wait3A_378, %dma_wait3A_379] : memref<3x80xi32, #tpu.memory_space<vmem>> -> memref<1x80xi32, #tpu.memory_space<vmem>>
    %dma_wait3A_381 = tpu.memref_squeeze %dma_wait3A_380 : memref<1x80xi32, #tpu.memory_space<vmem>> -> memref<80xi32, #tpu.memory_space<vmem>>
    %dma_wait3A_382 = arith.constant 0 : i32
    %dma_wait3A_383 = arith.constant 0 : i32
    %dma_wait3A_384 = tpu.memref_slice %arg2[%dma_wait3A_382, %dma_wait3A_383] : memref<10000x128xf32, #tpu.memory_space<hbm>> -> memref<10000x128xf32, #tpu.memory_space<hbm>>
    tpu.wait_indirect_dma semaphore(%arg22 : memref<!tpu.dma_semaphore, #tpu.memory_space<semaphore_mem>>) src(%dma_wait3A_384 : memref<10000x128xf32, #tpu.memory_space<hbm>>) dst(%arg16 : memref<80x128xf32, #tpu.memory_space<vmem>>)
    %dma_start3A_385 = arith.constant 0 : i32
    %dma_start3A_386 = arith.constant 0 : i32
    %dma_start3A_387 = tpu.memref_slice %arg19[%dma_start3A_385, %dma_start3A_386] : memref<10016x128xf32, #tpu.memory_space<vmem_shared>> -> memref<10016x128xf32, #tpu.memory_space<vmem_shared>>
    tpu.enqueue_indirect_dma source(%arg16 : memref<80x128xf32, #tpu.memory_space<vmem>>) target(%dma_start3A_387 : memref<10016x128xf32, #tpu.memory_space<vmem_shared>>) offsets(%arg13 : memref<80xi32, #tpu.memory_space<vmem>>) semaphore(%arg25 : memref<!tpu.dma_semaphore, #tpu.memory_space<semaphore_mem>>) {add = true}
    %eq3A_388 = arith.constant 0 : i32
    %eq3A_389 = arith.cmpi eq, %arg0, %eq3A_388 : i32
    %convert_element_type3A_390 = arith.extui %eq3A_389 : i1 to i32
    %cond3A_391 = arith.constant 0 : i32
    %cond3A_392 = arith.cmpi ne, %convert_element_type3A_390, %cond3A_391 : i32
    scf.if %cond3A_392 {
      %dma_start3A_715 = arith.constant 0 : i32
      %dma_start3A_716 = tpu.memref_slice %arg20[%dma_start3A_715] : memref<10016xf32, #tpu.memory_space<vmem_shared>> -> memref<10016xf32, #tpu.memory_space<vmem_shared>>
      tpu.enqueue_indirect_dma source(%arg18 : memref<80xf32, #tpu.memory_space<vmem>>) target(%dma_start3A_716 : memref<10016xf32, #tpu.memory_space<vmem_shared>>) offsets(%arg13 : memref<80xi32, #tpu.memory_space<vmem>>) semaphore(%arg25 : memref<!tpu.dma_semaphore, #tpu.memory_space<semaphore_mem>>) {add = true}
    } else {
    }
    %dma_wait3A_393 = arith.constant 0 : i32
    %dma_wait3A_394 = arith.constant 0 : i32
    %dma_wait3A_395 = tpu.memref_slice %arg19[%dma_wait3A_393, %dma_wait3A_394] : memref<10016x128xf32, #tpu.memory_space<vmem_shared>> -> memref<10016x128xf32, #tpu.memory_space<vmem_shared>>
    tpu.wait_indirect_dma semaphore(%arg24 : memref<!tpu.dma_semaphore, #tpu.memory_space<semaphore_mem>>) src(%arg15 : memref<80x128xf32, #tpu.memory_space<vmem>>) dst(%dma_wait3A_395 : memref<10016x128xf32, #tpu.memory_space<vmem_shared>>)
    %eq3A_396 = arith.constant 0 : i32
    %eq3A_397 = arith.cmpi eq, %arg0, %eq3A_396 : i32
    %convert_element_type3A_398 = arith.extui %eq3A_397 : i1 to i32
    %cond3A_399 = arith.constant 0 : i32
    %cond3A_400 = arith.cmpi ne, %convert_element_type3A_398, %cond3A_399 : i32
    scf.if %cond3A_400 {
      %dma_wait3A_715 = arith.constant 0 : i32
      %dma_wait3A_716 = tpu.memref_slice %arg20[%dma_wait3A_715] : memref<10016xf32, #tpu.memory_space<vmem_shared>> -> memref<10016xf32, #tpu.memory_space<vmem_shared>>
      tpu.wait_indirect_dma semaphore(%arg24 : memref<!tpu.dma_semaphore, #tpu.memory_space<semaphore_mem>>) src(%arg18 : memref<80xf32, #tpu.memory_space<vmem>>) dst(%dma_wait3A_716 : memref<10016xf32, #tpu.memory_space<vmem_shared>>)
    } else {
    }
    %get3A_401 = arith.constant 240 : index
    %get3A_402 = tpu.vector_load %arg10[%get3A_401] {strides = array<i32>} : memref<10000xi32, #tpu.memory_space<vmem>>, vector<16xi32>,
    %get3A_403 = vector.shape_cast %get3A_402 : vector<16xi32> to vector<16xi32>
    %shift_right_logical3A_404 = arith.constant 14 : i32
    %shift_right_logical3A_405 = vector.broadcast %shift_right_logical3A_404 : i32 to vector<16xi32>
    %shift_right_logical3A_406 = arith.shrui %get3A_403, %shift_right_logical3A_405 : vector<16xi32>
    %swap3A_407 = arith.constant 0 : i32
    %swap3A_408 = arith.index_cast %swap3A_407 : i32 to index
    %swap3A_409 = arith.constant 0 : index
    %swap3A_410 = tpu.vector_load %arg11[%swap3A_408, %swap3A_409] {strides = array<i32>} : memref<3x80xi32, #tpu.memory_space<vmem>>, vector<1x16xi32>,
    %swap3A_411 = vector.shape_cast %swap3A_410 : vector<1x16xi32> to vector<16xi32>
    %swap3A_412 = vector.shape_cast %shift_right_logical3A_406 : vector<16xi32> to vector<1x16xi32>
    tpu.vector_store %arg11[%swap3A_408, %swap3A_409], %swap3A_412 {strides = array<i32>} : memref<3x80xi32, #tpu.memory_space<vmem>>, vector<1x16xi32>,
    %and3A_413 = arith.constant 16383 : i32
    %and3A_414 = vector.broadcast %and3A_413 : i32 to vector<16xi32>
    %and3A_415 = arith.andi %get3A_403, %and3A_414 : vector<16xi32>
    %swap3A_416 = arith.constant 0 : index
    %swap3A_417 = tpu.vector_load %arg12[%swap3A_416] {strides = array<i32>} : memref<80xi32, #tpu.memory_space<vmem>>, vector<16xi32>,
    %swap3A_418 = vector.shape_cast %swap3A_417 : vector<16xi32> to vector<16xi32>
    %swap3A_419 = vector.shape_cast %and3A_415 : vector<16xi32> to vector<16xi32>
    tpu.vector_store %arg12[%swap3A_416], %swap3A_419 {strides = array<i32>} : memref<80xi32, #tpu.memory_space<vmem>>, vector<16xi32>,
    %get3A_420 = arith.constant 256 : index
    %get3A_421 = tpu.vector_load %arg10[%get3A_420] {strides = array<i32>} : memref<10000xi32, #tpu.memory_space<vmem>>, vector<16xi32>,
    %get3A_422 = vector.shape_cast %get3A_421 : vector<16xi32> to vector<16xi32>
    %shift_right_logical3A_423 = arith.constant 14 : i32
    %shift_right_logical3A_424 = vector.broadcast %shift_right_logical3A_423 : i32 to vector<16xi32>
    %shift_right_logical3A_425 = arith.shrui %get3A_422, %shift_right_logical3A_424 : vector<16xi32>
    %swap3A_426 = arith.constant 0 : i32
    %swap3A_427 = arith.index_cast %swap3A_426 : i32 to index
    %swap3A_428 = arith.constant 16 : index
    %swap3A_429 = tpu.vector_load %arg11[%swap3A_427, %swap3A_428] {strides = array<i32>} : memref<3x80xi32, #tpu.memory_space<vmem>>, vector<1x16xi32>,
    %swap3A_430 = vector.shape_cast %swap3A_429 : vector<1x16xi32> to vector<16xi32>
    %swap3A_431 = vector.shape_cast %shift_right_logical3A_425 : vector<16xi32> to vector<1x16xi32>
    tpu.vector_store %arg11[%swap3A_427, %swap3A_428], %swap3A_431 {strides = array<i32>} : memref<3x80xi32, #tpu.memory_space<vmem>>, vector<1x16xi32>,
    %and3A_432 = arith.constant 16383 : i32
    %and3A_433 = vector.broadcast %and3A_432 : i32 to vector<16xi32>
    %and3A_434 = arith.andi %get3A_422, %and3A_433 : vector<16xi32>
    %swap3A_435 = arith.constant 16 : index
    %swap3A_436 = tpu.vector_load %arg12[%swap3A_435] {strides = array<i32>} : memref<80xi32, #tpu.memory_space<vmem>>, vector<16xi32>,
    %swap3A_437 = vector.shape_cast %swap3A_436 : vector<16xi32> to vector<16xi32>
    %swap3A_438 = vector.shape_cast %and3A_434 : vector<16xi32> to vector<16xi32>
    tpu.vector_store %arg12[%swap3A_435], %swap3A_438 {strides = array<i32>} : memref<80xi32, #tpu.memory_space<vmem>>, vector<16xi32>,
    %get3A_439 = arith.constant 272 : index
    %get3A_440 = tpu.vector_load %arg10[%get3A_439] {strides = array<i32>} : memref<10000xi32, #tpu.memory_space<vmem>>, vector<16xi32>,
    %get3A_441 = vector.shape_cast %get3A_440 : vector<16xi32> to vector<16xi32>
    %shift_right_logical3A_442 = arith.constant 14 : i32
    %shift_right_logical3A_443 = vector.broadcast %shift_right_logical3A_442 : i32 to vector<16xi32>
    %shift_right_logical3A_444 = arith.shrui %get3A_441, %shift_right_logical3A_443 : vector<16xi32>
    %swap3A_445 = arith.constant 0 : i32
    %swap3A_446 = arith.index_cast %swap3A_445 : i32 to index
    %swap3A_447 = arith.constant 32 : index
    %swap3A_448 = tpu.vector_load %arg11[%swap3A_446, %swap3A_447] {strides = array<i32>} : memref<3x80xi32, #tpu.memory_space<vmem>>, vector<1x16xi32>,
    %swap3A_449 = vector.shape_cast %swap3A_448 : vector<1x16xi32> to vector<16xi32>
    %swap3A_450 = vector.shape_cast %shift_right_logical3A_444 : vector<16xi32> to vector<1x16xi32>
    tpu.vector_store %arg11[%swap3A_446, %swap3A_447], %swap3A_450 {strides = array<i32>} : memref<3x80xi32, #tpu.memory_space<vmem>>, vector<1x16xi32>,
    %and3A_451 = arith.constant 16383 : i32
    %and3A_452 = vector.broadcast %and3A_451 : i32 to vector<16xi32>
    %and3A_453 = arith.andi %get3A_441, %and3A_452 : vector<16xi32>
    %swap3A_454 = arith.constant 32 : index
    %swap3A_455 = tpu.vector_load %arg12[%swap3A_454] {strides = array<i32>} : memref<80xi32, #tpu.memory_space<vmem>>, vector<16xi32>,
    %swap3A_456 = vector.shape_cast %swap3A_455 : vector<16xi32> to vector<16xi32>
    %swap3A_457 = vector.shape_cast %and3A_453 : vector<16xi32> to vector<16xi32>
    tpu.vector_store %arg12[%swap3A_454], %swap3A_457 {strides = array<i32>} : memref<80xi32, #tpu.memory_space<vmem>>, vector<16xi32>,
    %get3A_458 = arith.constant 288 : index
    %get3A_459 = tpu.vector_load %arg10[%get3A_458] {strides = array<i32>} : memref<10000xi32, #tpu.memory_space<vmem>>, vector<16xi32>,
    %get3A_460 = vector.shape_cast %get3A_459 : vector<16xi32> to vector<16xi32>
    %shift_right_logical3A_461 = arith.constant 14 : i32
    %shift_right_logical3A_462 = vector.broadcast %shift_right_logical3A_461 : i32 to vector<16xi32>
    %shift_right_logical3A_463 = arith.shrui %get3A_460, %shift_right_logical3A_462 : vector<16xi32>
    %swap3A_464 = arith.constant 0 : i32
    %swap3A_465 = arith.index_cast %swap3A_464 : i32 to index
    %swap3A_466 = arith.constant 48 : index
    %swap3A_467 = tpu.vector_load %arg11[%swap3A_465, %swap3A_466] {strides = array<i32>} : memref<3x80xi32, #tpu.memory_space<vmem>>, vector<1x16xi32>,
    %swap3A_468 = vector.shape_cast %swap3A_467 : vector<1x16xi32> to vector<16xi32>
    %swap3A_469 = vector.shape_cast %shift_right_logical3A_463 : vector<16xi32> to vector<1x16xi32>
    tpu.vector_store %arg11[%swap3A_465, %swap3A_466], %swap3A_469 {strides = array<i32>} : memref<3x80xi32, #tpu.memory_space<vmem>>, vector<1x16xi32>,
    %and3A_470 = arith.constant 16383 : i32
    %and3A_471 = vector.broadcast %and3A_470 : i32 to vector<16xi32>
    %and3A_472 = arith.andi %get3A_460, %and3A_471 : vector<16xi32>
    %swap3A_473 = arith.constant 48 : index
    %swap3A_474 = tpu.vector_load %arg12[%swap3A_473] {strides = array<i32>} : memref<80xi32, #tpu.memory_space<vmem>>, vector<16xi32>,
    %swap3A_475 = vector.shape_cast %swap3A_474 : vector<16xi32> to vector<16xi32>
    %swap3A_476 = vector.shape_cast %and3A_472 : vector<16xi32> to vector<16xi32>
    tpu.vector_store %arg12[%swap3A_473], %swap3A_476 {strides = array<i32>} : memref<80xi32, #tpu.memory_space<vmem>>, vector<16xi32>,
    %get3A_477 = arith.constant 304 : index
    %get3A_478 = tpu.vector_load %arg10[%get3A_477] {strides = array<i32>} : memref<10000xi32, #tpu.memory_space<vmem>>, vector<16xi32>,
    %get3A_479 = vector.shape_cast %get3A_478 : vector<16xi32> to vector<16xi32>
    %shift_right_logical3A_480 = arith.constant 14 : i32
    %shift_right_logical3A_481 = vector.broadcast %shift_right_logical3A_480 : i32 to vector<16xi32>
    %shift_right_logical3A_482 = arith.shrui %get3A_479, %shift_right_logical3A_481 : vector<16xi32>
    %swap3A_483 = arith.constant 0 : i32
    %swap3A_484 = arith.index_cast %swap3A_483 : i32 to index
    %swap3A_485 = arith.constant 64 : index
    %swap3A_486 = tpu.vector_load %arg11[%swap3A_484, %swap3A_485] {strides = array<i32>} : memref<3x80xi32, #tpu.memory_space<vmem>>, vector<1x16xi32>,
    %swap3A_487 = vector.shape_cast %swap3A_486 : vector<1x16xi32> to vector<16xi32>
    %swap3A_488 = vector.shape_cast %shift_right_logical3A_482 : vector<16xi32> to vector<1x16xi32>
    tpu.vector_store %arg11[%swap3A_484, %swap3A_485], %swap3A_488 {strides = array<i32>} : memref<3x80xi32, #tpu.memory_space<vmem>>, vector<1x16xi32>,
    %and3A_489 = arith.constant 16383 : i32
    %and3A_490 = vector.broadcast %and3A_489 : i32 to vector<16xi32>
    %and3A_491 = arith.andi %get3A_479, %and3A_490 : vector<16xi32>
    %swap3A_492 = arith.constant 64 : index
    %swap3A_493 = tpu.vector_load %arg12[%swap3A_492] {strides = array<i32>} : memref<80xi32, #tpu.memory_space<vmem>>, vector<16xi32>,
    %swap3A_494 = vector.shape_cast %swap3A_493 : vector<16xi32> to vector<16xi32>
    %swap3A_495 = vector.shape_cast %and3A_491 : vector<16xi32> to vector<16xi32>
    tpu.vector_store %arg12[%swap3A_492], %swap3A_495 {strides = array<i32>} : memref<80xi32, #tpu.memory_space<vmem>>, vector<16xi32>,
    %eq3A_496 = arith.constant 0 : i32
    %eq3A_497 = arith.cmpi eq, %arg0, %eq3A_496 : i32
    %convert_element_type3A_498 = arith.extui %eq3A_497 : i1 to i32
    %cond3A_499 = arith.constant 0 : i32
    %cond3A_500 = arith.constant 0 : i32
    %cond3A_501 = arith.cmpi ne, %convert_element_type3A_498, %cond3A_500 : i32
    scf.if %cond3A_501 {
      %dma_start3A_715 = arith.constant 0 : i32
      %dma_start3A_716 = tpu.memref_slice %arg11[%cond3A_499, %dma_start3A_715] : memref<3x80xi32, #tpu.memory_space<vmem>> -> memref<1x80xi32, #tpu.memory_space<vmem>>
      %dma_start3A_717 = tpu.memref_squeeze %dma_start3A_716 : memref<1x80xi32, #tpu.memory_space<vmem>> -> memref<80xi32, #tpu.memory_space<vmem>>
      %dma_start3A_718 = arith.constant 0 : i32
      %dma_start3A_719 = arith.constant 0 : i32
      %dma_start3A_720 = tpu.memref_slice %arg2[%dma_start3A_718, %dma_start3A_719] : memref<10000x128xf32, #tpu.memory_space<hbm>> -> memref<10000x128xf32, #tpu.memory_space<hbm>>
      tpu.enqueue_indirect_dma source(%dma_start3A_720 : memref<10000x128xf32, #tpu.memory_space<hbm>>) target(%arg15 : memref<80x128xf32, #tpu.memory_space<vmem>>) offsets(%dma_start3A_717 : memref<80xi32, #tpu.memory_space<vmem>>) semaphore(%arg21 : memref<!tpu.dma_semaphore, #tpu.memory_space<semaphore_mem>>)
    } else {
    }
    %eq3A_502 = arith.constant 1 : i32
    %eq3A_503 = arith.cmpi eq, %arg0, %eq3A_502 : i32
    %convert_element_type3A_504 = arith.extui %eq3A_503 : i1 to i32
    %cond3A_505 = arith.constant 0 : i32
    %cond3A_506 = arith.constant 0 : i32
    %cond3A_507 = arith.cmpi ne, %convert_element_type3A_504, %cond3A_506 : i32
    scf.if %cond3A_507 {
      %dma_start3A_715 = arith.constant 0 : i32
      %dma_start3A_716 = tpu.memref_slice %arg11[%cond3A_505, %dma_start3A_715] : memref<3x80xi32, #tpu.memory_space<vmem>> -> memref<1x80xi32, #tpu.memory_space<vmem>>
      %dma_start3A_717 = tpu.memref_squeeze %dma_start3A_716 : memref<1x80xi32, #tpu.memory_space<vmem>> -> memref<80xi32, #tpu.memory_space<vmem>>
      %dma_start3A_718 = arith.constant 0 : i32
      %dma_start3A_719 = arith.constant 0 : i32
      %dma_start3A_720 = tpu.memref_slice %arg3[%dma_start3A_718, %dma_start3A_719] : memref<10000x128xf32, #tpu.memory_space<hbm>> -> memref<10000x128xf32, #tpu.memory_space<hbm>>
      tpu.enqueue_indirect_dma source(%dma_start3A_720 : memref<10000x128xf32, #tpu.memory_space<hbm>>) target(%arg15 : memref<80x128xf32, #tpu.memory_space<vmem>>) offsets(%dma_start3A_717 : memref<80xi32, #tpu.memory_space<vmem>>) semaphore(%arg21 : memref<!tpu.dma_semaphore, #tpu.memory_space<semaphore_mem>>)
    } else {
    }
    %scan3A = arith.constant 0 : i32
    %scan3A_508 = arith.constant 40 : i32
    %scan3A_509 = arith.addi %scan3A, %scan3A_508 : i32
    %scan3A_510 = arith.constant 1 : i32
    scf.for %scan3A_715 = %scan3A to %scan3A_509 step %scan3A_510  : i32 {
      %mul3A_716 = arith.constant 1 : i32
      %mul3A_717 = arith.muli %scan3A_715, %mul3A_716 : i32
      %add3A = arith.constant 0 : i32
      %add3A_718 = arith.addi %add3A, %mul3A_717 : i32
      %mul3A_719 = arith.constant 3 : i32
      %mul3A_720 = arith.muli %mul3A_719, %add3A_718 : i32
      %add3A_721 = arith.constant 2 : i32
      %add3A_722 = arith.addi %mul3A_720, %add3A_721 : i32
      %dma_wait3A_723 = arith.constant 2 : i32
      %dma_wait3A_724 = arith.constant 0 : i32
      %dma_wait3A_725 = tpu.memref_slice %arg11[%dma_wait3A_723, %dma_wait3A_724] : memref<3x80xi32, #tpu.memory_space<vmem>> -> memref<1x80xi32, #tpu.memory_space<vmem>>
      %dma_wait3A_726 = tpu.memref_squeeze %dma_wait3A_725 : memref<1x80xi32, #tpu.memory_space<vmem>> -> memref<80xi32, #tpu.memory_space<vmem>>
      %dma_wait3A_727 = arith.constant 0 : i32
      %dma_wait3A_728 = arith.constant 0 : i32
      %dma_wait3A_729 = tpu.memref_slice %arg2[%dma_wait3A_727, %dma_wait3A_728] : memref<10000x128xf32, #tpu.memory_space<hbm>> -> memref<10000x128xf32, #tpu.memory_space<hbm>>
      tpu.wait_indirect_dma semaphore(%arg23 : memref<!tpu.dma_semaphore, #tpu.memory_space<semaphore_mem>>) src(%dma_wait3A_729 : memref<10000x128xf32, #tpu.memory_space<hbm>>) dst(%arg17 : memref<80x128xf32, #tpu.memory_space<vmem>>)
      %dma_start3A_730 = arith.constant 0 : i32
      %dma_start3A_731 = arith.constant 0 : i32
      %dma_start3A_732 = tpu.memref_slice %arg19[%dma_start3A_730, %dma_start3A_731] : memref<10016x128xf32, #tpu.memory_space<vmem_shared>> -> memref<10016x128xf32, #tpu.memory_space<vmem_shared>>
      tpu.enqueue_indirect_dma source(%arg17 : memref<80x128xf32, #tpu.memory_space<vmem>>) target(%dma_start3A_732 : memref<10016x128xf32, #tpu.memory_space<vmem_shared>>) offsets(%arg14 : memref<80xi32, #tpu.memory_space<vmem>>) semaphore(%arg26 : memref<!tpu.dma_semaphore, #tpu.memory_space<semaphore_mem>>) {add = true}
      %eq3A_733 = arith.constant 0 : i32
      %eq3A_734 = arith.cmpi eq, %arg0, %eq3A_733 : i32
      %convert_element_type3A_735 = arith.extui %eq3A_734 : i1 to i32
      %cond3A_736 = arith.constant 0 : i32
      %cond3A_737 = arith.cmpi ne, %convert_element_type3A_735, %cond3A_736 : i32
      scf.if %cond3A_737 {
        %dma_start3A_1189 = arith.constant 0 : i32
        %dma_start3A_1190 = tpu.memref_slice %arg20[%dma_start3A_1189] : memref<10016xf32, #tpu.memory_space<vmem_shared>> -> memref<10016xf32, #tpu.memory_space<vmem_shared>>
        tpu.enqueue_indirect_dma source(%arg18 : memref<80xf32, #tpu.memory_space<vmem>>) target(%dma_start3A_1190 : memref<10016xf32, #tpu.memory_space<vmem_shared>>) offsets(%arg14 : memref<80xi32, #tpu.memory_space<vmem>>) semaphore(%arg26 : memref<!tpu.dma_semaphore, #tpu.memory_space<semaphore_mem>>) {add = true}
      } else {
      }
      %dma_wait3A_738 = arith.constant 0 : i32
      %dma_wait3A_739 = arith.constant 0 : i32
      %dma_wait3A_740 = tpu.memref_slice %arg19[%dma_wait3A_738, %dma_wait3A_739] : memref<10016x128xf32, #tpu.memory_space<vmem_shared>> -> memref<10016x128xf32, #tpu.memory_space<vmem_shared>>
      tpu.wait_indirect_dma semaphore(%arg25 : memref<!tpu.dma_semaphore, #tpu.memory_space<semaphore_mem>>) src(%arg16 : memref<80x128xf32, #tpu.memory_space<vmem>>) dst(%dma_wait3A_740 : memref<10016x128xf32, #tpu.memory_space<vmem_shared>>)
      %eq3A_741 = arith.constant 0 : i32
      %eq3A_742 = arith.cmpi eq, %arg0, %eq3A_741 : i32
      %convert_element_type3A_743 = arith.extui %eq3A_742 : i1 to i32
      %cond3A_744 = arith.constant 0 : i32
      %cond3A_745 = arith.cmpi ne, %convert_element_type3A_743, %cond3A_744 : i32
      scf.if %cond3A_745 {
        %dma_wait3A_1189 = arith.constant 0 : i32
        %dma_wait3A_1190 = tpu.memref_slice %arg20[%dma_wait3A_1189] : memref<10016xf32, #tpu.memory_space<vmem_shared>> -> memref<10016xf32, #tpu.memory_space<vmem_shared>>
        tpu.wait_indirect_dma semaphore(%arg25 : memref<!tpu.dma_semaphore, #tpu.memory_space<semaphore_mem>>) src(%arg18 : memref<80xf32, #tpu.memory_space<vmem>>) dst(%dma_wait3A_1190 : memref<10016xf32, #tpu.memory_space<vmem_shared>>)
      } else {
      }
      %add3A_746 = arith.constant 2 : i32
      %add3A_747 = arith.addi %add3A_722, %add3A_746 : i32
      %mul3A_748 = arith.constant 80 : i32
      %mul3A_749 = arith.muli %add3A_747, %mul3A_748 : i32
      %add3A_750 = arith.constant 0 : i32
      %add3A_751 = arith.addi %mul3A_749, %add3A_750 : i32
      %get3A_752 = arith.index_cast %add3A_751 : i32 to index
      %get3A_753 = tpu.vector_load %arg10[%get3A_752] {strides = array<i32>} : memref<10000xi32, #tpu.memory_space<vmem>>, vector<16xi32>,
      %get3A_754 = vector.shape_cast %get3A_753 : vector<16xi32> to vector<16xi32>
      %shift_right_logical3A_755 = arith.constant 14 : i32
      %shift_right_logical3A_756 = vector.broadcast %shift_right_logical3A_755 : i32 to vector<16xi32>
      %shift_right_logical3A_757 = arith.shrui %get3A_754, %shift_right_logical3A_756 : vector<16xi32>
      %swap3A_758 = arith.constant 1 : i32
      %swap3A_759 = arith.index_cast %swap3A_758 : i32 to index
      %swap3A_760 = arith.constant 0 : index
      %swap3A_761 = tpu.vector_load %arg11[%swap3A_759, %swap3A_760] {strides = array<i32>} : memref<3x80xi32, #tpu.memory_space<vmem>>, vector<1x16xi32>,
      %swap3A_762 = vector.shape_cast %swap3A_761 : vector<1x16xi32> to vector<16xi32>
      %swap3A_763 = vector.shape_cast %shift_right_logical3A_757 : vector<16xi32> to vector<1x16xi32>
      tpu.vector_store %arg11[%swap3A_759, %swap3A_760], %swap3A_763 {strides = array<i32>} : memref<3x80xi32, #tpu.memory_space<vmem>>, vector<1x16xi32>,
      %and3A_764 = arith.constant 16383 : i32
      %and3A_765 = vector.broadcast %and3A_764 : i32 to vector<16xi32>
      %and3A_766 = arith.andi %get3A_754, %and3A_765 : vector<16xi32>
      %swap3A_767 = arith.constant 0 : index
      %swap3A_768 = tpu.vector_load %arg13[%swap3A_767] {strides = array<i32>} : memref<80xi32, #tpu.memory_space<vmem>>, vector<16xi32>,
      %swap3A_769 = vector.shape_cast %swap3A_768 : vector<16xi32> to vector<16xi32>
      %swap3A_770 = vector.shape_cast %and3A_766 : vector<16xi32> to vector<16xi32>
      tpu.vector_store %arg13[%swap3A_767], %swap3A_770 {strides = array<i32>} : memref<80xi32, #tpu.memory_space<vmem>>, vector<16xi32>,
      %mul3A_771 = arith.constant 80 : i32
      %mul3A_772 = arith.muli %add3A_747, %mul3A_771 : i32
      %add3A_773 = arith.constant 16 : i32
      %add3A_774 = arith.addi %mul3A_772, %add3A_773 : i32
      %get3A_775 = arith.index_cast %add3A_774 : i32 to index
      %get3A_776 = tpu.vector_load %arg10[%get3A_775] {strides = array<i32>} : memref<10000xi32, #tpu.memory_space<vmem>>, vector<16xi32>,
      %get3A_777 = vector.shape_cast %get3A_776 : vector<16xi32> to vector<16xi32>
      %shift_right_logical3A_778 = arith.constant 14 : i32
      %shift_right_logical3A_779 = vector.broadcast %shift_right_logical3A_778 : i32 to vector<16xi32>
      %shift_right_logical3A_780 = arith.shrui %get3A_777, %shift_right_logical3A_779 : vector<16xi32>
      %swap3A_781 = arith.constant 1 : i32
      %swap3A_782 = arith.index_cast %swap3A_781 : i32 to index
      %swap3A_783 = arith.constant 16 : index
      %swap3A_784 = tpu.vector_load %arg11[%swap3A_782, %swap3A_783] {strides = array<i32>} : memref<3x80xi32, #tpu.memory_space<vmem>>, vector<1x16xi32>,
      %swap3A_785 = vector.shape_cast %swap3A_784 : vector<1x16xi32> to vector<16xi32>
      %swap3A_786 = vector.shape_cast %shift_right_logical3A_780 : vector<16xi32> to vector<1x16xi32>
      tpu.vector_store %arg11[%swap3A_782, %swap3A_783], %swap3A_786 {strides = array<i32>} : memref<3x80xi32, #tpu.memory_space<vmem>>, vector<1x16xi32>,
      %and3A_787 = arith.constant 16383 : i32
      %and3A_788 = vector.broadcast %and3A_787 : i32 to vector<16xi32>
      %and3A_789 = arith.andi %get3A_777, %and3A_788 : vector<16xi32>
      %swap3A_790 = arith.constant 16 : index
      %swap3A_791 = tpu.vector_load %arg13[%swap3A_790] {strides = array<i32>} : memref<80xi32, #tpu.memory_space<vmem>>, vector<16xi32>,
      %swap3A_792 = vector.shape_cast %swap3A_791 : vector<16xi32> to vector<16xi32>
      %swap3A_793 = vector.shape_cast %and3A_789 : vector<16xi32> to vector<16xi32>
      tpu.vector_store %arg13[%swap3A_790], %swap3A_793 {strides = array<i32>} : memref<80xi32, #tpu.memory_space<vmem>>, vector<16xi32>,
      %mul3A_794 = arith.constant 80 : i32
      %mul3A_795 = arith.muli %add3A_747, %mul3A_794 : i32
      %add3A_796 = arith.constant 32 : i32
      %add3A_797 = arith.addi %mul3A_795, %add3A_796 : i32
      %get3A_798 = arith.index_cast %add3A_797 : i32 to index
      %get3A_799 = tpu.vector_load %arg10[%get3A_798] {strides = array<i32>} : memref<10000xi32, #tpu.memory_space<vmem>>, vector<16xi32>,
      %get3A_800 = vector.shape_cast %get3A_799 : vector<16xi32> to vector<16xi32>
      %shift_right_logical3A_801 = arith.constant 14 : i32
      %shift_right_logical3A_802 = vector.broadcast %shift_right_logical3A_801 : i32 to vector<16xi32>
      %shift_right_logical3A_803 = arith.shrui %get3A_800, %shift_right_logical3A_802 : vector<16xi32>
      %swap3A_804 = arith.constant 1 : i32
      %swap3A_805 = arith.index_cast %swap3A_804 : i32 to index
      %swap3A_806 = arith.constant 32 : index
      %swap3A_807 = tpu.vector_load %arg11[%swap3A_805, %swap3A_806] {strides = array<i32>} : memref<3x80xi32, #tpu.memory_space<vmem>>, vector<1x16xi32>,
      %swap3A_808 = vector.shape_cast %swap3A_807 : vector<1x16xi32> to vector<16xi32>
      %swap3A_809 = vector.shape_cast %shift_right_logical3A_803 : vector<16xi32> to vector<1x16xi32>
      tpu.vector_store %arg11[%swap3A_805, %swap3A_806], %swap3A_809 {strides = array<i32>} : memref<3x80xi32, #tpu.memory_space<vmem>>, vector<1x16xi32>,
      %and3A_810 = arith.constant 16383 : i32
      %and3A_811 = vector.broadcast %and3A_810 : i32 to vector<16xi32>
      %and3A_812 = arith.andi %get3A_800, %and3A_811 : vector<16xi32>
      %swap3A_813 = arith.constant 32 : index
      %swap3A_814 = tpu.vector_load %arg13[%swap3A_813] {strides = array<i32>} : memref<80xi32, #tpu.memory_space<vmem>>, vector<16xi32>,
      %swap3A_815 = vector.shape_cast %swap3A_814 : vector<16xi32> to vector<16xi32>
      %swap3A_816 = vector.shape_cast %and3A_812 : vector<16xi32> to vector<16xi32>
      tpu.vector_store %arg13[%swap3A_813], %swap3A_816 {strides = array<i32>} : memref<80xi32, #tpu.memory_space<vmem>>, vector<16xi32>,
      %mul3A_817 = arith.constant 80 : i32
      %mul3A_818 = arith.muli %add3A_747, %mul3A_817 : i32
      %add3A_819 = arith.constant 48 : i32
      %add3A_820 = arith.addi %mul3A_818, %add3A_819 : i32
      %get3A_821 = arith.index_cast %add3A_820 : i32 to index
      %get3A_822 = tpu.vector_load %arg10[%get3A_821] {strides = array<i32>} : memref<10000xi32, #tpu.memory_space<vmem>>, vector<16xi32>,
      %get3A_823 = vector.shape_cast %get3A_822 : vector<16xi32> to vector<16xi32>
      %shift_right_logical3A_824 = arith.constant 14 : i32
      %shift_right_logical3A_825 = vector.broadcast %shift_right_logical3A_824 : i32 to vector<16xi32>
      %shift_right_logical3A_826 = arith.shrui %get3A_823, %shift_right_logical3A_825 : vector<16xi32>
      %swap3A_827 = arith.constant 1 : i32
      %swap3A_828 = arith.index_cast %swap3A_827 : i32 to index
      %swap3A_829 = arith.constant 48 : index
      %swap3A_830 = tpu.vector_load %arg11[%swap3A_828, %swap3A_829] {strides = array<i32>} : memref<3x80xi32, #tpu.memory_space<vmem>>, vector<1x16xi32>,
      %swap3A_831 = vector.shape_cast %swap3A_830 : vector<1x16xi32> to vector<16xi32>
      %swap3A_832 = vector.shape_cast %shift_right_logical3A_826 : vector<16xi32> to vector<1x16xi32>
      tpu.vector_store %arg11[%swap3A_828, %swap3A_829], %swap3A_832 {strides = array<i32>} : memref<3x80xi32, #tpu.memory_space<vmem>>, vector<1x16xi32>,
      %and3A_833 = arith.constant 16383 : i32
      %and3A_834 = vector.broadcast %and3A_833 : i32 to vector<16xi32>
      %and3A_835 = arith.andi %get3A_823, %and3A_834 : vector<16xi32>
      %swap3A_836 = arith.constant 48 : index
      %swap3A_837 = tpu.vector_load %arg13[%swap3A_836] {strides = array<i32>} : memref<80xi32, #tpu.memory_space<vmem>>, vector<16xi32>,
      %swap3A_838 = vector.shape_cast %swap3A_837 : vector<16xi32> to vector<16xi32>
      %swap3A_839 = vector.shape_cast %and3A_835 : vector<16xi32> to vector<16xi32>
      tpu.vector_store %arg13[%swap3A_836], %swap3A_839 {strides = array<i32>} : memref<80xi32, #tpu.memory_space<vmem>>, vector<16xi32>,
      %mul3A_840 = arith.constant 80 : i32
      %mul3A_841 = arith.muli %add3A_747, %mul3A_840 : i32
      %add3A_842 = arith.constant 64 : i32
      %add3A_843 = arith.addi %mul3A_841, %add3A_842 : i32
      %get3A_844 = arith.index_cast %add3A_843 : i32 to index
      %get3A_845 = tpu.vector_load %arg10[%get3A_844] {strides = array<i32>} : memref<10000xi32, #tpu.memory_space<vmem>>, vector<16xi32>,
      %get3A_846 = vector.shape_cast %get3A_845 : vector<16xi32> to vector<16xi32>
      %shift_right_logical3A_847 = arith.constant 14 : i32
      %shift_right_logical3A_848 = vector.broadcast %shift_right_logical3A_847 : i32 to vector<16xi32>
      %shift_right_logical3A_849 = arith.shrui %get3A_846, %shift_right_logical3A_848 : vector<16xi32>
      %swap3A_850 = arith.constant 1 : i32
      %swap3A_851 = arith.index_cast %swap3A_850 : i32 to index
      %swap3A_852 = arith.constant 64 : index
      %swap3A_853 = tpu.vector_load %arg11[%swap3A_851, %swap3A_852] {strides = array<i32>} : memref<3x80xi32, #tpu.memory_space<vmem>>, vector<1x16xi32>,
      %swap3A_854 = vector.shape_cast %swap3A_853 : vector<1x16xi32> to vector<16xi32>
      %swap3A_855 = vector.shape_cast %shift_right_logical3A_849 : vector<16xi32> to vector<1x16xi32>
      tpu.vector_store %arg11[%swap3A_851, %swap3A_852], %swap3A_855 {strides = array<i32>} : memref<3x80xi32, #tpu.memory_space<vmem>>, vector<1x16xi32>,
      %and3A_856 = arith.constant 16383 : i32
      %and3A_857 = vector.broadcast %and3A_856 : i32 to vector<16xi32>
      %and3A_858 = arith.andi %get3A_846, %and3A_857 : vector<16xi32>
      %swap3A_859 = arith.constant 64 : index
      %swap3A_860 = tpu.vector_load %arg13[%swap3A_859] {strides = array<i32>} : memref<80xi32, #tpu.memory_space<vmem>>, vector<16xi32>,
      %swap3A_861 = vector.shape_cast %swap3A_860 : vector<16xi32> to vector<16xi32>
      %swap3A_862 = vector.shape_cast %and3A_858 : vector<16xi32> to vector<16xi32>
      tpu.vector_store %arg13[%swap3A_859], %swap3A_862 {strides = array<i32>} : memref<80xi32, #tpu.memory_space<vmem>>, vector<16xi32>,
      %add3A_863 = arith.constant 2 : i32
      %add3A_864 = arith.addi %add3A_722, %add3A_863 : i32
      %eq3A_865 = arith.constant 0 : i32
      %eq3A_866 = arith.cmpi eq, %arg0, %eq3A_865 : i32
      %convert_element_type3A_867 = arith.extui %eq3A_866 : i1 to i32
      %cond3A_868 = arith.constant 1 : i32
      %cond3A_869 = arith.constant 0 : i32
      %cond3A_870 = arith.cmpi ne, %convert_element_type3A_867, %cond3A_869 : i32
      scf.if %cond3A_870 {
        %dma_start3A_1189 = arith.constant 0 : i32
        %dma_start3A_1190 = tpu.memref_slice %arg11[%cond3A_868, %dma_start3A_1189] : memref<3x80xi32, #tpu.memory_space<vmem>> -> memref<1x80xi32, #tpu.memory_space<vmem>>
        %dma_start3A_1191 = tpu.memref_squeeze %dma_start3A_1190 : memref<1x80xi32, #tpu.memory_space<vmem>> -> memref<80xi32, #tpu.memory_space<vmem>>
        %dma_start3A_1192 = arith.constant 0 : i32
        %dma_start3A_1193 = arith.constant 0 : i32
        %dma_start3A_1194 = tpu.memref_slice %arg2[%dma_start3A_1192, %dma_start3A_1193] : memref<10000x128xf32, #tpu.memory_space<hbm>> -> memref<10000x128xf32, #tpu.memory_space<hbm>>
        tpu.enqueue_indirect_dma source(%dma_start3A_1194 : memref<10000x128xf32, #tpu.memory_space<hbm>>) target(%arg16 : memref<80x128xf32, #tpu.memory_space<vmem>>) offsets(%dma_start3A_1191 : memref<80xi32, #tpu.memory_space<vmem>>) semaphore(%arg22 : memref<!tpu.dma_semaphore, #tpu.memory_space<semaphore_mem>>)
      } else {
      }
      %eq3A_871 = arith.constant 1 : i32
      %eq3A_872 = arith.cmpi eq, %arg0, %eq3A_871 : i32
      %convert_element_type3A_873 = arith.extui %eq3A_872 : i1 to i32
      %cond3A_874 = arith.constant 1 : i32
      %cond3A_875 = arith.constant 0 : i32
      %cond3A_876 = arith.cmpi ne, %convert_element_type3A_873, %cond3A_875 : i32
      scf.if %cond3A_876 {
        %dma_start3A_1189 = arith.constant 0 : i32
        %dma_start3A_1190 = tpu.memref_slice %arg11[%cond3A_874, %dma_start3A_1189] : memref<3x80xi32, #tpu.memory_space<vmem>> -> memref<1x80xi32, #tpu.memory_space<vmem>>
        %dma_start3A_1191 = tpu.memref_squeeze %dma_start3A_1190 : memref<1x80xi32, #tpu.memory_space<vmem>> -> memref<80xi32, #tpu.memory_space<vmem>>
        %dma_start3A_1192 = arith.constant 0 : i32
        %dma_start3A_1193 = arith.constant 0 : i32
        %dma_start3A_1194 = tpu.memref_slice %arg3[%dma_start3A_1192, %dma_start3A_1193] : memref<10000x128xf32, #tpu.memory_space<hbm>> -> memref<10000x128xf32, #tpu.memory_space<hbm>>
        tpu.enqueue_indirect_dma source(%dma_start3A_1194 : memref<10000x128xf32, #tpu.memory_space<hbm>>) target(%arg16 : memref<80x128xf32, #tpu.memory_space<vmem>>) offsets(%dma_start3A_1191 : memref<80xi32, #tpu.memory_space<vmem>>) semaphore(%arg22 : memref<!tpu.dma_semaphore, #tpu.memory_space<semaphore_mem>>)
      } else {
      }
      %add3A_877 = arith.constant 1 : i32
      %add3A_878 = arith.addi %add3A_722, %add3A_877 : i32
      %dma_wait3A_879 = arith.constant 0 : i32
      %dma_wait3A_880 = arith.constant 0 : i32
      %dma_wait3A_881 = tpu.memref_slice %arg11[%dma_wait3A_879, %dma_wait3A_880] : memref<3x80xi32, #tpu.memory_space<vmem>> -> memref<1x80xi32, #tpu.memory_space<vmem>>
      %dma_wait3A_882 = tpu.memref_squeeze %dma_wait3A_881 : memref<1x80xi32, #tpu.memory_space<vmem>> -> memref<80xi32, #tpu.memory_space<vmem>>
      %dma_wait3A_883 = arith.constant 0 : i32
      %dma_wait3A_884 = arith.constant 0 : i32
      %dma_wait3A_885 = tpu.memref_slice %arg2[%dma_wait3A_883, %dma_wait3A_884] : memref<10000x128xf32, #tpu.memory_space<hbm>> -> memref<10000x128xf32, #tpu.memory_space<hbm>>
      tpu.wait_indirect_dma semaphore(%arg21 : memref<!tpu.dma_semaphore, #tpu.memory_space<semaphore_mem>>) src(%dma_wait3A_885 : memref<10000x128xf32, #tpu.memory_space<hbm>>) dst(%arg15 : memref<80x128xf32, #tpu.memory_space<vmem>>)
      %dma_start3A_886 = arith.constant 0 : i32
      %dma_start3A_887 = arith.constant 0 : i32
      %dma_start3A_888 = tpu.memref_slice %arg19[%dma_start3A_886, %dma_start3A_887] : memref<10016x128xf32, #tpu.memory_space<vmem_shared>> -> memref<10016x128xf32, #tpu.memory_space<vmem_shared>>
      tpu.enqueue_indirect_dma source(%arg15 : memref<80x128xf32, #tpu.memory_space<vmem>>) target(%dma_start3A_888 : memref<10016x128xf32, #tpu.memory_space<vmem_shared>>) offsets(%arg12 : memref<80xi32, #tpu.memory_space<vmem>>) semaphore(%arg24 : memref<!tpu.dma_semaphore, #tpu.memory_space<semaphore_mem>>) {add = true}
      %eq3A_889 = arith.constant 0 : i32
      %eq3A_890 = arith.cmpi eq, %arg0, %eq3A_889 : i32
      %convert_element_type3A_891 = arith.extui %eq3A_890 : i1 to i32
      %cond3A_892 = arith.constant 0 : i32
      %cond3A_893 = arith.cmpi ne, %convert_element_type3A_891, %cond3A_892 : i32
      scf.if %cond3A_893 {
        %dma_start3A_1189 = arith.constant 0 : i32
        %dma_start3A_1190 = tpu.memref_slice %arg20[%dma_start3A_1189] : memref<10016xf32, #tpu.memory_space<vmem_shared>> -> memref<10016xf32, #tpu.memory_space<vmem_shared>>
        tpu.enqueue_indirect_dma source(%arg18 : memref<80xf32, #tpu.memory_space<vmem>>) target(%dma_start3A_1190 : memref<10016xf32, #tpu.memory_space<vmem_shared>>) offsets(%arg12 : memref<80xi32, #tpu.memory_space<vmem>>) semaphore(%arg24 : memref<!tpu.dma_semaphore, #tpu.memory_space<semaphore_mem>>) {add = true}
      } else {
      }
      %dma_wait3A_894 = arith.constant 0 : i32
      %dma_wait3A_895 = arith.constant 0 : i32
      %dma_wait3A_896 = tpu.memref_slice %arg19[%dma_wait3A_894, %dma_wait3A_895] : memref<10016x128xf32, #tpu.memory_space<vmem_shared>> -> memref<10016x128xf32, #tpu.memory_space<vmem_shared>>
      tpu.wait_indirect_dma semaphore(%arg26 : memref<!tpu.dma_semaphore, #tpu.memory_space<semaphore_mem>>) src(%arg17 : memref<80x128xf32, #tpu.memory_space<vmem>>) dst(%dma_wait3A_896 : memref<10016x128xf32, #tpu.memory_space<vmem_shared>>)
      %eq3A_897 = arith.constant 0 : i32
      %eq3A_898 = arith.cmpi eq, %arg0, %eq3A_897 : i32
      %convert_element_type3A_899 = arith.extui %eq3A_898 : i1 to i32
      %cond3A_900 = arith.constant 0 : i32
      %cond3A_901 = arith.cmpi ne, %convert_element_type3A_899, %cond3A_900 : i32
      scf.if %cond3A_901 {
        %dma_wait3A_1189 = arith.constant 0 : i32
        %dma_wait3A_1190 = tpu.memref_slice %arg20[%dma_wait3A_1189] : memref<10016xf32, #tpu.memory_space<vmem_shared>> -> memref<10016xf32, #tpu.memory_space<vmem_shared>>
        tpu.wait_indirect_dma semaphore(%arg26 : memref<!tpu.dma_semaphore, #tpu.memory_space<semaphore_mem>>) src(%arg18 : memref<80xf32, #tpu.memory_space<vmem>>) dst(%dma_wait3A_1190 : memref<10016xf32, #tpu.memory_space<vmem_shared>>)
      } else {
      }
      %add3A_902 = arith.constant 2 : i32
      %add3A_903 = arith.addi %add3A_878, %add3A_902 : i32
      %mul3A_904 = arith.constant 80 : i32
      %mul3A_905 = arith.muli %add3A_903, %mul3A_904 : i32
      %add3A_906 = arith.constant 0 : i32
      %add3A_907 = arith.addi %mul3A_905, %add3A_906 : i32
      %get3A_908 = arith.index_cast %add3A_907 : i32 to index
      %get3A_909 = tpu.vector_load %arg10[%get3A_908] {strides = array<i32>} : memref<10000xi32, #tpu.memory_space<vmem>>, vector<16xi32>,
      %get3A_910 = vector.shape_cast %get3A_909 : vector<16xi32> to vector<16xi32>
      %shift_right_logical3A_911 = arith.constant 14 : i32
      %shift_right_logical3A_912 = vector.broadcast %shift_right_logical3A_911 : i32 to vector<16xi32>
      %shift_right_logical3A_913 = arith.shrui %get3A_910, %shift_right_logical3A_912 : vector<16xi32>
      %swap3A_914 = arith.constant 2 : i32
      %swap3A_915 = arith.index_cast %swap3A_914 : i32 to index
      %swap3A_916 = arith.constant 0 : index
      %swap3A_917 = tpu.vector_load %arg11[%swap3A_915, %swap3A_916] {strides = array<i32>} : memref<3x80xi32, #tpu.memory_space<vmem>>, vector<1x16xi32>,
      %swap3A_918 = vector.shape_cast %swap3A_917 : vector<1x16xi32> to vector<16xi32>
      %swap3A_919 = vector.shape_cast %shift_right_logical3A_913 : vector<16xi32> to vector<1x16xi32>
      tpu.vector_store %arg11[%swap3A_915, %swap3A_916], %swap3A_919 {strides = array<i32>} : memref<3x80xi32, #tpu.memory_space<vmem>>, vector<1x16xi32>,
      %and3A_920 = arith.constant 16383 : i32
      %and3A_921 = vector.broadcast %and3A_920 : i32 to vector<16xi32>
      %and3A_922 = arith.andi %get3A_910, %and3A_921 : vector<16xi32>
      %swap3A_923 = arith.constant 0 : index
      %swap3A_924 = tpu.vector_load %arg14[%swap3A_923] {strides = array<i32>} : memref<80xi32, #tpu.memory_space<vmem>>, vector<16xi32>,
      %swap3A_925 = vector.shape_cast %swap3A_924 : vector<16xi32> to vector<16xi32>
      %swap3A_926 = vector.shape_cast %and3A_922 : vector<16xi32> to vector<16xi32>
      tpu.vector_store %arg14[%swap3A_923], %swap3A_926 {strides = array<i32>} : memref<80xi32, #tpu.memory_space<vmem>>, vector<16xi32>,
      %mul3A_927 = arith.constant 80 : i32
      %mul3A_928 = arith.muli %add3A_903, %mul3A_927 : i32
      %add3A_929 = arith.constant 16 : i32
      %add3A_930 = arith.addi %mul3A_928, %add3A_929 : i32
      %get3A_931 = arith.index_cast %add3A_930 : i32 to index
      %get3A_932 = tpu.vector_load %arg10[%get3A_931] {strides = array<i32>} : memref<10000xi32, #tpu.memory_space<vmem>>, vector<16xi32>,
      %get3A_933 = vector.shape_cast %get3A_932 : vector<16xi32> to vector<16xi32>
      %shift_right_logical3A_934 = arith.constant 14 : i32
      %shift_right_logical3A_935 = vector.broadcast %shift_right_logical3A_934 : i32 to vector<16xi32>
      %shift_right_logical3A_936 = arith.shrui %get3A_933, %shift_right_logical3A_935 : vector<16xi32>
      %swap3A_937 = arith.constant 2 : i32
      %swap3A_938 = arith.index_cast %swap3A_937 : i32 to index
      %swap3A_939 = arith.constant 16 : index
      %swap3A_940 = tpu.vector_load %arg11[%swap3A_938, %swap3A_939] {strides = array<i32>} : memref<3x80xi32, #tpu.memory_space<vmem>>, vector<1x16xi32>,
      %swap3A_941 = vector.shape_cast %swap3A_940 : vector<1x16xi32> to vector<16xi32>
      %swap3A_942 = vector.shape_cast %shift_right_logical3A_936 : vector<16xi32> to vector<1x16xi32>
      tpu.vector_store %arg11[%swap3A_938, %swap3A_939], %swap3A_942 {strides = array<i32>} : memref<3x80xi32, #tpu.memory_space<vmem>>, vector<1x16xi32>,
      %and3A_943 = arith.constant 16383 : i32
      %and3A_944 = vector.broadcast %and3A_943 : i32 to vector<16xi32>
      %and3A_945 = arith.andi %get3A_933, %and3A_944 : vector<16xi32>
      %swap3A_946 = arith.constant 16 : index
      %swap3A_947 = tpu.vector_load %arg14[%swap3A_946] {strides = array<i32>} : memref<80xi32, #tpu.memory_space<vmem>>, vector<16xi32>,
      %swap3A_948 = vector.shape_cast %swap3A_947 : vector<16xi32> to vector<16xi32>
      %swap3A_949 = vector.shape_cast %and3A_945 : vector<16xi32> to vector<16xi32>
      tpu.vector_store %arg14[%swap3A_946], %swap3A_949 {strides = array<i32>} : memref<80xi32, #tpu.memory_space<vmem>>, vector<16xi32>,
      %mul3A_950 = arith.constant 80 : i32
      %mul3A_951 = arith.muli %add3A_903, %mul3A_950 : i32
      %add3A_952 = arith.constant 32 : i32
      %add3A_953 = arith.addi %mul3A_951, %add3A_952 : i32
      %get3A_954 = arith.index_cast %add3A_953 : i32 to index
      %get3A_955 = tpu.vector_load %arg10[%get3A_954] {strides = array<i32>} : memref<10000xi32, #tpu.memory_space<vmem>>, vector<16xi32>,
      %get3A_956 = vector.shape_cast %get3A_955 : vector<16xi32> to vector<16xi32>
      %shift_right_logical3A_957 = arith.constant 14 : i32
      %shift_right_logical3A_958 = vector.broadcast %shift_right_logical3A_957 : i32 to vector<16xi32>
      %shift_right_logical3A_959 = arith.shrui %get3A_956, %shift_right_logical3A_958 : vector<16xi32>
      %swap3A_960 = arith.constant 2 : i32
      %swap3A_961 = arith.index_cast %swap3A_960 : i32 to index
      %swap3A_962 = arith.constant 32 : index
      %swap3A_963 = tpu.vector_load %arg11[%swap3A_961, %swap3A_962] {strides = array<i32>} : memref<3x80xi32, #tpu.memory_space<vmem>>, vector<1x16xi32>,
      %swap3A_964 = vector.shape_cast %swap3A_963 : vector<1x16xi32> to vector<16xi32>
      %swap3A_965 = vector.shape_cast %shift_right_logical3A_959 : vector<16xi32> to vector<1x16xi32>
      tpu.vector_store %arg11[%swap3A_961, %swap3A_962], %swap3A_965 {strides = array<i32>} : memref<3x80xi32, #tpu.memory_space<vmem>>, vector<1x16xi32>,
      %and3A_966 = arith.constant 16383 : i32
      %and3A_967 = vector.broadcast %and3A_966 : i32 to vector<16xi32>
      %and3A_968 = arith.andi %get3A_956, %and3A_967 : vector<16xi32>
      %swap3A_969 = arith.constant 32 : index
      %swap3A_970 = tpu.vector_load %arg14[%swap3A_969] {strides = array<i32>} : memref<80xi32, #tpu.memory_space<vmem>>, vector<16xi32>,
      %swap3A_971 = vector.shape_cast %swap3A_970 : vector<16xi32> to vector<16xi32>
      %swap3A_972 = vector.shape_cast %and3A_968 : vector<16xi32> to vector<16xi32>
      tpu.vector_store %arg14[%swap3A_969], %swap3A_972 {strides = array<i32>} : memref<80xi32, #tpu.memory_space<vmem>>, vector<16xi32>,
      %mul3A_973 = arith.constant 80 : i32
      %mul3A_974 = arith.muli %add3A_903, %mul3A_973 : i32
      %add3A_975 = arith.constant 48 : i32
      %add3A_976 = arith.addi %mul3A_974, %add3A_975 : i32
      %get3A_977 = arith.index_cast %add3A_976 : i32 to index
      %get3A_978 = tpu.vector_load %arg10[%get3A_977] {strides = array<i32>} : memref<10000xi32, #tpu.memory_space<vmem>>, vector<16xi32>,
      %get3A_979 = vector.shape_cast %get3A_978 : vector<16xi32> to vector<16xi32>
      %shift_right_logical3A_980 = arith.constant 14 : i32
      %shift_right_logical3A_981 = vector.broadcast %shift_right_logical3A_980 : i32 to vector<16xi32>
      %shift_right_logical3A_982 = arith.shrui %get3A_979, %shift_right_logical3A_981 : vector<16xi32>
      %swap3A_983 = arith.constant 2 : i32
      %swap3A_984 = arith.index_cast %swap3A_983 : i32 to index
      %swap3A_985 = arith.constant 48 : index
      %swap3A_986 = tpu.vector_load %arg11[%swap3A_984, %swap3A_985] {strides = array<i32>} : memref<3x80xi32, #tpu.memory_space<vmem>>, vector<1x16xi32>,
      %swap3A_987 = vector.shape_cast %swap3A_986 : vector<1x16xi32> to vector<16xi32>
      %swap3A_988 = vector.shape_cast %shift_right_logical3A_982 : vector<16xi32> to vector<1x16xi32>
      tpu.vector_store %arg11[%swap3A_984, %swap3A_985], %swap3A_988 {strides = array<i32>} : memref<3x80xi32, #tpu.memory_space<vmem>>, vector<1x16xi32>,
      %and3A_989 = arith.constant 16383 : i32
      %and3A_990 = vector.broadcast %and3A_989 : i32 to vector<16xi32>
      %and3A_991 = arith.andi %get3A_979, %and3A_990 : vector<16xi32>
      %swap3A_992 = arith.constant 48 : index
      %swap3A_993 = tpu.vector_load %arg14[%swap3A_992] {strides = array<i32>} : memref<80xi32, #tpu.memory_space<vmem>>, vector<16xi32>,
      %swap3A_994 = vector.shape_cast %swap3A_993 : vector<16xi32> to vector<16xi32>
      %swap3A_995 = vector.shape_cast %and3A_991 : vector<16xi32> to vector<16xi32>
      tpu.vector_store %arg14[%swap3A_992], %swap3A_995 {strides = array<i32>} : memref<80xi32, #tpu.memory_space<vmem>>, vector<16xi32>,
      %mul3A_996 = arith.constant 80 : i32
      %mul3A_997 = arith.muli %add3A_903, %mul3A_996 : i32
      %add3A_998 = arith.constant 64 : i32
      %add3A_999 = arith.addi %mul3A_997, %add3A_998 : i32
      %get3A_1000 = arith.index_cast %add3A_999 : i32 to index
      %get3A_1001 = tpu.vector_load %arg10[%get3A_1000] {strides = array<i32>} : memref<10000xi32, #tpu.memory_space<vmem>>, vector<16xi32>,
      %get3A_1002 = vector.shape_cast %get3A_1001 : vector<16xi32> to vector<16xi32>
      %shift_right_logical3A_1003 = arith.constant 14 : i32
      %shift_right_logical3A_1004 = vector.broadcast %shift_right_logical3A_1003 : i32 to vector<16xi32>
      %shift_right_logical3A_1005 = arith.shrui %get3A_1002, %shift_right_logical3A_1004 : vector<16xi32>
      %swap3A_1006 = arith.constant 2 : i32
      %swap3A_1007 = arith.index_cast %swap3A_1006 : i32 to index
      %swap3A_1008 = arith.constant 64 : index
      %swap3A_1009 = tpu.vector_load %arg11[%swap3A_1007, %swap3A_1008] {strides = array<i32>} : memref<3x80xi32, #tpu.memory_space<vmem>>, vector<1x16xi32>,
      %swap3A_1010 = vector.shape_cast %swap3A_1009 : vector<1x16xi32> to vector<16xi32>
      %swap3A_1011 = vector.shape_cast %shift_right_logical3A_1005 : vector<16xi32> to vector<1x16xi32>
      tpu.vector_store %arg11[%swap3A_1007, %swap3A_1008], %swap3A_1011 {strides = array<i32>} : memref<3x80xi32, #tpu.memory_space<vmem>>, vector<1x16xi32>,
      %and3A_1012 = arith.constant 16383 : i32
      %and3A_1013 = vector.broadcast %and3A_1012 : i32 to vector<16xi32>
      %and3A_1014 = arith.andi %get3A_1002, %and3A_1013 : vector<16xi32>
      %swap3A_1015 = arith.constant 64 : index
      %swap3A_1016 = tpu.vector_load %arg14[%swap3A_1015] {strides = array<i32>} : memref<80xi32, #tpu.memory_space<vmem>>, vector<16xi32>,
      %swap3A_1017 = vector.shape_cast %swap3A_1016 : vector<16xi32> to vector<16xi32>
      %swap3A_1018 = vector.shape_cast %and3A_1014 : vector<16xi32> to vector<16xi32>
      tpu.vector_store %arg14[%swap3A_1015], %swap3A_1018 {strides = array<i32>} : memref<80xi32, #tpu.memory_space<vmem>>, vector<16xi32>,
      %add3A_1019 = arith.constant 2 : i32
      %add3A_1020 = arith.addi %add3A_878, %add3A_1019 : i32
      %eq3A_1021 = arith.constant 0 : i32
      %eq3A_1022 = arith.cmpi eq, %arg0, %eq3A_1021 : i32
      %convert_element_type3A_1023 = arith.extui %eq3A_1022 : i1 to i32
      %cond3A_1024 = arith.constant 2 : i32
      %cond3A_1025 = arith.constant 0 : i32
      %cond3A_1026 = arith.cmpi ne, %convert_element_type3A_1023, %cond3A_1025 : i32
      scf.if %cond3A_1026 {
        %dma_start3A_1189 = arith.constant 0 : i32
        %dma_start3A_1190 = tpu.memref_slice %arg11[%cond3A_1024, %dma_start3A_1189] : memref<3x80xi32, #tpu.memory_space<vmem>> -> memref<1x80xi32, #tpu.memory_space<vmem>>
        %dma_start3A_1191 = tpu.memref_squeeze %dma_start3A_1190 : memref<1x80xi32, #tpu.memory_space<vmem>> -> memref<80xi32, #tpu.memory_space<vmem>>
        %dma_start3A_1192 = arith.constant 0 : i32
        %dma_start3A_1193 = arith.constant 0 : i32
        %dma_start3A_1194 = tpu.memref_slice %arg2[%dma_start3A_1192, %dma_start3A_1193] : memref<10000x128xf32, #tpu.memory_space<hbm>> -> memref<10000x128xf32, #tpu.memory_space<hbm>>
        tpu.enqueue_indirect_dma source(%dma_start3A_1194 : memref<10000x128xf32, #tpu.memory_space<hbm>>) target(%arg17 : memref<80x128xf32, #tpu.memory_space<vmem>>) offsets(%dma_start3A_1191 : memref<80xi32, #tpu.memory_space<vmem>>) semaphore(%arg23 : memref<!tpu.dma_semaphore, #tpu.memory_space<semaphore_mem>>)
      } else {
      }
      %eq3A_1027 = arith.constant 1 : i32
      %eq3A_1028 = arith.cmpi eq, %arg0, %eq3A_1027 : i32
      %convert_element_type3A_1029 = arith.extui %eq3A_1028 : i1 to i32
      %cond3A_1030 = arith.constant 2 : i32
      %cond3A_1031 = arith.constant 0 : i32
      %cond3A_1032 = arith.cmpi ne, %convert_element_type3A_1029, %cond3A_1031 : i32
      scf.if %cond3A_1032 {
        %dma_start3A_1189 = arith.constant 0 : i32
        %dma_start3A_1190 = tpu.memref_slice %arg11[%cond3A_1030, %dma_start3A_1189] : memref<3x80xi32, #tpu.memory_space<vmem>> -> memref<1x80xi32, #tpu.memory_space<vmem>>
        %dma_start3A_1191 = tpu.memref_squeeze %dma_start3A_1190 : memref<1x80xi32, #tpu.memory_space<vmem>> -> memref<80xi32, #tpu.memory_space<vmem>>
        %dma_start3A_1192 = arith.constant 0 : i32
        %dma_start3A_1193 = arith.constant 0 : i32
        %dma_start3A_1194 = tpu.memref_slice %arg3[%dma_start3A_1192, %dma_start3A_1193] : memref<10000x128xf32, #tpu.memory_space<hbm>> -> memref<10000x128xf32, #tpu.memory_space<hbm>>
        tpu.enqueue_indirect_dma source(%dma_start3A_1194 : memref<10000x128xf32, #tpu.memory_space<hbm>>) target(%arg17 : memref<80x128xf32, #tpu.memory_space<vmem>>) offsets(%dma_start3A_1191 : memref<80xi32, #tpu.memory_space<vmem>>) semaphore(%arg23 : memref<!tpu.dma_semaphore, #tpu.memory_space<semaphore_mem>>)
      } else {
      }
      %add3A_1033 = arith.constant 2 : i32
      %add3A_1034 = arith.addi %add3A_722, %add3A_1033 : i32
      %dma_wait3A_1035 = arith.constant 1 : i32
      %dma_wait3A_1036 = arith.constant 0 : i32
      %dma_wait3A_1037 = tpu.memref_slice %arg11[%dma_wait3A_1035, %dma_wait3A_1036] : memref<3x80xi32, #tpu.memory_space<vmem>> -> memref<1x80xi32, #tpu.memory_space<vmem>>
      %dma_wait3A_1038 = tpu.memref_squeeze %dma_wait3A_1037 : memref<1x80xi32, #tpu.memory_space<vmem>> -> memref<80xi32, #tpu.memory_space<vmem>>
      %dma_wait3A_1039 = arith.constant 0 : i32
      %dma_wait3A_1040 = arith.constant 0 : i32
      %dma_wait3A_1041 = tpu.memref_slice %arg2[%dma_wait3A_1039, %dma_wait3A_1040] : memref<10000x128xf32, #tpu.memory_space<hbm>> -> memref<10000x128xf32, #tpu.memory_space<hbm>>
      tpu.wait_indirect_dma semaphore(%arg22 : memref<!tpu.dma_semaphore, #tpu.memory_space<semaphore_mem>>) src(%dma_wait3A_1041 : memref<10000x128xf32, #tpu.memory_space<hbm>>) dst(%arg16 : memref<80x128xf32, #tpu.memory_space<vmem>>)
      %dma_start3A_1042 = arith.constant 0 : i32
      %dma_start3A_1043 = arith.constant 0 : i32
      %dma_start3A_1044 = tpu.memref_slice %arg19[%dma_start3A_1042, %dma_start3A_1043] : memref<10016x128xf32, #tpu.memory_space<vmem_shared>> -> memref<10016x128xf32, #tpu.memory_space<vmem_shared>>
      tpu.enqueue_indirect_dma source(%arg16 : memref<80x128xf32, #tpu.memory_space<vmem>>) target(%dma_start3A_1044 : memref<10016x128xf32, #tpu.memory_space<vmem_shared>>) offsets(%arg13 : memref<80xi32, #tpu.memory_space<vmem>>) semaphore(%arg25 : memref<!tpu.dma_semaphore, #tpu.memory_space<semaphore_mem>>) {add = true}
      %eq3A_1045 = arith.constant 0 : i32
      %eq3A_1046 = arith.cmpi eq, %arg0, %eq3A_1045 : i32
      %convert_element_type3A_1047 = arith.extui %eq3A_1046 : i1 to i32
      %cond3A_1048 = arith.constant 0 : i32
      %cond3A_1049 = arith.cmpi ne, %convert_element_type3A_1047, %cond3A_1048 : i32
      scf.if %cond3A_1049 {
        %dma_start3A_1189 = arith.constant 0 : i32
        %dma_start3A_1190 = tpu.memref_slice %arg20[%dma_start3A_1189] : memref<10016xf32, #tpu.memory_space<vmem_shared>> -> memref<10016xf32, #tpu.memory_space<vmem_shared>>
        tpu.enqueue_indirect_dma source(%arg18 : memref<80xf32, #tpu.memory_space<vmem>>) target(%dma_start3A_1190 : memref<10016xf32, #tpu.memory_space<vmem_shared>>) offsets(%arg13 : memref<80xi32, #tpu.memory_space<vmem>>) semaphore(%arg25 : memref<!tpu.dma_semaphore, #tpu.memory_space<semaphore_mem>>) {add = true}
      } else {
      }
      %dma_wait3A_1050 = arith.constant 0 : i32
      %dma_wait3A_1051 = arith.constant 0 : i32
      %dma_wait3A_1052 = tpu.memref_slice %arg19[%dma_wait3A_1050, %dma_wait3A_1051] : memref<10016x128xf32, #tpu.memory_space<vmem_shared>> -> memref<10016x128xf32, #tpu.memory_space<vmem_shared>>
      tpu.wait_indirect_dma semaphore(%arg24 : memref<!tpu.dma_semaphore, #tpu.memory_space<semaphore_mem>>) src(%arg15 : memref<80x128xf32, #tpu.memory_space<vmem>>) dst(%dma_wait3A_1052 : memref<10016x128xf32, #tpu.memory_space<vmem_shared>>)
      %eq3A_1053 = arith.constant 0 : i32
      %eq3A_1054 = arith.cmpi eq, %arg0, %eq3A_1053 : i32
      %convert_element_type3A_1055 = arith.extui %eq3A_1054 : i1 to i32
      %cond3A_1056 = arith.constant 0 : i32
      %cond3A_1057 = arith.cmpi ne, %convert_element_type3A_1055, %cond3A_1056 : i32
      scf.if %cond3A_1057 {
        %dma_wait3A_1189 = arith.constant 0 : i32
        %dma_wait3A_1190 = tpu.memref_slice %arg20[%dma_wait3A_1189] : memref<10016xf32, #tpu.memory_space<vmem_shared>> -> memref<10016xf32, #tpu.memory_space<vmem_shared>>
        tpu.wait_indirect_dma semaphore(%arg24 : memref<!tpu.dma_semaphore, #tpu.memory_space<semaphore_mem>>) src(%arg18 : memref<80xf32, #tpu.memory_space<vmem>>) dst(%dma_wait3A_1190 : memref<10016xf32, #tpu.memory_space<vmem_shared>>)
      } else {
      }
      %add3A_1058 = arith.constant 2 : i32
      %add3A_1059 = arith.addi %add3A_1034, %add3A_1058 : i32
      %mul3A_1060 = arith.constant 80 : i32
      %mul3A_1061 = arith.muli %add3A_1059, %mul3A_1060 : i32
      %add3A_1062 = arith.constant 0 : i32
      %add3A_1063 = arith.addi %mul3A_1061, %add3A_1062 : i32
      %get3A_1064 = arith.index_cast %add3A_1063 : i32 to index
      %get3A_1065 = tpu.vector_load %arg10[%get3A_1064] {strides = array<i32>} : memref<10000xi32, #tpu.memory_space<vmem>>, vector<16xi32>,
      %get3A_1066 = vector.shape_cast %get3A_1065 : vector<16xi32> to vector<16xi32>
      %shift_right_logical3A_1067 = arith.constant 14 : i32
      %shift_right_logical3A_1068 = vector.broadcast %shift_right_logical3A_1067 : i32 to vector<16xi32>
      %shift_right_logical3A_1069 = arith.shrui %get3A_1066, %shift_right_logical3A_1068 : vector<16xi32>
      %swap3A_1070 = arith.constant 0 : i32
      %swap3A_1071 = arith.index_cast %swap3A_1070 : i32 to index
      %swap3A_1072 = arith.constant 0 : index
      %swap3A_1073 = tpu.vector_load %arg11[%swap3A_1071, %swap3A_1072] {strides = array<i32>} : memref<3x80xi32, #tpu.memory_space<vmem>>, vector<1x16xi32>,
      %swap3A_1074 = vector.shape_cast %swap3A_1073 : vector<1x16xi32> to vector<16xi32>
      %swap3A_1075 = vector.shape_cast %shift_right_logical3A_1069 : vector<16xi32> to vector<1x16xi32>
      tpu.vector_store %arg11[%swap3A_1071, %swap3A_1072], %swap3A_1075 {strides = array<i32>} : memref<3x80xi32, #tpu.memory_space<vmem>>, vector<1x16xi32>,
      %and3A_1076 = arith.constant 16383 : i32
      %and3A_1077 = vector.broadcast %and3A_1076 : i32 to vector<16xi32>
      %and3A_1078 = arith.andi %get3A_1066, %and3A_1077 : vector<16xi32>
      %swap3A_1079 = arith.constant 0 : index
      %swap3A_1080 = tpu.vector_load %arg12[%swap3A_1079] {strides = array<i32>} : memref<80xi32, #tpu.memory_space<vmem>>, vector<16xi32>,
      %swap3A_1081 = vector.shape_cast %swap3A_1080 : vector<16xi32> to vector<16xi32>
      %swap3A_1082 = vector.shape_cast %and3A_1078 : vector<16xi32> to vector<16xi32>
      tpu.vector_store %arg12[%swap3A_1079], %swap3A_1082 {strides = array<i32>} : memref<80xi32, #tpu.memory_space<vmem>>, vector<16xi32>,
      %mul3A_1083 = arith.constant 80 : i32
      %mul3A_1084 = arith.muli %add3A_1059, %mul3A_1083 : i32
      %add3A_1085 = arith.constant 16 : i32
      %add3A_1086 = arith.addi %mul3A_1084, %add3A_1085 : i32
      %get3A_1087 = arith.index_cast %add3A_1086 : i32 to index
      %get3A_1088 = tpu.vector_load %arg10[%get3A_1087] {strides = array<i32>} : memref<10000xi32, #tpu.memory_space<vmem>>, vector<16xi32>,
      %get3A_1089 = vector.shape_cast %get3A_1088 : vector<16xi32> to vector<16xi32>
      %shift_right_logical3A_1090 = arith.constant 14 : i32
      %shift_right_logical3A_1091 = vector.broadcast %shift_right_logical3A_1090 : i32 to vector<16xi32>
      %shift_right_logical3A_1092 = arith.shrui %get3A_1089, %shift_right_logical3A_1091 : vector<16xi32>
      %swap3A_1093 = arith.constant 0 : i32
      %swap3A_1094 = arith.index_cast %swap3A_1093 : i32 to index
      %swap3A_1095 = arith.constant 16 : index
      %swap3A_1096 = tpu.vector_load %arg11[%swap3A_1094, %swap3A_1095] {strides = array<i32>} : memref<3x80xi32, #tpu.memory_space<vmem>>, vector<1x16xi32>,
      %swap3A_1097 = vector.shape_cast %swap3A_1096 : vector<1x16xi32> to vector<16xi32>
      %swap3A_1098 = vector.shape_cast %shift_right_logical3A_1092 : vector<16xi32> to vector<1x16xi32>
      tpu.vector_store %arg11[%swap3A_1094, %swap3A_1095], %swap3A_1098 {strides = array<i32>} : memref<3x80xi32, #tpu.memory_space<vmem>>, vector<1x16xi32>,
      %and3A_1099 = arith.constant 16383 : i32
      %and3A_1100 = vector.broadcast %and3A_1099 : i32 to vector<16xi32>
      %and3A_1101 = arith.andi %get3A_1089, %and3A_1100 : vector<16xi32>
      %swap3A_1102 = arith.constant 16 : index
      %swap3A_1103 = tpu.vector_load %arg12[%swap3A_1102] {strides = array<i32>} : memref<80xi32, #tpu.memory_space<vmem>>, vector<16xi32>,
      %swap3A_1104 = vector.shape_cast %swap3A_1103 : vector<16xi32> to vector<16xi32>
      %swap3A_1105 = vector.shape_cast %and3A_1101 : vector<16xi32> to vector<16xi32>
      tpu.vector_store %arg12[%swap3A_1102], %swap3A_1105 {strides = array<i32>} : memref<80xi32, #tpu.memory_space<vmem>>, vector<16xi32>,
      %mul3A_1106 = arith.constant 80 : i32
      %mul3A_1107 = arith.muli %add3A_1059, %mul3A_1106 : i32
      %add3A_1108 = arith.constant 32 : i32
      %add3A_1109 = arith.addi %mul3A_1107, %add3A_1108 : i32
      %get3A_1110 = arith.index_cast %add3A_1109 : i32 to index
      %get3A_1111 = tpu.vector_load %arg10[%get3A_1110] {strides = array<i32>} : memref<10000xi32, #tpu.memory_space<vmem>>, vector<16xi32>,
      %get3A_1112 = vector.shape_cast %get3A_1111 : vector<16xi32> to vector<16xi32>
      %shift_right_logical3A_1113 = arith.constant 14 : i32
      %shift_right_logical3A_1114 = vector.broadcast %shift_right_logical3A_1113 : i32 to vector<16xi32>
      %shift_right_logical3A_1115 = arith.shrui %get3A_1112, %shift_right_logical3A_1114 : vector<16xi32>
      %swap3A_1116 = arith.constant 0 : i32
      %swap3A_1117 = arith.index_cast %swap3A_1116 : i32 to index
      %swap3A_1118 = arith.constant 32 : index
      %swap3A_1119 = tpu.vector_load %arg11[%swap3A_1117, %swap3A_1118] {strides = array<i32>} : memref<3x80xi32, #tpu.memory_space<vmem>>, vector<1x16xi32>,
      %swap3A_1120 = vector.shape_cast %swap3A_1119 : vector<1x16xi32> to vector<16xi32>
      %swap3A_1121 = vector.shape_cast %shift_right_logical3A_1115 : vector<16xi32> to vector<1x16xi32>
      tpu.vector_store %arg11[%swap3A_1117, %swap3A_1118], %swap3A_1121 {strides = array<i32>} : memref<3x80xi32, #tpu.memory_space<vmem>>, vector<1x16xi32>,
      %and3A_1122 = arith.constant 16383 : i32
      %and3A_1123 = vector.broadcast %and3A_1122 : i32 to vector<16xi32>
      %and3A_1124 = arith.andi %get3A_1112, %and3A_1123 : vector<16xi32>
      %swap3A_1125 = arith.constant 32 : index
      %swap3A_1126 = tpu.vector_load %arg12[%swap3A_1125] {strides = array<i32>} : memref<80xi32, #tpu.memory_space<vmem>>, vector<16xi32>,
      %swap3A_1127 = vector.shape_cast %swap3A_1126 : vector<16xi32> to vector<16xi32>
      %swap3A_1128 = vector.shape_cast %and3A_1124 : vector<16xi32> to vector<16xi32>
      tpu.vector_store %arg12[%swap3A_1125], %swap3A_1128 {strides = array<i32>} : memref<80xi32, #tpu.memory_space<vmem>>, vector<16xi32>,
      %mul3A_1129 = arith.constant 80 : i32
      %mul3A_1130 = arith.muli %add3A_1059, %mul3A_1129 : i32
      %add3A_1131 = arith.constant 48 : i32
      %add3A_1132 = arith.addi %mul3A_1130, %add3A_1131 : i32
      %get3A_1133 = arith.index_cast %add3A_1132 : i32 to index
      %get3A_1134 = tpu.vector_load %arg10[%get3A_1133] {strides = array<i32>} : memref<10000xi32, #tpu.memory_space<vmem>>, vector<16xi32>,
      %get3A_1135 = vector.shape_cast %get3A_1134 : vector<16xi32> to vector<16xi32>
      %shift_right_logical3A_1136 = arith.constant 14 : i32
      %shift_right_logical3A_1137 = vector.broadcast %shift_right_logical3A_1136 : i32 to vector<16xi32>
      %shift_right_logical3A_1138 = arith.shrui %get3A_1135, %shift_right_logical3A_1137 : vector<16xi32>
      %swap3A_1139 = arith.constant 0 : i32
      %swap3A_1140 = arith.index_cast %swap3A_1139 : i32 to index
      %swap3A_1141 = arith.constant 48 : index
      %swap3A_1142 = tpu.vector_load %arg11[%swap3A_1140, %swap3A_1141] {strides = array<i32>} : memref<3x80xi32, #tpu.memory_space<vmem>>, vector<1x16xi32>,
      %swap3A_1143 = vector.shape_cast %swap3A_1142 : vector<1x16xi32> to vector<16xi32>
      %swap3A_1144 = vector.shape_cast %shift_right_logical3A_1138 : vector<16xi32> to vector<1x16xi32>
      tpu.vector_store %arg11[%swap3A_1140, %swap3A_1141], %swap3A_1144 {strides = array<i32>} : memref<3x80xi32, #tpu.memory_space<vmem>>, vector<1x16xi32>,
      %and3A_1145 = arith.constant 16383 : i32
      %and3A_1146 = vector.broadcast %and3A_1145 : i32 to vector<16xi32>
      %and3A_1147 = arith.andi %get3A_1135, %and3A_1146 : vector<16xi32>
      %swap3A_1148 = arith.constant 48 : index
      %swap3A_1149 = tpu.vector_load %arg12[%swap3A_1148] {strides = array<i32>} : memref<80xi32, #tpu.memory_space<vmem>>, vector<16xi32>,
      %swap3A_1150 = vector.shape_cast %swap3A_1149 : vector<16xi32> to vector<16xi32>
      %swap3A_1151 = vector.shape_cast %and3A_1147 : vector<16xi32> to vector<16xi32>
      tpu.vector_store %arg12[%swap3A_1148], %swap3A_1151 {strides = array<i32>} : memref<80xi32, #tpu.memory_space<vmem>>, vector<16xi32>,
      %mul3A_1152 = arith.constant 80 : i32
      %mul3A_1153 = arith.muli %add3A_1059, %mul3A_1152 : i32
      %add3A_1154 = arith.constant 64 : i32
      %add3A_1155 = arith.addi %mul3A_1153, %add3A_1154 : i32
      %get3A_1156 = arith.index_cast %add3A_1155 : i32 to index
      %get3A_1157 = tpu.vector_load %arg10[%get3A_1156] {strides = array<i32>} : memref<10000xi32, #tpu.memory_space<vmem>>, vector<16xi32>,
      %get3A_1158 = vector.shape_cast %get3A_1157 : vector<16xi32> to vector<16xi32>
      %shift_right_logical3A_1159 = arith.constant 14 : i32
      %shift_right_logical3A_1160 = vector.broadcast %shift_right_logical3A_1159 : i32 to vector<16xi32>
      %shift_right_logical3A_1161 = arith.shrui %get3A_1158, %shift_right_logical3A_1160 : vector<16xi32>
      %swap3A_1162 = arith.constant 0 : i32
      %swap3A_1163 = arith.index_cast %swap3A_1162 : i32 to index
      %swap3A_1164 = arith.constant 64 : index
      %swap3A_1165 = tpu.vector_load %arg11[%swap3A_1163, %swap3A_1164] {strides = array<i32>} : memref<3x80xi32, #tpu.memory_space<vmem>>, vector<1x16xi32>,
      %swap3A_1166 = vector.shape_cast %swap3A_1165 : vector<1x16xi32> to vector<16xi32>
      %swap3A_1167 = vector.shape_cast %shift_right_logical3A_1161 : vector<16xi32> to vector<1x16xi32>
      tpu.vector_store %arg11[%swap3A_1163, %swap3A_1164], %swap3A_1167 {strides = array<i32>} : memref<3x80xi32, #tpu.memory_space<vmem>>, vector<1x16xi32>,
      %and3A_1168 = arith.constant 16383 : i32
      %and3A_1169 = vector.broadcast %and3A_1168 : i32 to vector<16xi32>
      %and3A_1170 = arith.andi %get3A_1158, %and3A_1169 : vector<16xi32>
      %swap3A_1171 = arith.constant 64 : index
      %swap3A_1172 = tpu.vector_load %arg12[%swap3A_1171] {strides = array<i32>} : memref<80xi32, #tpu.memory_space<vmem>>, vector<16xi32>,
      %swap3A_1173 = vector.shape_cast %swap3A_1172 : vector<16xi32> to vector<16xi32>
      %swap3A_1174 = vector.shape_cast %and3A_1170 : vector<16xi32> to vector<16xi32>
      tpu.vector_store %arg12[%swap3A_1171], %swap3A_1174 {strides = array<i32>} : memref<80xi32, #tpu.memory_space<vmem>>, vector<16xi32>,
      %add3A_1175 = arith.constant 2 : i32
      %add3A_1176 = arith.addi %add3A_1034, %add3A_1175 : i32
      %eq3A_1177 = arith.constant 0 : i32
      %eq3A_1178 = arith.cmpi eq, %arg0, %eq3A_1177 : i32
      %convert_element_type3A_1179 = arith.extui %eq3A_1178 : i1 to i32
      %cond3A_1180 = arith.constant 0 : i32
      %cond3A_1181 = arith.constant 0 : i32
      %cond3A_1182 = arith.cmpi ne, %convert_element_type3A_1179, %cond3A_1181 : i32
      scf.if %cond3A_1182 {
        %dma_start3A_1189 = arith.constant 0 : i32
        %dma_start3A_1190 = tpu.memref_slice %arg11[%cond3A_1180, %dma_start3A_1189] : memref<3x80xi32, #tpu.memory_space<vmem>> -> memref<1x80xi32, #tpu.memory_space<vmem>>
        %dma_start3A_1191 = tpu.memref_squeeze %dma_start3A_1190 : memref<1x80xi32, #tpu.memory_space<vmem>> -> memref<80xi32, #tpu.memory_space<vmem>>
        %dma_start3A_1192 = arith.constant 0 : i32
        %dma_start3A_1193 = arith.constant 0 : i32
        %dma_start3A_1194 = tpu.memref_slice %arg2[%dma_start3A_1192, %dma_start3A_1193] : memref<10000x128xf32, #tpu.memory_space<hbm>> -> memref<10000x128xf32, #tpu.memory_space<hbm>>
        tpu.enqueue_indirect_dma source(%dma_start3A_1194 : memref<10000x128xf32, #tpu.memory_space<hbm>>) target(%arg15 : memref<80x128xf32, #tpu.memory_space<vmem>>) offsets(%dma_start3A_1191 : memref<80xi32, #tpu.memory_space<vmem>>) semaphore(%arg21 : memref<!tpu.dma_semaphore, #tpu.memory_space<semaphore_mem>>)
      } else {
      }
      %eq3A_1183 = arith.constant 1 : i32
      %eq3A_1184 = arith.cmpi eq, %arg0, %eq3A_1183 : i32
      %convert_element_type3A_1185 = arith.extui %eq3A_1184 : i1 to i32
      %cond3A_1186 = arith.constant 0 : i32
      %cond3A_1187 = arith.constant 0 : i32
      %cond3A_1188 = arith.cmpi ne, %convert_element_type3A_1185, %cond3A_1187 : i32
      scf.if %cond3A_1188 {
        %dma_start3A_1189 = arith.constant 0 : i32
        %dma_start3A_1190 = tpu.memref_slice %arg11[%cond3A_1186, %dma_start3A_1189] : memref<3x80xi32, #tpu.memory_space<vmem>> -> memref<1x80xi32, #tpu.memory_space<vmem>>
        %dma_start3A_1191 = tpu.memref_squeeze %dma_start3A_1190 : memref<1x80xi32, #tpu.memory_space<vmem>> -> memref<80xi32, #tpu.memory_space<vmem>>
        %dma_start3A_1192 = arith.constant 0 : i32
        %dma_start3A_1193 = arith.constant 0 : i32
        %dma_start3A_1194 = tpu.memref_slice %arg3[%dma_start3A_1192, %dma_start3A_1193] : memref<10000x128xf32, #tpu.memory_space<hbm>> -> memref<10000x128xf32, #tpu.memory_space<hbm>>
        tpu.enqueue_indirect_dma source(%dma_start3A_1194 : memref<10000x128xf32, #tpu.memory_space<hbm>>) target(%arg15 : memref<80x128xf32, #tpu.memory_space<vmem>>) offsets(%dma_start3A_1191 : memref<80xi32, #tpu.memory_space<vmem>>) semaphore(%arg21 : memref<!tpu.dma_semaphore, #tpu.memory_space<semaphore_mem>>)
      } else {
      }
    }
    %scan3A_511 = arith.constant 40 : i32
    %dma_wait3A_512 = arith.constant 2 : i32
    %dma_wait3A_513 = arith.constant 0 : i32
    %dma_wait3A_514 = tpu.memref_slice %arg11[%dma_wait3A_512, %dma_wait3A_513] : memref<3x80xi32, #tpu.memory_space<vmem>> -> memref<1x80xi32, #tpu.memory_space<vmem>>
    %dma_wait3A_515 = tpu.memref_squeeze %dma_wait3A_514 : memref<1x80xi32, #tpu.memory_space<vmem>> -> memref<80xi32, #tpu.memory_space<vmem>>
    %dma_wait3A_516 = arith.constant 0 : i32
    %dma_wait3A_517 = arith.constant 0 : i32
    %dma_wait3A_518 = tpu.memref_slice %arg2[%dma_wait3A_516, %dma_wait3A_517] : memref<10000x128xf32, #tpu.memory_space<hbm>> -> memref<10000x128xf32, #tpu.memory_space<hbm>>
    tpu.wait_indirect_dma semaphore(%arg23 : memref<!tpu.dma_semaphore, #tpu.memory_space<semaphore_mem>>) src(%dma_wait3A_518 : memref<10000x128xf32, #tpu.memory_space<hbm>>) dst(%arg17 : memref<80x128xf32, #tpu.memory_space<vmem>>)
    %dma_start3A_519 = arith.constant 0 : i32
    %dma_start3A_520 = arith.constant 0 : i32
    %dma_start3A_521 = tpu.memref_slice %arg19[%dma_start3A_519, %dma_start3A_520] : memref<10016x128xf32, #tpu.memory_space<vmem_shared>> -> memref<10016x128xf32, #tpu.memory_space<vmem_shared>>
    tpu.enqueue_indirect_dma source(%arg17 : memref<80x128xf32, #tpu.memory_space<vmem>>) target(%dma_start3A_521 : memref<10016x128xf32, #tpu.memory_space<vmem_shared>>) offsets(%arg14 : memref<80xi32, #tpu.memory_space<vmem>>) semaphore(%arg26 : memref<!tpu.dma_semaphore, #tpu.memory_space<semaphore_mem>>) {add = true}
    %eq3A_522 = arith.constant 0 : i32
    %eq3A_523 = arith.cmpi eq, %arg0, %eq3A_522 : i32
    %convert_element_type3A_524 = arith.extui %eq3A_523 : i1 to i32
    %cond3A_525 = arith.constant 0 : i32
    %cond3A_526 = arith.cmpi ne, %convert_element_type3A_524, %cond3A_525 : i32
    scf.if %cond3A_526 {
      %dma_start3A_715 = arith.constant 0 : i32
      %dma_start3A_716 = tpu.memref_slice %arg20[%dma_start3A_715] : memref<10016xf32, #tpu.memory_space<vmem_shared>> -> memref<10016xf32, #tpu.memory_space<vmem_shared>>
      tpu.enqueue_indirect_dma source(%arg18 : memref<80xf32, #tpu.memory_space<vmem>>) target(%dma_start3A_716 : memref<10016xf32, #tpu.memory_space<vmem_shared>>) offsets(%arg14 : memref<80xi32, #tpu.memory_space<vmem>>) semaphore(%arg26 : memref<!tpu.dma_semaphore, #tpu.memory_space<semaphore_mem>>) {add = true}
    } else {
    }
    %dma_wait3A_527 = arith.constant 0 : i32
    %dma_wait3A_528 = arith.constant 0 : i32
    %dma_wait3A_529 = tpu.memref_slice %arg19[%dma_wait3A_527, %dma_wait3A_528] : memref<10016x128xf32, #tpu.memory_space<vmem_shared>> -> memref<10016x128xf32, #tpu.memory_space<vmem_shared>>
    tpu.wait_indirect_dma semaphore(%arg25 : memref<!tpu.dma_semaphore, #tpu.memory_space<semaphore_mem>>) src(%arg16 : memref<80x128xf32, #tpu.memory_space<vmem>>) dst(%dma_wait3A_529 : memref<10016x128xf32, #tpu.memory_space<vmem_shared>>)
    %eq3A_530 = arith.constant 0 : i32
    %eq3A_531 = arith.cmpi eq, %arg0, %eq3A_530 : i32
    %convert_element_type3A_532 = arith.extui %eq3A_531 : i1 to i32
    %cond3A_533 = arith.constant 0 : i32
    %cond3A_534 = arith.cmpi ne, %convert_element_type3A_532, %cond3A_533 : i32
    scf.if %cond3A_534 {
      %dma_wait3A_715 = arith.constant 0 : i32
      %dma_wait3A_716 = tpu.memref_slice %arg20[%dma_wait3A_715] : memref<10016xf32, #tpu.memory_space<vmem_shared>> -> memref<10016xf32, #tpu.memory_space<vmem_shared>>
      tpu.wait_indirect_dma semaphore(%arg25 : memref<!tpu.dma_semaphore, #tpu.memory_space<semaphore_mem>>) src(%arg18 : memref<80xf32, #tpu.memory_space<vmem>>) dst(%dma_wait3A_716 : memref<10016xf32, #tpu.memory_space<vmem_shared>>)
    } else {
    }
    %get3A_535 = arith.constant 9920 : index
    %get3A_536 = tpu.vector_load %arg10[%get3A_535] {strides = array<i32>} : memref<10000xi32, #tpu.memory_space<vmem>>, vector<16xi32>,
    %get3A_537 = vector.shape_cast %get3A_536 : vector<16xi32> to vector<16xi32>
    %shift_right_logical3A_538 = arith.constant 14 : i32
    %shift_right_logical3A_539 = vector.broadcast %shift_right_logical3A_538 : i32 to vector<16xi32>
    %shift_right_logical3A_540 = arith.shrui %get3A_537, %shift_right_logical3A_539 : vector<16xi32>
    %swap3A_541 = arith.constant 1 : i32
    %swap3A_542 = arith.index_cast %swap3A_541 : i32 to index
    %swap3A_543 = arith.constant 0 : index
    %swap3A_544 = tpu.vector_load %arg11[%swap3A_542, %swap3A_543] {strides = array<i32>} : memref<3x80xi32, #tpu.memory_space<vmem>>, vector<1x16xi32>,
    %swap3A_545 = vector.shape_cast %swap3A_544 : vector<1x16xi32> to vector<16xi32>
    %swap3A_546 = vector.shape_cast %shift_right_logical3A_540 : vector<16xi32> to vector<1x16xi32>
    tpu.vector_store %arg11[%swap3A_542, %swap3A_543], %swap3A_546 {strides = array<i32>} : memref<3x80xi32, #tpu.memory_space<vmem>>, vector<1x16xi32>,
    %and3A_547 = arith.constant 16383 : i32
    %and3A_548 = vector.broadcast %and3A_547 : i32 to vector<16xi32>
    %and3A_549 = arith.andi %get3A_537, %and3A_548 : vector<16xi32>
    %swap3A_550 = arith.constant 0 : index
    %swap3A_551 = tpu.vector_load %arg13[%swap3A_550] {strides = array<i32>} : memref<80xi32, #tpu.memory_space<vmem>>, vector<16xi32>,
    %swap3A_552 = vector.shape_cast %swap3A_551 : vector<16xi32> to vector<16xi32>
    %swap3A_553 = vector.shape_cast %and3A_549 : vector<16xi32> to vector<16xi32>
    tpu.vector_store %arg13[%swap3A_550], %swap3A_553 {strides = array<i32>} : memref<80xi32, #tpu.memory_space<vmem>>, vector<16xi32>,
    %get3A_554 = arith.constant 9936 : index
    %get3A_555 = tpu.vector_load %arg10[%get3A_554] {strides = array<i32>} : memref<10000xi32, #tpu.memory_space<vmem>>, vector<16xi32>,
    %get3A_556 = vector.shape_cast %get3A_555 : vector<16xi32> to vector<16xi32>
    %shift_right_logical3A_557 = arith.constant 14 : i32
    %shift_right_logical3A_558 = vector.broadcast %shift_right_logical3A_557 : i32 to vector<16xi32>
    %shift_right_logical3A_559 = arith.shrui %get3A_556, %shift_right_logical3A_558 : vector<16xi32>
    %swap3A_560 = arith.constant 1 : i32
    %swap3A_561 = arith.index_cast %swap3A_560 : i32 to index
    %swap3A_562 = arith.constant 16 : index
    %swap3A_563 = tpu.vector_load %arg11[%swap3A_561, %swap3A_562] {strides = array<i32>} : memref<3x80xi32, #tpu.memory_space<vmem>>, vector<1x16xi32>,
    %swap3A_564 = vector.shape_cast %swap3A_563 : vector<1x16xi32> to vector<16xi32>
    %swap3A_565 = vector.shape_cast %shift_right_logical3A_559 : vector<16xi32> to vector<1x16xi32>
    tpu.vector_store %arg11[%swap3A_561, %swap3A_562], %swap3A_565 {strides = array<i32>} : memref<3x80xi32, #tpu.memory_space<vmem>>, vector<1x16xi32>,
    %and3A_566 = arith.constant 16383 : i32
    %and3A_567 = vector.broadcast %and3A_566 : i32 to vector<16xi32>
    %and3A_568 = arith.andi %get3A_556, %and3A_567 : vector<16xi32>
    %swap3A_569 = arith.constant 16 : index
    %swap3A_570 = tpu.vector_load %arg13[%swap3A_569] {strides = array<i32>} : memref<80xi32, #tpu.memory_space<vmem>>, vector<16xi32>,
    %swap3A_571 = vector.shape_cast %swap3A_570 : vector<16xi32> to vector<16xi32>
    %swap3A_572 = vector.shape_cast %and3A_568 : vector<16xi32> to vector<16xi32>
    tpu.vector_store %arg13[%swap3A_569], %swap3A_572 {strides = array<i32>} : memref<80xi32, #tpu.memory_space<vmem>>, vector<16xi32>,
    %get3A_573 = arith.constant 9952 : index
    %get3A_574 = tpu.vector_load %arg10[%get3A_573] {strides = array<i32>} : memref<10000xi32, #tpu.memory_space<vmem>>, vector<16xi32>,
    %get3A_575 = vector.shape_cast %get3A_574 : vector<16xi32> to vector<16xi32>
    %shift_right_logical3A_576 = arith.constant 14 : i32
    %shift_right_logical3A_577 = vector.broadcast %shift_right_logical3A_576 : i32 to vector<16xi32>
    %shift_right_logical3A_578 = arith.shrui %get3A_575, %shift_right_logical3A_577 : vector<16xi32>
    %swap3A_579 = arith.constant 1 : i32
    %swap3A_580 = arith.index_cast %swap3A_579 : i32 to index
    %swap3A_581 = arith.constant 32 : index
    %swap3A_582 = tpu.vector_load %arg11[%swap3A_580, %swap3A_581] {strides = array<i32>} : memref<3x80xi32, #tpu.memory_space<vmem>>, vector<1x16xi32>,
    %swap3A_583 = vector.shape_cast %swap3A_582 : vector<1x16xi32> to vector<16xi32>
    %swap3A_584 = vector.shape_cast %shift_right_logical3A_578 : vector<16xi32> to vector<1x16xi32>
    tpu.vector_store %arg11[%swap3A_580, %swap3A_581], %swap3A_584 {strides = array<i32>} : memref<3x80xi32, #tpu.memory_space<vmem>>, vector<1x16xi32>,
    %and3A_585 = arith.constant 16383 : i32
    %and3A_586 = vector.broadcast %and3A_585 : i32 to vector<16xi32>
    %and3A_587 = arith.andi %get3A_575, %and3A_586 : vector<16xi32>
    %swap3A_588 = arith.constant 32 : index
    %swap3A_589 = tpu.vector_load %arg13[%swap3A_588] {strides = array<i32>} : memref<80xi32, #tpu.memory_space<vmem>>, vector<16xi32>,
    %swap3A_590 = vector.shape_cast %swap3A_589 : vector<16xi32> to vector<16xi32>
    %swap3A_591 = vector.shape_cast %and3A_587 : vector<16xi32> to vector<16xi32>
    tpu.vector_store %arg13[%swap3A_588], %swap3A_591 {strides = array<i32>} : memref<80xi32, #tpu.memory_space<vmem>>, vector<16xi32>,
    %get3A_592 = arith.constant 9968 : index
    %get3A_593 = tpu.vector_load %arg10[%get3A_592] {strides = array<i32>} : memref<10000xi32, #tpu.memory_space<vmem>>, vector<16xi32>,
    %get3A_594 = vector.shape_cast %get3A_593 : vector<16xi32> to vector<16xi32>
    %shift_right_logical3A_595 = arith.constant 14 : i32
    %shift_right_logical3A_596 = vector.broadcast %shift_right_logical3A_595 : i32 to vector<16xi32>
    %shift_right_logical3A_597 = arith.shrui %get3A_594, %shift_right_logical3A_596 : vector<16xi32>
    %swap3A_598 = arith.constant 1 : i32
    %swap3A_599 = arith.index_cast %swap3A_598 : i32 to index
    %swap3A_600 = arith.constant 48 : index
    %swap3A_601 = tpu.vector_load %arg11[%swap3A_599, %swap3A_600] {strides = array<i32>} : memref<3x80xi32, #tpu.memory_space<vmem>>, vector<1x16xi32>,
    %swap3A_602 = vector.shape_cast %swap3A_601 : vector<1x16xi32> to vector<16xi32>
    %swap3A_603 = vector.shape_cast %shift_right_logical3A_597 : vector<16xi32> to vector<1x16xi32>
    tpu.vector_store %arg11[%swap3A_599, %swap3A_600], %swap3A_603 {strides = array<i32>} : memref<3x80xi32, #tpu.memory_space<vmem>>, vector<1x16xi32>,
    %and3A_604 = arith.constant 16383 : i32
    %and3A_605 = vector.broadcast %and3A_604 : i32 to vector<16xi32>
    %and3A_606 = arith.andi %get3A_594, %and3A_605 : vector<16xi32>
    %swap3A_607 = arith.constant 48 : index
    %swap3A_608 = tpu.vector_load %arg13[%swap3A_607] {strides = array<i32>} : memref<80xi32, #tpu.memory_space<vmem>>, vector<16xi32>,
    %swap3A_609 = vector.shape_cast %swap3A_608 : vector<16xi32> to vector<16xi32>
    %swap3A_610 = vector.shape_cast %and3A_606 : vector<16xi32> to vector<16xi32>
    tpu.vector_store %arg13[%swap3A_607], %swap3A_610 {strides = array<i32>} : memref<80xi32, #tpu.memory_space<vmem>>, vector<16xi32>,
    %get3A_611 = arith.constant 9984 : index
    %get3A_612 = tpu.vector_load %arg10[%get3A_611] {strides = array<i32>} : memref<10000xi32, #tpu.memory_space<vmem>>, vector<16xi32>,
    %get3A_613 = vector.shape_cast %get3A_612 : vector<16xi32> to vector<16xi32>
    %shift_right_logical3A_614 = arith.constant 14 : i32
    %shift_right_logical3A_615 = vector.broadcast %shift_right_logical3A_614 : i32 to vector<16xi32>
    %shift_right_logical3A_616 = arith.shrui %get3A_613, %shift_right_logical3A_615 : vector<16xi32>
    %swap3A_617 = arith.constant 1 : i32
    %swap3A_618 = arith.index_cast %swap3A_617 : i32 to index
    %swap3A_619 = arith.constant 64 : index
    %swap3A_620 = tpu.vector_load %arg11[%swap3A_618, %swap3A_619] {strides = array<i32>} : memref<3x80xi32, #tpu.memory_space<vmem>>, vector<1x16xi32>,
    %swap3A_621 = vector.shape_cast %swap3A_620 : vector<1x16xi32> to vector<16xi32>
    %swap3A_622 = vector.shape_cast %shift_right_logical3A_616 : vector<16xi32> to vector<1x16xi32>
    tpu.vector_store %arg11[%swap3A_618, %swap3A_619], %swap3A_622 {strides = array<i32>} : memref<3x80xi32, #tpu.memory_space<vmem>>, vector<1x16xi32>,
    %and3A_623 = arith.constant 16383 : i32
    %and3A_624 = vector.broadcast %and3A_623 : i32 to vector<16xi32>
    %and3A_625 = arith.andi %get3A_613, %and3A_624 : vector<16xi32>
    %swap3A_626 = arith.constant 64 : index
    %swap3A_627 = tpu.vector_load %arg13[%swap3A_626] {strides = array<i32>} : memref<80xi32, #tpu.memory_space<vmem>>, vector<16xi32>,
    %swap3A_628 = vector.shape_cast %swap3A_627 : vector<16xi32> to vector<16xi32>
    %swap3A_629 = vector.shape_cast %and3A_625 : vector<16xi32> to vector<16xi32>
    tpu.vector_store %arg13[%swap3A_626], %swap3A_629 {strides = array<i32>} : memref<80xi32, #tpu.memory_space<vmem>>, vector<16xi32>,
    %eq3A_630 = arith.constant 0 : i32
    %eq3A_631 = arith.cmpi eq, %arg0, %eq3A_630 : i32
    %convert_element_type3A_632 = arith.extui %eq3A_631 : i1 to i32
    %cond3A_633 = arith.constant 1 : i32
    %cond3A_634 = arith.constant 0 : i32
    %cond3A_635 = arith.cmpi ne, %convert_element_type3A_632, %cond3A_634 : i32
    scf.if %cond3A_635 {
      %dma_start3A_715 = arith.constant 0 : i32
      %dma_start3A_716 = tpu.memref_slice %arg11[%cond3A_633, %dma_start3A_715] : memref<3x80xi32, #tpu.memory_space<vmem>> -> memref<1x80xi32, #tpu.memory_space<vmem>>
      %dma_start3A_717 = tpu.memref_squeeze %dma_start3A_716 : memref<1x80xi32, #tpu.memory_space<vmem>> -> memref<80xi32, #tpu.memory_space<vmem>>
      %dma_start3A_718 = arith.constant 0 : i32
      %dma_start3A_719 = arith.constant 0 : i32
      %dma_start3A_720 = tpu.memref_slice %arg2[%dma_start3A_718, %dma_start3A_719] : memref<10000x128xf32, #tpu.memory_space<hbm>> -> memref<10000x128xf32, #tpu.memory_space<hbm>>
      tpu.enqueue_indirect_dma source(%dma_start3A_720 : memref<10000x128xf32, #tpu.memory_space<hbm>>) target(%arg16 : memref<80x128xf32, #tpu.memory_space<vmem>>) offsets(%dma_start3A_717 : memref<80xi32, #tpu.memory_space<vmem>>) semaphore(%arg22 : memref<!tpu.dma_semaphore, #tpu.memory_space<semaphore_mem>>)
    } else {
    }
    %eq3A_636 = arith.constant 1 : i32
    %eq3A_637 = arith.cmpi eq, %arg0, %eq3A_636 : i32
    %convert_element_type3A_638 = arith.extui %eq3A_637 : i1 to i32
    %cond3A_639 = arith.constant 1 : i32
    %cond3A_640 = arith.constant 0 : i32
    %cond3A_641 = arith.cmpi ne, %convert_element_type3A_638, %cond3A_640 : i32
    scf.if %cond3A_641 {
      %dma_start3A_715 = arith.constant 0 : i32
      %dma_start3A_716 = tpu.memref_slice %arg11[%cond3A_639, %dma_start3A_715] : memref<3x80xi32, #tpu.memory_space<vmem>> -> memref<1x80xi32, #tpu.memory_space<vmem>>
      %dma_start3A_717 = tpu.memref_squeeze %dma_start3A_716 : memref<1x80xi32, #tpu.memory_space<vmem>> -> memref<80xi32, #tpu.memory_space<vmem>>
      %dma_start3A_718 = arith.constant 0 : i32
      %dma_start3A_719 = arith.constant 0 : i32
      %dma_start3A_720 = tpu.memref_slice %arg3[%dma_start3A_718, %dma_start3A_719] : memref<10000x128xf32, #tpu.memory_space<hbm>> -> memref<10000x128xf32, #tpu.memory_space<hbm>>
      tpu.enqueue_indirect_dma source(%dma_start3A_720 : memref<10000x128xf32, #tpu.memory_space<hbm>>) target(%arg16 : memref<80x128xf32, #tpu.memory_space<vmem>>) offsets(%dma_start3A_717 : memref<80xi32, #tpu.memory_space<vmem>>) semaphore(%arg22 : memref<!tpu.dma_semaphore, #tpu.memory_space<semaphore_mem>>)
    } else {
    }
    %dma_wait3A_642 = arith.constant 0 : i32
    %dma_wait3A_643 = arith.constant 0 : i32
    %dma_wait3A_644 = tpu.memref_slice %arg11[%dma_wait3A_642, %dma_wait3A_643] : memref<3x80xi32, #tpu.memory_space<vmem>> -> memref<1x80xi32, #tpu.memory_space<vmem>>
    %dma_wait3A_645 = tpu.memref_squeeze %dma_wait3A_644 : memref<1x80xi32, #tpu.memory_space<vmem>> -> memref<80xi32, #tpu.memory_space<vmem>>
    %dma_wait3A_646 = arith.constant 0 : i32
    %dma_wait3A_647 = arith.constant 0 : i32
    %dma_wait3A_648 = tpu.memref_slice %arg2[%dma_wait3A_646, %dma_wait3A_647] : memref<10000x128xf32, #tpu.memory_space<hbm>> -> memref<10000x128xf32, #tpu.memory_space<hbm>>
    tpu.wait_indirect_dma semaphore(%arg21 : memref<!tpu.dma_semaphore, #tpu.memory_space<semaphore_mem>>) src(%dma_wait3A_648 : memref<10000x128xf32, #tpu.memory_space<hbm>>) dst(%arg15 : memref<80x128xf32, #tpu.memory_space<vmem>>)
    %dma_start3A_649 = arith.constant 0 : i32
    %dma_start3A_650 = arith.constant 0 : i32
    %dma_start3A_651 = tpu.memref_slice %arg19[%dma_start3A_649, %dma_start3A_650] : memref<10016x128xf32, #tpu.memory_space<vmem_shared>> -> memref<10016x128xf32, #tpu.memory_space<vmem_shared>>
    tpu.enqueue_indirect_dma source(%arg15 : memref<80x128xf32, #tpu.memory_space<vmem>>) target(%dma_start3A_651 : memref<10016x128xf32, #tpu.memory_space<vmem_shared>>) offsets(%arg12 : memref<80xi32, #tpu.memory_space<vmem>>) semaphore(%arg24 : memref<!tpu.dma_semaphore, #tpu.memory_space<semaphore_mem>>) {add = true}
    %eq3A_652 = arith.constant 0 : i32
    %eq3A_653 = arith.cmpi eq, %arg0, %eq3A_652 : i32
    %convert_element_type3A_654 = arith.extui %eq3A_653 : i1 to i32
    %cond3A_655 = arith.constant 0 : i32
    %cond3A_656 = arith.cmpi ne, %convert_element_type3A_654, %cond3A_655 : i32
    scf.if %cond3A_656 {
      %dma_start3A_715 = arith.constant 0 : i32
      %dma_start3A_716 = tpu.memref_slice %arg20[%dma_start3A_715] : memref<10016xf32, #tpu.memory_space<vmem_shared>> -> memref<10016xf32, #tpu.memory_space<vmem_shared>>
      tpu.enqueue_indirect_dma source(%arg18 : memref<80xf32, #tpu.memory_space<vmem>>) target(%dma_start3A_716 : memref<10016xf32, #tpu.memory_space<vmem_shared>>) offsets(%arg12 : memref<80xi32, #tpu.memory_space<vmem>>) semaphore(%arg24 : memref<!tpu.dma_semaphore, #tpu.memory_space<semaphore_mem>>) {add = true}
    } else {
    }
    %dma_wait3A_657 = arith.constant 1 : i32
    %dma_wait3A_658 = arith.constant 0 : i32
    %dma_wait3A_659 = tpu.memref_slice %arg11[%dma_wait3A_657, %dma_wait3A_658] : memref<3x80xi32, #tpu.memory_space<vmem>> -> memref<1x80xi32, #tpu.memory_space<vmem>>
    %dma_wait3A_660 = tpu.memref_squeeze %dma_wait3A_659 : memref<1x80xi32, #tpu.memory_space<vmem>> -> memref<80xi32, #tpu.memory_space<vmem>>
    %dma_wait3A_661 = arith.constant 0 : i32
    %dma_wait3A_662 = arith.constant 0 : i32
    %dma_wait3A_663 = tpu.memref_slice %arg2[%dma_wait3A_661, %dma_wait3A_662] : memref<10000x128xf32, #tpu.memory_space<hbm>> -> memref<10000x128xf32, #tpu.memory_space<hbm>>
    tpu.wait_indirect_dma semaphore(%arg22 : memref<!tpu.dma_semaphore, #tpu.memory_space<semaphore_mem>>) src(%dma_wait3A_663 : memref<10000x128xf32, #tpu.memory_space<hbm>>) dst(%arg16 : memref<80x128xf32, #tpu.memory_space<vmem>>)
    %dma_start3A_664 = arith.constant 0 : i32
    %dma_start3A_665 = arith.constant 0 : i32
    %dma_start3A_666 = tpu.memref_slice %arg19[%dma_start3A_664, %dma_start3A_665] : memref<10016x128xf32, #tpu.memory_space<vmem_shared>> -> memref<10016x128xf32, #tpu.memory_space<vmem_shared>>
    tpu.enqueue_indirect_dma source(%arg16 : memref<80x128xf32, #tpu.memory_space<vmem>>) target(%dma_start3A_666 : memref<10016x128xf32, #tpu.memory_space<vmem_shared>>) offsets(%arg13 : memref<80xi32, #tpu.memory_space<vmem>>) semaphore(%arg25 : memref<!tpu.dma_semaphore, #tpu.memory_space<semaphore_mem>>) {add = true}
    %eq3A_667 = arith.constant 0 : i32
    %eq3A_668 = arith.cmpi eq, %arg0, %eq3A_667 : i32
    %convert_element_type3A_669 = arith.extui %eq3A_668 : i1 to i32
    %cond3A_670 = arith.constant 0 : i32
    %cond3A_671 = arith.cmpi ne, %convert_element_type3A_669, %cond3A_670 : i32
    scf.if %cond3A_671 {
      %dma_start3A_715 = arith.constant 0 : i32
      %dma_start3A_716 = tpu.memref_slice %arg20[%dma_start3A_715] : memref<10016xf32, #tpu.memory_space<vmem_shared>> -> memref<10016xf32, #tpu.memory_space<vmem_shared>>
      tpu.enqueue_indirect_dma source(%arg18 : memref<80xf32, #tpu.memory_space<vmem>>) target(%dma_start3A_716 : memref<10016xf32, #tpu.memory_space<vmem_shared>>) offsets(%arg13 : memref<80xi32, #tpu.memory_space<vmem>>) semaphore(%arg25 : memref<!tpu.dma_semaphore, #tpu.memory_space<semaphore_mem>>) {add = true}
    } else {
    }
    %dma_wait3A_672 = arith.constant 0 : i32
    %dma_wait3A_673 = arith.constant 0 : i32
    %dma_wait3A_674 = tpu.memref_slice %arg19[%dma_wait3A_672, %dma_wait3A_673] : memref<10016x128xf32, #tpu.memory_space<vmem_shared>> -> memref<10016x128xf32, #tpu.memory_space<vmem_shared>>
    tpu.wait_indirect_dma semaphore(%arg26 : memref<!tpu.dma_semaphore, #tpu.memory_space<semaphore_mem>>) src(%arg17 : memref<80x128xf32, #tpu.memory_space<vmem>>) dst(%dma_wait3A_674 : memref<10016x128xf32, #tpu.memory_space<vmem_shared>>)
    %eq3A_675 = arith.constant 0 : i32
    %eq3A_676 = arith.cmpi eq, %arg0, %eq3A_675 : i32
    %convert_element_type3A_677 = arith.extui %eq3A_676 : i1 to i32
    %cond3A_678 = arith.constant 0 : i32
    %cond3A_679 = arith.cmpi ne, %convert_element_type3A_677, %cond3A_678 : i32
    scf.if %cond3A_679 {
      %dma_wait3A_715 = arith.constant 0 : i32
      %dma_wait3A_716 = tpu.memref_slice %arg20[%dma_wait3A_715] : memref<10016xf32, #tpu.memory_space<vmem_shared>> -> memref<10016xf32, #tpu.memory_space<vmem_shared>>
      tpu.wait_indirect_dma semaphore(%arg26 : memref<!tpu.dma_semaphore, #tpu.memory_space<semaphore_mem>>) src(%arg18 : memref<80xf32, #tpu.memory_space<vmem>>) dst(%dma_wait3A_716 : memref<10016xf32, #tpu.memory_space<vmem_shared>>)
    } else {
    }
    %dma_wait3A_680 = arith.constant 0 : i32
    %dma_wait3A_681 = arith.constant 0 : i32
    %dma_wait3A_682 = tpu.memref_slice %arg19[%dma_wait3A_680, %dma_wait3A_681] : memref<10016x128xf32, #tpu.memory_space<vmem_shared>> -> memref<10016x128xf32, #tpu.memory_space<vmem_shared>>
    tpu.wait_indirect_dma semaphore(%arg24 : memref<!tpu.dma_semaphore, #tpu.memory_space<semaphore_mem>>) src(%arg15 : memref<80x128xf32, #tpu.memory_space<vmem>>) dst(%dma_wait3A_682 : memref<10016x128xf32, #tpu.memory_space<vmem_shared>>)
    %eq3A_683 = arith.constant 0 : i32
    %eq3A_684 = arith.cmpi eq, %arg0, %eq3A_683 : i32
    %convert_element_type3A_685 = arith.extui %eq3A_684 : i1 to i32
    %cond3A_686 = arith.constant 0 : i32
    %cond3A_687 = arith.cmpi ne, %convert_element_type3A_685, %cond3A_686 : i32
    scf.if %cond3A_687 {
      %dma_wait3A_715 = arith.constant 0 : i32
      %dma_wait3A_716 = tpu.memref_slice %arg20[%dma_wait3A_715] : memref<10016xf32, #tpu.memory_space<vmem_shared>> -> memref<10016xf32, #tpu.memory_space<vmem_shared>>
      tpu.wait_indirect_dma semaphore(%arg24 : memref<!tpu.dma_semaphore, #tpu.memory_space<semaphore_mem>>) src(%arg18 : memref<80xf32, #tpu.memory_space<vmem>>) dst(%dma_wait3A_716 : memref<10016xf32, #tpu.memory_space<vmem_shared>>)
    } else {
    }
    %dma_wait3A_688 = arith.constant 0 : i32
    %dma_wait3A_689 = arith.constant 0 : i32
    %dma_wait3A_690 = tpu.memref_slice %arg19[%dma_wait3A_688, %dma_wait3A_689] : memref<10016x128xf32, #tpu.memory_space<vmem_shared>> -> memref<10016x128xf32, #tpu.memory_space<vmem_shared>>
    tpu.wait_indirect_dma semaphore(%arg25 : memref<!tpu.dma_semaphore, #tpu.memory_space<semaphore_mem>>) src(%arg16 : memref<80x128xf32, #tpu.memory_space<vmem>>) dst(%dma_wait3A_690 : memref<10016x128xf32, #tpu.memory_space<vmem_shared>>)
    %eq3A_691 = arith.constant 0 : i32
    %eq3A_692 = arith.cmpi eq, %arg0, %eq3A_691 : i32
    %convert_element_type3A_693 = arith.extui %eq3A_692 : i1 to i32
    %cond3A_694 = arith.constant 0 : i32
    %cond3A_695 = arith.cmpi ne, %convert_element_type3A_693, %cond3A_694 : i32
    scf.if %cond3A_695 {
      %dma_wait3A_715 = arith.constant 0 : i32
      %dma_wait3A_716 = tpu.memref_slice %arg20[%dma_wait3A_715] : memref<10016xf32, #tpu.memory_space<vmem_shared>> -> memref<10016xf32, #tpu.memory_space<vmem_shared>>
      tpu.wait_indirect_dma semaphore(%arg25 : memref<!tpu.dma_semaphore, #tpu.memory_space<semaphore_mem>>) src(%arg18 : memref<80xf32, #tpu.memory_space<vmem>>) dst(%dma_wait3A_716 : memref<10016xf32, #tpu.memory_space<vmem_shared>>)
    } else {
    }
    %barrier3A_696 = arith.constant 0 : index
    tpu.barrier barrier_id(%barrier3A_696)
    %eq3A_697 = arith.constant 0 : i32
    %eq3A_698 = arith.cmpi eq, %arg0, %eq3A_697 : i32
    %convert_element_type3A_699 = arith.extui %eq3A_698 : i1 to i32
    %cond3A_700 = arith.constant 0 : i32
    %cond3A_701 = arith.cmpi ne, %convert_element_type3A_699, %cond3A_700 : i32
    scf.if %cond3A_701 {
      %mul3A_715 = arith.constant 624 : i32
      %mul3A_716 = arith.muli %arg1, %mul3A_715 : i32
      %mul3A_717 = arith.constant 624 : i32
      %mul3A_718 = arith.muli %arg1, %mul3A_717 : i32
      "tpu.region"() ({
        %run_scoped3A = tpu.sem_alloc : memref<!tpu.dma_semaphore, #tpu.memory_space<semaphore_mem>>
        %dma_start3A_724 = arith.constant 0 : i32
        %dma_start3A_725 = tpu.memref_slice %arg7[%mul3A_718, %dma_start3A_724] : memref<10000x128xf32, #tpu.memory_space<hbm>> -> memref<624x128xf32, #tpu.memory_space<hbm>>
        %dma_start3A_726 = arith.constant 0 : i32
        %dma_start3A_727 = tpu.memref_slice %arg19[%mul3A_716, %dma_start3A_726] : memref<10016x128xf32, #tpu.memory_space<vmem_shared>> -> memref<624x128xf32, #tpu.memory_space<vmem_shared>>
        tpu.enqueue_dma source(%dma_start3A_727 : memref<624x128xf32, #tpu.memory_space<vmem_shared>>) target(%dma_start3A_725 : memref<624x128xf32, #tpu.memory_space<hbm>>) target_semaphore(%run_scoped3A : memref<!tpu.dma_semaphore, #tpu.memory_space<semaphore_mem>>)
        %dma_wait3A_728 = arith.constant 0 : i32
        %dma_wait3A_729 = tpu.memref_slice %arg7[%mul3A_718, %dma_wait3A_728] : memref<10000x128xf32, #tpu.memory_space<hbm>> -> memref<624x128xf32, #tpu.memory_space<hbm>>
        %dma_wait3A_730 = arith.constant 0 : i32
        %dma_wait3A_731 = tpu.memref_slice %arg19[%mul3A_716, %dma_wait3A_730] : memref<10016x128xf32, #tpu.memory_space<vmem_shared>> -> memref<624x128xf32, #tpu.memory_space<vmem_shared>>
        tpu.wait_dma2 semaphore(%run_scoped3A : memref<!tpu.dma_semaphore, #tpu.memory_space<semaphore_mem>>) src(%dma_wait3A_731 : memref<624x128xf32, #tpu.memory_space<vmem_shared>>) dst(%dma_wait3A_729 : memref<624x128xf32, #tpu.memory_space<hbm>>)
        tpu.yield
      }) : () -> ()
      %eq3A_719 = arith.constant 15 : i32
      %eq3A_720 = arith.cmpi eq, %arg1, %eq3A_719 : i32
      %convert_element_type3A_721 = arith.extui %eq3A_720 : i1 to i32
      %cond3A_722 = arith.constant 0 : i32
      %cond3A_723 = arith.cmpi ne, %convert_element_type3A_721, %cond3A_722 : i32
      scf.if %cond3A_723 {
        "tpu.region"() ({
          %run_scoped3A = tpu.sem_alloc : memref<!tpu.dma_semaphore, #tpu.memory_space<semaphore_mem>>
          %dma_start3A_724 = arith.constant 9984 : i32
          %dma_start3A_725 = arith.constant 0 : i32
          %dma_start3A_726 = tpu.memref_slice %arg7[%dma_start3A_724, %dma_start3A_725] : memref<10000x128xf32, #tpu.memory_space<hbm>> -> memref<16x128xf32, #tpu.memory_space<hbm>>
          %dma_start3A_727 = arith.constant 9984 : i32
          %dma_start3A_728 = arith.constant 0 : i32
          %dma_start3A_729 = tpu.memref_slice %arg19[%dma_start3A_727, %dma_start3A_728] : memref<10016x128xf32, #tpu.memory_space<vmem_shared>> -> memref<16x128xf32, #tpu.memory_space<vmem_shared>>
          tpu.enqueue_dma source(%dma_start3A_729 : memref<16x128xf32, #tpu.memory_space<vmem_shared>>) target(%dma_start3A_726 : memref<16x128xf32, #tpu.memory_space<hbm>>) target_semaphore(%run_scoped3A : memref<!tpu.dma_semaphore, #tpu.memory_space<semaphore_mem>>)
          %dma_wait3A_730 = arith.constant 9984 : i32
          %dma_wait3A_731 = arith.constant 0 : i32
          %dma_wait3A_732 = tpu.memref_slice %arg7[%dma_wait3A_730, %dma_wait3A_731] : memref<10000x128xf32, #tpu.memory_space<hbm>> -> memref<16x128xf32, #tpu.memory_space<hbm>>
          %dma_wait3A_733 = arith.constant 9984 : i32
          %dma_wait3A_734 = arith.constant 0 : i32
          %dma_wait3A_735 = tpu.memref_slice %arg19[%dma_wait3A_733, %dma_wait3A_734] : memref<10016x128xf32, #tpu.memory_space<vmem_shared>> -> memref<16x128xf32, #tpu.memory_space<vmem_shared>>
          tpu.wait_dma2 semaphore(%run_scoped3A : memref<!tpu.dma_semaphore, #tpu.memory_space<semaphore_mem>>) src(%dma_wait3A_735 : memref<16x128xf32, #tpu.memory_space<vmem_shared>>) dst(%dma_wait3A_732 : memref<16x128xf32, #tpu.memory_space<hbm>>)
          tpu.yield
        }) : () -> ()
      } else {
      }
    } else {
    }
    %eq3A_702 = arith.constant 1 : i32
    %eq3A_703 = arith.cmpi eq, %arg0, %eq3A_702 : i32
    %convert_element_type3A_704 = arith.extui %eq3A_703 : i1 to i32
    %cond3A_705 = arith.constant 0 : i32
    %cond3A_706 = arith.cmpi ne, %convert_element_type3A_704, %cond3A_705 : i32
    scf.if %cond3A_706 {
      %mul3A_715 = arith.constant 624 : i32
      %mul3A_716 = arith.muli %arg1, %mul3A_715 : i32
      %mul3A_717 = arith.constant 624 : i32
      %mul3A_718 = arith.muli %arg1, %mul3A_717 : i32
      "tpu.region"() ({
        %run_scoped3A = tpu.sem_alloc : memref<!tpu.dma_semaphore, #tpu.memory_space<semaphore_mem>>
        %dma_start3A_724 = arith.constant 0 : i32
        %dma_start3A_725 = tpu.memref_slice %arg8[%mul3A_718, %dma_start3A_724] : memref<10000x128xf32, #tpu.memory_space<hbm>> -> memref<624x128xf32, #tpu.memory_space<hbm>>
        %dma_start3A_726 = arith.constant 0 : i32
        %dma_start3A_727 = tpu.memref_slice %arg19[%mul3A_716, %dma_start3A_726] : memref<10016x128xf32, #tpu.memory_space<vmem_shared>> -> memref<624x128xf32, #tpu.memory_space<vmem_shared>>
        tpu.enqueue_dma source(%dma_start3A_727 : memref<624x128xf32, #tpu.memory_space<vmem_shared>>) target(%dma_start3A_725 : memref<624x128xf32, #tpu.memory_space<hbm>>) target_semaphore(%run_scoped3A : memref<!tpu.dma_semaphore, #tpu.memory_space<semaphore_mem>>)
        %dma_wait3A_728 = arith.constant 0 : i32
        %dma_wait3A_729 = tpu.memref_slice %arg8[%mul3A_718, %dma_wait3A_728] : memref<10000x128xf32, #tpu.memory_space<hbm>> -> memref<624x128xf32, #tpu.memory_space<hbm>>
        %dma_wait3A_730 = arith.constant 0 : i32
        %dma_wait3A_731 = tpu.memref_slice %arg19[%mul3A_716, %dma_wait3A_730] : memref<10016x128xf32, #tpu.memory_space<vmem_shared>> -> memref<624x128xf32, #tpu.memory_space<vmem_shared>>
        tpu.wait_dma2 semaphore(%run_scoped3A : memref<!tpu.dma_semaphore, #tpu.memory_space<semaphore_mem>>) src(%dma_wait3A_731 : memref<624x128xf32, #tpu.memory_space<vmem_shared>>) dst(%dma_wait3A_729 : memref<624x128xf32, #tpu.memory_space<hbm>>)
        tpu.yield
      }) : () -> ()
      %eq3A_719 = arith.constant 15 : i32
      %eq3A_720 = arith.cmpi eq, %arg1, %eq3A_719 : i32
      %convert_element_type3A_721 = arith.extui %eq3A_720 : i1 to i32
      %cond3A_722 = arith.constant 0 : i32
      %cond3A_723 = arith.cmpi ne, %convert_element_type3A_721, %cond3A_722 : i32
      scf.if %cond3A_723 {
        "tpu.region"() ({
          %run_scoped3A = tpu.sem_alloc : memref<!tpu.dma_semaphore, #tpu.memory_space<semaphore_mem>>
          %dma_start3A_724 = arith.constant 9984 : i32
          %dma_start3A_725 = arith.constant 0 : i32
          %dma_start3A_726 = tpu.memref_slice %arg8[%dma_start3A_724, %dma_start3A_725] : memref<10000x128xf32, #tpu.memory_space<hbm>> -> memref<16x128xf32, #tpu.memory_space<hbm>>
          %dma_start3A_727 = arith.constant 9984 : i32
          %dma_start3A_728 = arith.constant 0 : i32
          %dma_start3A_729 = tpu.memref_slice %arg19[%dma_start3A_727, %dma_start3A_728] : memref<10016x128xf32, #tpu.memory_space<vmem_shared>> -> memref<16x128xf32, #tpu.memory_space<vmem_shared>>
          tpu.enqueue_dma source(%dma_start3A_729 : memref<16x128xf32, #tpu.memory_space<vmem_shared>>) target(%dma_start3A_726 : memref<16x128xf32, #tpu.memory_space<hbm>>) target_semaphore(%run_scoped3A : memref<!tpu.dma_semaphore, #tpu.memory_space<semaphore_mem>>)
          %dma_wait3A_730 = arith.constant 9984 : i32
          %dma_wait3A_731 = arith.constant 0 : i32
          %dma_wait3A_732 = tpu.memref_slice %arg8[%dma_wait3A_730, %dma_wait3A_731] : memref<10000x128xf32, #tpu.memory_space<hbm>> -> memref<16x128xf32, #tpu.memory_space<hbm>>
          %dma_wait3A_733 = arith.constant 9984 : i32
          %dma_wait3A_734 = arith.constant 0 : i32
          %dma_wait3A_735 = tpu.memref_slice %arg19[%dma_wait3A_733, %dma_wait3A_734] : memref<10016x128xf32, #tpu.memory_space<vmem_shared>> -> memref<16x128xf32, #tpu.memory_space<vmem_shared>>
          tpu.wait_dma2 semaphore(%run_scoped3A : memref<!tpu.dma_semaphore, #tpu.memory_space<semaphore_mem>>) src(%dma_wait3A_735 : memref<16x128xf32, #tpu.memory_space<vmem_shared>>) dst(%dma_wait3A_732 : memref<16x128xf32, #tpu.memory_space<hbm>>)
          tpu.yield
        }) : () -> ()
      } else {
      }
    } else {
    }
    %eq3A_707 = arith.constant 0 : i32
    %eq3A_708 = arith.cmpi eq, %arg1, %eq3A_707 : i32
    %eq3A_709 = arith.constant 0 : i32
    %eq3A_710 = arith.cmpi eq, %arg0, %eq3A_709 : i32
    %and3A_711 = arith.andi %eq3A_708, %eq3A_710 : i1
    %convert_element_type3A_712 = arith.extui %and3A_711 : i1 to i32
    %cond3A_713 = arith.constant 0 : i32
    %cond3A_714 = arith.cmpi ne, %convert_element_type3A_712, %cond3A_713 : i32
    scf.if %cond3A_714 {
      "tpu.region"() ({
        %run_scoped3A = tpu.sem_alloc : memref<!tpu.dma_semaphore, #tpu.memory_space<semaphore_mem>>
        tpu.enqueue_dma source(%arg20 : memref<10016xf32, #tpu.memory_space<vmem_shared>>) target(%arg9 : memref<10016xf32, #tpu.memory_space<hbm>>) target_semaphore(%run_scoped3A : memref<!tpu.dma_semaphore, #tpu.memory_space<semaphore_mem>>)
        tpu.wait_dma2 semaphore(%run_scoped3A : memref<!tpu.dma_semaphore, #tpu.memory_space<semaphore_mem>>) src(%arg20 : memref<10016xf32, #tpu.memory_space<vmem_shared>>) dst(%arg9 : memref<10016xf32, #tpu.memory_space<hbm>>)
        tpu.yield
      }) : () -> ()
    } else {
    }
    return
  }
}

#map = affine_map<(d0, d1) -> (0, 0)>
#map1 = affine_map<(d0, d1) -> (0)>
module attributes {stable_mosaic.version = 14 : i64} {
  func.func @k(%arg0: i32, %arg1: i32, %arg2: memref<10000x128xf32, #tpu.memory_space<hbm>>, %arg3: memref<10000x128xf32, #tpu.memory_space<hbm>>, %arg4: memref<160000xi32, #tpu.memory_space<hbm>>, %arg5: memref<10016x128xf32, #tpu.memory_space<hbm>>, %arg6: memref<10016xf32, #tpu.memory_space<hbm>>, %arg7: memref<10000x128xf32, #tpu.memory_space<hbm>>, %arg8: memref<10000x128xf32, #tpu.memory_space<hbm>>, %arg9: memref<10000xi32, #tpu.memory_space<vmem>>, %arg10: memref<3x80xi32, #tpu.memory_space<vmem>>, %arg11: memref<80xi32, #tpu.memory_space<vmem>>, %arg12: memref<80xi32, #tpu.memory_space<vmem>>, %arg13: memref<80xi32, #tpu.memory_space<vmem>>, %arg14: memref<80x128xf32, #tpu.memory_space<vmem>>, %arg15: memref<80x128xf32, #tpu.memory_space<vmem>>, %arg16: memref<80x128xf32, #tpu.memory_space<vmem>>, %arg17: memref<80xf32, #tpu.memory_space<vmem>>, %arg18: memref<10016x128xf32, #tpu.memory_space<vmem_shared>>, %arg19: memref<10016xf32, #tpu.memory_space<vmem_shared>>, %arg20: memref<!tpu.dma_semaphore, #tpu.memory_space<semaphore_mem>>, %arg21: memref<!tpu.dma_semaphore, #tpu.memory_space<semaphore_mem>>, %arg22: memref<!tpu.dma_semaphore, #tpu.memory_space<semaphore_mem>>, %arg23: memref<!tpu.dma_semaphore, #tpu.memory_space<semaphore_mem>>, %arg24: memref<!tpu.dma_semaphore, #tpu.memory_space<semaphore_mem>>, %arg25: memref<!tpu.dma_semaphore, #tpu.memory_space<semaphore_mem>>) attributes {dimension_semantics = [#tpu.dimension_semantics<core_parallel>, #tpu.dimension_semantics<subcore_parallel>], iteration_bounds = array<i64: 2, 16>, scalar_prefetch = 0 : i64, scratch_operands = 17 : i64, tpu.core_type = #tpu.core_type<sc_vector_subcore>, window_params = [{transform_indices = #map}, {transform_indices = #map}, {transform_indices = #map1}, {transform_indices = #map}, {transform_indices = #map1}, {transform_indices = #map}, {transform_indices = #map}]} {
    %mul3A = arith.constant 10000 : i32
    %mul3A_0 = arith.muli %arg1, %mul3A : i32
    %dma_start3A = tpu.memref_slice %arg4[%mul3A_0] : memref<160000xi32, #tpu.memory_space<hbm>> -> memref<10000xi32, #tpu.memory_space<hbm>>
    %dma_start3A_1 = tpu.memref_slice %arg4[%mul3A_0] : memref<160000xi32, #tpu.memory_space<hbm>> -> memref<10000xi32, #tpu.memory_space<hbm>>
    tpu.enqueue_dma source(%dma_start3A_1 : memref<10000xi32, #tpu.memory_space<hbm>>) target(%arg9 : memref<10000xi32, #tpu.memory_space<vmem>>) target_semaphore(%arg20 : memref<!tpu.dma_semaphore, #tpu.memory_space<semaphore_mem>>)
    %mul3A_2 = arith.constant 624 : i32
    %mul3A_3 = arith.muli %arg1, %mul3A_2 : i32
    "tpu.region"() ({
      %run_scoped3A = tpu.sem_alloc : memref<!tpu.dma_semaphore, #tpu.memory_space<semaphore_mem>>
      %dma_start3A_620 = arith.constant 0 : i32
      %dma_start3A_621 = tpu.memref_slice %arg18[%mul3A_3, %dma_start3A_620] : memref<10016x128xf32, #tpu.memory_space<vmem_shared>> -> memref<624x128xf32, #tpu.memory_space<vmem_shared>>
      %dma_start3A_622 = arith.constant 0 : i32
      %dma_start3A_623 = tpu.memref_slice %arg5[%mul3A_3, %dma_start3A_622] : memref<10016x128xf32, #tpu.memory_space<hbm>> -> memref<624x128xf32, #tpu.memory_space<hbm>>
      tpu.enqueue_dma source(%dma_start3A_623 : memref<624x128xf32, #tpu.memory_space<hbm>>) target(%dma_start3A_621 : memref<624x128xf32, #tpu.memory_space<vmem_shared>>) target_semaphore(%run_scoped3A : memref<!tpu.dma_semaphore, #tpu.memory_space<semaphore_mem>>)
      %dma_wait3A_624 = arith.constant 0 : i32
      %dma_wait3A_625 = tpu.memref_slice %arg18[%mul3A_3, %dma_wait3A_624] : memref<10016x128xf32, #tpu.memory_space<vmem_shared>> -> memref<624x128xf32, #tpu.memory_space<vmem_shared>>
      %dma_wait3A_626 = arith.constant 0 : i32
      %dma_wait3A_627 = tpu.memref_slice %arg5[%mul3A_3, %dma_wait3A_626] : memref<10016x128xf32, #tpu.memory_space<hbm>> -> memref<624x128xf32, #tpu.memory_space<hbm>>
      tpu.wait_dma2 semaphore(%run_scoped3A : memref<!tpu.dma_semaphore, #tpu.memory_space<semaphore_mem>>) src(%dma_wait3A_627 : memref<624x128xf32, #tpu.memory_space<hbm>>) dst(%dma_wait3A_625 : memref<624x128xf32, #tpu.memory_space<vmem_shared>>)
      tpu.yield
    }) : () -> ()
    %eq3A = arith.constant 15 : i32
    %eq3A_4 = arith.cmpi eq, %arg1, %eq3A : i32
    %convert_element_type3A = arith.extui %eq3A_4 : i1 to i32
    %cond3A = arith.constant 0 : i32
    %cond3A_5 = arith.cmpi ne, %convert_element_type3A, %cond3A : i32
    scf.if %cond3A_5 {
      "tpu.region"() ({
        %run_scoped3A = tpu.sem_alloc : memref<!tpu.dma_semaphore, #tpu.memory_space<semaphore_mem>>
        %dma_start3A_620 = arith.constant 9984 : i32
        %dma_start3A_621 = arith.constant 0 : i32
        %dma_start3A_622 = tpu.memref_slice %arg18[%dma_start3A_620, %dma_start3A_621] : memref<10016x128xf32, #tpu.memory_space<vmem_shared>> -> memref<32x128xf32, #tpu.memory_space<vmem_shared>>
        %dma_start3A_623 = arith.constant 9984 : i32
        %dma_start3A_624 = arith.constant 0 : i32
        %dma_start3A_625 = tpu.memref_slice %arg5[%dma_start3A_623, %dma_start3A_624] : memref<10016x128xf32, #tpu.memory_space<hbm>> -> memref<32x128xf32, #tpu.memory_space<hbm>>
        tpu.enqueue_dma source(%dma_start3A_625 : memref<32x128xf32, #tpu.memory_space<hbm>>) target(%dma_start3A_622 : memref<32x128xf32, #tpu.memory_space<vmem_shared>>) target_semaphore(%run_scoped3A : memref<!tpu.dma_semaphore, #tpu.memory_space<semaphore_mem>>)
        %dma_wait3A_626 = arith.constant 9984 : i32
        %dma_wait3A_627 = arith.constant 0 : i32
        %dma_wait3A_628 = tpu.memref_slice %arg18[%dma_wait3A_626, %dma_wait3A_627] : memref<10016x128xf32, #tpu.memory_space<vmem_shared>> -> memref<32x128xf32, #tpu.memory_space<vmem_shared>>
        %dma_wait3A_629 = arith.constant 9984 : i32
        %dma_wait3A_630 = arith.constant 0 : i32
        %dma_wait3A_631 = tpu.memref_slice %arg5[%dma_wait3A_629, %dma_wait3A_630] : memref<10016x128xf32, #tpu.memory_space<hbm>> -> memref<32x128xf32, #tpu.memory_space<hbm>>
        tpu.wait_dma2 semaphore(%run_scoped3A : memref<!tpu.dma_semaphore, #tpu.memory_space<semaphore_mem>>) src(%dma_wait3A_631 : memref<32x128xf32, #tpu.memory_space<hbm>>) dst(%dma_wait3A_628 : memref<32x128xf32, #tpu.memory_space<vmem_shared>>)
        tpu.yield
      }) : () -> ()
    } else {
    }
    %dma_wait3A = arith.constant 0 : i32
    %dma_wait3A_6 = tpu.memref_slice %arg4[%dma_wait3A] : memref<160000xi32, #tpu.memory_space<hbm>> -> memref<10000xi32, #tpu.memory_space<hbm>>
    %dma_wait3A_7 = arith.constant 0 : i32
    %dma_wait3A_8 = tpu.memref_slice %arg4[%dma_wait3A_7] : memref<160000xi32, #tpu.memory_space<hbm>> -> memref<10000xi32, #tpu.memory_space<hbm>>
    tpu.wait_dma2 semaphore(%arg20 : memref<!tpu.dma_semaphore, #tpu.memory_space<semaphore_mem>>) src(%dma_wait3A_8 : memref<10000xi32, #tpu.memory_space<hbm>>) dst(%arg9 : memref<10000xi32, #tpu.memory_space<vmem>>)
    %barrier3A = arith.constant 0 : index
    tpu.barrier barrier_id(%barrier3A)
    %get3A = arith.constant 0 : index
    %get3A_9 = tpu.vector_load %arg9[%get3A] {strides = array<i32>} : memref<10000xi32, #tpu.memory_space<vmem>>, vector<16xi32>,
    %get3A_10 = vector.shape_cast %get3A_9 : vector<16xi32> to vector<16xi32>
    %shift_right_logical3A = arith.constant 14 : i32
    %shift_right_logical3A_11 = vector.broadcast %shift_right_logical3A : i32 to vector<16xi32>
    %shift_right_logical3A_12 = arith.shrui %get3A_10, %shift_right_logical3A_11 : vector<16xi32>
    %swap3A = arith.constant 0 : i32
    %swap3A_13 = arith.index_cast %swap3A : i32 to index
    %swap3A_14 = arith.constant 0 : index
    %swap3A_15 = tpu.vector_load %arg10[%swap3A_13, %swap3A_14] {strides = array<i32>} : memref<3x80xi32, #tpu.memory_space<vmem>>, vector<1x16xi32>,
    %swap3A_16 = vector.shape_cast %swap3A_15 : vector<1x16xi32> to vector<16xi32>
    %swap3A_17 = vector.shape_cast %shift_right_logical3A_12 : vector<16xi32> to vector<1x16xi32>
    tpu.vector_store %arg10[%swap3A_13, %swap3A_14], %swap3A_17 {strides = array<i32>} : memref<3x80xi32, #tpu.memory_space<vmem>>, vector<1x16xi32>,
    %and3A = arith.constant 16383 : i32
    %and3A_18 = vector.broadcast %and3A : i32 to vector<16xi32>
    %and3A_19 = arith.andi %get3A_10, %and3A_18 : vector<16xi32>
    %swap3A_20 = arith.constant 0 : index
    %swap3A_21 = tpu.vector_load %arg11[%swap3A_20] {strides = array<i32>} : memref<80xi32, #tpu.memory_space<vmem>>, vector<16xi32>,
    %swap3A_22 = vector.shape_cast %swap3A_21 : vector<16xi32> to vector<16xi32>
    %swap3A_23 = vector.shape_cast %and3A_19 : vector<16xi32> to vector<16xi32>
    tpu.vector_store %arg11[%swap3A_20], %swap3A_23 {strides = array<i32>} : memref<80xi32, #tpu.memory_space<vmem>>, vector<16xi32>,
    %get3A_24 = arith.constant 16 : index
    %get3A_25 = tpu.vector_load %arg9[%get3A_24] {strides = array<i32>} : memref<10000xi32, #tpu.memory_space<vmem>>, vector<16xi32>,
    %get3A_26 = vector.shape_cast %get3A_25 : vector<16xi32> to vector<16xi32>
    %shift_right_logical3A_27 = arith.constant 14 : i32
    %shift_right_logical3A_28 = vector.broadcast %shift_right_logical3A_27 : i32 to vector<16xi32>
    %shift_right_logical3A_29 = arith.shrui %get3A_26, %shift_right_logical3A_28 : vector<16xi32>
    %swap3A_30 = arith.constant 0 : i32
    %swap3A_31 = arith.index_cast %swap3A_30 : i32 to index
    %swap3A_32 = arith.constant 16 : index
    %swap3A_33 = tpu.vector_load %arg10[%swap3A_31, %swap3A_32] {strides = array<i32>} : memref<3x80xi32, #tpu.memory_space<vmem>>, vector<1x16xi32>,
    %swap3A_34 = vector.shape_cast %swap3A_33 : vector<1x16xi32> to vector<16xi32>
    %swap3A_35 = vector.shape_cast %shift_right_logical3A_29 : vector<16xi32> to vector<1x16xi32>
    tpu.vector_store %arg10[%swap3A_31, %swap3A_32], %swap3A_35 {strides = array<i32>} : memref<3x80xi32, #tpu.memory_space<vmem>>, vector<1x16xi32>,
    %and3A_36 = arith.constant 16383 : i32
    %and3A_37 = vector.broadcast %and3A_36 : i32 to vector<16xi32>
    %and3A_38 = arith.andi %get3A_26, %and3A_37 : vector<16xi32>
    %swap3A_39 = arith.constant 16 : index
    %swap3A_40 = tpu.vector_load %arg11[%swap3A_39] {strides = array<i32>} : memref<80xi32, #tpu.memory_space<vmem>>, vector<16xi32>,
    %swap3A_41 = vector.shape_cast %swap3A_40 : vector<16xi32> to vector<16xi32>
    %swap3A_42 = vector.shape_cast %and3A_38 : vector<16xi32> to vector<16xi32>
    tpu.vector_store %arg11[%swap3A_39], %swap3A_42 {strides = array<i32>} : memref<80xi32, #tpu.memory_space<vmem>>, vector<16xi32>,
    %get3A_43 = arith.constant 32 : index
    %get3A_44 = tpu.vector_load %arg9[%get3A_43] {strides = array<i32>} : memref<10000xi32, #tpu.memory_space<vmem>>, vector<16xi32>,
    %get3A_45 = vector.shape_cast %get3A_44 : vector<16xi32> to vector<16xi32>
    %shift_right_logical3A_46 = arith.constant 14 : i32
    %shift_right_logical3A_47 = vector.broadcast %shift_right_logical3A_46 : i32 to vector<16xi32>
    %shift_right_logical3A_48 = arith.shrui %get3A_45, %shift_right_logical3A_47 : vector<16xi32>
    %swap3A_49 = arith.constant 0 : i32
    %swap3A_50 = arith.index_cast %swap3A_49 : i32 to index
    %swap3A_51 = arith.constant 32 : index
    %swap3A_52 = tpu.vector_load %arg10[%swap3A_50, %swap3A_51] {strides = array<i32>} : memref<3x80xi32, #tpu.memory_space<vmem>>, vector<1x16xi32>,
    %swap3A_53 = vector.shape_cast %swap3A_52 : vector<1x16xi32> to vector<16xi32>
    %swap3A_54 = vector.shape_cast %shift_right_logical3A_48 : vector<16xi32> to vector<1x16xi32>
    tpu.vector_store %arg10[%swap3A_50, %swap3A_51], %swap3A_54 {strides = array<i32>} : memref<3x80xi32, #tpu.memory_space<vmem>>, vector<1x16xi32>,
    %and3A_55 = arith.constant 16383 : i32
    %and3A_56 = vector.broadcast %and3A_55 : i32 to vector<16xi32>
    %and3A_57 = arith.andi %get3A_45, %and3A_56 : vector<16xi32>
    %swap3A_58 = arith.constant 32 : index
    %swap3A_59 = tpu.vector_load %arg11[%swap3A_58] {strides = array<i32>} : memref<80xi32, #tpu.memory_space<vmem>>, vector<16xi32>,
    %swap3A_60 = vector.shape_cast %swap3A_59 : vector<16xi32> to vector<16xi32>
    %swap3A_61 = vector.shape_cast %and3A_57 : vector<16xi32> to vector<16xi32>
    tpu.vector_store %arg11[%swap3A_58], %swap3A_61 {strides = array<i32>} : memref<80xi32, #tpu.memory_space<vmem>>, vector<16xi32>,
    %get3A_62 = arith.constant 48 : index
    %get3A_63 = tpu.vector_load %arg9[%get3A_62] {strides = array<i32>} : memref<10000xi32, #tpu.memory_space<vmem>>, vector<16xi32>,
    %get3A_64 = vector.shape_cast %get3A_63 : vector<16xi32> to vector<16xi32>
    %shift_right_logical3A_65 = arith.constant 14 : i32
    %shift_right_logical3A_66 = vector.broadcast %shift_right_logical3A_65 : i32 to vector<16xi32>
    %shift_right_logical3A_67 = arith.shrui %get3A_64, %shift_right_logical3A_66 : vector<16xi32>
    %swap3A_68 = arith.constant 0 : i32
    %swap3A_69 = arith.index_cast %swap3A_68 : i32 to index
    %swap3A_70 = arith.constant 48 : index
    %swap3A_71 = tpu.vector_load %arg10[%swap3A_69, %swap3A_70] {strides = array<i32>} : memref<3x80xi32, #tpu.memory_space<vmem>>, vector<1x16xi32>,
    %swap3A_72 = vector.shape_cast %swap3A_71 : vector<1x16xi32> to vector<16xi32>
    %swap3A_73 = vector.shape_cast %shift_right_logical3A_67 : vector<16xi32> to vector<1x16xi32>
    tpu.vector_store %arg10[%swap3A_69, %swap3A_70], %swap3A_73 {strides = array<i32>} : memref<3x80xi32, #tpu.memory_space<vmem>>, vector<1x16xi32>,
    %and3A_74 = arith.constant 16383 : i32
    %and3A_75 = vector.broadcast %and3A_74 : i32 to vector<16xi32>
    %and3A_76 = arith.andi %get3A_64, %and3A_75 : vector<16xi32>
    %swap3A_77 = arith.constant 48 : index
    %swap3A_78 = tpu.vector_load %arg11[%swap3A_77] {strides = array<i32>} : memref<80xi32, #tpu.memory_space<vmem>>, vector<16xi32>,
    %swap3A_79 = vector.shape_cast %swap3A_78 : vector<16xi32> to vector<16xi32>
    %swap3A_80 = vector.shape_cast %and3A_76 : vector<16xi32> to vector<16xi32>
    tpu.vector_store %arg11[%swap3A_77], %swap3A_80 {strides = array<i32>} : memref<80xi32, #tpu.memory_space<vmem>>, vector<16xi32>,
    %get3A_81 = arith.constant 64 : index
    %get3A_82 = tpu.vector_load %arg9[%get3A_81] {strides = array<i32>} : memref<10000xi32, #tpu.memory_space<vmem>>, vector<16xi32>,
    %get3A_83 = vector.shape_cast %get3A_82 : vector<16xi32> to vector<16xi32>
    %shift_right_logical3A_84 = arith.constant 14 : i32
    %shift_right_logical3A_85 = vector.broadcast %shift_right_logical3A_84 : i32 to vector<16xi32>
    %shift_right_logical3A_86 = arith.shrui %get3A_83, %shift_right_logical3A_85 : vector<16xi32>
    %swap3A_87 = arith.constant 0 : i32
    %swap3A_88 = arith.index_cast %swap3A_87 : i32 to index
    %swap3A_89 = arith.constant 64 : index
    %swap3A_90 = tpu.vector_load %arg10[%swap3A_88, %swap3A_89] {strides = array<i32>} : memref<3x80xi32, #tpu.memory_space<vmem>>, vector<1x16xi32>,
    %swap3A_91 = vector.shape_cast %swap3A_90 : vector<1x16xi32> to vector<16xi32>
    %swap3A_92 = vector.shape_cast %shift_right_logical3A_86 : vector<16xi32> to vector<1x16xi32>
    tpu.vector_store %arg10[%swap3A_88, %swap3A_89], %swap3A_92 {strides = array<i32>} : memref<3x80xi32, #tpu.memory_space<vmem>>, vector<1x16xi32>,
    %and3A_93 = arith.constant 16383 : i32
    %and3A_94 = vector.broadcast %and3A_93 : i32 to vector<16xi32>
    %and3A_95 = arith.andi %get3A_83, %and3A_94 : vector<16xi32>
    %swap3A_96 = arith.constant 64 : index
    %swap3A_97 = tpu.vector_load %arg11[%swap3A_96] {strides = array<i32>} : memref<80xi32, #tpu.memory_space<vmem>>, vector<16xi32>,
    %swap3A_98 = vector.shape_cast %swap3A_97 : vector<16xi32> to vector<16xi32>
    %swap3A_99 = vector.shape_cast %and3A_95 : vector<16xi32> to vector<16xi32>
    tpu.vector_store %arg11[%swap3A_96], %swap3A_99 {strides = array<i32>} : memref<80xi32, #tpu.memory_space<vmem>>, vector<16xi32>,
    %eq3A_100 = arith.constant 0 : i32
    %eq3A_101 = arith.cmpi eq, %arg0, %eq3A_100 : i32
    %convert_element_type3A_102 = arith.extui %eq3A_101 : i1 to i32
    %cond3A_103 = arith.constant 0 : i32
    %cond3A_104 = arith.constant 0 : i32
    %cond3A_105 = arith.cmpi ne, %convert_element_type3A_102, %cond3A_104 : i32
    scf.if %cond3A_105 {
      %dma_start3A_620 = arith.constant 0 : i32
      %dma_start3A_621 = tpu.memref_slice %arg10[%cond3A_103, %dma_start3A_620] : memref<3x80xi32, #tpu.memory_space<vmem>> -> memref<1x80xi32, #tpu.memory_space<vmem>>
      %dma_start3A_622 = tpu.memref_squeeze %dma_start3A_621 : memref<1x80xi32, #tpu.memory_space<vmem>> -> memref<80xi32, #tpu.memory_space<vmem>>
      %dma_start3A_623 = arith.constant 0 : i32
      %dma_start3A_624 = arith.constant 0 : i32
      %dma_start3A_625 = tpu.memref_slice %arg2[%dma_start3A_623, %dma_start3A_624] : memref<10000x128xf32, #tpu.memory_space<hbm>> -> memref<10000x128xf32, #tpu.memory_space<hbm>>
      tpu.enqueue_indirect_dma source(%dma_start3A_625 : memref<10000x128xf32, #tpu.memory_space<hbm>>) target(%arg14 : memref<80x128xf32, #tpu.memory_space<vmem>>) offsets(%dma_start3A_622 : memref<80xi32, #tpu.memory_space<vmem>>) semaphore(%arg20 : memref<!tpu.dma_semaphore, #tpu.memory_space<semaphore_mem>>)
    } else {
    }
    %eq3A_106 = arith.constant 1 : i32
    %eq3A_107 = arith.cmpi eq, %arg0, %eq3A_106 : i32
    %convert_element_type3A_108 = arith.extui %eq3A_107 : i1 to i32
    %cond3A_109 = arith.constant 0 : i32
    %cond3A_110 = arith.constant 0 : i32
    %cond3A_111 = arith.cmpi ne, %convert_element_type3A_108, %cond3A_110 : i32
    scf.if %cond3A_111 {
      %dma_start3A_620 = arith.constant 0 : i32
      %dma_start3A_621 = tpu.memref_slice %arg10[%cond3A_109, %dma_start3A_620] : memref<3x80xi32, #tpu.memory_space<vmem>> -> memref<1x80xi32, #tpu.memory_space<vmem>>
      %dma_start3A_622 = tpu.memref_squeeze %dma_start3A_621 : memref<1x80xi32, #tpu.memory_space<vmem>> -> memref<80xi32, #tpu.memory_space<vmem>>
      %dma_start3A_623 = arith.constant 0 : i32
      %dma_start3A_624 = arith.constant 0 : i32
      %dma_start3A_625 = tpu.memref_slice %arg3[%dma_start3A_623, %dma_start3A_624] : memref<10000x128xf32, #tpu.memory_space<hbm>> -> memref<10000x128xf32, #tpu.memory_space<hbm>>
      tpu.enqueue_indirect_dma source(%dma_start3A_625 : memref<10000x128xf32, #tpu.memory_space<hbm>>) target(%arg14 : memref<80x128xf32, #tpu.memory_space<vmem>>) offsets(%dma_start3A_622 : memref<80xi32, #tpu.memory_space<vmem>>) semaphore(%arg20 : memref<!tpu.dma_semaphore, #tpu.memory_space<semaphore_mem>>)
    } else {
    }
    %get3A_112 = arith.constant 80 : index
    %get3A_113 = tpu.vector_load %arg9[%get3A_112] {strides = array<i32>} : memref<10000xi32, #tpu.memory_space<vmem>>, vector<16xi32>,
    %get3A_114 = vector.shape_cast %get3A_113 : vector<16xi32> to vector<16xi32>
    %shift_right_logical3A_115 = arith.constant 14 : i32
    %shift_right_logical3A_116 = vector.broadcast %shift_right_logical3A_115 : i32 to vector<16xi32>
    %shift_right_logical3A_117 = arith.shrui %get3A_114, %shift_right_logical3A_116 : vector<16xi32>
    %swap3A_118 = arith.constant 1 : i32
    %swap3A_119 = arith.index_cast %swap3A_118 : i32 to index
    %swap3A_120 = arith.constant 0 : index
    %swap3A_121 = tpu.vector_load %arg10[%swap3A_119, %swap3A_120] {strides = array<i32>} : memref<3x80xi32, #tpu.memory_space<vmem>>, vector<1x16xi32>,
    %swap3A_122 = vector.shape_cast %swap3A_121 : vector<1x16xi32> to vector<16xi32>
    %swap3A_123 = vector.shape_cast %shift_right_logical3A_117 : vector<16xi32> to vector<1x16xi32>
    tpu.vector_store %arg10[%swap3A_119, %swap3A_120], %swap3A_123 {strides = array<i32>} : memref<3x80xi32, #tpu.memory_space<vmem>>, vector<1x16xi32>,
    %and3A_124 = arith.constant 16383 : i32
    %and3A_125 = vector.broadcast %and3A_124 : i32 to vector<16xi32>
    %and3A_126 = arith.andi %get3A_114, %and3A_125 : vector<16xi32>
    %swap3A_127 = arith.constant 0 : index
    %swap3A_128 = tpu.vector_load %arg12[%swap3A_127] {strides = array<i32>} : memref<80xi32, #tpu.memory_space<vmem>>, vector<16xi32>,
    %swap3A_129 = vector.shape_cast %swap3A_128 : vector<16xi32> to vector<16xi32>
    %swap3A_130 = vector.shape_cast %and3A_126 : vector<16xi32> to vector<16xi32>
    tpu.vector_store %arg12[%swap3A_127], %swap3A_130 {strides = array<i32>} : memref<80xi32, #tpu.memory_space<vmem>>, vector<16xi32>,
    %get3A_131 = arith.constant 96 : index
    %get3A_132 = tpu.vector_load %arg9[%get3A_131] {strides = array<i32>} : memref<10000xi32, #tpu.memory_space<vmem>>, vector<16xi32>,
    %get3A_133 = vector.shape_cast %get3A_132 : vector<16xi32> to vector<16xi32>
    %shift_right_logical3A_134 = arith.constant 14 : i32
    %shift_right_logical3A_135 = vector.broadcast %shift_right_logical3A_134 : i32 to vector<16xi32>
    %shift_right_logical3A_136 = arith.shrui %get3A_133, %shift_right_logical3A_135 : vector<16xi32>
    %swap3A_137 = arith.constant 1 : i32
    %swap3A_138 = arith.index_cast %swap3A_137 : i32 to index
    %swap3A_139 = arith.constant 16 : index
    %swap3A_140 = tpu.vector_load %arg10[%swap3A_138, %swap3A_139] {strides = array<i32>} : memref<3x80xi32, #tpu.memory_space<vmem>>, vector<1x16xi32>,
    %swap3A_141 = vector.shape_cast %swap3A_140 : vector<1x16xi32> to vector<16xi32>
    %swap3A_142 = vector.shape_cast %shift_right_logical3A_136 : vector<16xi32> to vector<1x16xi32>
    tpu.vector_store %arg10[%swap3A_138, %swap3A_139], %swap3A_142 {strides = array<i32>} : memref<3x80xi32, #tpu.memory_space<vmem>>, vector<1x16xi32>,
    %and3A_143 = arith.constant 16383 : i32
    %and3A_144 = vector.broadcast %and3A_143 : i32 to vector<16xi32>
    %and3A_145 = arith.andi %get3A_133, %and3A_144 : vector<16xi32>
    %swap3A_146 = arith.constant 16 : index
    %swap3A_147 = tpu.vector_load %arg12[%swap3A_146] {strides = array<i32>} : memref<80xi32, #tpu.memory_space<vmem>>, vector<16xi32>,
    %swap3A_148 = vector.shape_cast %swap3A_147 : vector<16xi32> to vector<16xi32>
    %swap3A_149 = vector.shape_cast %and3A_145 : vector<16xi32> to vector<16xi32>
    tpu.vector_store %arg12[%swap3A_146], %swap3A_149 {strides = array<i32>} : memref<80xi32, #tpu.memory_space<vmem>>, vector<16xi32>,
    %get3A_150 = arith.constant 112 : index
    %get3A_151 = tpu.vector_load %arg9[%get3A_150] {strides = array<i32>} : memref<10000xi32, #tpu.memory_space<vmem>>, vector<16xi32>,
    %get3A_152 = vector.shape_cast %get3A_151 : vector<16xi32> to vector<16xi32>
    %shift_right_logical3A_153 = arith.constant 14 : i32
    %shift_right_logical3A_154 = vector.broadcast %shift_right_logical3A_153 : i32 to vector<16xi32>
    %shift_right_logical3A_155 = arith.shrui %get3A_152, %shift_right_logical3A_154 : vector<16xi32>
    %swap3A_156 = arith.constant 1 : i32
    %swap3A_157 = arith.index_cast %swap3A_156 : i32 to index
    %swap3A_158 = arith.constant 32 : index
    %swap3A_159 = tpu.vector_load %arg10[%swap3A_157, %swap3A_158] {strides = array<i32>} : memref<3x80xi32, #tpu.memory_space<vmem>>, vector<1x16xi32>,
    %swap3A_160 = vector.shape_cast %swap3A_159 : vector<1x16xi32> to vector<16xi32>
    %swap3A_161 = vector.shape_cast %shift_right_logical3A_155 : vector<16xi32> to vector<1x16xi32>
    tpu.vector_store %arg10[%swap3A_157, %swap3A_158], %swap3A_161 {strides = array<i32>} : memref<3x80xi32, #tpu.memory_space<vmem>>, vector<1x16xi32>,
    %and3A_162 = arith.constant 16383 : i32
    %and3A_163 = vector.broadcast %and3A_162 : i32 to vector<16xi32>
    %and3A_164 = arith.andi %get3A_152, %and3A_163 : vector<16xi32>
    %swap3A_165 = arith.constant 32 : index
    %swap3A_166 = tpu.vector_load %arg12[%swap3A_165] {strides = array<i32>} : memref<80xi32, #tpu.memory_space<vmem>>, vector<16xi32>,
    %swap3A_167 = vector.shape_cast %swap3A_166 : vector<16xi32> to vector<16xi32>
    %swap3A_168 = vector.shape_cast %and3A_164 : vector<16xi32> to vector<16xi32>
    tpu.vector_store %arg12[%swap3A_165], %swap3A_168 {strides = array<i32>} : memref<80xi32, #tpu.memory_space<vmem>>, vector<16xi32>,
    %get3A_169 = arith.constant 128 : index
    %get3A_170 = tpu.vector_load %arg9[%get3A_169] {strides = array<i32>} : memref<10000xi32, #tpu.memory_space<vmem>>, vector<16xi32>,
    %get3A_171 = vector.shape_cast %get3A_170 : vector<16xi32> to vector<16xi32>
    %shift_right_logical3A_172 = arith.constant 14 : i32
    %shift_right_logical3A_173 = vector.broadcast %shift_right_logical3A_172 : i32 to vector<16xi32>
    %shift_right_logical3A_174 = arith.shrui %get3A_171, %shift_right_logical3A_173 : vector<16xi32>
    %swap3A_175 = arith.constant 1 : i32
    %swap3A_176 = arith.index_cast %swap3A_175 : i32 to index
    %swap3A_177 = arith.constant 48 : index
    %swap3A_178 = tpu.vector_load %arg10[%swap3A_176, %swap3A_177] {strides = array<i32>} : memref<3x80xi32, #tpu.memory_space<vmem>>, vector<1x16xi32>,
    %swap3A_179 = vector.shape_cast %swap3A_178 : vector<1x16xi32> to vector<16xi32>
    %swap3A_180 = vector.shape_cast %shift_right_logical3A_174 : vector<16xi32> to vector<1x16xi32>
    tpu.vector_store %arg10[%swap3A_176, %swap3A_177], %swap3A_180 {strides = array<i32>} : memref<3x80xi32, #tpu.memory_space<vmem>>, vector<1x16xi32>,
    %and3A_181 = arith.constant 16383 : i32
    %and3A_182 = vector.broadcast %and3A_181 : i32 to vector<16xi32>
    %and3A_183 = arith.andi %get3A_171, %and3A_182 : vector<16xi32>
    %swap3A_184 = arith.constant 48 : index
    %swap3A_185 = tpu.vector_load %arg12[%swap3A_184] {strides = array<i32>} : memref<80xi32, #tpu.memory_space<vmem>>, vector<16xi32>,
    %swap3A_186 = vector.shape_cast %swap3A_185 : vector<16xi32> to vector<16xi32>
    %swap3A_187 = vector.shape_cast %and3A_183 : vector<16xi32> to vector<16xi32>
    tpu.vector_store %arg12[%swap3A_184], %swap3A_187 {strides = array<i32>} : memref<80xi32, #tpu.memory_space<vmem>>, vector<16xi32>,
    %get3A_188 = arith.constant 144 : index
    %get3A_189 = tpu.vector_load %arg9[%get3A_188] {strides = array<i32>} : memref<10000xi32, #tpu.memory_space<vmem>>, vector<16xi32>,
    %get3A_190 = vector.shape_cast %get3A_189 : vector<16xi32> to vector<16xi32>
    %shift_right_logical3A_191 = arith.constant 14 : i32
    %shift_right_logical3A_192 = vector.broadcast %shift_right_logical3A_191 : i32 to vector<16xi32>
    %shift_right_logical3A_193 = arith.shrui %get3A_190, %shift_right_logical3A_192 : vector<16xi32>
    %swap3A_194 = arith.constant 1 : i32
    %swap3A_195 = arith.index_cast %swap3A_194 : i32 to index
    %swap3A_196 = arith.constant 64 : index
    %swap3A_197 = tpu.vector_load %arg10[%swap3A_195, %swap3A_196] {strides = array<i32>} : memref<3x80xi32, #tpu.memory_space<vmem>>, vector<1x16xi32>,
    %swap3A_198 = vector.shape_cast %swap3A_197 : vector<1x16xi32> to vector<16xi32>
    %swap3A_199 = vector.shape_cast %shift_right_logical3A_193 : vector<16xi32> to vector<1x16xi32>
    tpu.vector_store %arg10[%swap3A_195, %swap3A_196], %swap3A_199 {strides = array<i32>} : memref<3x80xi32, #tpu.memory_space<vmem>>, vector<1x16xi32>,
    %and3A_200 = arith.constant 16383 : i32
    %and3A_201 = vector.broadcast %and3A_200 : i32 to vector<16xi32>
    %and3A_202 = arith.andi %get3A_190, %and3A_201 : vector<16xi32>
    %swap3A_203 = arith.constant 64 : index
    %swap3A_204 = tpu.vector_load %arg12[%swap3A_203] {strides = array<i32>} : memref<80xi32, #tpu.memory_space<vmem>>, vector<16xi32>,
    %swap3A_205 = vector.shape_cast %swap3A_204 : vector<16xi32> to vector<16xi32>
    %swap3A_206 = vector.shape_cast %and3A_202 : vector<16xi32> to vector<16xi32>
    tpu.vector_store %arg12[%swap3A_203], %swap3A_206 {strides = array<i32>} : memref<80xi32, #tpu.memory_space<vmem>>, vector<16xi32>,
    %eq3A_207 = arith.constant 0 : i32
    %eq3A_208 = arith.cmpi eq, %arg0, %eq3A_207 : i32
    %convert_element_type3A_209 = arith.extui %eq3A_208 : i1 to i32
    %cond3A_210 = arith.constant 1 : i32
    %cond3A_211 = arith.constant 0 : i32
    %cond3A_212 = arith.cmpi ne, %convert_element_type3A_209, %cond3A_211 : i32
    scf.if %cond3A_212 {
      %dma_start3A_620 = arith.constant 0 : i32
      %dma_start3A_621 = tpu.memref_slice %arg10[%cond3A_210, %dma_start3A_620] : memref<3x80xi32, #tpu.memory_space<vmem>> -> memref<1x80xi32, #tpu.memory_space<vmem>>
      %dma_start3A_622 = tpu.memref_squeeze %dma_start3A_621 : memref<1x80xi32, #tpu.memory_space<vmem>> -> memref<80xi32, #tpu.memory_space<vmem>>
      %dma_start3A_623 = arith.constant 0 : i32
      %dma_start3A_624 = arith.constant 0 : i32
      %dma_start3A_625 = tpu.memref_slice %arg2[%dma_start3A_623, %dma_start3A_624] : memref<10000x128xf32, #tpu.memory_space<hbm>> -> memref<10000x128xf32, #tpu.memory_space<hbm>>
      tpu.enqueue_indirect_dma source(%dma_start3A_625 : memref<10000x128xf32, #tpu.memory_space<hbm>>) target(%arg15 : memref<80x128xf32, #tpu.memory_space<vmem>>) offsets(%dma_start3A_622 : memref<80xi32, #tpu.memory_space<vmem>>) semaphore(%arg21 : memref<!tpu.dma_semaphore, #tpu.memory_space<semaphore_mem>>)
    } else {
    }
    %eq3A_213 = arith.constant 1 : i32
    %eq3A_214 = arith.cmpi eq, %arg0, %eq3A_213 : i32
    %convert_element_type3A_215 = arith.extui %eq3A_214 : i1 to i32
    %cond3A_216 = arith.constant 1 : i32
    %cond3A_217 = arith.constant 0 : i32
    %cond3A_218 = arith.cmpi ne, %convert_element_type3A_215, %cond3A_217 : i32
    scf.if %cond3A_218 {
      %dma_start3A_620 = arith.constant 0 : i32
      %dma_start3A_621 = tpu.memref_slice %arg10[%cond3A_216, %dma_start3A_620] : memref<3x80xi32, #tpu.memory_space<vmem>> -> memref<1x80xi32, #tpu.memory_space<vmem>>
      %dma_start3A_622 = tpu.memref_squeeze %dma_start3A_621 : memref<1x80xi32, #tpu.memory_space<vmem>> -> memref<80xi32, #tpu.memory_space<vmem>>
      %dma_start3A_623 = arith.constant 0 : i32
      %dma_start3A_624 = arith.constant 0 : i32
      %dma_start3A_625 = tpu.memref_slice %arg3[%dma_start3A_623, %dma_start3A_624] : memref<10000x128xf32, #tpu.memory_space<hbm>> -> memref<10000x128xf32, #tpu.memory_space<hbm>>
      tpu.enqueue_indirect_dma source(%dma_start3A_625 : memref<10000x128xf32, #tpu.memory_space<hbm>>) target(%arg15 : memref<80x128xf32, #tpu.memory_space<vmem>>) offsets(%dma_start3A_622 : memref<80xi32, #tpu.memory_space<vmem>>) semaphore(%arg21 : memref<!tpu.dma_semaphore, #tpu.memory_space<semaphore_mem>>)
    } else {
    }
    %dma_wait3A_219 = arith.constant 0 : i32
    %dma_wait3A_220 = arith.constant 0 : i32
    %dma_wait3A_221 = tpu.memref_slice %arg10[%dma_wait3A_219, %dma_wait3A_220] : memref<3x80xi32, #tpu.memory_space<vmem>> -> memref<1x80xi32, #tpu.memory_space<vmem>>
    %dma_wait3A_222 = tpu.memref_squeeze %dma_wait3A_221 : memref<1x80xi32, #tpu.memory_space<vmem>> -> memref<80xi32, #tpu.memory_space<vmem>>
    %dma_wait3A_223 = arith.constant 0 : i32
    %dma_wait3A_224 = arith.constant 0 : i32
    %dma_wait3A_225 = tpu.memref_slice %arg2[%dma_wait3A_223, %dma_wait3A_224] : memref<10000x128xf32, #tpu.memory_space<hbm>> -> memref<10000x128xf32, #tpu.memory_space<hbm>>
    tpu.wait_indirect_dma semaphore(%arg20 : memref<!tpu.dma_semaphore, #tpu.memory_space<semaphore_mem>>) src(%dma_wait3A_225 : memref<10000x128xf32, #tpu.memory_space<hbm>>) dst(%arg14 : memref<80x128xf32, #tpu.memory_space<vmem>>)
    %dma_start3A_226 = arith.constant 0 : i32
    %dma_start3A_227 = arith.constant 0 : i32
    %dma_start3A_228 = tpu.memref_slice %arg18[%dma_start3A_226, %dma_start3A_227] : memref<10016x128xf32, #tpu.memory_space<vmem_shared>> -> memref<10016x128xf32, #tpu.memory_space<vmem_shared>>
    tpu.enqueue_indirect_dma source(%arg14 : memref<80x128xf32, #tpu.memory_space<vmem>>) target(%dma_start3A_228 : memref<10016x128xf32, #tpu.memory_space<vmem_shared>>) offsets(%arg11 : memref<80xi32, #tpu.memory_space<vmem>>) semaphore(%arg23 : memref<!tpu.dma_semaphore, #tpu.memory_space<semaphore_mem>>) {add = true}
    %get3A_229 = arith.constant 160 : index
    %get3A_230 = tpu.vector_load %arg9[%get3A_229] {strides = array<i32>} : memref<10000xi32, #tpu.memory_space<vmem>>, vector<16xi32>,
    %get3A_231 = vector.shape_cast %get3A_230 : vector<16xi32> to vector<16xi32>
    %shift_right_logical3A_232 = arith.constant 14 : i32
    %shift_right_logical3A_233 = vector.broadcast %shift_right_logical3A_232 : i32 to vector<16xi32>
    %shift_right_logical3A_234 = arith.shrui %get3A_231, %shift_right_logical3A_233 : vector<16xi32>
    %swap3A_235 = arith.constant 2 : i32
    %swap3A_236 = arith.index_cast %swap3A_235 : i32 to index
    %swap3A_237 = arith.constant 0 : index
    %swap3A_238 = tpu.vector_load %arg10[%swap3A_236, %swap3A_237] {strides = array<i32>} : memref<3x80xi32, #tpu.memory_space<vmem>>, vector<1x16xi32>,
    %swap3A_239 = vector.shape_cast %swap3A_238 : vector<1x16xi32> to vector<16xi32>
    %swap3A_240 = vector.shape_cast %shift_right_logical3A_234 : vector<16xi32> to vector<1x16xi32>
    tpu.vector_store %arg10[%swap3A_236, %swap3A_237], %swap3A_240 {strides = array<i32>} : memref<3x80xi32, #tpu.memory_space<vmem>>, vector<1x16xi32>,
    %and3A_241 = arith.constant 16383 : i32
    %and3A_242 = vector.broadcast %and3A_241 : i32 to vector<16xi32>
    %and3A_243 = arith.andi %get3A_231, %and3A_242 : vector<16xi32>
    %swap3A_244 = arith.constant 0 : index
    %swap3A_245 = tpu.vector_load %arg13[%swap3A_244] {strides = array<i32>} : memref<80xi32, #tpu.memory_space<vmem>>, vector<16xi32>,
    %swap3A_246 = vector.shape_cast %swap3A_245 : vector<16xi32> to vector<16xi32>
    %swap3A_247 = vector.shape_cast %and3A_243 : vector<16xi32> to vector<16xi32>
    tpu.vector_store %arg13[%swap3A_244], %swap3A_247 {strides = array<i32>} : memref<80xi32, #tpu.memory_space<vmem>>, vector<16xi32>,
    %get3A_248 = arith.constant 176 : index
    %get3A_249 = tpu.vector_load %arg9[%get3A_248] {strides = array<i32>} : memref<10000xi32, #tpu.memory_space<vmem>>, vector<16xi32>,
    %get3A_250 = vector.shape_cast %get3A_249 : vector<16xi32> to vector<16xi32>
    %shift_right_logical3A_251 = arith.constant 14 : i32
    %shift_right_logical3A_252 = vector.broadcast %shift_right_logical3A_251 : i32 to vector<16xi32>
    %shift_right_logical3A_253 = arith.shrui %get3A_250, %shift_right_logical3A_252 : vector<16xi32>
    %swap3A_254 = arith.constant 2 : i32
    %swap3A_255 = arith.index_cast %swap3A_254 : i32 to index
    %swap3A_256 = arith.constant 16 : index
    %swap3A_257 = tpu.vector_load %arg10[%swap3A_255, %swap3A_256] {strides = array<i32>} : memref<3x80xi32, #tpu.memory_space<vmem>>, vector<1x16xi32>,
    %swap3A_258 = vector.shape_cast %swap3A_257 : vector<1x16xi32> to vector<16xi32>
    %swap3A_259 = vector.shape_cast %shift_right_logical3A_253 : vector<16xi32> to vector<1x16xi32>
    tpu.vector_store %arg10[%swap3A_255, %swap3A_256], %swap3A_259 {strides = array<i32>} : memref<3x80xi32, #tpu.memory_space<vmem>>, vector<1x16xi32>,
    %and3A_260 = arith.constant 16383 : i32
    %and3A_261 = vector.broadcast %and3A_260 : i32 to vector<16xi32>
    %and3A_262 = arith.andi %get3A_250, %and3A_261 : vector<16xi32>
    %swap3A_263 = arith.constant 16 : index
    %swap3A_264 = tpu.vector_load %arg13[%swap3A_263] {strides = array<i32>} : memref<80xi32, #tpu.memory_space<vmem>>, vector<16xi32>,
    %swap3A_265 = vector.shape_cast %swap3A_264 : vector<16xi32> to vector<16xi32>
    %swap3A_266 = vector.shape_cast %and3A_262 : vector<16xi32> to vector<16xi32>
    tpu.vector_store %arg13[%swap3A_263], %swap3A_266 {strides = array<i32>} : memref<80xi32, #tpu.memory_space<vmem>>, vector<16xi32>,
    %get3A_267 = arith.constant 192 : index
    %get3A_268 = tpu.vector_load %arg9[%get3A_267] {strides = array<i32>} : memref<10000xi32, #tpu.memory_space<vmem>>, vector<16xi32>,
    %get3A_269 = vector.shape_cast %get3A_268 : vector<16xi32> to vector<16xi32>
    %shift_right_logical3A_270 = arith.constant 14 : i32
    %shift_right_logical3A_271 = vector.broadcast %shift_right_logical3A_270 : i32 to vector<16xi32>
    %shift_right_logical3A_272 = arith.shrui %get3A_269, %shift_right_logical3A_271 : vector<16xi32>
    %swap3A_273 = arith.constant 2 : i32
    %swap3A_274 = arith.index_cast %swap3A_273 : i32 to index
    %swap3A_275 = arith.constant 32 : index
    %swap3A_276 = tpu.vector_load %arg10[%swap3A_274, %swap3A_275] {strides = array<i32>} : memref<3x80xi32, #tpu.memory_space<vmem>>, vector<1x16xi32>,
    %swap3A_277 = vector.shape_cast %swap3A_276 : vector<1x16xi32> to vector<16xi32>
    %swap3A_278 = vector.shape_cast %shift_right_logical3A_272 : vector<16xi32> to vector<1x16xi32>
    tpu.vector_store %arg10[%swap3A_274, %swap3A_275], %swap3A_278 {strides = array<i32>} : memref<3x80xi32, #tpu.memory_space<vmem>>, vector<1x16xi32>,
    %and3A_279 = arith.constant 16383 : i32
    %and3A_280 = vector.broadcast %and3A_279 : i32 to vector<16xi32>
    %and3A_281 = arith.andi %get3A_269, %and3A_280 : vector<16xi32>
    %swap3A_282 = arith.constant 32 : index
    %swap3A_283 = tpu.vector_load %arg13[%swap3A_282] {strides = array<i32>} : memref<80xi32, #tpu.memory_space<vmem>>, vector<16xi32>,
    %swap3A_284 = vector.shape_cast %swap3A_283 : vector<16xi32> to vector<16xi32>
    %swap3A_285 = vector.shape_cast %and3A_281 : vector<16xi32> to vector<16xi32>
    tpu.vector_store %arg13[%swap3A_282], %swap3A_285 {strides = array<i32>} : memref<80xi32, #tpu.memory_space<vmem>>, vector<16xi32>,
    %get3A_286 = arith.constant 208 : index
    %get3A_287 = tpu.vector_load %arg9[%get3A_286] {strides = array<i32>} : memref<10000xi32, #tpu.memory_space<vmem>>, vector<16xi32>,
    %get3A_288 = vector.shape_cast %get3A_287 : vector<16xi32> to vector<16xi32>
    %shift_right_logical3A_289 = arith.constant 14 : i32
    %shift_right_logical3A_290 = vector.broadcast %shift_right_logical3A_289 : i32 to vector<16xi32>
    %shift_right_logical3A_291 = arith.shrui %get3A_288, %shift_right_logical3A_290 : vector<16xi32>
    %swap3A_292 = arith.constant 2 : i32
    %swap3A_293 = arith.index_cast %swap3A_292 : i32 to index
    %swap3A_294 = arith.constant 48 : index
    %swap3A_295 = tpu.vector_load %arg10[%swap3A_293, %swap3A_294] {strides = array<i32>} : memref<3x80xi32, #tpu.memory_space<vmem>>, vector<1x16xi32>,
    %swap3A_296 = vector.shape_cast %swap3A_295 : vector<1x16xi32> to vector<16xi32>
    %swap3A_297 = vector.shape_cast %shift_right_logical3A_291 : vector<16xi32> to vector<1x16xi32>
    tpu.vector_store %arg10[%swap3A_293, %swap3A_294], %swap3A_297 {strides = array<i32>} : memref<3x80xi32, #tpu.memory_space<vmem>>, vector<1x16xi32>,
    %and3A_298 = arith.constant 16383 : i32
    %and3A_299 = vector.broadcast %and3A_298 : i32 to vector<16xi32>
    %and3A_300 = arith.andi %get3A_288, %and3A_299 : vector<16xi32>
    %swap3A_301 = arith.constant 48 : index
    %swap3A_302 = tpu.vector_load %arg13[%swap3A_301] {strides = array<i32>} : memref<80xi32, #tpu.memory_space<vmem>>, vector<16xi32>,
    %swap3A_303 = vector.shape_cast %swap3A_302 : vector<16xi32> to vector<16xi32>
    %swap3A_304 = vector.shape_cast %and3A_300 : vector<16xi32> to vector<16xi32>
    tpu.vector_store %arg13[%swap3A_301], %swap3A_304 {strides = array<i32>} : memref<80xi32, #tpu.memory_space<vmem>>, vector<16xi32>,
    %get3A_305 = arith.constant 224 : index
    %get3A_306 = tpu.vector_load %arg9[%get3A_305] {strides = array<i32>} : memref<10000xi32, #tpu.memory_space<vmem>>, vector<16xi32>,
    %get3A_307 = vector.shape_cast %get3A_306 : vector<16xi32> to vector<16xi32>
    %shift_right_logical3A_308 = arith.constant 14 : i32
    %shift_right_logical3A_309 = vector.broadcast %shift_right_logical3A_308 : i32 to vector<16xi32>
    %shift_right_logical3A_310 = arith.shrui %get3A_307, %shift_right_logical3A_309 : vector<16xi32>
    %swap3A_311 = arith.constant 2 : i32
    %swap3A_312 = arith.index_cast %swap3A_311 : i32 to index
    %swap3A_313 = arith.constant 64 : index
    %swap3A_314 = tpu.vector_load %arg10[%swap3A_312, %swap3A_313] {strides = array<i32>} : memref<3x80xi32, #tpu.memory_space<vmem>>, vector<1x16xi32>,
    %swap3A_315 = vector.shape_cast %swap3A_314 : vector<1x16xi32> to vector<16xi32>
    %swap3A_316 = vector.shape_cast %shift_right_logical3A_310 : vector<16xi32> to vector<1x16xi32>
    tpu.vector_store %arg10[%swap3A_312, %swap3A_313], %swap3A_316 {strides = array<i32>} : memref<3x80xi32, #tpu.memory_space<vmem>>, vector<1x16xi32>,
    %and3A_317 = arith.constant 16383 : i32
    %and3A_318 = vector.broadcast %and3A_317 : i32 to vector<16xi32>
    %and3A_319 = arith.andi %get3A_307, %and3A_318 : vector<16xi32>
    %swap3A_320 = arith.constant 64 : index
    %swap3A_321 = tpu.vector_load %arg13[%swap3A_320] {strides = array<i32>} : memref<80xi32, #tpu.memory_space<vmem>>, vector<16xi32>,
    %swap3A_322 = vector.shape_cast %swap3A_321 : vector<16xi32> to vector<16xi32>
    %swap3A_323 = vector.shape_cast %and3A_319 : vector<16xi32> to vector<16xi32>
    tpu.vector_store %arg13[%swap3A_320], %swap3A_323 {strides = array<i32>} : memref<80xi32, #tpu.memory_space<vmem>>, vector<16xi32>,
    %eq3A_324 = arith.constant 0 : i32
    %eq3A_325 = arith.cmpi eq, %arg0, %eq3A_324 : i32
    %convert_element_type3A_326 = arith.extui %eq3A_325 : i1 to i32
    %cond3A_327 = arith.constant 2 : i32
    %cond3A_328 = arith.constant 0 : i32
    %cond3A_329 = arith.cmpi ne, %convert_element_type3A_326, %cond3A_328 : i32
    scf.if %cond3A_329 {
      %dma_start3A_620 = arith.constant 0 : i32
      %dma_start3A_621 = tpu.memref_slice %arg10[%cond3A_327, %dma_start3A_620] : memref<3x80xi32, #tpu.memory_space<vmem>> -> memref<1x80xi32, #tpu.memory_space<vmem>>
      %dma_start3A_622 = tpu.memref_squeeze %dma_start3A_621 : memref<1x80xi32, #tpu.memory_space<vmem>> -> memref<80xi32, #tpu.memory_space<vmem>>
      %dma_start3A_623 = arith.constant 0 : i32
      %dma_start3A_624 = arith.constant 0 : i32
      %dma_start3A_625 = tpu.memref_slice %arg2[%dma_start3A_623, %dma_start3A_624] : memref<10000x128xf32, #tpu.memory_space<hbm>> -> memref<10000x128xf32, #tpu.memory_space<hbm>>
      tpu.enqueue_indirect_dma source(%dma_start3A_625 : memref<10000x128xf32, #tpu.memory_space<hbm>>) target(%arg16 : memref<80x128xf32, #tpu.memory_space<vmem>>) offsets(%dma_start3A_622 : memref<80xi32, #tpu.memory_space<vmem>>) semaphore(%arg22 : memref<!tpu.dma_semaphore, #tpu.memory_space<semaphore_mem>>)
    } else {
    }
    %eq3A_330 = arith.constant 1 : i32
    %eq3A_331 = arith.cmpi eq, %arg0, %eq3A_330 : i32
    %convert_element_type3A_332 = arith.extui %eq3A_331 : i1 to i32
    %cond3A_333 = arith.constant 2 : i32
    %cond3A_334 = arith.constant 0 : i32
    %cond3A_335 = arith.cmpi ne, %convert_element_type3A_332, %cond3A_334 : i32
    scf.if %cond3A_335 {
      %dma_start3A_620 = arith.constant 0 : i32
      %dma_start3A_621 = tpu.memref_slice %arg10[%cond3A_333, %dma_start3A_620] : memref<3x80xi32, #tpu.memory_space<vmem>> -> memref<1x80xi32, #tpu.memory_space<vmem>>
      %dma_start3A_622 = tpu.memref_squeeze %dma_start3A_621 : memref<1x80xi32, #tpu.memory_space<vmem>> -> memref<80xi32, #tpu.memory_space<vmem>>
      %dma_start3A_623 = arith.constant 0 : i32
      %dma_start3A_624 = arith.constant 0 : i32
      %dma_start3A_625 = tpu.memref_slice %arg3[%dma_start3A_623, %dma_start3A_624] : memref<10000x128xf32, #tpu.memory_space<hbm>> -> memref<10000x128xf32, #tpu.memory_space<hbm>>
      tpu.enqueue_indirect_dma source(%dma_start3A_625 : memref<10000x128xf32, #tpu.memory_space<hbm>>) target(%arg16 : memref<80x128xf32, #tpu.memory_space<vmem>>) offsets(%dma_start3A_622 : memref<80xi32, #tpu.memory_space<vmem>>) semaphore(%arg22 : memref<!tpu.dma_semaphore, #tpu.memory_space<semaphore_mem>>)
    } else {
    }
    %dma_wait3A_336 = arith.constant 1 : i32
    %dma_wait3A_337 = arith.constant 0 : i32
    %dma_wait3A_338 = tpu.memref_slice %arg10[%dma_wait3A_336, %dma_wait3A_337] : memref<3x80xi32, #tpu.memory_space<vmem>> -> memref<1x80xi32, #tpu.memory_space<vmem>>
    %dma_wait3A_339 = tpu.memref_squeeze %dma_wait3A_338 : memref<1x80xi32, #tpu.memory_space<vmem>> -> memref<80xi32, #tpu.memory_space<vmem>>
    %dma_wait3A_340 = arith.constant 0 : i32
    %dma_wait3A_341 = arith.constant 0 : i32
    %dma_wait3A_342 = tpu.memref_slice %arg2[%dma_wait3A_340, %dma_wait3A_341] : memref<10000x128xf32, #tpu.memory_space<hbm>> -> memref<10000x128xf32, #tpu.memory_space<hbm>>
    tpu.wait_indirect_dma semaphore(%arg21 : memref<!tpu.dma_semaphore, #tpu.memory_space<semaphore_mem>>) src(%dma_wait3A_342 : memref<10000x128xf32, #tpu.memory_space<hbm>>) dst(%arg15 : memref<80x128xf32, #tpu.memory_space<vmem>>)
    %dma_start3A_343 = arith.constant 0 : i32
    %dma_start3A_344 = arith.constant 0 : i32
    %dma_start3A_345 = tpu.memref_slice %arg18[%dma_start3A_343, %dma_start3A_344] : memref<10016x128xf32, #tpu.memory_space<vmem_shared>> -> memref<10016x128xf32, #tpu.memory_space<vmem_shared>>
    tpu.enqueue_indirect_dma source(%arg15 : memref<80x128xf32, #tpu.memory_space<vmem>>) target(%dma_start3A_345 : memref<10016x128xf32, #tpu.memory_space<vmem_shared>>) offsets(%arg12 : memref<80xi32, #tpu.memory_space<vmem>>) semaphore(%arg24 : memref<!tpu.dma_semaphore, #tpu.memory_space<semaphore_mem>>) {add = true}
    %dma_wait3A_346 = arith.constant 0 : i32
    %dma_wait3A_347 = arith.constant 0 : i32
    %dma_wait3A_348 = tpu.memref_slice %arg18[%dma_wait3A_346, %dma_wait3A_347] : memref<10016x128xf32, #tpu.memory_space<vmem_shared>> -> memref<10016x128xf32, #tpu.memory_space<vmem_shared>>
    tpu.wait_indirect_dma semaphore(%arg23 : memref<!tpu.dma_semaphore, #tpu.memory_space<semaphore_mem>>) src(%arg14 : memref<80x128xf32, #tpu.memory_space<vmem>>) dst(%dma_wait3A_348 : memref<10016x128xf32, #tpu.memory_space<vmem_shared>>)
    %get3A_349 = arith.constant 240 : index
    %get3A_350 = tpu.vector_load %arg9[%get3A_349] {strides = array<i32>} : memref<10000xi32, #tpu.memory_space<vmem>>, vector<16xi32>,
    %get3A_351 = vector.shape_cast %get3A_350 : vector<16xi32> to vector<16xi32>
    %shift_right_logical3A_352 = arith.constant 14 : i32
    %shift_right_logical3A_353 = vector.broadcast %shift_right_logical3A_352 : i32 to vector<16xi32>
    %shift_right_logical3A_354 = arith.shrui %get3A_351, %shift_right_logical3A_353 : vector<16xi32>
    %swap3A_355 = arith.constant 0 : i32
    %swap3A_356 = arith.index_cast %swap3A_355 : i32 to index
    %swap3A_357 = arith.constant 0 : index
    %swap3A_358 = tpu.vector_load %arg10[%swap3A_356, %swap3A_357] {strides = array<i32>} : memref<3x80xi32, #tpu.memory_space<vmem>>, vector<1x16xi32>,
    %swap3A_359 = vector.shape_cast %swap3A_358 : vector<1x16xi32> to vector<16xi32>
    %swap3A_360 = vector.shape_cast %shift_right_logical3A_354 : vector<16xi32> to vector<1x16xi32>
    tpu.vector_store %arg10[%swap3A_356, %swap3A_357], %swap3A_360 {strides = array<i32>} : memref<3x80xi32, #tpu.memory_space<vmem>>, vector<1x16xi32>,
    %and3A_361 = arith.constant 16383 : i32
    %and3A_362 = vector.broadcast %and3A_361 : i32 to vector<16xi32>
    %and3A_363 = arith.andi %get3A_351, %and3A_362 : vector<16xi32>
    %swap3A_364 = arith.constant 0 : index
    %swap3A_365 = tpu.vector_load %arg11[%swap3A_364] {strides = array<i32>} : memref<80xi32, #tpu.memory_space<vmem>>, vector<16xi32>,
    %swap3A_366 = vector.shape_cast %swap3A_365 : vector<16xi32> to vector<16xi32>
    %swap3A_367 = vector.shape_cast %and3A_363 : vector<16xi32> to vector<16xi32>
    tpu.vector_store %arg11[%swap3A_364], %swap3A_367 {strides = array<i32>} : memref<80xi32, #tpu.memory_space<vmem>>, vector<16xi32>,
    %get3A_368 = arith.constant 256 : index
    %get3A_369 = tpu.vector_load %arg9[%get3A_368] {strides = array<i32>} : memref<10000xi32, #tpu.memory_space<vmem>>, vector<16xi32>,
    %get3A_370 = vector.shape_cast %get3A_369 : vector<16xi32> to vector<16xi32>
    %shift_right_logical3A_371 = arith.constant 14 : i32
    %shift_right_logical3A_372 = vector.broadcast %shift_right_logical3A_371 : i32 to vector<16xi32>
    %shift_right_logical3A_373 = arith.shrui %get3A_370, %shift_right_logical3A_372 : vector<16xi32>
    %swap3A_374 = arith.constant 0 : i32
    %swap3A_375 = arith.index_cast %swap3A_374 : i32 to index
    %swap3A_376 = arith.constant 16 : index
    %swap3A_377 = tpu.vector_load %arg10[%swap3A_375, %swap3A_376] {strides = array<i32>} : memref<3x80xi32, #tpu.memory_space<vmem>>, vector<1x16xi32>,
    %swap3A_378 = vector.shape_cast %swap3A_377 : vector<1x16xi32> to vector<16xi32>
    %swap3A_379 = vector.shape_cast %shift_right_logical3A_373 : vector<16xi32> to vector<1x16xi32>
    tpu.vector_store %arg10[%swap3A_375, %swap3A_376], %swap3A_379 {strides = array<i32>} : memref<3x80xi32, #tpu.memory_space<vmem>>, vector<1x16xi32>,
    %and3A_380 = arith.constant 16383 : i32
    %and3A_381 = vector.broadcast %and3A_380 : i32 to vector<16xi32>
    %and3A_382 = arith.andi %get3A_370, %and3A_381 : vector<16xi32>
    %swap3A_383 = arith.constant 16 : index
    %swap3A_384 = tpu.vector_load %arg11[%swap3A_383] {strides = array<i32>} : memref<80xi32, #tpu.memory_space<vmem>>, vector<16xi32>,
    %swap3A_385 = vector.shape_cast %swap3A_384 : vector<16xi32> to vector<16xi32>
    %swap3A_386 = vector.shape_cast %and3A_382 : vector<16xi32> to vector<16xi32>
    tpu.vector_store %arg11[%swap3A_383], %swap3A_386 {strides = array<i32>} : memref<80xi32, #tpu.memory_space<vmem>>, vector<16xi32>,
    %get3A_387 = arith.constant 272 : index
    %get3A_388 = tpu.vector_load %arg9[%get3A_387] {strides = array<i32>} : memref<10000xi32, #tpu.memory_space<vmem>>, vector<16xi32>,
    %get3A_389 = vector.shape_cast %get3A_388 : vector<16xi32> to vector<16xi32>
    %shift_right_logical3A_390 = arith.constant 14 : i32
    %shift_right_logical3A_391 = vector.broadcast %shift_right_logical3A_390 : i32 to vector<16xi32>
    %shift_right_logical3A_392 = arith.shrui %get3A_389, %shift_right_logical3A_391 : vector<16xi32>
    %swap3A_393 = arith.constant 0 : i32
    %swap3A_394 = arith.index_cast %swap3A_393 : i32 to index
    %swap3A_395 = arith.constant 32 : index
    %swap3A_396 = tpu.vector_load %arg10[%swap3A_394, %swap3A_395] {strides = array<i32>} : memref<3x80xi32, #tpu.memory_space<vmem>>, vector<1x16xi32>,
    %swap3A_397 = vector.shape_cast %swap3A_396 : vector<1x16xi32> to vector<16xi32>
    %swap3A_398 = vector.shape_cast %shift_right_logical3A_392 : vector<16xi32> to vector<1x16xi32>
    tpu.vector_store %arg10[%swap3A_394, %swap3A_395], %swap3A_398 {strides = array<i32>} : memref<3x80xi32, #tpu.memory_space<vmem>>, vector<1x16xi32>,
    %and3A_399 = arith.constant 16383 : i32
    %and3A_400 = vector.broadcast %and3A_399 : i32 to vector<16xi32>
    %and3A_401 = arith.andi %get3A_389, %and3A_400 : vector<16xi32>
    %swap3A_402 = arith.constant 32 : index
    %swap3A_403 = tpu.vector_load %arg11[%swap3A_402] {strides = array<i32>} : memref<80xi32, #tpu.memory_space<vmem>>, vector<16xi32>,
    %swap3A_404 = vector.shape_cast %swap3A_403 : vector<16xi32> to vector<16xi32>
    %swap3A_405 = vector.shape_cast %and3A_401 : vector<16xi32> to vector<16xi32>
    tpu.vector_store %arg11[%swap3A_402], %swap3A_405 {strides = array<i32>} : memref<80xi32, #tpu.memory_space<vmem>>, vector<16xi32>,
    %get3A_406 = arith.constant 288 : index
    %get3A_407 = tpu.vector_load %arg9[%get3A_406] {strides = array<i32>} : memref<10000xi32, #tpu.memory_space<vmem>>, vector<16xi32>,
    %get3A_408 = vector.shape_cast %get3A_407 : vector<16xi32> to vector<16xi32>
    %shift_right_logical3A_409 = arith.constant 14 : i32
    %shift_right_logical3A_410 = vector.broadcast %shift_right_logical3A_409 : i32 to vector<16xi32>
    %shift_right_logical3A_411 = arith.shrui %get3A_408, %shift_right_logical3A_410 : vector<16xi32>
    %swap3A_412 = arith.constant 0 : i32
    %swap3A_413 = arith.index_cast %swap3A_412 : i32 to index
    %swap3A_414 = arith.constant 48 : index
    %swap3A_415 = tpu.vector_load %arg10[%swap3A_413, %swap3A_414] {strides = array<i32>} : memref<3x80xi32, #tpu.memory_space<vmem>>, vector<1x16xi32>,
    %swap3A_416 = vector.shape_cast %swap3A_415 : vector<1x16xi32> to vector<16xi32>
    %swap3A_417 = vector.shape_cast %shift_right_logical3A_411 : vector<16xi32> to vector<1x16xi32>
    tpu.vector_store %arg10[%swap3A_413, %swap3A_414], %swap3A_417 {strides = array<i32>} : memref<3x80xi32, #tpu.memory_space<vmem>>, vector<1x16xi32>,
    %and3A_418 = arith.constant 16383 : i32
    %and3A_419 = vector.broadcast %and3A_418 : i32 to vector<16xi32>
    %and3A_420 = arith.andi %get3A_408, %and3A_419 : vector<16xi32>
    %swap3A_421 = arith.constant 48 : index
    %swap3A_422 = tpu.vector_load %arg11[%swap3A_421] {strides = array<i32>} : memref<80xi32, #tpu.memory_space<vmem>>, vector<16xi32>,
    %swap3A_423 = vector.shape_cast %swap3A_422 : vector<16xi32> to vector<16xi32>
    %swap3A_424 = vector.shape_cast %and3A_420 : vector<16xi32> to vector<16xi32>
    tpu.vector_store %arg11[%swap3A_421], %swap3A_424 {strides = array<i32>} : memref<80xi32, #tpu.memory_space<vmem>>, vector<16xi32>,
    %get3A_425 = arith.constant 304 : index
    %get3A_426 = tpu.vector_load %arg9[%get3A_425] {strides = array<i32>} : memref<10000xi32, #tpu.memory_space<vmem>>, vector<16xi32>,
    %get3A_427 = vector.shape_cast %get3A_426 : vector<16xi32> to vector<16xi32>
    %shift_right_logical3A_428 = arith.constant 14 : i32
    %shift_right_logical3A_429 = vector.broadcast %shift_right_logical3A_428 : i32 to vector<16xi32>
    %shift_right_logical3A_430 = arith.shrui %get3A_427, %shift_right_logical3A_429 : vector<16xi32>
    %swap3A_431 = arith.constant 0 : i32
    %swap3A_432 = arith.index_cast %swap3A_431 : i32 to index
    %swap3A_433 = arith.constant 64 : index
    %swap3A_434 = tpu.vector_load %arg10[%swap3A_432, %swap3A_433] {strides = array<i32>} : memref<3x80xi32, #tpu.memory_space<vmem>>, vector<1x16xi32>,
    %swap3A_435 = vector.shape_cast %swap3A_434 : vector<1x16xi32> to vector<16xi32>
    %swap3A_436 = vector.shape_cast %shift_right_logical3A_430 : vector<16xi32> to vector<1x16xi32>
    tpu.vector_store %arg10[%swap3A_432, %swap3A_433], %swap3A_436 {strides = array<i32>} : memref<3x80xi32, #tpu.memory_space<vmem>>, vector<1x16xi32>,
    %and3A_437 = arith.constant 16383 : i32
    %and3A_438 = vector.broadcast %and3A_437 : i32 to vector<16xi32>
    %and3A_439 = arith.andi %get3A_427, %and3A_438 : vector<16xi32>
    %swap3A_440 = arith.constant 64 : index
    %swap3A_441 = tpu.vector_load %arg11[%swap3A_440] {strides = array<i32>} : memref<80xi32, #tpu.memory_space<vmem>>, vector<16xi32>,
    %swap3A_442 = vector.shape_cast %swap3A_441 : vector<16xi32> to vector<16xi32>
    %swap3A_443 = vector.shape_cast %and3A_439 : vector<16xi32> to vector<16xi32>
    tpu.vector_store %arg11[%swap3A_440], %swap3A_443 {strides = array<i32>} : memref<80xi32, #tpu.memory_space<vmem>>, vector<16xi32>,
    %eq3A_444 = arith.constant 0 : i32
    %eq3A_445 = arith.cmpi eq, %arg0, %eq3A_444 : i32
    %convert_element_type3A_446 = arith.extui %eq3A_445 : i1 to i32
    %cond3A_447 = arith.constant 0 : i32
    %cond3A_448 = arith.constant 0 : i32
    %cond3A_449 = arith.cmpi ne, %convert_element_type3A_446, %cond3A_448 : i32
    scf.if %cond3A_449 {
      %dma_start3A_620 = arith.constant 0 : i32
      %dma_start3A_621 = tpu.memref_slice %arg10[%cond3A_447, %dma_start3A_620] : memref<3x80xi32, #tpu.memory_space<vmem>> -> memref<1x80xi32, #tpu.memory_space<vmem>>
      %dma_start3A_622 = tpu.memref_squeeze %dma_start3A_621 : memref<1x80xi32, #tpu.memory_space<vmem>> -> memref<80xi32, #tpu.memory_space<vmem>>
      %dma_start3A_623 = arith.constant 0 : i32
      %dma_start3A_624 = arith.constant 0 : i32
      %dma_start3A_625 = tpu.memref_slice %arg2[%dma_start3A_623, %dma_start3A_624] : memref<10000x128xf32, #tpu.memory_space<hbm>> -> memref<10000x128xf32, #tpu.memory_space<hbm>>
      tpu.enqueue_indirect_dma source(%dma_start3A_625 : memref<10000x128xf32, #tpu.memory_space<hbm>>) target(%arg14 : memref<80x128xf32, #tpu.memory_space<vmem>>) offsets(%dma_start3A_622 : memref<80xi32, #tpu.memory_space<vmem>>) semaphore(%arg20 : memref<!tpu.dma_semaphore, #tpu.memory_space<semaphore_mem>>)
    } else {
    }
    %eq3A_450 = arith.constant 1 : i32
    %eq3A_451 = arith.cmpi eq, %arg0, %eq3A_450 : i32
    %convert_element_type3A_452 = arith.extui %eq3A_451 : i1 to i32
    %cond3A_453 = arith.constant 0 : i32
    %cond3A_454 = arith.constant 0 : i32
    %cond3A_455 = arith.cmpi ne, %convert_element_type3A_452, %cond3A_454 : i32
    scf.if %cond3A_455 {
      %dma_start3A_620 = arith.constant 0 : i32
      %dma_start3A_621 = tpu.memref_slice %arg10[%cond3A_453, %dma_start3A_620] : memref<3x80xi32, #tpu.memory_space<vmem>> -> memref<1x80xi32, #tpu.memory_space<vmem>>
      %dma_start3A_622 = tpu.memref_squeeze %dma_start3A_621 : memref<1x80xi32, #tpu.memory_space<vmem>> -> memref<80xi32, #tpu.memory_space<vmem>>
      %dma_start3A_623 = arith.constant 0 : i32
      %dma_start3A_624 = arith.constant 0 : i32
      %dma_start3A_625 = tpu.memref_slice %arg3[%dma_start3A_623, %dma_start3A_624] : memref<10000x128xf32, #tpu.memory_space<hbm>> -> memref<10000x128xf32, #tpu.memory_space<hbm>>
      tpu.enqueue_indirect_dma source(%dma_start3A_625 : memref<10000x128xf32, #tpu.memory_space<hbm>>) target(%arg14 : memref<80x128xf32, #tpu.memory_space<vmem>>) offsets(%dma_start3A_622 : memref<80xi32, #tpu.memory_space<vmem>>) semaphore(%arg20 : memref<!tpu.dma_semaphore, #tpu.memory_space<semaphore_mem>>)
    } else {
    }
    %scan3A = arith.constant 0 : i32
    %scan3A_456 = arith.constant 40 : i32
    %scan3A_457 = arith.addi %scan3A, %scan3A_456 : i32
    %scan3A_458 = arith.constant 1 : i32
    scf.for %scan3A_620 = %scan3A to %scan3A_457 step %scan3A_458  : i32 {
      %mul3A_621 = arith.constant 1 : i32
      %mul3A_622 = arith.muli %scan3A_620, %mul3A_621 : i32
      %add3A = arith.constant 0 : i32
      %add3A_623 = arith.addi %add3A, %mul3A_622 : i32
      %mul3A_624 = arith.constant 3 : i32
      %mul3A_625 = arith.muli %mul3A_624, %add3A_623 : i32
      %add3A_626 = arith.constant 2 : i32
      %add3A_627 = arith.addi %mul3A_625, %add3A_626 : i32
      %dma_wait3A_628 = arith.constant 2 : i32
      %dma_wait3A_629 = arith.constant 0 : i32
      %dma_wait3A_630 = tpu.memref_slice %arg10[%dma_wait3A_628, %dma_wait3A_629] : memref<3x80xi32, #tpu.memory_space<vmem>> -> memref<1x80xi32, #tpu.memory_space<vmem>>
      %dma_wait3A_631 = tpu.memref_squeeze %dma_wait3A_630 : memref<1x80xi32, #tpu.memory_space<vmem>> -> memref<80xi32, #tpu.memory_space<vmem>>
      %dma_wait3A_632 = arith.constant 0 : i32
      %dma_wait3A_633 = arith.constant 0 : i32
      %dma_wait3A_634 = tpu.memref_slice %arg2[%dma_wait3A_632, %dma_wait3A_633] : memref<10000x128xf32, #tpu.memory_space<hbm>> -> memref<10000x128xf32, #tpu.memory_space<hbm>>
      tpu.wait_indirect_dma semaphore(%arg22 : memref<!tpu.dma_semaphore, #tpu.memory_space<semaphore_mem>>) src(%dma_wait3A_634 : memref<10000x128xf32, #tpu.memory_space<hbm>>) dst(%arg16 : memref<80x128xf32, #tpu.memory_space<vmem>>)
      %dma_start3A_635 = arith.constant 0 : i32
      %dma_start3A_636 = arith.constant 0 : i32
      %dma_start3A_637 = tpu.memref_slice %arg18[%dma_start3A_635, %dma_start3A_636] : memref<10016x128xf32, #tpu.memory_space<vmem_shared>> -> memref<10016x128xf32, #tpu.memory_space<vmem_shared>>
      tpu.enqueue_indirect_dma source(%arg16 : memref<80x128xf32, #tpu.memory_space<vmem>>) target(%dma_start3A_637 : memref<10016x128xf32, #tpu.memory_space<vmem_shared>>) offsets(%arg13 : memref<80xi32, #tpu.memory_space<vmem>>) semaphore(%arg25 : memref<!tpu.dma_semaphore, #tpu.memory_space<semaphore_mem>>) {add = true}
      %dma_wait3A_638 = arith.constant 0 : i32
      %dma_wait3A_639 = arith.constant 0 : i32
      %dma_wait3A_640 = tpu.memref_slice %arg18[%dma_wait3A_638, %dma_wait3A_639] : memref<10016x128xf32, #tpu.memory_space<vmem_shared>> -> memref<10016x128xf32, #tpu.memory_space<vmem_shared>>
      tpu.wait_indirect_dma semaphore(%arg24 : memref<!tpu.dma_semaphore, #tpu.memory_space<semaphore_mem>>) src(%arg15 : memref<80x128xf32, #tpu.memory_space<vmem>>) dst(%dma_wait3A_640 : memref<10016x128xf32, #tpu.memory_space<vmem_shared>>)
      %add3A_641 = arith.constant 2 : i32
      %add3A_642 = arith.addi %add3A_627, %add3A_641 : i32
      %mul3A_643 = arith.constant 80 : i32
      %mul3A_644 = arith.muli %add3A_642, %mul3A_643 : i32
      %add3A_645 = arith.constant 0 : i32
      %add3A_646 = arith.addi %mul3A_644, %add3A_645 : i32
      %get3A_647 = arith.index_cast %add3A_646 : i32 to index
      %get3A_648 = tpu.vector_load %arg9[%get3A_647] {strides = array<i32>} : memref<10000xi32, #tpu.memory_space<vmem>>, vector<16xi32>,
      %get3A_649 = vector.shape_cast %get3A_648 : vector<16xi32> to vector<16xi32>
      %shift_right_logical3A_650 = arith.constant 14 : i32
      %shift_right_logical3A_651 = vector.broadcast %shift_right_logical3A_650 : i32 to vector<16xi32>
      %shift_right_logical3A_652 = arith.shrui %get3A_649, %shift_right_logical3A_651 : vector<16xi32>
      %swap3A_653 = arith.constant 1 : i32
      %swap3A_654 = arith.index_cast %swap3A_653 : i32 to index
      %swap3A_655 = arith.constant 0 : index
      %swap3A_656 = tpu.vector_load %arg10[%swap3A_654, %swap3A_655] {strides = array<i32>} : memref<3x80xi32, #tpu.memory_space<vmem>>, vector<1x16xi32>,
      %swap3A_657 = vector.shape_cast %swap3A_656 : vector<1x16xi32> to vector<16xi32>
      %swap3A_658 = vector.shape_cast %shift_right_logical3A_652 : vector<16xi32> to vector<1x16xi32>
      tpu.vector_store %arg10[%swap3A_654, %swap3A_655], %swap3A_658 {strides = array<i32>} : memref<3x80xi32, #tpu.memory_space<vmem>>, vector<1x16xi32>,
      %and3A_659 = arith.constant 16383 : i32
      %and3A_660 = vector.broadcast %and3A_659 : i32 to vector<16xi32>
      %and3A_661 = arith.andi %get3A_649, %and3A_660 : vector<16xi32>
      %swap3A_662 = arith.constant 0 : index
      %swap3A_663 = tpu.vector_load %arg12[%swap3A_662] {strides = array<i32>} : memref<80xi32, #tpu.memory_space<vmem>>, vector<16xi32>,
      %swap3A_664 = vector.shape_cast %swap3A_663 : vector<16xi32> to vector<16xi32>
      %swap3A_665 = vector.shape_cast %and3A_661 : vector<16xi32> to vector<16xi32>
      tpu.vector_store %arg12[%swap3A_662], %swap3A_665 {strides = array<i32>} : memref<80xi32, #tpu.memory_space<vmem>>, vector<16xi32>,
      %mul3A_666 = arith.constant 80 : i32
      %mul3A_667 = arith.muli %add3A_642, %mul3A_666 : i32
      %add3A_668 = arith.constant 16 : i32
      %add3A_669 = arith.addi %mul3A_667, %add3A_668 : i32
      %get3A_670 = arith.index_cast %add3A_669 : i32 to index
      %get3A_671 = tpu.vector_load %arg9[%get3A_670] {strides = array<i32>} : memref<10000xi32, #tpu.memory_space<vmem>>, vector<16xi32>,
      %get3A_672 = vector.shape_cast %get3A_671 : vector<16xi32> to vector<16xi32>
      %shift_right_logical3A_673 = arith.constant 14 : i32
      %shift_right_logical3A_674 = vector.broadcast %shift_right_logical3A_673 : i32 to vector<16xi32>
      %shift_right_logical3A_675 = arith.shrui %get3A_672, %shift_right_logical3A_674 : vector<16xi32>
      %swap3A_676 = arith.constant 1 : i32
      %swap3A_677 = arith.index_cast %swap3A_676 : i32 to index
      %swap3A_678 = arith.constant 16 : index
      %swap3A_679 = tpu.vector_load %arg10[%swap3A_677, %swap3A_678] {strides = array<i32>} : memref<3x80xi32, #tpu.memory_space<vmem>>, vector<1x16xi32>,
      %swap3A_680 = vector.shape_cast %swap3A_679 : vector<1x16xi32> to vector<16xi32>
      %swap3A_681 = vector.shape_cast %shift_right_logical3A_675 : vector<16xi32> to vector<1x16xi32>
      tpu.vector_store %arg10[%swap3A_677, %swap3A_678], %swap3A_681 {strides = array<i32>} : memref<3x80xi32, #tpu.memory_space<vmem>>, vector<1x16xi32>,
      %and3A_682 = arith.constant 16383 : i32
      %and3A_683 = vector.broadcast %and3A_682 : i32 to vector<16xi32>
      %and3A_684 = arith.andi %get3A_672, %and3A_683 : vector<16xi32>
      %swap3A_685 = arith.constant 16 : index
      %swap3A_686 = tpu.vector_load %arg12[%swap3A_685] {strides = array<i32>} : memref<80xi32, #tpu.memory_space<vmem>>, vector<16xi32>,
      %swap3A_687 = vector.shape_cast %swap3A_686 : vector<16xi32> to vector<16xi32>
      %swap3A_688 = vector.shape_cast %and3A_684 : vector<16xi32> to vector<16xi32>
      tpu.vector_store %arg12[%swap3A_685], %swap3A_688 {strides = array<i32>} : memref<80xi32, #tpu.memory_space<vmem>>, vector<16xi32>,
      %mul3A_689 = arith.constant 80 : i32
      %mul3A_690 = arith.muli %add3A_642, %mul3A_689 : i32
      %add3A_691 = arith.constant 32 : i32
      %add3A_692 = arith.addi %mul3A_690, %add3A_691 : i32
      %get3A_693 = arith.index_cast %add3A_692 : i32 to index
      %get3A_694 = tpu.vector_load %arg9[%get3A_693] {strides = array<i32>} : memref<10000xi32, #tpu.memory_space<vmem>>, vector<16xi32>,
      %get3A_695 = vector.shape_cast %get3A_694 : vector<16xi32> to vector<16xi32>
      %shift_right_logical3A_696 = arith.constant 14 : i32
      %shift_right_logical3A_697 = vector.broadcast %shift_right_logical3A_696 : i32 to vector<16xi32>
      %shift_right_logical3A_698 = arith.shrui %get3A_695, %shift_right_logical3A_697 : vector<16xi32>
      %swap3A_699 = arith.constant 1 : i32
      %swap3A_700 = arith.index_cast %swap3A_699 : i32 to index
      %swap3A_701 = arith.constant 32 : index
      %swap3A_702 = tpu.vector_load %arg10[%swap3A_700, %swap3A_701] {strides = array<i32>} : memref<3x80xi32, #tpu.memory_space<vmem>>, vector<1x16xi32>,
      %swap3A_703 = vector.shape_cast %swap3A_702 : vector<1x16xi32> to vector<16xi32>
      %swap3A_704 = vector.shape_cast %shift_right_logical3A_698 : vector<16xi32> to vector<1x16xi32>
      tpu.vector_store %arg10[%swap3A_700, %swap3A_701], %swap3A_704 {strides = array<i32>} : memref<3x80xi32, #tpu.memory_space<vmem>>, vector<1x16xi32>,
      %and3A_705 = arith.constant 16383 : i32
      %and3A_706 = vector.broadcast %and3A_705 : i32 to vector<16xi32>
      %and3A_707 = arith.andi %get3A_695, %and3A_706 : vector<16xi32>
      %swap3A_708 = arith.constant 32 : index
      %swap3A_709 = tpu.vector_load %arg12[%swap3A_708] {strides = array<i32>} : memref<80xi32, #tpu.memory_space<vmem>>, vector<16xi32>,
      %swap3A_710 = vector.shape_cast %swap3A_709 : vector<16xi32> to vector<16xi32>
      %swap3A_711 = vector.shape_cast %and3A_707 : vector<16xi32> to vector<16xi32>
      tpu.vector_store %arg12[%swap3A_708], %swap3A_711 {strides = array<i32>} : memref<80xi32, #tpu.memory_space<vmem>>, vector<16xi32>,
      %mul3A_712 = arith.constant 80 : i32
      %mul3A_713 = arith.muli %add3A_642, %mul3A_712 : i32
      %add3A_714 = arith.constant 48 : i32
      %add3A_715 = arith.addi %mul3A_713, %add3A_714 : i32
      %get3A_716 = arith.index_cast %add3A_715 : i32 to index
      %get3A_717 = tpu.vector_load %arg9[%get3A_716] {strides = array<i32>} : memref<10000xi32, #tpu.memory_space<vmem>>, vector<16xi32>,
      %get3A_718 = vector.shape_cast %get3A_717 : vector<16xi32> to vector<16xi32>
      %shift_right_logical3A_719 = arith.constant 14 : i32
      %shift_right_logical3A_720 = vector.broadcast %shift_right_logical3A_719 : i32 to vector<16xi32>
      %shift_right_logical3A_721 = arith.shrui %get3A_718, %shift_right_logical3A_720 : vector<16xi32>
      %swap3A_722 = arith.constant 1 : i32
      %swap3A_723 = arith.index_cast %swap3A_722 : i32 to index
      %swap3A_724 = arith.constant 48 : index
      %swap3A_725 = tpu.vector_load %arg10[%swap3A_723, %swap3A_724] {strides = array<i32>} : memref<3x80xi32, #tpu.memory_space<vmem>>, vector<1x16xi32>,
      %swap3A_726 = vector.shape_cast %swap3A_725 : vector<1x16xi32> to vector<16xi32>
      %swap3A_727 = vector.shape_cast %shift_right_logical3A_721 : vector<16xi32> to vector<1x16xi32>
      tpu.vector_store %arg10[%swap3A_723, %swap3A_724], %swap3A_727 {strides = array<i32>} : memref<3x80xi32, #tpu.memory_space<vmem>>, vector<1x16xi32>,
      %and3A_728 = arith.constant 16383 : i32
      %and3A_729 = vector.broadcast %and3A_728 : i32 to vector<16xi32>
      %and3A_730 = arith.andi %get3A_718, %and3A_729 : vector<16xi32>
      %swap3A_731 = arith.constant 48 : index
      %swap3A_732 = tpu.vector_load %arg12[%swap3A_731] {strides = array<i32>} : memref<80xi32, #tpu.memory_space<vmem>>, vector<16xi32>,
      %swap3A_733 = vector.shape_cast %swap3A_732 : vector<16xi32> to vector<16xi32>
      %swap3A_734 = vector.shape_cast %and3A_730 : vector<16xi32> to vector<16xi32>
      tpu.vector_store %arg12[%swap3A_731], %swap3A_734 {strides = array<i32>} : memref<80xi32, #tpu.memory_space<vmem>>, vector<16xi32>,
      %mul3A_735 = arith.constant 80 : i32
      %mul3A_736 = arith.muli %add3A_642, %mul3A_735 : i32
      %add3A_737 = arith.constant 64 : i32
      %add3A_738 = arith.addi %mul3A_736, %add3A_737 : i32
      %get3A_739 = arith.index_cast %add3A_738 : i32 to index
      %get3A_740 = tpu.vector_load %arg9[%get3A_739] {strides = array<i32>} : memref<10000xi32, #tpu.memory_space<vmem>>, vector<16xi32>,
      %get3A_741 = vector.shape_cast %get3A_740 : vector<16xi32> to vector<16xi32>
      %shift_right_logical3A_742 = arith.constant 14 : i32
      %shift_right_logical3A_743 = vector.broadcast %shift_right_logical3A_742 : i32 to vector<16xi32>
      %shift_right_logical3A_744 = arith.shrui %get3A_741, %shift_right_logical3A_743 : vector<16xi32>
      %swap3A_745 = arith.constant 1 : i32
      %swap3A_746 = arith.index_cast %swap3A_745 : i32 to index
      %swap3A_747 = arith.constant 64 : index
      %swap3A_748 = tpu.vector_load %arg10[%swap3A_746, %swap3A_747] {strides = array<i32>} : memref<3x80xi32, #tpu.memory_space<vmem>>, vector<1x16xi32>,
      %swap3A_749 = vector.shape_cast %swap3A_748 : vector<1x16xi32> to vector<16xi32>
      %swap3A_750 = vector.shape_cast %shift_right_logical3A_744 : vector<16xi32> to vector<1x16xi32>
      tpu.vector_store %arg10[%swap3A_746, %swap3A_747], %swap3A_750 {strides = array<i32>} : memref<3x80xi32, #tpu.memory_space<vmem>>, vector<1x16xi32>,
      %and3A_751 = arith.constant 16383 : i32
      %and3A_752 = vector.broadcast %and3A_751 : i32 to vector<16xi32>
      %and3A_753 = arith.andi %get3A_741, %and3A_752 : vector<16xi32>
      %swap3A_754 = arith.constant 64 : index
      %swap3A_755 = tpu.vector_load %arg12[%swap3A_754] {strides = array<i32>} : memref<80xi32, #tpu.memory_space<vmem>>, vector<16xi32>,
      %swap3A_756 = vector.shape_cast %swap3A_755 : vector<16xi32> to vector<16xi32>
      %swap3A_757 = vector.shape_cast %and3A_753 : vector<16xi32> to vector<16xi32>
      tpu.vector_store %arg12[%swap3A_754], %swap3A_757 {strides = array<i32>} : memref<80xi32, #tpu.memory_space<vmem>>, vector<16xi32>,
      %add3A_758 = arith.constant 2 : i32
      %add3A_759 = arith.addi %add3A_627, %add3A_758 : i32
      %eq3A_760 = arith.constant 0 : i32
      %eq3A_761 = arith.cmpi eq, %arg0, %eq3A_760 : i32
      %convert_element_type3A_762 = arith.extui %eq3A_761 : i1 to i32
      %cond3A_763 = arith.constant 1 : i32
      %cond3A_764 = arith.constant 0 : i32
      %cond3A_765 = arith.cmpi ne, %convert_element_type3A_762, %cond3A_764 : i32
      scf.if %cond3A_765 {
        %dma_start3A_1064 = arith.constant 0 : i32
        %dma_start3A_1065 = tpu.memref_slice %arg10[%cond3A_763, %dma_start3A_1064] : memref<3x80xi32, #tpu.memory_space<vmem>> -> memref<1x80xi32, #tpu.memory_space<vmem>>
        %dma_start3A_1066 = tpu.memref_squeeze %dma_start3A_1065 : memref<1x80xi32, #tpu.memory_space<vmem>> -> memref<80xi32, #tpu.memory_space<vmem>>
        %dma_start3A_1067 = arith.constant 0 : i32
        %dma_start3A_1068 = arith.constant 0 : i32
        %dma_start3A_1069 = tpu.memref_slice %arg2[%dma_start3A_1067, %dma_start3A_1068] : memref<10000x128xf32, #tpu.memory_space<hbm>> -> memref<10000x128xf32, #tpu.memory_space<hbm>>
        tpu.enqueue_indirect_dma source(%dma_start3A_1069 : memref<10000x128xf32, #tpu.memory_space<hbm>>) target(%arg15 : memref<80x128xf32, #tpu.memory_space<vmem>>) offsets(%dma_start3A_1066 : memref<80xi32, #tpu.memory_space<vmem>>) semaphore(%arg21 : memref<!tpu.dma_semaphore, #tpu.memory_space<semaphore_mem>>)
      } else {
      }
      %eq3A_766 = arith.constant 1 : i32
      %eq3A_767 = arith.cmpi eq, %arg0, %eq3A_766 : i32
      %convert_element_type3A_768 = arith.extui %eq3A_767 : i1 to i32
      %cond3A_769 = arith.constant 1 : i32
      %cond3A_770 = arith.constant 0 : i32
      %cond3A_771 = arith.cmpi ne, %convert_element_type3A_768, %cond3A_770 : i32
      scf.if %cond3A_771 {
        %dma_start3A_1064 = arith.constant 0 : i32
        %dma_start3A_1065 = tpu.memref_slice %arg10[%cond3A_769, %dma_start3A_1064] : memref<3x80xi32, #tpu.memory_space<vmem>> -> memref<1x80xi32, #tpu.memory_space<vmem>>
        %dma_start3A_1066 = tpu.memref_squeeze %dma_start3A_1065 : memref<1x80xi32, #tpu.memory_space<vmem>> -> memref<80xi32, #tpu.memory_space<vmem>>
        %dma_start3A_1067 = arith.constant 0 : i32
        %dma_start3A_1068 = arith.constant 0 : i32
        %dma_start3A_1069 = tpu.memref_slice %arg3[%dma_start3A_1067, %dma_start3A_1068] : memref<10000x128xf32, #tpu.memory_space<hbm>> -> memref<10000x128xf32, #tpu.memory_space<hbm>>
        tpu.enqueue_indirect_dma source(%dma_start3A_1069 : memref<10000x128xf32, #tpu.memory_space<hbm>>) target(%arg15 : memref<80x128xf32, #tpu.memory_space<vmem>>) offsets(%dma_start3A_1066 : memref<80xi32, #tpu.memory_space<vmem>>) semaphore(%arg21 : memref<!tpu.dma_semaphore, #tpu.memory_space<semaphore_mem>>)
      } else {
      }
      %add3A_772 = arith.constant 1 : i32
      %add3A_773 = arith.addi %add3A_627, %add3A_772 : i32
      %dma_wait3A_774 = arith.constant 0 : i32
      %dma_wait3A_775 = arith.constant 0 : i32
      %dma_wait3A_776 = tpu.memref_slice %arg10[%dma_wait3A_774, %dma_wait3A_775] : memref<3x80xi32, #tpu.memory_space<vmem>> -> memref<1x80xi32, #tpu.memory_space<vmem>>
      %dma_wait3A_777 = tpu.memref_squeeze %dma_wait3A_776 : memref<1x80xi32, #tpu.memory_space<vmem>> -> memref<80xi32, #tpu.memory_space<vmem>>
      %dma_wait3A_778 = arith.constant 0 : i32
      %dma_wait3A_779 = arith.constant 0 : i32
      %dma_wait3A_780 = tpu.memref_slice %arg2[%dma_wait3A_778, %dma_wait3A_779] : memref<10000x128xf32, #tpu.memory_space<hbm>> -> memref<10000x128xf32, #tpu.memory_space<hbm>>
      tpu.wait_indirect_dma semaphore(%arg20 : memref<!tpu.dma_semaphore, #tpu.memory_space<semaphore_mem>>) src(%dma_wait3A_780 : memref<10000x128xf32, #tpu.memory_space<hbm>>) dst(%arg14 : memref<80x128xf32, #tpu.memory_space<vmem>>)
      %dma_start3A_781 = arith.constant 0 : i32
      %dma_start3A_782 = arith.constant 0 : i32
      %dma_start3A_783 = tpu.memref_slice %arg18[%dma_start3A_781, %dma_start3A_782] : memref<10016x128xf32, #tpu.memory_space<vmem_shared>> -> memref<10016x128xf32, #tpu.memory_space<vmem_shared>>
      tpu.enqueue_indirect_dma source(%arg14 : memref<80x128xf32, #tpu.memory_space<vmem>>) target(%dma_start3A_783 : memref<10016x128xf32, #tpu.memory_space<vmem_shared>>) offsets(%arg11 : memref<80xi32, #tpu.memory_space<vmem>>) semaphore(%arg23 : memref<!tpu.dma_semaphore, #tpu.memory_space<semaphore_mem>>) {add = true}
      %dma_wait3A_784 = arith.constant 0 : i32
      %dma_wait3A_785 = arith.constant 0 : i32
      %dma_wait3A_786 = tpu.memref_slice %arg18[%dma_wait3A_784, %dma_wait3A_785] : memref<10016x128xf32, #tpu.memory_space<vmem_shared>> -> memref<10016x128xf32, #tpu.memory_space<vmem_shared>>
      tpu.wait_indirect_dma semaphore(%arg25 : memref<!tpu.dma_semaphore, #tpu.memory_space<semaphore_mem>>) src(%arg16 : memref<80x128xf32, #tpu.memory_space<vmem>>) dst(%dma_wait3A_786 : memref<10016x128xf32, #tpu.memory_space<vmem_shared>>)
      %add3A_787 = arith.constant 2 : i32
      %add3A_788 = arith.addi %add3A_773, %add3A_787 : i32
      %mul3A_789 = arith.constant 80 : i32
      %mul3A_790 = arith.muli %add3A_788, %mul3A_789 : i32
      %add3A_791 = arith.constant 0 : i32
      %add3A_792 = arith.addi %mul3A_790, %add3A_791 : i32
      %get3A_793 = arith.index_cast %add3A_792 : i32 to index
      %get3A_794 = tpu.vector_load %arg9[%get3A_793] {strides = array<i32>} : memref<10000xi32, #tpu.memory_space<vmem>>, vector<16xi32>,
      %get3A_795 = vector.shape_cast %get3A_794 : vector<16xi32> to vector<16xi32>
      %shift_right_logical3A_796 = arith.constant 14 : i32
      %shift_right_logical3A_797 = vector.broadcast %shift_right_logical3A_796 : i32 to vector<16xi32>
      %shift_right_logical3A_798 = arith.shrui %get3A_795, %shift_right_logical3A_797 : vector<16xi32>
      %swap3A_799 = arith.constant 2 : i32
      %swap3A_800 = arith.index_cast %swap3A_799 : i32 to index
      %swap3A_801 = arith.constant 0 : index
      %swap3A_802 = tpu.vector_load %arg10[%swap3A_800, %swap3A_801] {strides = array<i32>} : memref<3x80xi32, #tpu.memory_space<vmem>>, vector<1x16xi32>,
      %swap3A_803 = vector.shape_cast %swap3A_802 : vector<1x16xi32> to vector<16xi32>
      %swap3A_804 = vector.shape_cast %shift_right_logical3A_798 : vector<16xi32> to vector<1x16xi32>
      tpu.vector_store %arg10[%swap3A_800, %swap3A_801], %swap3A_804 {strides = array<i32>} : memref<3x80xi32, #tpu.memory_space<vmem>>, vector<1x16xi32>,
      %and3A_805 = arith.constant 16383 : i32
      %and3A_806 = vector.broadcast %and3A_805 : i32 to vector<16xi32>
      %and3A_807 = arith.andi %get3A_795, %and3A_806 : vector<16xi32>
      %swap3A_808 = arith.constant 0 : index
      %swap3A_809 = tpu.vector_load %arg13[%swap3A_808] {strides = array<i32>} : memref<80xi32, #tpu.memory_space<vmem>>, vector<16xi32>,
      %swap3A_810 = vector.shape_cast %swap3A_809 : vector<16xi32> to vector<16xi32>
      %swap3A_811 = vector.shape_cast %and3A_807 : vector<16xi32> to vector<16xi32>
      tpu.vector_store %arg13[%swap3A_808], %swap3A_811 {strides = array<i32>} : memref<80xi32, #tpu.memory_space<vmem>>, vector<16xi32>,
      %mul3A_812 = arith.constant 80 : i32
      %mul3A_813 = arith.muli %add3A_788, %mul3A_812 : i32
      %add3A_814 = arith.constant 16 : i32
      %add3A_815 = arith.addi %mul3A_813, %add3A_814 : i32
      %get3A_816 = arith.index_cast %add3A_815 : i32 to index
      %get3A_817 = tpu.vector_load %arg9[%get3A_816] {strides = array<i32>} : memref<10000xi32, #tpu.memory_space<vmem>>, vector<16xi32>,
      %get3A_818 = vector.shape_cast %get3A_817 : vector<16xi32> to vector<16xi32>
      %shift_right_logical3A_819 = arith.constant 14 : i32
      %shift_right_logical3A_820 = vector.broadcast %shift_right_logical3A_819 : i32 to vector<16xi32>
      %shift_right_logical3A_821 = arith.shrui %get3A_818, %shift_right_logical3A_820 : vector<16xi32>
      %swap3A_822 = arith.constant 2 : i32
      %swap3A_823 = arith.index_cast %swap3A_822 : i32 to index
      %swap3A_824 = arith.constant 16 : index
      %swap3A_825 = tpu.vector_load %arg10[%swap3A_823, %swap3A_824] {strides = array<i32>} : memref<3x80xi32, #tpu.memory_space<vmem>>, vector<1x16xi32>,
      %swap3A_826 = vector.shape_cast %swap3A_825 : vector<1x16xi32> to vector<16xi32>
      %swap3A_827 = vector.shape_cast %shift_right_logical3A_821 : vector<16xi32> to vector<1x16xi32>
      tpu.vector_store %arg10[%swap3A_823, %swap3A_824], %swap3A_827 {strides = array<i32>} : memref<3x80xi32, #tpu.memory_space<vmem>>, vector<1x16xi32>,
      %and3A_828 = arith.constant 16383 : i32
      %and3A_829 = vector.broadcast %and3A_828 : i32 to vector<16xi32>
      %and3A_830 = arith.andi %get3A_818, %and3A_829 : vector<16xi32>
      %swap3A_831 = arith.constant 16 : index
      %swap3A_832 = tpu.vector_load %arg13[%swap3A_831] {strides = array<i32>} : memref<80xi32, #tpu.memory_space<vmem>>, vector<16xi32>,
      %swap3A_833 = vector.shape_cast %swap3A_832 : vector<16xi32> to vector<16xi32>
      %swap3A_834 = vector.shape_cast %and3A_830 : vector<16xi32> to vector<16xi32>
      tpu.vector_store %arg13[%swap3A_831], %swap3A_834 {strides = array<i32>} : memref<80xi32, #tpu.memory_space<vmem>>, vector<16xi32>,
      %mul3A_835 = arith.constant 80 : i32
      %mul3A_836 = arith.muli %add3A_788, %mul3A_835 : i32
      %add3A_837 = arith.constant 32 : i32
      %add3A_838 = arith.addi %mul3A_836, %add3A_837 : i32
      %get3A_839 = arith.index_cast %add3A_838 : i32 to index
      %get3A_840 = tpu.vector_load %arg9[%get3A_839] {strides = array<i32>} : memref<10000xi32, #tpu.memory_space<vmem>>, vector<16xi32>,
      %get3A_841 = vector.shape_cast %get3A_840 : vector<16xi32> to vector<16xi32>
      %shift_right_logical3A_842 = arith.constant 14 : i32
      %shift_right_logical3A_843 = vector.broadcast %shift_right_logical3A_842 : i32 to vector<16xi32>
      %shift_right_logical3A_844 = arith.shrui %get3A_841, %shift_right_logical3A_843 : vector<16xi32>
      %swap3A_845 = arith.constant 2 : i32
      %swap3A_846 = arith.index_cast %swap3A_845 : i32 to index
      %swap3A_847 = arith.constant 32 : index
      %swap3A_848 = tpu.vector_load %arg10[%swap3A_846, %swap3A_847] {strides = array<i32>} : memref<3x80xi32, #tpu.memory_space<vmem>>, vector<1x16xi32>,
      %swap3A_849 = vector.shape_cast %swap3A_848 : vector<1x16xi32> to vector<16xi32>
      %swap3A_850 = vector.shape_cast %shift_right_logical3A_844 : vector<16xi32> to vector<1x16xi32>
      tpu.vector_store %arg10[%swap3A_846, %swap3A_847], %swap3A_850 {strides = array<i32>} : memref<3x80xi32, #tpu.memory_space<vmem>>, vector<1x16xi32>,
      %and3A_851 = arith.constant 16383 : i32
      %and3A_852 = vector.broadcast %and3A_851 : i32 to vector<16xi32>
      %and3A_853 = arith.andi %get3A_841, %and3A_852 : vector<16xi32>
      %swap3A_854 = arith.constant 32 : index
      %swap3A_855 = tpu.vector_load %arg13[%swap3A_854] {strides = array<i32>} : memref<80xi32, #tpu.memory_space<vmem>>, vector<16xi32>,
      %swap3A_856 = vector.shape_cast %swap3A_855 : vector<16xi32> to vector<16xi32>
      %swap3A_857 = vector.shape_cast %and3A_853 : vector<16xi32> to vector<16xi32>
      tpu.vector_store %arg13[%swap3A_854], %swap3A_857 {strides = array<i32>} : memref<80xi32, #tpu.memory_space<vmem>>, vector<16xi32>,
      %mul3A_858 = arith.constant 80 : i32
      %mul3A_859 = arith.muli %add3A_788, %mul3A_858 : i32
      %add3A_860 = arith.constant 48 : i32
      %add3A_861 = arith.addi %mul3A_859, %add3A_860 : i32
      %get3A_862 = arith.index_cast %add3A_861 : i32 to index
      %get3A_863 = tpu.vector_load %arg9[%get3A_862] {strides = array<i32>} : memref<10000xi32, #tpu.memory_space<vmem>>, vector<16xi32>,
      %get3A_864 = vector.shape_cast %get3A_863 : vector<16xi32> to vector<16xi32>
      %shift_right_logical3A_865 = arith.constant 14 : i32
      %shift_right_logical3A_866 = vector.broadcast %shift_right_logical3A_865 : i32 to vector<16xi32>
      %shift_right_logical3A_867 = arith.shrui %get3A_864, %shift_right_logical3A_866 : vector<16xi32>
      %swap3A_868 = arith.constant 2 : i32
      %swap3A_869 = arith.index_cast %swap3A_868 : i32 to index
      %swap3A_870 = arith.constant 48 : index
      %swap3A_871 = tpu.vector_load %arg10[%swap3A_869, %swap3A_870] {strides = array<i32>} : memref<3x80xi32, #tpu.memory_space<vmem>>, vector<1x16xi32>,
      %swap3A_872 = vector.shape_cast %swap3A_871 : vector<1x16xi32> to vector<16xi32>
      %swap3A_873 = vector.shape_cast %shift_right_logical3A_867 : vector<16xi32> to vector<1x16xi32>
      tpu.vector_store %arg10[%swap3A_869, %swap3A_870], %swap3A_873 {strides = array<i32>} : memref<3x80xi32, #tpu.memory_space<vmem>>, vector<1x16xi32>,
      %and3A_874 = arith.constant 16383 : i32
      %and3A_875 = vector.broadcast %and3A_874 : i32 to vector<16xi32>
      %and3A_876 = arith.andi %get3A_864, %and3A_875 : vector<16xi32>
      %swap3A_877 = arith.constant 48 : index
      %swap3A_878 = tpu.vector_load %arg13[%swap3A_877] {strides = array<i32>} : memref<80xi32, #tpu.memory_space<vmem>>, vector<16xi32>,
      %swap3A_879 = vector.shape_cast %swap3A_878 : vector<16xi32> to vector<16xi32>
      %swap3A_880 = vector.shape_cast %and3A_876 : vector<16xi32> to vector<16xi32>
      tpu.vector_store %arg13[%swap3A_877], %swap3A_880 {strides = array<i32>} : memref<80xi32, #tpu.memory_space<vmem>>, vector<16xi32>,
      %mul3A_881 = arith.constant 80 : i32
      %mul3A_882 = arith.muli %add3A_788, %mul3A_881 : i32
      %add3A_883 = arith.constant 64 : i32
      %add3A_884 = arith.addi %mul3A_882, %add3A_883 : i32
      %get3A_885 = arith.index_cast %add3A_884 : i32 to index
      %get3A_886 = tpu.vector_load %arg9[%get3A_885] {strides = array<i32>} : memref<10000xi32, #tpu.memory_space<vmem>>, vector<16xi32>,
      %get3A_887 = vector.shape_cast %get3A_886 : vector<16xi32> to vector<16xi32>
      %shift_right_logical3A_888 = arith.constant 14 : i32
      %shift_right_logical3A_889 = vector.broadcast %shift_right_logical3A_888 : i32 to vector<16xi32>
      %shift_right_logical3A_890 = arith.shrui %get3A_887, %shift_right_logical3A_889 : vector<16xi32>
      %swap3A_891 = arith.constant 2 : i32
      %swap3A_892 = arith.index_cast %swap3A_891 : i32 to index
      %swap3A_893 = arith.constant 64 : index
      %swap3A_894 = tpu.vector_load %arg10[%swap3A_892, %swap3A_893] {strides = array<i32>} : memref<3x80xi32, #tpu.memory_space<vmem>>, vector<1x16xi32>,
      %swap3A_895 = vector.shape_cast %swap3A_894 : vector<1x16xi32> to vector<16xi32>
      %swap3A_896 = vector.shape_cast %shift_right_logical3A_890 : vector<16xi32> to vector<1x16xi32>
      tpu.vector_store %arg10[%swap3A_892, %swap3A_893], %swap3A_896 {strides = array<i32>} : memref<3x80xi32, #tpu.memory_space<vmem>>, vector<1x16xi32>,
      %and3A_897 = arith.constant 16383 : i32
      %and3A_898 = vector.broadcast %and3A_897 : i32 to vector<16xi32>
      %and3A_899 = arith.andi %get3A_887, %and3A_898 : vector<16xi32>
      %swap3A_900 = arith.constant 64 : index
      %swap3A_901 = tpu.vector_load %arg13[%swap3A_900] {strides = array<i32>} : memref<80xi32, #tpu.memory_space<vmem>>, vector<16xi32>,
      %swap3A_902 = vector.shape_cast %swap3A_901 : vector<16xi32> to vector<16xi32>
      %swap3A_903 = vector.shape_cast %and3A_899 : vector<16xi32> to vector<16xi32>
      tpu.vector_store %arg13[%swap3A_900], %swap3A_903 {strides = array<i32>} : memref<80xi32, #tpu.memory_space<vmem>>, vector<16xi32>,
      %add3A_904 = arith.constant 2 : i32
      %add3A_905 = arith.addi %add3A_773, %add3A_904 : i32
      %eq3A_906 = arith.constant 0 : i32
      %eq3A_907 = arith.cmpi eq, %arg0, %eq3A_906 : i32
      %convert_element_type3A_908 = arith.extui %eq3A_907 : i1 to i32
      %cond3A_909 = arith.constant 2 : i32
      %cond3A_910 = arith.constant 0 : i32
      %cond3A_911 = arith.cmpi ne, %convert_element_type3A_908, %cond3A_910 : i32
      scf.if %cond3A_911 {
        %dma_start3A_1064 = arith.constant 0 : i32
        %dma_start3A_1065 = tpu.memref_slice %arg10[%cond3A_909, %dma_start3A_1064] : memref<3x80xi32, #tpu.memory_space<vmem>> -> memref<1x80xi32, #tpu.memory_space<vmem>>
        %dma_start3A_1066 = tpu.memref_squeeze %dma_start3A_1065 : memref<1x80xi32, #tpu.memory_space<vmem>> -> memref<80xi32, #tpu.memory_space<vmem>>
        %dma_start3A_1067 = arith.constant 0 : i32
        %dma_start3A_1068 = arith.constant 0 : i32
        %dma_start3A_1069 = tpu.memref_slice %arg2[%dma_start3A_1067, %dma_start3A_1068] : memref<10000x128xf32, #tpu.memory_space<hbm>> -> memref<10000x128xf32, #tpu.memory_space<hbm>>
        tpu.enqueue_indirect_dma source(%dma_start3A_1069 : memref<10000x128xf32, #tpu.memory_space<hbm>>) target(%arg16 : memref<80x128xf32, #tpu.memory_space<vmem>>) offsets(%dma_start3A_1066 : memref<80xi32, #tpu.memory_space<vmem>>) semaphore(%arg22 : memref<!tpu.dma_semaphore, #tpu.memory_space<semaphore_mem>>)
      } else {
      }
      %eq3A_912 = arith.constant 1 : i32
      %eq3A_913 = arith.cmpi eq, %arg0, %eq3A_912 : i32
      %convert_element_type3A_914 = arith.extui %eq3A_913 : i1 to i32
      %cond3A_915 = arith.constant 2 : i32
      %cond3A_916 = arith.constant 0 : i32
      %cond3A_917 = arith.cmpi ne, %convert_element_type3A_914, %cond3A_916 : i32
      scf.if %cond3A_917 {
        %dma_start3A_1064 = arith.constant 0 : i32
        %dma_start3A_1065 = tpu.memref_slice %arg10[%cond3A_915, %dma_start3A_1064] : memref<3x80xi32, #tpu.memory_space<vmem>> -> memref<1x80xi32, #tpu.memory_space<vmem>>
        %dma_start3A_1066 = tpu.memref_squeeze %dma_start3A_1065 : memref<1x80xi32, #tpu.memory_space<vmem>> -> memref<80xi32, #tpu.memory_space<vmem>>
        %dma_start3A_1067 = arith.constant 0 : i32
        %dma_start3A_1068 = arith.constant 0 : i32
        %dma_start3A_1069 = tpu.memref_slice %arg3[%dma_start3A_1067, %dma_start3A_1068] : memref<10000x128xf32, #tpu.memory_space<hbm>> -> memref<10000x128xf32, #tpu.memory_space<hbm>>
        tpu.enqueue_indirect_dma source(%dma_start3A_1069 : memref<10000x128xf32, #tpu.memory_space<hbm>>) target(%arg16 : memref<80x128xf32, #tpu.memory_space<vmem>>) offsets(%dma_start3A_1066 : memref<80xi32, #tpu.memory_space<vmem>>) semaphore(%arg22 : memref<!tpu.dma_semaphore, #tpu.memory_space<semaphore_mem>>)
      } else {
      }
      %add3A_918 = arith.constant 2 : i32
      %add3A_919 = arith.addi %add3A_627, %add3A_918 : i32
      %dma_wait3A_920 = arith.constant 1 : i32
      %dma_wait3A_921 = arith.constant 0 : i32
      %dma_wait3A_922 = tpu.memref_slice %arg10[%dma_wait3A_920, %dma_wait3A_921] : memref<3x80xi32, #tpu.memory_space<vmem>> -> memref<1x80xi32, #tpu.memory_space<vmem>>
      %dma_wait3A_923 = tpu.memref_squeeze %dma_wait3A_922 : memref<1x80xi32, #tpu.memory_space<vmem>> -> memref<80xi32, #tpu.memory_space<vmem>>
      %dma_wait3A_924 = arith.constant 0 : i32
      %dma_wait3A_925 = arith.constant 0 : i32
      %dma_wait3A_926 = tpu.memref_slice %arg2[%dma_wait3A_924, %dma_wait3A_925] : memref<10000x128xf32, #tpu.memory_space<hbm>> -> memref<10000x128xf32, #tpu.memory_space<hbm>>
      tpu.wait_indirect_dma semaphore(%arg21 : memref<!tpu.dma_semaphore, #tpu.memory_space<semaphore_mem>>) src(%dma_wait3A_926 : memref<10000x128xf32, #tpu.memory_space<hbm>>) dst(%arg15 : memref<80x128xf32, #tpu.memory_space<vmem>>)
      %dma_start3A_927 = arith.constant 0 : i32
      %dma_start3A_928 = arith.constant 0 : i32
      %dma_start3A_929 = tpu.memref_slice %arg18[%dma_start3A_927, %dma_start3A_928] : memref<10016x128xf32, #tpu.memory_space<vmem_shared>> -> memref<10016x128xf32, #tpu.memory_space<vmem_shared>>
      tpu.enqueue_indirect_dma source(%arg15 : memref<80x128xf32, #tpu.memory_space<vmem>>) target(%dma_start3A_929 : memref<10016x128xf32, #tpu.memory_space<vmem_shared>>) offsets(%arg12 : memref<80xi32, #tpu.memory_space<vmem>>) semaphore(%arg24 : memref<!tpu.dma_semaphore, #tpu.memory_space<semaphore_mem>>) {add = true}
      %dma_wait3A_930 = arith.constant 0 : i32
      %dma_wait3A_931 = arith.constant 0 : i32
      %dma_wait3A_932 = tpu.memref_slice %arg18[%dma_wait3A_930, %dma_wait3A_931] : memref<10016x128xf32, #tpu.memory_space<vmem_shared>> -> memref<10016x128xf32, #tpu.memory_space<vmem_shared>>
      tpu.wait_indirect_dma semaphore(%arg23 : memref<!tpu.dma_semaphore, #tpu.memory_space<semaphore_mem>>) src(%arg14 : memref<80x128xf32, #tpu.memory_space<vmem>>) dst(%dma_wait3A_932 : memref<10016x128xf32, #tpu.memory_space<vmem_shared>>)
      %add3A_933 = arith.constant 2 : i32
      %add3A_934 = arith.addi %add3A_919, %add3A_933 : i32
      %mul3A_935 = arith.constant 80 : i32
      %mul3A_936 = arith.muli %add3A_934, %mul3A_935 : i32
      %add3A_937 = arith.constant 0 : i32
      %add3A_938 = arith.addi %mul3A_936, %add3A_937 : i32
      %get3A_939 = arith.index_cast %add3A_938 : i32 to index
      %get3A_940 = tpu.vector_load %arg9[%get3A_939] {strides = array<i32>} : memref<10000xi32, #tpu.memory_space<vmem>>, vector<16xi32>,
      %get3A_941 = vector.shape_cast %get3A_940 : vector<16xi32> to vector<16xi32>
      %shift_right_logical3A_942 = arith.constant 14 : i32
      %shift_right_logical3A_943 = vector.broadcast %shift_right_logical3A_942 : i32 to vector<16xi32>
      %shift_right_logical3A_944 = arith.shrui %get3A_941, %shift_right_logical3A_943 : vector<16xi32>
      %swap3A_945 = arith.constant 0 : i32
      %swap3A_946 = arith.index_cast %swap3A_945 : i32 to index
      %swap3A_947 = arith.constant 0 : index
      %swap3A_948 = tpu.vector_load %arg10[%swap3A_946, %swap3A_947] {strides = array<i32>} : memref<3x80xi32, #tpu.memory_space<vmem>>, vector<1x16xi32>,
      %swap3A_949 = vector.shape_cast %swap3A_948 : vector<1x16xi32> to vector<16xi32>
      %swap3A_950 = vector.shape_cast %shift_right_logical3A_944 : vector<16xi32> to vector<1x16xi32>
      tpu.vector_store %arg10[%swap3A_946, %swap3A_947], %swap3A_950 {strides = array<i32>} : memref<3x80xi32, #tpu.memory_space<vmem>>, vector<1x16xi32>,
      %and3A_951 = arith.constant 16383 : i32
      %and3A_952 = vector.broadcast %and3A_951 : i32 to vector<16xi32>
      %and3A_953 = arith.andi %get3A_941, %and3A_952 : vector<16xi32>
      %swap3A_954 = arith.constant 0 : index
      %swap3A_955 = tpu.vector_load %arg11[%swap3A_954] {strides = array<i32>} : memref<80xi32, #tpu.memory_space<vmem>>, vector<16xi32>,
      %swap3A_956 = vector.shape_cast %swap3A_955 : vector<16xi32> to vector<16xi32>
      %swap3A_957 = vector.shape_cast %and3A_953 : vector<16xi32> to vector<16xi32>
      tpu.vector_store %arg11[%swap3A_954], %swap3A_957 {strides = array<i32>} : memref<80xi32, #tpu.memory_space<vmem>>, vector<16xi32>,
      %mul3A_958 = arith.constant 80 : i32
      %mul3A_959 = arith.muli %add3A_934, %mul3A_958 : i32
      %add3A_960 = arith.constant 16 : i32
      %add3A_961 = arith.addi %mul3A_959, %add3A_960 : i32
      %get3A_962 = arith.index_cast %add3A_961 : i32 to index
      %get3A_963 = tpu.vector_load %arg9[%get3A_962] {strides = array<i32>} : memref<10000xi32, #tpu.memory_space<vmem>>, vector<16xi32>,
      %get3A_964 = vector.shape_cast %get3A_963 : vector<16xi32> to vector<16xi32>
      %shift_right_logical3A_965 = arith.constant 14 : i32
      %shift_right_logical3A_966 = vector.broadcast %shift_right_logical3A_965 : i32 to vector<16xi32>
      %shift_right_logical3A_967 = arith.shrui %get3A_964, %shift_right_logical3A_966 : vector<16xi32>
      %swap3A_968 = arith.constant 0 : i32
      %swap3A_969 = arith.index_cast %swap3A_968 : i32 to index
      %swap3A_970 = arith.constant 16 : index
      %swap3A_971 = tpu.vector_load %arg10[%swap3A_969, %swap3A_970] {strides = array<i32>} : memref<3x80xi32, #tpu.memory_space<vmem>>, vector<1x16xi32>,
      %swap3A_972 = vector.shape_cast %swap3A_971 : vector<1x16xi32> to vector<16xi32>
      %swap3A_973 = vector.shape_cast %shift_right_logical3A_967 : vector<16xi32> to vector<1x16xi32>
      tpu.vector_store %arg10[%swap3A_969, %swap3A_970], %swap3A_973 {strides = array<i32>} : memref<3x80xi32, #tpu.memory_space<vmem>>, vector<1x16xi32>,
      %and3A_974 = arith.constant 16383 : i32
      %and3A_975 = vector.broadcast %and3A_974 : i32 to vector<16xi32>
      %and3A_976 = arith.andi %get3A_964, %and3A_975 : vector<16xi32>
      %swap3A_977 = arith.constant 16 : index
      %swap3A_978 = tpu.vector_load %arg11[%swap3A_977] {strides = array<i32>} : memref<80xi32, #tpu.memory_space<vmem>>, vector<16xi32>,
      %swap3A_979 = vector.shape_cast %swap3A_978 : vector<16xi32> to vector<16xi32>
      %swap3A_980 = vector.shape_cast %and3A_976 : vector<16xi32> to vector<16xi32>
      tpu.vector_store %arg11[%swap3A_977], %swap3A_980 {strides = array<i32>} : memref<80xi32, #tpu.memory_space<vmem>>, vector<16xi32>,
      %mul3A_981 = arith.constant 80 : i32
      %mul3A_982 = arith.muli %add3A_934, %mul3A_981 : i32
      %add3A_983 = arith.constant 32 : i32
      %add3A_984 = arith.addi %mul3A_982, %add3A_983 : i32
      %get3A_985 = arith.index_cast %add3A_984 : i32 to index
      %get3A_986 = tpu.vector_load %arg9[%get3A_985] {strides = array<i32>} : memref<10000xi32, #tpu.memory_space<vmem>>, vector<16xi32>,
      %get3A_987 = vector.shape_cast %get3A_986 : vector<16xi32> to vector<16xi32>
      %shift_right_logical3A_988 = arith.constant 14 : i32
      %shift_right_logical3A_989 = vector.broadcast %shift_right_logical3A_988 : i32 to vector<16xi32>
      %shift_right_logical3A_990 = arith.shrui %get3A_987, %shift_right_logical3A_989 : vector<16xi32>
      %swap3A_991 = arith.constant 0 : i32
      %swap3A_992 = arith.index_cast %swap3A_991 : i32 to index
      %swap3A_993 = arith.constant 32 : index
      %swap3A_994 = tpu.vector_load %arg10[%swap3A_992, %swap3A_993] {strides = array<i32>} : memref<3x80xi32, #tpu.memory_space<vmem>>, vector<1x16xi32>,
      %swap3A_995 = vector.shape_cast %swap3A_994 : vector<1x16xi32> to vector<16xi32>
      %swap3A_996 = vector.shape_cast %shift_right_logical3A_990 : vector<16xi32> to vector<1x16xi32>
      tpu.vector_store %arg10[%swap3A_992, %swap3A_993], %swap3A_996 {strides = array<i32>} : memref<3x80xi32, #tpu.memory_space<vmem>>, vector<1x16xi32>,
      %and3A_997 = arith.constant 16383 : i32
      %and3A_998 = vector.broadcast %and3A_997 : i32 to vector<16xi32>
      %and3A_999 = arith.andi %get3A_987, %and3A_998 : vector<16xi32>
      %swap3A_1000 = arith.constant 32 : index
      %swap3A_1001 = tpu.vector_load %arg11[%swap3A_1000] {strides = array<i32>} : memref<80xi32, #tpu.memory_space<vmem>>, vector<16xi32>,
      %swap3A_1002 = vector.shape_cast %swap3A_1001 : vector<16xi32> to vector<16xi32>
      %swap3A_1003 = vector.shape_cast %and3A_999 : vector<16xi32> to vector<16xi32>
      tpu.vector_store %arg11[%swap3A_1000], %swap3A_1003 {strides = array<i32>} : memref<80xi32, #tpu.memory_space<vmem>>, vector<16xi32>,
      %mul3A_1004 = arith.constant 80 : i32
      %mul3A_1005 = arith.muli %add3A_934, %mul3A_1004 : i32
      %add3A_1006 = arith.constant 48 : i32
      %add3A_1007 = arith.addi %mul3A_1005, %add3A_1006 : i32
      %get3A_1008 = arith.index_cast %add3A_1007 : i32 to index
      %get3A_1009 = tpu.vector_load %arg9[%get3A_1008] {strides = array<i32>} : memref<10000xi32, #tpu.memory_space<vmem>>, vector<16xi32>,
      %get3A_1010 = vector.shape_cast %get3A_1009 : vector<16xi32> to vector<16xi32>
      %shift_right_logical3A_1011 = arith.constant 14 : i32
      %shift_right_logical3A_1012 = vector.broadcast %shift_right_logical3A_1011 : i32 to vector<16xi32>
      %shift_right_logical3A_1013 = arith.shrui %get3A_1010, %shift_right_logical3A_1012 : vector<16xi32>
      %swap3A_1014 = arith.constant 0 : i32
      %swap3A_1015 = arith.index_cast %swap3A_1014 : i32 to index
      %swap3A_1016 = arith.constant 48 : index
      %swap3A_1017 = tpu.vector_load %arg10[%swap3A_1015, %swap3A_1016] {strides = array<i32>} : memref<3x80xi32, #tpu.memory_space<vmem>>, vector<1x16xi32>,
      %swap3A_1018 = vector.shape_cast %swap3A_1017 : vector<1x16xi32> to vector<16xi32>
      %swap3A_1019 = vector.shape_cast %shift_right_logical3A_1013 : vector<16xi32> to vector<1x16xi32>
      tpu.vector_store %arg10[%swap3A_1015, %swap3A_1016], %swap3A_1019 {strides = array<i32>} : memref<3x80xi32, #tpu.memory_space<vmem>>, vector<1x16xi32>,
      %and3A_1020 = arith.constant 16383 : i32
      %and3A_1021 = vector.broadcast %and3A_1020 : i32 to vector<16xi32>
      %and3A_1022 = arith.andi %get3A_1010, %and3A_1021 : vector<16xi32>
      %swap3A_1023 = arith.constant 48 : index
      %swap3A_1024 = tpu.vector_load %arg11[%swap3A_1023] {strides = array<i32>} : memref<80xi32, #tpu.memory_space<vmem>>, vector<16xi32>,
      %swap3A_1025 = vector.shape_cast %swap3A_1024 : vector<16xi32> to vector<16xi32>
      %swap3A_1026 = vector.shape_cast %and3A_1022 : vector<16xi32> to vector<16xi32>
      tpu.vector_store %arg11[%swap3A_1023], %swap3A_1026 {strides = array<i32>} : memref<80xi32, #tpu.memory_space<vmem>>, vector<16xi32>,
      %mul3A_1027 = arith.constant 80 : i32
      %mul3A_1028 = arith.muli %add3A_934, %mul3A_1027 : i32
      %add3A_1029 = arith.constant 64 : i32
      %add3A_1030 = arith.addi %mul3A_1028, %add3A_1029 : i32
      %get3A_1031 = arith.index_cast %add3A_1030 : i32 to index
      %get3A_1032 = tpu.vector_load %arg9[%get3A_1031] {strides = array<i32>} : memref<10000xi32, #tpu.memory_space<vmem>>, vector<16xi32>,
      %get3A_1033 = vector.shape_cast %get3A_1032 : vector<16xi32> to vector<16xi32>
      %shift_right_logical3A_1034 = arith.constant 14 : i32
      %shift_right_logical3A_1035 = vector.broadcast %shift_right_logical3A_1034 : i32 to vector<16xi32>
      %shift_right_logical3A_1036 = arith.shrui %get3A_1033, %shift_right_logical3A_1035 : vector<16xi32>
      %swap3A_1037 = arith.constant 0 : i32
      %swap3A_1038 = arith.index_cast %swap3A_1037 : i32 to index
      %swap3A_1039 = arith.constant 64 : index
      %swap3A_1040 = tpu.vector_load %arg10[%swap3A_1038, %swap3A_1039] {strides = array<i32>} : memref<3x80xi32, #tpu.memory_space<vmem>>, vector<1x16xi32>,
      %swap3A_1041 = vector.shape_cast %swap3A_1040 : vector<1x16xi32> to vector<16xi32>
      %swap3A_1042 = vector.shape_cast %shift_right_logical3A_1036 : vector<16xi32> to vector<1x16xi32>
      tpu.vector_store %arg10[%swap3A_1038, %swap3A_1039], %swap3A_1042 {strides = array<i32>} : memref<3x80xi32, #tpu.memory_space<vmem>>, vector<1x16xi32>,
      %and3A_1043 = arith.constant 16383 : i32
      %and3A_1044 = vector.broadcast %and3A_1043 : i32 to vector<16xi32>
      %and3A_1045 = arith.andi %get3A_1033, %and3A_1044 : vector<16xi32>
      %swap3A_1046 = arith.constant 64 : index
      %swap3A_1047 = tpu.vector_load %arg11[%swap3A_1046] {strides = array<i32>} : memref<80xi32, #tpu.memory_space<vmem>>, vector<16xi32>,
      %swap3A_1048 = vector.shape_cast %swap3A_1047 : vector<16xi32> to vector<16xi32>
      %swap3A_1049 = vector.shape_cast %and3A_1045 : vector<16xi32> to vector<16xi32>
      tpu.vector_store %arg11[%swap3A_1046], %swap3A_1049 {strides = array<i32>} : memref<80xi32, #tpu.memory_space<vmem>>, vector<16xi32>,
      %add3A_1050 = arith.constant 2 : i32
      %add3A_1051 = arith.addi %add3A_919, %add3A_1050 : i32
      %eq3A_1052 = arith.constant 0 : i32
      %eq3A_1053 = arith.cmpi eq, %arg0, %eq3A_1052 : i32
      %convert_element_type3A_1054 = arith.extui %eq3A_1053 : i1 to i32
      %cond3A_1055 = arith.constant 0 : i32
      %cond3A_1056 = arith.constant 0 : i32
      %cond3A_1057 = arith.cmpi ne, %convert_element_type3A_1054, %cond3A_1056 : i32
      scf.if %cond3A_1057 {
        %dma_start3A_1064 = arith.constant 0 : i32
        %dma_start3A_1065 = tpu.memref_slice %arg10[%cond3A_1055, %dma_start3A_1064] : memref<3x80xi32, #tpu.memory_space<vmem>> -> memref<1x80xi32, #tpu.memory_space<vmem>>
        %dma_start3A_1066 = tpu.memref_squeeze %dma_start3A_1065 : memref<1x80xi32, #tpu.memory_space<vmem>> -> memref<80xi32, #tpu.memory_space<vmem>>
        %dma_start3A_1067 = arith.constant 0 : i32
        %dma_start3A_1068 = arith.constant 0 : i32
        %dma_start3A_1069 = tpu.memref_slice %arg2[%dma_start3A_1067, %dma_start3A_1068] : memref<10000x128xf32, #tpu.memory_space<hbm>> -> memref<10000x128xf32, #tpu.memory_space<hbm>>
        tpu.enqueue_indirect_dma source(%dma_start3A_1069 : memref<10000x128xf32, #tpu.memory_space<hbm>>) target(%arg14 : memref<80x128xf32, #tpu.memory_space<vmem>>) offsets(%dma_start3A_1066 : memref<80xi32, #tpu.memory_space<vmem>>) semaphore(%arg20 : memref<!tpu.dma_semaphore, #tpu.memory_space<semaphore_mem>>)
      } else {
      }
      %eq3A_1058 = arith.constant 1 : i32
      %eq3A_1059 = arith.cmpi eq, %arg0, %eq3A_1058 : i32
      %convert_element_type3A_1060 = arith.extui %eq3A_1059 : i1 to i32
      %cond3A_1061 = arith.constant 0 : i32
      %cond3A_1062 = arith.constant 0 : i32
      %cond3A_1063 = arith.cmpi ne, %convert_element_type3A_1060, %cond3A_1062 : i32
      scf.if %cond3A_1063 {
        %dma_start3A_1064 = arith.constant 0 : i32
        %dma_start3A_1065 = tpu.memref_slice %arg10[%cond3A_1061, %dma_start3A_1064] : memref<3x80xi32, #tpu.memory_space<vmem>> -> memref<1x80xi32, #tpu.memory_space<vmem>>
        %dma_start3A_1066 = tpu.memref_squeeze %dma_start3A_1065 : memref<1x80xi32, #tpu.memory_space<vmem>> -> memref<80xi32, #tpu.memory_space<vmem>>
        %dma_start3A_1067 = arith.constant 0 : i32
        %dma_start3A_1068 = arith.constant 0 : i32
        %dma_start3A_1069 = tpu.memref_slice %arg3[%dma_start3A_1067, %dma_start3A_1068] : memref<10000x128xf32, #tpu.memory_space<hbm>> -> memref<10000x128xf32, #tpu.memory_space<hbm>>
        tpu.enqueue_indirect_dma source(%dma_start3A_1069 : memref<10000x128xf32, #tpu.memory_space<hbm>>) target(%arg14 : memref<80x128xf32, #tpu.memory_space<vmem>>) offsets(%dma_start3A_1066 : memref<80xi32, #tpu.memory_space<vmem>>) semaphore(%arg20 : memref<!tpu.dma_semaphore, #tpu.memory_space<semaphore_mem>>)
      } else {
      }
    }
    %scan3A_459 = arith.constant 40 : i32
    %dma_wait3A_460 = arith.constant 2 : i32
    %dma_wait3A_461 = arith.constant 0 : i32
    %dma_wait3A_462 = tpu.memref_slice %arg10[%dma_wait3A_460, %dma_wait3A_461] : memref<3x80xi32, #tpu.memory_space<vmem>> -> memref<1x80xi32, #tpu.memory_space<vmem>>
    %dma_wait3A_463 = tpu.memref_squeeze %dma_wait3A_462 : memref<1x80xi32, #tpu.memory_space<vmem>> -> memref<80xi32, #tpu.memory_space<vmem>>
    %dma_wait3A_464 = arith.constant 0 : i32
    %dma_wait3A_465 = arith.constant 0 : i32
    %dma_wait3A_466 = tpu.memref_slice %arg2[%dma_wait3A_464, %dma_wait3A_465] : memref<10000x128xf32, #tpu.memory_space<hbm>> -> memref<10000x128xf32, #tpu.memory_space<hbm>>
    tpu.wait_indirect_dma semaphore(%arg22 : memref<!tpu.dma_semaphore, #tpu.memory_space<semaphore_mem>>) src(%dma_wait3A_466 : memref<10000x128xf32, #tpu.memory_space<hbm>>) dst(%arg16 : memref<80x128xf32, #tpu.memory_space<vmem>>)
    %dma_start3A_467 = arith.constant 0 : i32
    %dma_start3A_468 = arith.constant 0 : i32
    %dma_start3A_469 = tpu.memref_slice %arg18[%dma_start3A_467, %dma_start3A_468] : memref<10016x128xf32, #tpu.memory_space<vmem_shared>> -> memref<10016x128xf32, #tpu.memory_space<vmem_shared>>
    tpu.enqueue_indirect_dma source(%arg16 : memref<80x128xf32, #tpu.memory_space<vmem>>) target(%dma_start3A_469 : memref<10016x128xf32, #tpu.memory_space<vmem_shared>>) offsets(%arg13 : memref<80xi32, #tpu.memory_space<vmem>>) semaphore(%arg25 : memref<!tpu.dma_semaphore, #tpu.memory_space<semaphore_mem>>) {add = true}
    %dma_wait3A_470 = arith.constant 0 : i32
    %dma_wait3A_471 = arith.constant 0 : i32
    %dma_wait3A_472 = tpu.memref_slice %arg18[%dma_wait3A_470, %dma_wait3A_471] : memref<10016x128xf32, #tpu.memory_space<vmem_shared>> -> memref<10016x128xf32, #tpu.memory_space<vmem_shared>>
    tpu.wait_indirect_dma semaphore(%arg24 : memref<!tpu.dma_semaphore, #tpu.memory_space<semaphore_mem>>) src(%arg15 : memref<80x128xf32, #tpu.memory_space<vmem>>) dst(%dma_wait3A_472 : memref<10016x128xf32, #tpu.memory_space<vmem_shared>>)
    %get3A_473 = arith.constant 9920 : index
    %get3A_474 = tpu.vector_load %arg9[%get3A_473] {strides = array<i32>} : memref<10000xi32, #tpu.memory_space<vmem>>, vector<16xi32>,
    %get3A_475 = vector.shape_cast %get3A_474 : vector<16xi32> to vector<16xi32>
    %shift_right_logical3A_476 = arith.constant 14 : i32
    %shift_right_logical3A_477 = vector.broadcast %shift_right_logical3A_476 : i32 to vector<16xi32>
    %shift_right_logical3A_478 = arith.shrui %get3A_475, %shift_right_logical3A_477 : vector<16xi32>
    %swap3A_479 = arith.constant 1 : i32
    %swap3A_480 = arith.index_cast %swap3A_479 : i32 to index
    %swap3A_481 = arith.constant 0 : index
    %swap3A_482 = tpu.vector_load %arg10[%swap3A_480, %swap3A_481] {strides = array<i32>} : memref<3x80xi32, #tpu.memory_space<vmem>>, vector<1x16xi32>,
    %swap3A_483 = vector.shape_cast %swap3A_482 : vector<1x16xi32> to vector<16xi32>
    %swap3A_484 = vector.shape_cast %shift_right_logical3A_478 : vector<16xi32> to vector<1x16xi32>
    tpu.vector_store %arg10[%swap3A_480, %swap3A_481], %swap3A_484 {strides = array<i32>} : memref<3x80xi32, #tpu.memory_space<vmem>>, vector<1x16xi32>,
    %and3A_485 = arith.constant 16383 : i32
    %and3A_486 = vector.broadcast %and3A_485 : i32 to vector<16xi32>
    %and3A_487 = arith.andi %get3A_475, %and3A_486 : vector<16xi32>
    %swap3A_488 = arith.constant 0 : index
    %swap3A_489 = tpu.vector_load %arg12[%swap3A_488] {strides = array<i32>} : memref<80xi32, #tpu.memory_space<vmem>>, vector<16xi32>,
    %swap3A_490 = vector.shape_cast %swap3A_489 : vector<16xi32> to vector<16xi32>
    %swap3A_491 = vector.shape_cast %and3A_487 : vector<16xi32> to vector<16xi32>
    tpu.vector_store %arg12[%swap3A_488], %swap3A_491 {strides = array<i32>} : memref<80xi32, #tpu.memory_space<vmem>>, vector<16xi32>,
    %get3A_492 = arith.constant 9936 : index
    %get3A_493 = tpu.vector_load %arg9[%get3A_492] {strides = array<i32>} : memref<10000xi32, #tpu.memory_space<vmem>>, vector<16xi32>,
    %get3A_494 = vector.shape_cast %get3A_493 : vector<16xi32> to vector<16xi32>
    %shift_right_logical3A_495 = arith.constant 14 : i32
    %shift_right_logical3A_496 = vector.broadcast %shift_right_logical3A_495 : i32 to vector<16xi32>
    %shift_right_logical3A_497 = arith.shrui %get3A_494, %shift_right_logical3A_496 : vector<16xi32>
    %swap3A_498 = arith.constant 1 : i32
    %swap3A_499 = arith.index_cast %swap3A_498 : i32 to index
    %swap3A_500 = arith.constant 16 : index
    %swap3A_501 = tpu.vector_load %arg10[%swap3A_499, %swap3A_500] {strides = array<i32>} : memref<3x80xi32, #tpu.memory_space<vmem>>, vector<1x16xi32>,
    %swap3A_502 = vector.shape_cast %swap3A_501 : vector<1x16xi32> to vector<16xi32>
    %swap3A_503 = vector.shape_cast %shift_right_logical3A_497 : vector<16xi32> to vector<1x16xi32>
    tpu.vector_store %arg10[%swap3A_499, %swap3A_500], %swap3A_503 {strides = array<i32>} : memref<3x80xi32, #tpu.memory_space<vmem>>, vector<1x16xi32>,
    %and3A_504 = arith.constant 16383 : i32
    %and3A_505 = vector.broadcast %and3A_504 : i32 to vector<16xi32>
    %and3A_506 = arith.andi %get3A_494, %and3A_505 : vector<16xi32>
    %swap3A_507 = arith.constant 16 : index
    %swap3A_508 = tpu.vector_load %arg12[%swap3A_507] {strides = array<i32>} : memref<80xi32, #tpu.memory_space<vmem>>, vector<16xi32>,
    %swap3A_509 = vector.shape_cast %swap3A_508 : vector<16xi32> to vector<16xi32>
    %swap3A_510 = vector.shape_cast %and3A_506 : vector<16xi32> to vector<16xi32>
    tpu.vector_store %arg12[%swap3A_507], %swap3A_510 {strides = array<i32>} : memref<80xi32, #tpu.memory_space<vmem>>, vector<16xi32>,
    %get3A_511 = arith.constant 9952 : index
    %get3A_512 = tpu.vector_load %arg9[%get3A_511] {strides = array<i32>} : memref<10000xi32, #tpu.memory_space<vmem>>, vector<16xi32>,
    %get3A_513 = vector.shape_cast %get3A_512 : vector<16xi32> to vector<16xi32>
    %shift_right_logical3A_514 = arith.constant 14 : i32
    %shift_right_logical3A_515 = vector.broadcast %shift_right_logical3A_514 : i32 to vector<16xi32>
    %shift_right_logical3A_516 = arith.shrui %get3A_513, %shift_right_logical3A_515 : vector<16xi32>
    %swap3A_517 = arith.constant 1 : i32
    %swap3A_518 = arith.index_cast %swap3A_517 : i32 to index
    %swap3A_519 = arith.constant 32 : index
    %swap3A_520 = tpu.vector_load %arg10[%swap3A_518, %swap3A_519] {strides = array<i32>} : memref<3x80xi32, #tpu.memory_space<vmem>>, vector<1x16xi32>,
    %swap3A_521 = vector.shape_cast %swap3A_520 : vector<1x16xi32> to vector<16xi32>
    %swap3A_522 = vector.shape_cast %shift_right_logical3A_516 : vector<16xi32> to vector<1x16xi32>
    tpu.vector_store %arg10[%swap3A_518, %swap3A_519], %swap3A_522 {strides = array<i32>} : memref<3x80xi32, #tpu.memory_space<vmem>>, vector<1x16xi32>,
    %and3A_523 = arith.constant 16383 : i32
    %and3A_524 = vector.broadcast %and3A_523 : i32 to vector<16xi32>
    %and3A_525 = arith.andi %get3A_513, %and3A_524 : vector<16xi32>
    %swap3A_526 = arith.constant 32 : index
    %swap3A_527 = tpu.vector_load %arg12[%swap3A_526] {strides = array<i32>} : memref<80xi32, #tpu.memory_space<vmem>>, vector<16xi32>,
    %swap3A_528 = vector.shape_cast %swap3A_527 : vector<16xi32> to vector<16xi32>
    %swap3A_529 = vector.shape_cast %and3A_525 : vector<16xi32> to vector<16xi32>
    tpu.vector_store %arg12[%swap3A_526], %swap3A_529 {strides = array<i32>} : memref<80xi32, #tpu.memory_space<vmem>>, vector<16xi32>,
    %get3A_530 = arith.constant 9968 : index
    %get3A_531 = tpu.vector_load %arg9[%get3A_530] {strides = array<i32>} : memref<10000xi32, #tpu.memory_space<vmem>>, vector<16xi32>,
    %get3A_532 = vector.shape_cast %get3A_531 : vector<16xi32> to vector<16xi32>
    %shift_right_logical3A_533 = arith.constant 14 : i32
    %shift_right_logical3A_534 = vector.broadcast %shift_right_logical3A_533 : i32 to vector<16xi32>
    %shift_right_logical3A_535 = arith.shrui %get3A_532, %shift_right_logical3A_534 : vector<16xi32>
    %swap3A_536 = arith.constant 1 : i32
    %swap3A_537 = arith.index_cast %swap3A_536 : i32 to index
    %swap3A_538 = arith.constant 48 : index
    %swap3A_539 = tpu.vector_load %arg10[%swap3A_537, %swap3A_538] {strides = array<i32>} : memref<3x80xi32, #tpu.memory_space<vmem>>, vector<1x16xi32>,
    %swap3A_540 = vector.shape_cast %swap3A_539 : vector<1x16xi32> to vector<16xi32>
    %swap3A_541 = vector.shape_cast %shift_right_logical3A_535 : vector<16xi32> to vector<1x16xi32>
    tpu.vector_store %arg10[%swap3A_537, %swap3A_538], %swap3A_541 {strides = array<i32>} : memref<3x80xi32, #tpu.memory_space<vmem>>, vector<1x16xi32>,
    %and3A_542 = arith.constant 16383 : i32
    %and3A_543 = vector.broadcast %and3A_542 : i32 to vector<16xi32>
    %and3A_544 = arith.andi %get3A_532, %and3A_543 : vector<16xi32>
    %swap3A_545 = arith.constant 48 : index
    %swap3A_546 = tpu.vector_load %arg12[%swap3A_545] {strides = array<i32>} : memref<80xi32, #tpu.memory_space<vmem>>, vector<16xi32>,
    %swap3A_547 = vector.shape_cast %swap3A_546 : vector<16xi32> to vector<16xi32>
    %swap3A_548 = vector.shape_cast %and3A_544 : vector<16xi32> to vector<16xi32>
    tpu.vector_store %arg12[%swap3A_545], %swap3A_548 {strides = array<i32>} : memref<80xi32, #tpu.memory_space<vmem>>, vector<16xi32>,
    %get3A_549 = arith.constant 9984 : index
    %get3A_550 = tpu.vector_load %arg9[%get3A_549] {strides = array<i32>} : memref<10000xi32, #tpu.memory_space<vmem>>, vector<16xi32>,
    %get3A_551 = vector.shape_cast %get3A_550 : vector<16xi32> to vector<16xi32>
    %shift_right_logical3A_552 = arith.constant 14 : i32
    %shift_right_logical3A_553 = vector.broadcast %shift_right_logical3A_552 : i32 to vector<16xi32>
    %shift_right_logical3A_554 = arith.shrui %get3A_551, %shift_right_logical3A_553 : vector<16xi32>
    %swap3A_555 = arith.constant 1 : i32
    %swap3A_556 = arith.index_cast %swap3A_555 : i32 to index
    %swap3A_557 = arith.constant 64 : index
    %swap3A_558 = tpu.vector_load %arg10[%swap3A_556, %swap3A_557] {strides = array<i32>} : memref<3x80xi32, #tpu.memory_space<vmem>>, vector<1x16xi32>,
    %swap3A_559 = vector.shape_cast %swap3A_558 : vector<1x16xi32> to vector<16xi32>
    %swap3A_560 = vector.shape_cast %shift_right_logical3A_554 : vector<16xi32> to vector<1x16xi32>
    tpu.vector_store %arg10[%swap3A_556, %swap3A_557], %swap3A_560 {strides = array<i32>} : memref<3x80xi32, #tpu.memory_space<vmem>>, vector<1x16xi32>,
    %and3A_561 = arith.constant 16383 : i32
    %and3A_562 = vector.broadcast %and3A_561 : i32 to vector<16xi32>
    %and3A_563 = arith.andi %get3A_551, %and3A_562 : vector<16xi32>
    %swap3A_564 = arith.constant 64 : index
    %swap3A_565 = tpu.vector_load %arg12[%swap3A_564] {strides = array<i32>} : memref<80xi32, #tpu.memory_space<vmem>>, vector<16xi32>,
    %swap3A_566 = vector.shape_cast %swap3A_565 : vector<16xi32> to vector<16xi32>
    %swap3A_567 = vector.shape_cast %and3A_563 : vector<16xi32> to vector<16xi32>
    tpu.vector_store %arg12[%swap3A_564], %swap3A_567 {strides = array<i32>} : memref<80xi32, #tpu.memory_space<vmem>>, vector<16xi32>,
    %eq3A_568 = arith.constant 0 : i32
    %eq3A_569 = arith.cmpi eq, %arg0, %eq3A_568 : i32
    %convert_element_type3A_570 = arith.extui %eq3A_569 : i1 to i32
    %cond3A_571 = arith.constant 1 : i32
    %cond3A_572 = arith.constant 0 : i32
    %cond3A_573 = arith.cmpi ne, %convert_element_type3A_570, %cond3A_572 : i32
    scf.if %cond3A_573 {
      %dma_start3A_620 = arith.constant 0 : i32
      %dma_start3A_621 = tpu.memref_slice %arg10[%cond3A_571, %dma_start3A_620] : memref<3x80xi32, #tpu.memory_space<vmem>> -> memref<1x80xi32, #tpu.memory_space<vmem>>
      %dma_start3A_622 = tpu.memref_squeeze %dma_start3A_621 : memref<1x80xi32, #tpu.memory_space<vmem>> -> memref<80xi32, #tpu.memory_space<vmem>>
      %dma_start3A_623 = arith.constant 0 : i32
      %dma_start3A_624 = arith.constant 0 : i32
      %dma_start3A_625 = tpu.memref_slice %arg2[%dma_start3A_623, %dma_start3A_624] : memref<10000x128xf32, #tpu.memory_space<hbm>> -> memref<10000x128xf32, #tpu.memory_space<hbm>>
      tpu.enqueue_indirect_dma source(%dma_start3A_625 : memref<10000x128xf32, #tpu.memory_space<hbm>>) target(%arg15 : memref<80x128xf32, #tpu.memory_space<vmem>>) offsets(%dma_start3A_622 : memref<80xi32, #tpu.memory_space<vmem>>) semaphore(%arg21 : memref<!tpu.dma_semaphore, #tpu.memory_space<semaphore_mem>>)
    } else {
    }
    %eq3A_574 = arith.constant 1 : i32
    %eq3A_575 = arith.cmpi eq, %arg0, %eq3A_574 : i32
    %convert_element_type3A_576 = arith.extui %eq3A_575 : i1 to i32
    %cond3A_577 = arith.constant 1 : i32
    %cond3A_578 = arith.constant 0 : i32
    %cond3A_579 = arith.cmpi ne, %convert_element_type3A_576, %cond3A_578 : i32
    scf.if %cond3A_579 {
      %dma_start3A_620 = arith.constant 0 : i32
      %dma_start3A_621 = tpu.memref_slice %arg10[%cond3A_577, %dma_start3A_620] : memref<3x80xi32, #tpu.memory_space<vmem>> -> memref<1x80xi32, #tpu.memory_space<vmem>>
      %dma_start3A_622 = tpu.memref_squeeze %dma_start3A_621 : memref<1x80xi32, #tpu.memory_space<vmem>> -> memref<80xi32, #tpu.memory_space<vmem>>
      %dma_start3A_623 = arith.constant 0 : i32
      %dma_start3A_624 = arith.constant 0 : i32
      %dma_start3A_625 = tpu.memref_slice %arg3[%dma_start3A_623, %dma_start3A_624] : memref<10000x128xf32, #tpu.memory_space<hbm>> -> memref<10000x128xf32, #tpu.memory_space<hbm>>
      tpu.enqueue_indirect_dma source(%dma_start3A_625 : memref<10000x128xf32, #tpu.memory_space<hbm>>) target(%arg15 : memref<80x128xf32, #tpu.memory_space<vmem>>) offsets(%dma_start3A_622 : memref<80xi32, #tpu.memory_space<vmem>>) semaphore(%arg21 : memref<!tpu.dma_semaphore, #tpu.memory_space<semaphore_mem>>)
    } else {
    }
    %dma_wait3A_580 = arith.constant 0 : i32
    %dma_wait3A_581 = arith.constant 0 : i32
    %dma_wait3A_582 = tpu.memref_slice %arg10[%dma_wait3A_580, %dma_wait3A_581] : memref<3x80xi32, #tpu.memory_space<vmem>> -> memref<1x80xi32, #tpu.memory_space<vmem>>
    %dma_wait3A_583 = tpu.memref_squeeze %dma_wait3A_582 : memref<1x80xi32, #tpu.memory_space<vmem>> -> memref<80xi32, #tpu.memory_space<vmem>>
    %dma_wait3A_584 = arith.constant 0 : i32
    %dma_wait3A_585 = arith.constant 0 : i32
    %dma_wait3A_586 = tpu.memref_slice %arg2[%dma_wait3A_584, %dma_wait3A_585] : memref<10000x128xf32, #tpu.memory_space<hbm>> -> memref<10000x128xf32, #tpu.memory_space<hbm>>
    tpu.wait_indirect_dma semaphore(%arg20 : memref<!tpu.dma_semaphore, #tpu.memory_space<semaphore_mem>>) src(%dma_wait3A_586 : memref<10000x128xf32, #tpu.memory_space<hbm>>) dst(%arg14 : memref<80x128xf32, #tpu.memory_space<vmem>>)
    %dma_start3A_587 = arith.constant 0 : i32
    %dma_start3A_588 = arith.constant 0 : i32
    %dma_start3A_589 = tpu.memref_slice %arg18[%dma_start3A_587, %dma_start3A_588] : memref<10016x128xf32, #tpu.memory_space<vmem_shared>> -> memref<10016x128xf32, #tpu.memory_space<vmem_shared>>
    tpu.enqueue_indirect_dma source(%arg14 : memref<80x128xf32, #tpu.memory_space<vmem>>) target(%dma_start3A_589 : memref<10016x128xf32, #tpu.memory_space<vmem_shared>>) offsets(%arg11 : memref<80xi32, #tpu.memory_space<vmem>>) semaphore(%arg23 : memref<!tpu.dma_semaphore, #tpu.memory_space<semaphore_mem>>) {add = true}
    %dma_wait3A_590 = arith.constant 1 : i32
    %dma_wait3A_591 = arith.constant 0 : i32
    %dma_wait3A_592 = tpu.memref_slice %arg10[%dma_wait3A_590, %dma_wait3A_591] : memref<3x80xi32, #tpu.memory_space<vmem>> -> memref<1x80xi32, #tpu.memory_space<vmem>>
    %dma_wait3A_593 = tpu.memref_squeeze %dma_wait3A_592 : memref<1x80xi32, #tpu.memory_space<vmem>> -> memref<80xi32, #tpu.memory_space<vmem>>
    %dma_wait3A_594 = arith.constant 0 : i32
    %dma_wait3A_595 = arith.constant 0 : i32
    %dma_wait3A_596 = tpu.memref_slice %arg2[%dma_wait3A_594, %dma_wait3A_595] : memref<10000x128xf32, #tpu.memory_space<hbm>> -> memref<10000x128xf32, #tpu.memory_space<hbm>>
    tpu.wait_indirect_dma semaphore(%arg21 : memref<!tpu.dma_semaphore, #tpu.memory_space<semaphore_mem>>) src(%dma_wait3A_596 : memref<10000x128xf32, #tpu.memory_space<hbm>>) dst(%arg15 : memref<80x128xf32, #tpu.memory_space<vmem>>)
    %dma_start3A_597 = arith.constant 0 : i32
    %dma_start3A_598 = arith.constant 0 : i32
    %dma_start3A_599 = tpu.memref_slice %arg18[%dma_start3A_597, %dma_start3A_598] : memref<10016x128xf32, #tpu.memory_space<vmem_shared>> -> memref<10016x128xf32, #tpu.memory_space<vmem_shared>>
    tpu.enqueue_indirect_dma source(%arg15 : memref<80x128xf32, #tpu.memory_space<vmem>>) target(%dma_start3A_599 : memref<10016x128xf32, #tpu.memory_space<vmem_shared>>) offsets(%arg12 : memref<80xi32, #tpu.memory_space<vmem>>) semaphore(%arg24 : memref<!tpu.dma_semaphore, #tpu.memory_space<semaphore_mem>>) {add = true}
    %dma_wait3A_600 = arith.constant 0 : i32
    %dma_wait3A_601 = arith.constant 0 : i32
    %dma_wait3A_602 = tpu.memref_slice %arg18[%dma_wait3A_600, %dma_wait3A_601] : memref<10016x128xf32, #tpu.memory_space<vmem_shared>> -> memref<10016x128xf32, #tpu.memory_space<vmem_shared>>
    tpu.wait_indirect_dma semaphore(%arg25 : memref<!tpu.dma_semaphore, #tpu.memory_space<semaphore_mem>>) src(%arg16 : memref<80x128xf32, #tpu.memory_space<vmem>>) dst(%dma_wait3A_602 : memref<10016x128xf32, #tpu.memory_space<vmem_shared>>)
    %dma_wait3A_603 = arith.constant 0 : i32
    %dma_wait3A_604 = arith.constant 0 : i32
    %dma_wait3A_605 = tpu.memref_slice %arg18[%dma_wait3A_603, %dma_wait3A_604] : memref<10016x128xf32, #tpu.memory_space<vmem_shared>> -> memref<10016x128xf32, #tpu.memory_space<vmem_shared>>
    tpu.wait_indirect_dma semaphore(%arg23 : memref<!tpu.dma_semaphore, #tpu.memory_space<semaphore_mem>>) src(%arg14 : memref<80x128xf32, #tpu.memory_space<vmem>>) dst(%dma_wait3A_605 : memref<10016x128xf32, #tpu.memory_space<vmem_shared>>)
    %dma_wait3A_606 = arith.constant 0 : i32
    %dma_wait3A_607 = arith.constant 0 : i32
    %dma_wait3A_608 = tpu.memref_slice %arg18[%dma_wait3A_606, %dma_wait3A_607] : memref<10016x128xf32, #tpu.memory_space<vmem_shared>> -> memref<10016x128xf32, #tpu.memory_space<vmem_shared>>
    tpu.wait_indirect_dma semaphore(%arg24 : memref<!tpu.dma_semaphore, #tpu.memory_space<semaphore_mem>>) src(%arg15 : memref<80x128xf32, #tpu.memory_space<vmem>>) dst(%dma_wait3A_608 : memref<10016x128xf32, #tpu.memory_space<vmem_shared>>)
    %barrier3A_609 = arith.constant 0 : index
    tpu.barrier barrier_id(%barrier3A_609)
    %eq3A_610 = arith.constant 0 : i32
    %eq3A_611 = arith.cmpi eq, %arg0, %eq3A_610 : i32
    %convert_element_type3A_612 = arith.extui %eq3A_611 : i1 to i32
    %cond3A_613 = arith.constant 0 : i32
    %cond3A_614 = arith.cmpi ne, %convert_element_type3A_612, %cond3A_613 : i32
    scf.if %cond3A_614 {
      %mul3A_620 = arith.constant 624 : i32
      %mul3A_621 = arith.muli %arg1, %mul3A_620 : i32
      %mul3A_622 = arith.constant 624 : i32
      %mul3A_623 = arith.muli %arg1, %mul3A_622 : i32
      "tpu.region"() ({
        %run_scoped3A = tpu.sem_alloc : memref<!tpu.dma_semaphore, #tpu.memory_space<semaphore_mem>>
        %dma_start3A_629 = arith.constant 0 : i32
        %dma_start3A_630 = tpu.memref_slice %arg7[%mul3A_623, %dma_start3A_629] : memref<10000x128xf32, #tpu.memory_space<hbm>> -> memref<624x128xf32, #tpu.memory_space<hbm>>
        %dma_start3A_631 = arith.constant 0 : i32
        %dma_start3A_632 = tpu.memref_slice %arg18[%mul3A_621, %dma_start3A_631] : memref<10016x128xf32, #tpu.memory_space<vmem_shared>> -> memref<624x128xf32, #tpu.memory_space<vmem_shared>>
        tpu.enqueue_dma source(%dma_start3A_632 : memref<624x128xf32, #tpu.memory_space<vmem_shared>>) target(%dma_start3A_630 : memref<624x128xf32, #tpu.memory_space<hbm>>) target_semaphore(%run_scoped3A : memref<!tpu.dma_semaphore, #tpu.memory_space<semaphore_mem>>)
        %dma_wait3A_633 = arith.constant 0 : i32
        %dma_wait3A_634 = tpu.memref_slice %arg7[%mul3A_623, %dma_wait3A_633] : memref<10000x128xf32, #tpu.memory_space<hbm>> -> memref<624x128xf32, #tpu.memory_space<hbm>>
        %dma_wait3A_635 = arith.constant 0 : i32
        %dma_wait3A_636 = tpu.memref_slice %arg18[%mul3A_621, %dma_wait3A_635] : memref<10016x128xf32, #tpu.memory_space<vmem_shared>> -> memref<624x128xf32, #tpu.memory_space<vmem_shared>>
        tpu.wait_dma2 semaphore(%run_scoped3A : memref<!tpu.dma_semaphore, #tpu.memory_space<semaphore_mem>>) src(%dma_wait3A_636 : memref<624x128xf32, #tpu.memory_space<vmem_shared>>) dst(%dma_wait3A_634 : memref<624x128xf32, #tpu.memory_space<hbm>>)
        tpu.yield
      }) : () -> ()
      %eq3A_624 = arith.constant 15 : i32
      %eq3A_625 = arith.cmpi eq, %arg1, %eq3A_624 : i32
      %convert_element_type3A_626 = arith.extui %eq3A_625 : i1 to i32
      %cond3A_627 = arith.constant 0 : i32
      %cond3A_628 = arith.cmpi ne, %convert_element_type3A_626, %cond3A_627 : i32
      scf.if %cond3A_628 {
        "tpu.region"() ({
          %run_scoped3A = tpu.sem_alloc : memref<!tpu.dma_semaphore, #tpu.memory_space<semaphore_mem>>
          %dma_start3A_629 = arith.constant 9984 : i32
          %dma_start3A_630 = arith.constant 0 : i32
          %dma_start3A_631 = tpu.memref_slice %arg7[%dma_start3A_629, %dma_start3A_630] : memref<10000x128xf32, #tpu.memory_space<hbm>> -> memref<16x128xf32, #tpu.memory_space<hbm>>
          %dma_start3A_632 = arith.constant 9984 : i32
          %dma_start3A_633 = arith.constant 0 : i32
          %dma_start3A_634 = tpu.memref_slice %arg18[%dma_start3A_632, %dma_start3A_633] : memref<10016x128xf32, #tpu.memory_space<vmem_shared>> -> memref<16x128xf32, #tpu.memory_space<vmem_shared>>
          tpu.enqueue_dma source(%dma_start3A_634 : memref<16x128xf32, #tpu.memory_space<vmem_shared>>) target(%dma_start3A_631 : memref<16x128xf32, #tpu.memory_space<hbm>>) target_semaphore(%run_scoped3A : memref<!tpu.dma_semaphore, #tpu.memory_space<semaphore_mem>>)
          %dma_wait3A_635 = arith.constant 9984 : i32
          %dma_wait3A_636 = arith.constant 0 : i32
          %dma_wait3A_637 = tpu.memref_slice %arg7[%dma_wait3A_635, %dma_wait3A_636] : memref<10000x128xf32, #tpu.memory_space<hbm>> -> memref<16x128xf32, #tpu.memory_space<hbm>>
          %dma_wait3A_638 = arith.constant 9984 : i32
          %dma_wait3A_639 = arith.constant 0 : i32
          %dma_wait3A_640 = tpu.memref_slice %arg18[%dma_wait3A_638, %dma_wait3A_639] : memref<10016x128xf32, #tpu.memory_space<vmem_shared>> -> memref<16x128xf32, #tpu.memory_space<vmem_shared>>
          tpu.wait_dma2 semaphore(%run_scoped3A : memref<!tpu.dma_semaphore, #tpu.memory_space<semaphore_mem>>) src(%dma_wait3A_640 : memref<16x128xf32, #tpu.memory_space<vmem_shared>>) dst(%dma_wait3A_637 : memref<16x128xf32, #tpu.memory_space<hbm>>)
          tpu.yield
        }) : () -> ()
      } else {
      }
    } else {
    }
    %eq3A_615 = arith.constant 1 : i32
    %eq3A_616 = arith.cmpi eq, %arg0, %eq3A_615 : i32
    %convert_element_type3A_617 = arith.extui %eq3A_616 : i1 to i32
    %cond3A_618 = arith.constant 0 : i32
    %cond3A_619 = arith.cmpi ne, %convert_element_type3A_617, %cond3A_618 : i32
    scf.if %cond3A_619 {
      %mul3A_620 = arith.constant 624 : i32
      %mul3A_621 = arith.muli %arg1, %mul3A_620 : i32
      %mul3A_622 = arith.constant 624 : i32
      %mul3A_623 = arith.muli %arg1, %mul3A_622 : i32
      "tpu.region"() ({
        %run_scoped3A = tpu.sem_alloc : memref<!tpu.dma_semaphore, #tpu.memory_space<semaphore_mem>>
        %dma_start3A_629 = arith.constant 0 : i32
        %dma_start3A_630 = tpu.memref_slice %arg8[%mul3A_623, %dma_start3A_629] : memref<10000x128xf32, #tpu.memory_space<hbm>> -> memref<624x128xf32, #tpu.memory_space<hbm>>
        %dma_start3A_631 = arith.constant 0 : i32
        %dma_start3A_632 = tpu.memref_slice %arg18[%mul3A_621, %dma_start3A_631] : memref<10016x128xf32, #tpu.memory_space<vmem_shared>> -> memref<624x128xf32, #tpu.memory_space<vmem_shared>>
        tpu.enqueue_dma source(%dma_start3A_632 : memref<624x128xf32, #tpu.memory_space<vmem_shared>>) target(%dma_start3A_630 : memref<624x128xf32, #tpu.memory_space<hbm>>) target_semaphore(%run_scoped3A : memref<!tpu.dma_semaphore, #tpu.memory_space<semaphore_mem>>)
        %dma_wait3A_633 = arith.constant 0 : i32
        %dma_wait3A_634 = tpu.memref_slice %arg8[%mul3A_623, %dma_wait3A_633] : memref<10000x128xf32, #tpu.memory_space<hbm>> -> memref<624x128xf32, #tpu.memory_space<hbm>>
        %dma_wait3A_635 = arith.constant 0 : i32
        %dma_wait3A_636 = tpu.memref_slice %arg18[%mul3A_621, %dma_wait3A_635] : memref<10016x128xf32, #tpu.memory_space<vmem_shared>> -> memref<624x128xf32, #tpu.memory_space<vmem_shared>>
        tpu.wait_dma2 semaphore(%run_scoped3A : memref<!tpu.dma_semaphore, #tpu.memory_space<semaphore_mem>>) src(%dma_wait3A_636 : memref<624x128xf32, #tpu.memory_space<vmem_shared>>) dst(%dma_wait3A_634 : memref<624x128xf32, #tpu.memory_space<hbm>>)
        tpu.yield
      }) : () -> ()
      %eq3A_624 = arith.constant 15 : i32
      %eq3A_625 = arith.cmpi eq, %arg1, %eq3A_624 : i32
      %convert_element_type3A_626 = arith.extui %eq3A_625 : i1 to i32
      %cond3A_627 = arith.constant 0 : i32
      %cond3A_628 = arith.cmpi ne, %convert_element_type3A_626, %cond3A_627 : i32
      scf.if %cond3A_628 {
        "tpu.region"() ({
          %run_scoped3A = tpu.sem_alloc : memref<!tpu.dma_semaphore, #tpu.memory_space<semaphore_mem>>
          %dma_start3A_629 = arith.constant 9984 : i32
          %dma_start3A_630 = arith.constant 0 : i32
          %dma_start3A_631 = tpu.memref_slice %arg8[%dma_start3A_629, %dma_start3A_630] : memref<10000x128xf32, #tpu.memory_space<hbm>> -> memref<16x128xf32, #tpu.memory_space<hbm>>
          %dma_start3A_632 = arith.constant 9984 : i32
          %dma_start3A_633 = arith.constant 0 : i32
          %dma_start3A_634 = tpu.memref_slice %arg18[%dma_start3A_632, %dma_start3A_633] : memref<10016x128xf32, #tpu.memory_space<vmem_shared>> -> memref<16x128xf32, #tpu.memory_space<vmem_shared>>
          tpu.enqueue_dma source(%dma_start3A_634 : memref<16x128xf32, #tpu.memory_space<vmem_shared>>) target(%dma_start3A_631 : memref<16x128xf32, #tpu.memory_space<hbm>>) target_semaphore(%run_scoped3A : memref<!tpu.dma_semaphore, #tpu.memory_space<semaphore_mem>>)
          %dma_wait3A_635 = arith.constant 9984 : i32
          %dma_wait3A_636 = arith.constant 0 : i32
          %dma_wait3A_637 = tpu.memref_slice %arg8[%dma_wait3A_635, %dma_wait3A_636] : memref<10000x128xf32, #tpu.memory_space<hbm>> -> memref<16x128xf32, #tpu.memory_space<hbm>>
          %dma_wait3A_638 = arith.constant 9984 : i32
          %dma_wait3A_639 = arith.constant 0 : i32
          %dma_wait3A_640 = tpu.memref_slice %arg18[%dma_wait3A_638, %dma_wait3A_639] : memref<10016x128xf32, #tpu.memory_space<vmem_shared>> -> memref<16x128xf32, #tpu.memory_space<vmem_shared>>
          tpu.wait_dma2 semaphore(%run_scoped3A : memref<!tpu.dma_semaphore, #tpu.memory_space<semaphore_mem>>) src(%dma_wait3A_640 : memref<16x128xf32, #tpu.memory_space<vmem_shared>>) dst(%dma_wait3A_637 : memref<16x128xf32, #tpu.memory_space<hbm>>)
          tpu.yield
        }) : () -> ()
      } else {
      }
    } else {
    }
    return
  }
}

module attributes {stable_mosaic.version = 14 : i64} {
  func.func @body(%arg0: i32, %arg1: memref<1000x256xf32, #tpu.memory_space<vmem>>, %arg2: memref<256x256xf32, #tpu.memory_space<vmem>>, %arg3: memref<1000x128xf32, #tpu.memory_space<vmem>>, %arg4: memref<1000x128xf32, #tpu.memory_space<vmem>>) attributes {dimension_semantics = [#tpu.dimension_semantics<arbitrary>], iteration_bounds = array<i64: 10>, scalar_prefetch = 0 : i64, scratch_operands = 0 : i64, tpu.core_type = #tpu.core_type<tc>, window_params = [{transform_indices = @transform_0, window_bounds = array<i64: 1000, 256>}, {pipeline_mode = #tpu.pipeline_mode<synchronous>, transform_indices = @transform_1, window_bounds = array<i64: 256, 256>}, {transform_indices = @transform_2, window_bounds = array<i64: 1000, 128>}, {transform_indices = @transform_3, window_bounds = array<i64: 1000, 128>}]} {
    %get3A = arith.constant 0 : index
    %get3A_0 = arith.constant 0 : index
    %get3A_1 = vector.load %arg1[%get3A, %get3A_0] : memref<1000x256xf32, #tpu.memory_space<vmem>>, vector<1000x256xf32>
    %get3A_2 = arith.constant 0 : index
    %get3A_3 = arith.constant 0 : index
    %get3A_4 = vector.load %arg2[%get3A_2, %get3A_3] : memref<256x256xf32, #tpu.memory_space<vmem>>, vector<256x256xf32>
    %dot_general3A = arith.constant dense<0.000000e+00> : vector<1000x256xf32>
    %dot_general3A_5 = tpu.matmul %get3A_1, %get3A_4, %dot_general3A {dimension_numbers = #tpu.dot_dimension_numbers<[1], [0], [0], [1], [0, 0, 1, 1], [], []>, transpose_lhs_hint = false} : vector<1000x256xf32>, vector<256x256xf32>, vector<1000x256xf32> -> vector<1000x256xf32>
    %slice3A = vector.extract_strided_slice %dot_general3A_5 {offsets = [0, 0], sizes = [1000, 128], strides = [1, 1]} : vector<1000x256xf32> to vector<1000x128xf32>
    %swap3A = arith.constant 0 : index
    %swap3A_6 = arith.constant 0 : index
    %swap3A_7 = vector.load %arg3[%swap3A, %swap3A_6] : memref<1000x128xf32, #tpu.memory_space<vmem>>, vector<1000x128xf32>
    tpu.vector_store %arg3[%swap3A, %swap3A_6], %slice3A {strides = array<i32>} : memref<1000x128xf32, #tpu.memory_space<vmem>>, vector<1000x128xf32>,
    %slice3A_8 = vector.extract_strided_slice %dot_general3A_5 {offsets = [0, 128], sizes = [1000, 128], strides = [1, 1]} : vector<1000x256xf32> to vector<1000x128xf32>
    %swap3A_9 = arith.constant 0 : index
    %swap3A_10 = arith.constant 0 : index
    %swap3A_11 = vector.load %arg4[%swap3A_9, %swap3A_10] : memref<1000x128xf32, #tpu.memory_space<vmem>>, vector<1000x128xf32>
    tpu.vector_store %arg4[%swap3A_9, %swap3A_10], %slice3A_8 {strides = array<i32>} : memref<1000x128xf32, #tpu.memory_space<vmem>>, vector<1000x128xf32>,
    return
  }
  func.func @transform_0(%arg0: i32) -> (i32, i32) {
    %c0_i32 = arith.constant 0 : i32
    %c0_i32_0 = arith.constant 0 : i32
    return %arg0, %c0_i32 : i32, i32
  }
  func.func @transform_1(%arg0: i32) -> (i32, i32) {
    %c0_i32 = arith.constant 0 : i32
    %c0_i32_0 = arith.constant 0 : i32
    %c0_i32_1 = arith.constant 0 : i32
    return %c0_i32, %c0_i32_0 : i32, i32
  }
  func.func @transform_2(%arg0: i32) -> (i32, i32) {
    %c0_i32 = arith.constant 0 : i32
    %c0_i32_0 = arith.constant 0 : i32
    return %arg0, %c0_i32 : i32, i32
  }
  func.func @transform_3(%arg0: i32) -> (i32, i32) {
    %c0_i32 = arith.constant 0 : i32
    %c0_i32_0 = arith.constant 0 : i32
    return %arg0, %c0_i32 : i32, i32
  }
}

module attributes {stable_mosaic.version = 14 : i64} {
  func.func @body(%arg0: i32, %arg1: memref<1000x256xf32, #tpu.memory_space<vmem>>, %arg2: memref<256x256xf32, #tpu.memory_space<vmem>>, %arg3: memref<1x256xf32, #tpu.memory_space<vmem>>, %arg4: memref<1000x256xf32, #tpu.memory_space<vmem>>) attributes {dimension_semantics = [#tpu.dimension_semantics<arbitrary>], iteration_bounds = array<i64: 10>, scalar_prefetch = 0 : i64, scratch_operands = 0 : i64, tpu.core_type = #tpu.core_type<tc>, window_params = [{transform_indices = @transform_0, window_bounds = array<i64: 1000, 256>}, {pipeline_mode = #tpu.pipeline_mode<synchronous>, transform_indices = @transform_1, window_bounds = array<i64: 256, 256>}, {pipeline_mode = #tpu.pipeline_mode<synchronous>, transform_indices = @transform_2, window_bounds = array<i64: 1, 256>}, {transform_indices = @transform_3, window_bounds = array<i64: 1000, 256>}]} {
    %get3A = arith.constant 0 : index
    %get3A_0 = arith.constant 0 : index
    %get3A_1 = vector.load %arg1[%get3A, %get3A_0] : memref<1000x256xf32, #tpu.memory_space<vmem>>, vector<1000x256xf32>
    %get3A_2 = arith.constant 0 : index
    %get3A_3 = arith.constant 0 : index
    %get3A_4 = vector.load %arg2[%get3A_2, %get3A_3] : memref<256x256xf32, #tpu.memory_space<vmem>>, vector<256x256xf32>
    %dot_general3A = arith.constant dense<0.000000e+00> : vector<1000x256xf32>
    %dot_general3A_5 = tpu.matmul %get3A_1, %get3A_4, %dot_general3A {dimension_numbers = #tpu.dot_dimension_numbers<[1], [0], [0], [1], [0, 0, 1, 1], [], []>, transpose_lhs_hint = false} : vector<1000x256xf32>, vector<256x256xf32>, vector<1000x256xf32> -> vector<1000x256xf32>
    %get3A_6 = arith.constant 0 : index
    %get3A_7 = arith.constant 0 : index
    %get3A_8 = vector.load %arg3[%get3A_6, %get3A_7] : memref<1x256xf32, #tpu.memory_space<vmem>>, vector<1x256xf32>
    %add3A = vector.broadcast %get3A_8 : vector<1x256xf32> to vector<1000x256xf32>
    %add3A_9 = arith.addf %dot_general3A_5, %add3A : vector<1000x256xf32>
    %swap3A = arith.constant 0 : index
    %swap3A_10 = arith.constant 0 : index
    %swap3A_11 = vector.load %arg4[%swap3A, %swap3A_10] : memref<1000x256xf32, #tpu.memory_space<vmem>>, vector<1000x256xf32>
    tpu.vector_store %arg4[%swap3A, %swap3A_10], %add3A_9 {strides = array<i32>} : memref<1000x256xf32, #tpu.memory_space<vmem>>, vector<1000x256xf32>,
    return
  }
  func.func @transform_0(%arg0: i32) -> (i32, i32) {
    %c0_i32 = arith.constant 0 : i32
    %c0_i32_0 = arith.constant 0 : i32
    return %arg0, %c0_i32 : i32, i32
  }
  func.func @transform_1(%arg0: i32) -> (i32, i32) {
    %c0_i32 = arith.constant 0 : i32
    %c0_i32_0 = arith.constant 0 : i32
    %c0_i32_1 = arith.constant 0 : i32
    return %c0_i32, %c0_i32_0 : i32, i32
  }
  func.func @transform_2(%arg0: i32) -> (i32, i32) {
    %c0_i32 = arith.constant 0 : i32
    %c0_i32_0 = arith.constant 0 : i32
    %c0_i32_1 = arith.constant 0 : i32
    return %c0_i32, %c0_i32_0 : i32, i32
  }
  func.func @transform_3(%arg0: i32) -> (i32, i32) {
    %c0_i32 = arith.constant 0 : i32
    %c0_i32_0 = arith.constant 0 : i32
    return %arg0, %c0_i32 : i32, i32
  }
}

module attributes {stable_mosaic.version = 14 : i64} {
  func.func @body(%arg0: i32, %arg1: memref<1000x128xf32, #tpu.memory_space<vmem>>, %arg2: memref<1000x128xf32, #tpu.memory_space<vmem>>, %arg3: memref<1000x1xf32, #tpu.memory_space<vmem>>, %arg4: memref<1000x256xf32, #tpu.memory_space<vmem>>, %arg5: memref<256x256xf32, #tpu.memory_space<vmem>>, %arg6: memref<1000x128xf32, #tpu.memory_space<vmem>>, %arg7: memref<1000x128xf32, #tpu.memory_space<vmem>>, %arg8: memref<1000x128xf32, #tpu.memory_space<vmem>>, %arg9: memref<1000x128xf32, #tpu.memory_space<vmem>>) attributes {dimension_semantics = [#tpu.dimension_semantics<arbitrary>], iteration_bounds = array<i64: 10>, scalar_prefetch = 0 : i64, scratch_operands = 0 : i64, tpu.core_type = #tpu.core_type<tc>, window_params = [{transform_indices = @transform_0, window_bounds = array<i64: 1000, 128>}, {transform_indices = @transform_1, window_bounds = array<i64: 1000, 128>}, {transform_indices = @transform_2, window_bounds = array<i64: 1000, 1>}, {transform_indices = @transform_3, window_bounds = array<i64: 1000, 256>}, {pipeline_mode = #tpu.pipeline_mode<synchronous>, transform_indices = @transform_4, window_bounds = array<i64: 256, 256>}, {transform_indices = @transform_5, window_bounds = array<i64: 1000, 128>}, {transform_indices = @transform_6, window_bounds = array<i64: 1000, 128>}, {transform_indices = @transform_7, window_bounds = array<i64: 1000, 128>}, {transform_indices = @transform_8, window_bounds = array<i64: 1000, 128>}]} {
    %get3A = arith.constant 0 : index
    %get3A_0 = arith.constant 0 : index
    %get3A_1 = vector.load %arg3[%get3A, %get3A_0] : memref<1000x1xf32, #tpu.memory_space<vmem>>, vector<1000x1xf32>
    %max3A = arith.constant 1.000000e+00 : f32
    %max3A_2 = vector.broadcast %max3A : f32 to vector<1000x1xf32>
    %max3A_3 = arith.maximumf %get3A_1, %max3A_2 : vector<1000x1xf32>
    %div3A = arith.constant 1.000000e+00 : f32
    %div3A_4 = vector.broadcast %div3A : f32 to vector<1000x1xf32>
    %div3A_5 = arith.divf %div3A_4, %max3A_3 : vector<1000x1xf32>
    %get3A_6 = arith.constant 0 : index
    %get3A_7 = arith.constant 0 : index
    %get3A_8 = vector.load %arg4[%get3A_6, %get3A_7] : memref<1000x256xf32, #tpu.memory_space<vmem>>, vector<1000x256xf32>
    %get3A_9 = arith.constant 0 : index
    %get3A_10 = arith.constant 0 : index
    %get3A_11 = vector.load %arg1[%get3A_9, %get3A_10] : memref<1000x128xf32, #tpu.memory_space<vmem>>, vector<1000x128xf32>
    %mul3A = vector.broadcast %div3A_5 : vector<1000x1xf32> to vector<1000x128xf32>
    %mul3A_12 = arith.mulf %get3A_11, %mul3A : vector<1000x128xf32>
    %slice3A = vector.extract_strided_slice %get3A_8 {offsets = [0, 0], sizes = [1000, 128], strides = [1, 1]} : vector<1000x256xf32> to vector<1000x128xf32>
    %add3A = arith.addf %mul3A_12, %slice3A : vector<1000x128xf32>
    %max3A_13 = arith.constant 0.000000e+00 : f32
    %max3A_14 = vector.broadcast %max3A_13 : f32 to vector<1000x128xf32>
    %max3A_15 = arith.maximumf %add3A, %max3A_14 : vector<1000x128xf32>
    %get3A_16 = arith.constant 0 : index
    %get3A_17 = arith.constant 0 : index
    %get3A_18 = vector.load %arg2[%get3A_16, %get3A_17] : memref<1000x128xf32, #tpu.memory_space<vmem>>, vector<1000x128xf32>
    %mul3A_19 = vector.broadcast %div3A_5 : vector<1000x1xf32> to vector<1000x128xf32>
    %mul3A_20 = arith.mulf %get3A_18, %mul3A_19 : vector<1000x128xf32>
    %slice3A_21 = vector.extract_strided_slice %get3A_8 {offsets = [0, 128], sizes = [1000, 128], strides = [1, 1]} : vector<1000x256xf32> to vector<1000x128xf32>
    %add3A_22 = arith.addf %mul3A_20, %slice3A_21 : vector<1000x128xf32>
    %max3A_23 = arith.constant 0.000000e+00 : f32
    %max3A_24 = vector.broadcast %max3A_23 : f32 to vector<1000x128xf32>
    %max3A_25 = arith.maximumf %add3A_22, %max3A_24 : vector<1000x128xf32>
    %swap3A = arith.constant 0 : index
    %swap3A_26 = arith.constant 0 : index
    %swap3A_27 = vector.load %arg8[%swap3A, %swap3A_26] : memref<1000x128xf32, #tpu.memory_space<vmem>>, vector<1000x128xf32>
    tpu.vector_store %arg8[%swap3A, %swap3A_26], %max3A_15 {strides = array<i32>} : memref<1000x128xf32, #tpu.memory_space<vmem>>, vector<1000x128xf32>,
    %swap3A_28 = arith.constant 0 : index
    %swap3A_29 = arith.constant 0 : index
    %swap3A_30 = vector.load %arg9[%swap3A_28, %swap3A_29] : memref<1000x128xf32, #tpu.memory_space<vmem>>, vector<1000x128xf32>
    tpu.vector_store %arg9[%swap3A_28, %swap3A_29], %max3A_25 {strides = array<i32>} : memref<1000x128xf32, #tpu.memory_space<vmem>>, vector<1000x128xf32>,
    %get3A_31 = arith.constant 0 : index
    %get3A_32 = arith.constant 0 : index
    %get3A_33 = vector.load %arg5[%get3A_31, %get3A_32] : memref<256x256xf32, #tpu.memory_space<vmem>>, vector<256x256xf32>
    %slice3A_34 = vector.extract_strided_slice %get3A_33 {offsets = [0, 0], sizes = [128, 256], strides = [1, 1]} : vector<256x256xf32> to vector<128x256xf32>
    %dot_general3A = arith.constant dense<0.000000e+00> : vector<1000x256xf32>
    %dot_general3A_35 = tpu.matmul %max3A_15, %slice3A_34, %dot_general3A {dimension_numbers = #tpu.dot_dimension_numbers<[1], [0], [0], [1], [0, 0, 1, 1], [], []>, transpose_lhs_hint = false} : vector<1000x128xf32>, vector<128x256xf32>, vector<1000x256xf32> -> vector<1000x256xf32>
    %slice3A_36 = vector.extract_strided_slice %get3A_33 {offsets = [128, 0], sizes = [128, 256], strides = [1, 1]} : vector<256x256xf32> to vector<128x256xf32>
    %dot_general3A_37 = arith.constant dense<0.000000e+00> : vector<1000x256xf32>
    %dot_general3A_38 = tpu.matmul %max3A_25, %slice3A_36, %dot_general3A_37 {dimension_numbers = #tpu.dot_dimension_numbers<[1], [0], [0], [1], [0, 0, 1, 1], [], []>, transpose_lhs_hint = false} : vector<1000x128xf32>, vector<128x256xf32>, vector<1000x256xf32> -> vector<1000x256xf32>
    %add3A_39 = arith.addf %dot_general3A_35, %dot_general3A_38 : vector<1000x256xf32>
    %slice3A_40 = vector.extract_strided_slice %add3A_39 {offsets = [0, 0], sizes = [1000, 128], strides = [1, 1]} : vector<1000x256xf32> to vector<1000x128xf32>
    %swap3A_41 = arith.constant 0 : index
    %swap3A_42 = arith.constant 0 : index
    %swap3A_43 = vector.load %arg6[%swap3A_41, %swap3A_42] : memref<1000x128xf32, #tpu.memory_space<vmem>>, vector<1000x128xf32>
    tpu.vector_store %arg6[%swap3A_41, %swap3A_42], %slice3A_40 {strides = array<i32>} : memref<1000x128xf32, #tpu.memory_space<vmem>>, vector<1000x128xf32>,
    %slice3A_44 = vector.extract_strided_slice %add3A_39 {offsets = [0, 128], sizes = [1000, 128], strides = [1, 1]} : vector<1000x256xf32> to vector<1000x128xf32>
    %swap3A_45 = arith.constant 0 : index
    %swap3A_46 = arith.constant 0 : index
    %swap3A_47 = vector.load %arg7[%swap3A_45, %swap3A_46] : memref<1000x128xf32, #tpu.memory_space<vmem>>, vector<1000x128xf32>
    tpu.vector_store %arg7[%swap3A_45, %swap3A_46], %slice3A_44 {strides = array<i32>} : memref<1000x128xf32, #tpu.memory_space<vmem>>, vector<1000x128xf32>,
    return
  }
  func.func @transform_0(%arg0: i32) -> (i32, i32) {
    %c0_i32 = arith.constant 0 : i32
    %c0_i32_0 = arith.constant 0 : i32
    return %arg0, %c0_i32 : i32, i32
  }
  func.func @transform_1(%arg0: i32) -> (i32, i32) {
    %c0_i32 = arith.constant 0 : i32
    %c0_i32_0 = arith.constant 0 : i32
    return %arg0, %c0_i32 : i32, i32
  }
  func.func @transform_2(%arg0: i32) -> (i32, i32) {
    %c0_i32 = arith.constant 0 : i32
    %c0_i32_0 = arith.constant 0 : i32
    return %arg0, %c0_i32 : i32, i32
  }
  func.func @transform_3(%arg0: i32) -> (i32, i32) {
    %c0_i32 = arith.constant 0 : i32
    %c0_i32_0 = arith.constant 0 : i32
    return %arg0, %c0_i32 : i32, i32
  }
  func.func @transform_4(%arg0: i32) -> (i32, i32) {
    %c0_i32 = arith.constant 0 : i32
    %c0_i32_0 = arith.constant 0 : i32
    %c0_i32_1 = arith.constant 0 : i32
    return %c0_i32, %c0_i32_0 : i32, i32
  }
  func.func @transform_5(%arg0: i32) -> (i32, i32) {
    %c0_i32 = arith.constant 0 : i32
    %c0_i32_0 = arith.constant 0 : i32
    return %arg0, %c0_i32 : i32, i32
  }
  func.func @transform_6(%arg0: i32) -> (i32, i32) {
    %c0_i32 = arith.constant 0 : i32
    %c0_i32_0 = arith.constant 0 : i32
    return %arg0, %c0_i32 : i32, i32
  }
  func.func @transform_7(%arg0: i32) -> (i32, i32) {
    %c0_i32 = arith.constant 0 : i32
    %c0_i32_0 = arith.constant 0 : i32
    return %arg0, %c0_i32 : i32, i32
  }
  func.func @transform_8(%arg0: i32) -> (i32, i32) {
    %c0_i32 = arith.constant 0 : i32
    %c0_i32_0 = arith.constant 0 : i32
    return %arg0, %c0_i32 : i32, i32
  }
}

module attributes {stable_mosaic.version = 14 : i64} {
  func.func @body(%arg0: i32, %arg1: memref<1000x128xf32, #tpu.memory_space<vmem>>, %arg2: memref<1000x128xf32, #tpu.memory_space<vmem>>, %arg3: memref<256x256xf32, #tpu.memory_space<vmem>>, %arg4: memref<1x256xf32, #tpu.memory_space<vmem>>, %arg5: memref<1000x256xf32, #tpu.memory_space<vmem>>) attributes {dimension_semantics = [#tpu.dimension_semantics<arbitrary>], iteration_bounds = array<i64: 10>, scalar_prefetch = 0 : i64, scratch_operands = 0 : i64, tpu.core_type = #tpu.core_type<tc>, window_params = [{transform_indices = @transform_0, window_bounds = array<i64: 1000, 128>}, {transform_indices = @transform_1, window_bounds = array<i64: 1000, 128>}, {pipeline_mode = #tpu.pipeline_mode<synchronous>, transform_indices = @transform_2, window_bounds = array<i64: 256, 256>}, {pipeline_mode = #tpu.pipeline_mode<synchronous>, transform_indices = @transform_3, window_bounds = array<i64: 1, 256>}, {transform_indices = @transform_4, window_bounds = array<i64: 1000, 256>}]} {
    %get3A = arith.constant 0 : index
    %get3A_0 = arith.constant 0 : index
    %get3A_1 = vector.load %arg3[%get3A, %get3A_0] : memref<256x256xf32, #tpu.memory_space<vmem>>, vector<256x256xf32>
    %get3A_2 = arith.constant 0 : index
    %get3A_3 = arith.constant 0 : index
    %get3A_4 = vector.load %arg1[%get3A_2, %get3A_3] : memref<1000x128xf32, #tpu.memory_space<vmem>>, vector<1000x128xf32>
    %slice3A = vector.extract_strided_slice %get3A_1 {offsets = [0, 0], sizes = [128, 256], strides = [1, 1]} : vector<256x256xf32> to vector<128x256xf32>
    %dot_general3A = arith.constant dense<0.000000e+00> : vector<1000x256xf32>
    %dot_general3A_5 = tpu.matmul %get3A_4, %slice3A, %dot_general3A {dimension_numbers = #tpu.dot_dimension_numbers<[1], [0], [0], [1], [0, 0, 1, 1], [], []>, transpose_lhs_hint = false} : vector<1000x128xf32>, vector<128x256xf32>, vector<1000x256xf32> -> vector<1000x256xf32>
    %get3A_6 = arith.constant 0 : index
    %get3A_7 = arith.constant 0 : index
    %get3A_8 = vector.load %arg2[%get3A_6, %get3A_7] : memref<1000x128xf32, #tpu.memory_space<vmem>>, vector<1000x128xf32>
    %slice3A_9 = vector.extract_strided_slice %get3A_1 {offsets = [128, 0], sizes = [128, 256], strides = [1, 1]} : vector<256x256xf32> to vector<128x256xf32>
    %dot_general3A_10 = arith.constant dense<0.000000e+00> : vector<1000x256xf32>
    %dot_general3A_11 = tpu.matmul %get3A_8, %slice3A_9, %dot_general3A_10 {dimension_numbers = #tpu.dot_dimension_numbers<[1], [0], [0], [1], [0, 0, 1, 1], [], []>, transpose_lhs_hint = false} : vector<1000x128xf32>, vector<128x256xf32>, vector<1000x256xf32> -> vector<1000x256xf32>
    %add3A = arith.addf %dot_general3A_5, %dot_general3A_11 : vector<1000x256xf32>
    %get3A_12 = arith.constant 0 : index
    %get3A_13 = arith.constant 0 : index
    %get3A_14 = vector.load %arg4[%get3A_12, %get3A_13] : memref<1x256xf32, #tpu.memory_space<vmem>>, vector<1x256xf32>
    %add3A_15 = vector.broadcast %get3A_14 : vector<1x256xf32> to vector<1000x256xf32>
    %add3A_16 = arith.addf %add3A, %add3A_15 : vector<1000x256xf32>
    %swap3A = arith.constant 0 : index
    %swap3A_17 = arith.constant 0 : index
    %swap3A_18 = vector.load %arg5[%swap3A, %swap3A_17] : memref<1000x256xf32, #tpu.memory_space<vmem>>, vector<1000x256xf32>
    tpu.vector_store %arg5[%swap3A, %swap3A_17], %add3A_16 {strides = array<i32>} : memref<1000x256xf32, #tpu.memory_space<vmem>>, vector<1000x256xf32>,
    return
  }
  func.func @transform_0(%arg0: i32) -> (i32, i32) {
    %c0_i32 = arith.constant 0 : i32
    %c0_i32_0 = arith.constant 0 : i32
    return %arg0, %c0_i32 : i32, i32
  }
  func.func @transform_1(%arg0: i32) -> (i32, i32) {
    %c0_i32 = arith.constant 0 : i32
    %c0_i32_0 = arith.constant 0 : i32
    return %arg0, %c0_i32 : i32, i32
  }
  func.func @transform_2(%arg0: i32) -> (i32, i32) {
    %c0_i32 = arith.constant 0 : i32
    %c0_i32_0 = arith.constant 0 : i32
    %c0_i32_1 = arith.constant 0 : i32
    return %c0_i32, %c0_i32_0 : i32, i32
  }
  func.func @transform_3(%arg0: i32) -> (i32, i32) {
    %c0_i32 = arith.constant 0 : i32
    %c0_i32_0 = arith.constant 0 : i32
    %c0_i32_1 = arith.constant 0 : i32
    return %c0_i32, %c0_i32_0 : i32, i32
  }
  func.func @transform_4(%arg0: i32) -> (i32, i32) {
    %c0_i32 = arith.constant 0 : i32
    %c0_i32_0 = arith.constant 0 : i32
    return %arg0, %c0_i32 : i32, i32
  }
}

module attributes {stable_mosaic.version = 14 : i64} {
  func.func @body(%arg0: i32, %arg1: memref<1000x128xf32, #tpu.memory_space<vmem>>, %arg2: memref<1000x128xf32, #tpu.memory_space<vmem>>, %arg3: memref<1000x1xf32, #tpu.memory_space<vmem>>, %arg4: memref<1000x256xf32, #tpu.memory_space<vmem>>, %arg5: memref<1000x256xf32, #tpu.memory_space<vmem>>) attributes {dimension_semantics = [#tpu.dimension_semantics<arbitrary>], iteration_bounds = array<i64: 10>, scalar_prefetch = 0 : i64, scratch_operands = 0 : i64, tpu.core_type = #tpu.core_type<tc>, window_params = [{transform_indices = @transform_0, window_bounds = array<i64: 1000, 128>}, {transform_indices = @transform_1, window_bounds = array<i64: 1000, 128>}, {transform_indices = @transform_2, window_bounds = array<i64: 1000, 1>}, {transform_indices = @transform_3, window_bounds = array<i64: 1000, 256>}, {transform_indices = @transform_4, window_bounds = array<i64: 1000, 256>}]} {
    %get3A = arith.constant 0 : index
    %get3A_0 = arith.constant 0 : index
    %get3A_1 = vector.load %arg3[%get3A, %get3A_0] : memref<1000x1xf32, #tpu.memory_space<vmem>>, vector<1000x1xf32>
    %max3A = arith.constant 1.000000e+00 : f32
    %max3A_2 = vector.broadcast %max3A : f32 to vector<1000x1xf32>
    %max3A_3 = arith.maximumf %get3A_1, %max3A_2 : vector<1000x1xf32>
    %div3A = arith.constant 1.000000e+00 : f32
    %div3A_4 = vector.broadcast %div3A : f32 to vector<1000x1xf32>
    %div3A_5 = arith.divf %div3A_4, %max3A_3 : vector<1000x1xf32>
    %get3A_6 = arith.constant 0 : index
    %get3A_7 = arith.constant 0 : index
    %get3A_8 = vector.load %arg1[%get3A_6, %get3A_7] : memref<1000x128xf32, #tpu.memory_space<vmem>>, vector<1000x128xf32>
    %mul3A = vector.broadcast %div3A_5 : vector<1000x1xf32> to vector<1000x128xf32>
    %mul3A_9 = arith.mulf %get3A_8, %mul3A : vector<1000x128xf32>
    %get3A_10 = arith.constant 0 : index
    %get3A_11 = arith.constant 0 : index
    %get3A_12 = vector.load %arg2[%get3A_10, %get3A_11] : memref<1000x128xf32, #tpu.memory_space<vmem>>, vector<1000x128xf32>
    %mul3A_13 = vector.broadcast %div3A_5 : vector<1000x1xf32> to vector<1000x128xf32>
    %mul3A_14 = arith.mulf %get3A_12, %mul3A_13 : vector<1000x128xf32>
    %concatenate3A = tpu.concatenate %mul3A_9, %mul3A_14 in 1 : vector<1000x128xf32>, vector<1000x128xf32> -> vector<1000x256xf32>
    %get3A_15 = arith.constant 0 : index
    %get3A_16 = arith.constant 0 : index
    %get3A_17 = vector.load %arg4[%get3A_15, %get3A_16] : memref<1000x256xf32, #tpu.memory_space<vmem>>, vector<1000x256xf32>
    %add3A = arith.addf %concatenate3A, %get3A_17 : vector<1000x256xf32>
    %swap3A = arith.constant 0 : index
    %swap3A_18 = arith.constant 0 : index
    %swap3A_19 = vector.load %arg5[%swap3A, %swap3A_18] : memref<1000x256xf32, #tpu.memory_space<vmem>>, vector<1000x256xf32>
    tpu.vector_store %arg5[%swap3A, %swap3A_18], %add3A {strides = array<i32>} : memref<1000x256xf32, #tpu.memory_space<vmem>>, vector<1000x256xf32>,
    return
  }
  func.func @transform_0(%arg0: i32) -> (i32, i32) {
    %c0_i32 = arith.constant 0 : i32
    %c0_i32_0 = arith.constant 0 : i32
    return %arg0, %c0_i32 : i32, i32
  }
  func.func @transform_1(%arg0: i32) -> (i32, i32) {
    %c0_i32 = arith.constant 0 : i32
    %c0_i32_0 = arith.constant 0 : i32
    return %arg0, %c0_i32 : i32, i32
  }
  func.func @transform_2(%arg0: i32) -> (i32, i32) {
    %c0_i32 = arith.constant 0 : i32
    %c0_i32_0 = arith.constant 0 : i32
    return %arg0, %c0_i32 : i32, i32
  }
  func.func @transform_3(%arg0: i32) -> (i32, i32) {
    %c0_i32 = arith.constant 0 : i32
    %c0_i32_0 = arith.constant 0 : i32
    return %arg0, %c0_i32 : i32, i32
  }
  func.func @transform_4(%arg0: i32) -> (i32, i32) {
    %c0_i32 = arith.constant 0 : i32
    %c0_i32_0 = arith.constant 0 : i32
    return %arg0, %c0_i32 : i32, i32
  }
}

</mosaic_0001>

<sc_bundles>
// kernel: kernel.12.cloned.1.call-start
scs
__scs_entry_jumppad:
0x0: {  	(pc) =	sbr.rel $0x88, $3  }
0x1: {  	(tag) =	ssettag $0x0;
	lr =	simm.s32 $0x1  }
0x2: {  	[smem:$0x3F99] =	sst lr;
	_ =	strace $0xD0000000  }
0x3: {  	_ = 	snop  }
0x4: {  	_ = 	snop  }
0x5: {  	_ = 	snop  }
0x6: {  	_ = 	snop  }
0x7: {  	_ = 	snop  }
__scs_overlays_trampoline_lowered:
0x8: {  	[smem:$0x3FA8] =	sst s0  }
0x9: {  	[smem:$0x3FA9] =	sst s1  }
0xa: {  	[smem:$0x3FAA] =	sst s2  }
0xb: {  	[smem:$0x3FAB] =	sst s3  }
0xc: {  	[smem:$0x3FAC] =	sst s4  }
0xd: {  	[smem:$0x3FAD] =	sst s5  }
0xe: {  	[smem:$0x3FAE] =	sst s6  }
0xf: {  	[smem:$0x3FAF] =	sst s7  }
0x10: {  	[smem:$0x3FB0] =	sst s8  }
0x11: {  	[smem:$0x3FB1] =	sst s9;
	s0 =	simm.s32 @!p0 $0x0  }
0x12: {  	s1 =	sld [smem:$0x3F97];
	s0 =	simm.s32 @p0 $0x1  }
0x13: {  	[smem:$0x3FB2] =	sst s0;
	s0 =	simm.s32 @!p1 $0x0  }
0x14: {  	s2 =	sld [smem:$0x3F96];
	s0 =	simm.s32 @p1 $0x1  }
0x15: {  	[smem:$0x3FB3] =	sst s0;
	s0 =	simm.s32 @!p2 $0x0  }
0x16: {  	s3 =	sld [smem:$0x3FDB];
	s0 =	simm.s32 @p2 $0x1  }
0x17: {  	s4 =	simm.s32 $0x1BF5;
	[smem:$0x3FB5] =	sst s0  }
0x18: {  	s0 =	sld [smem:$0x3F98];
	_ =	swait.ge [sflag:s4], $0x0  }
0x19: {  	s7 =	sld [smem:$0x3F99]  }
0x1a: {  	s8 =	sadd.s32 $0xFFFFE003, lr  }
0x1b: {  	s9 =	sadd.s32 $0xFFFFFEF7, lr;
	s5 =	simm.s32 $0xFFFFFFFF;
	p2 =	slt.u32 s8, $0xFFFFF086  }
0x1c: {  	p1 =	slt.u32 s9, $0xF7A;
	s5 =	simm.s32 @!p2 $0x0  }
0x1d: {  	s5 =	simm.s32 @p1 $0x1;
	p0 =	seq.s32 s7, s2  }
0x1e: {  	s7 =	smul.u32 @!p0 $0xF7A, s2;
	p2 =	seq.s32 @!p0 s5, $0x0  }
0x1f: {  	s9 =	smul.u32 $0xF7A, s1;
	s8 =	simm.s32 @!p0 $0x1BF5;
	p2 =	por !p2, p0  }
0x20: {  	[sflag:s8] =	ssyncset.s32 @!p0 $0xFFFFF086;
	s6 =	sadd.s32 @!p0 s3, s7;
	s7 =	simm.s32 @!p0 $0x108  }
0x21: {  	s3 =	sadd.s32 s3, s9;
	s6 =	sadd.s32 @!p0 $0x88, s6;
	s7 =	simm.s32 @p2 $0x1082  }
0x22: {  	[simem:s7], [sflag:s8] =	dma.local @!p0 [hbm:s6], $0xF7A  }
0x23: {  	s9 =	sor.u32 $0xD0000000, s2;
	s6 =	simm.s32 $0x108;
	_ =	swait.ge @!p0 [sflag:s8], $0x0  }
0x24: {  	s3 =	sadd.s32 $0x88, s3;
	s6 =	simm.s32 @!p1 $0x1082;
	[sflag:s4] =	ssyncset.s32 $0xFFFFF086  }
0x25: {  	[simem:s6], [sflag:s4] =	dma.local [hbm:s3], $0xF7A  }
0x26: {  	[smem:$0x3F99] =	sst s1;
	(tag) =	ssettag s2;
	_ =	strace s9  }
0x27: {  	s1 =	sld [smem:$0x3FA9]  }
0x28: {  	s2 =	sld [smem:$0x3FAA]  }
0x29: {  	s4 =	sld [smem:$0x3FAC]  }
0x2a: {  	p0 =	seq.s32 s5, $0x0;
	s5 =	sld [smem:$0x3FAD]  }
0x2b: {  	s6 =	sld [smem:$0x3FAE]  }
0x2c: {  	s7 =	sld [smem:$0x3FAF]  }
0x2d: {  	s3 =	simm.s32 $0x108;
	s8 =	sld [smem:$0x3FB0]  }
0x2e: {  	s3 =	simm.s32 @!p0 $0x1082;
	s9 =	sld [smem:$0x3FB1]  }
0x2f: {  	lr =	sadd.s32 s0, s3;
	s0 =	sld [smem:$0x3FA8]  }
0x30: {  	s3 =	sld [smem:$0x3FAB]  }
0x31: {  	[smem:$0x3FB4] =	sst s10  }
0x32: {  	s10 =	sld [smem:$0x3FB2];
	_ =	sdelay $0x3  }
0x33: {  	p0 =	seq.s32 s10, $0x1;
	s10 =	sld [smem:$0x3FB4];
	_ =	sdelay $0x3  }
0x34: {  	[smem:$0x3FB4] =	sst s10  }
0x35: {  	s10 =	sld [smem:$0x3FB3];
	_ =	sdelay $0x3  }
0x36: {  	p1 =	seq.s32 s10, $0x1;
	s10 =	sld [smem:$0x3FB4];
	_ =	sdelay $0x3  }
0x37: {  	[smem:$0x3FB4] =	sst s10  }
0x38: {  	s10 =	sld [smem:$0x3FB5]  }
0x39: {  	_ = 	snop;
	(pc) =	sbr.ind lr, $3  }
0x3a: {  	_ = 	snop  }
0x3b: {  	_ = 	snop  }
0x3c: {  	p2 =	seq.s32 s10, $0x1;
	s10 =	sld [smem:$0x3FB4]  }
0x3d: {  	_ =	shalt  }
0x3e: {  	_ =	shalt  }
0x3f: {  	_ =	shalt  }
0x40: {  	_ =	shalt  }
0x41: {  	_ =	shalt  }
0x42: {  	_ =	shalt  }
0x43: {  	_ =	shalt  }
0x44: {  	_ =	shalt  }
0x45: {  	_ =	shalt  }
0x46: {  	_ =	shalt  }
0x47: {  	_ =	shalt  }
0x48: {  	_ =	shalt  }
0x49: {  	_ =	shalt  }
0x4a: {  	_ =	shalt  }
0x4b: {  	_ =	shalt  }
0x4c: {  	_ =	shalt  }
0x4d: {  	_ =	shalt  }
0x4e: {  	_ =	shalt  }
0x4f: {  	_ =	shalt  }
0x50: {  	_ =	shalt  }
0x51: {  	_ =	shalt  }
0x52: {  	_ =	shalt  }
0x53: {  	_ =	shalt  }
0x54: {  	_ =	shalt  }
0x55: {  	_ =	shalt  }
0x56: {  	_ =	shalt  }
0x57: {  	_ =	shalt  }
0x58: {  	_ =	shalt  }
0x59: {  	_ =	shalt  }
0x5a: {  	_ =	shalt  }
0x5b: {  	_ =	shalt  }
0x5c: {  	_ =	shalt  }
0x5d: {  	_ =	shalt  }
0x5e: {  	_ =	shalt  }
0x5f: {  	_ =	shalt  }
0x60: {  	_ =	shalt  }
0x61: {  	_ =	shalt  }
0x62: {  	_ =	shalt  }
0x63: {  	_ =	shalt  }
0x64: {  	_ =	shalt  }
0x65: {  	_ =	shalt  }
0x66: {  	_ =	shalt  }
0x67: {  	_ =	shalt  }
0x68: {  	_ =	shalt  }
0x69: {  	_ =	shalt  }
0x6a: {  	_ =	shalt  }
0x6b: {  	_ =	shalt  }
0x6c: {  	_ =	shalt  }
0x6d: {  	_ =	shalt  }
0x6e: {  	_ =	shalt  }
0x6f: {  	_ =	shalt  }
0x70: {  	_ =	shalt  }
0x71: {  	_ =	shalt  }
0x72: {  	_ =	shalt  }
0x73: {  	_ =	shalt  }
0x74: {  	_ =	shalt  }
0x75: {  	_ =	shalt  }
0x76: {  	_ =	shalt  }
0x77: {  	_ =	shalt  }
0x78: {  	_ =	shalt  }
0x79: {  	_ =	shalt  }
0x7a: {  	_ =	shalt  }
0x7b: {  	_ =	shalt  }
0x7c: {  	_ =	shalt  }
0x7d: {  	_ =	shalt  }
0x7e: {  	_ =	shalt  }
0x7f: {  	_ =	shalt  }
0x80: {  	_ =	shalt  }
0x81: {  	_ =	shalt  }
0x82: {  	_ =	shalt  }
0x83: {  	_ =	shalt  }
0x84: {  	_ =	shalt  }
0x85: {  	_ =	shalt  }
0x86: {  	_ =	shalt  }
0x87: {  	_ =	shalt  }
.Lfunc_end0:
.L_simem_size_0:
called_computation.1_lowered:
.L_overlay_start_0:
0x88: {  	s2 =	sld [smem:$0x3FD9]  }
0x89: {  	s3 =	sld [smem:$0x3FFE];
	_ =	sdelay $0x1  }
0x8a: {  	s1 =	srdreg.scid  }
0x8b: {  	s0 =	sand.u32 $0x1, s1  }
0x8c: {  	s17 =	sshll.u32 s0, $0xA;
	s2 =	sadd.s32 s3, s2  }
0x8d: {  	s2 =	sadd.s32 s2, s17  }
0x8e: {  	[smem:$0x3FC0] =	sst s2  }
0x8f: {  	_ = 	snop  }
0x90: {  	s2 =	sld [smem:$0x3FD0];
	(tm) =	ssettm $0x1  }
0x91: {  	s18 =	sld [smem:$0x3FFB];
	_ =	sdelay $0x3  }
0x92: {  	_ =	strace s18  }
0x93: {  	s3 =	sld [smem:$0x3FFC];
	_ =	sdelay $0x3  }
0x94: {  	_ =	strace s3  }
0x95: {  	s3 =	sld [smem:$0x3FFD];
	_ =	sdelay $0x3  }
0x96: {  	_ =	strace s3  }
0x97: {  	_ =	strace $0x8FFFFFFF  }
0x98: {  	s19 =	sld [smem:$0x3FDB];
	_ =	sdelay $0x1  }
0x99: {  	s4 =	simm.s32 $_scs_section_size  }
0x9a: {  	s5 =	simm.s32 $_size__tile_overlayer_lowered;
	s6 =	simm.s32 $_tile_overlayer_lowered  }
0x9b: {  	s22 =	simm.s32 $0x1BFF;
	s21 =	sshll.u32 s6, $0x1;
	s3 =	sadd.s32 s4, s19  }
0x9c: {  	s7 =	simm.s32 $0x0;
	s20 =	sshll.u32 s5, $0x1;
	s5 =	sadd.s32 s21, s3  }
0x9d: {  	[timem:s7], [sflag:s22] =	dma.local [hbm:s5], s20  }
0x9e: {  	_ =	swait.ge [sflag:s22], s20  }
0x9f: {  	s4 =	ssub.s32 $0x0, s20;
	[sflag:s22] =	ssyncset.done $0x0  }
0xa0: {  	[sflag:s22] =	ssyncadd.s32 s4;
	_ =	sdelay $0x1  }
0xa1: {  	s23 =	simm.s32 $0x1B8B  }
0xa2: {  	_ =	swait.ge [sflag:s23], $0x1  }
0xa3: {  	[sflag:s23] =	ssyncset.done $0x0  }
0xa4: {  	s25 =	simm.s32 $0x1B8E;
	s24 =	sld [smem:$0x3FFE];
	[sflag:s23] =	ssyncadd.s32 $0xFFFFFFFF  }
0xa5: {  	s26 =	simm.s32 $execute0_lowered;
	[smem:$0x3FD2] =	sst s25  }
0xa6: {  	s5 =	sshll.u32 s26, $0x1;
	_ =	strace $0x80000049;
	[dreg:$0x1] =	wrdreg $0xFFFFFFFF  }
0xa7: {  	s28 =	simm.s32 $_size_execute0_lowered;
	s3 =	sadd.s32 s3, s5;
	[dreg:$0x0] =	wrdreg $0x0  }
0xa8: {  	s5 =	sshll.u32 s28, $0x1;
	[dreg:$0x2] =	wrdreg s3  }
0xa9: {  	[dreg:$0x3] =	wrdreg s5  }
0xaa: {  	[dreg:$0x4] =	wrdreg $0xC0  }
0xab: {  	_ =	task [dreg:s7], $0x5FFFF  }
0xac: {  	[dreg:$0x1] =	wrdreg $0xFFFFFFFF  }
0xad: {  	[dreg:$0x0] =	wrdreg $0x60  }
0xae: {  	[dreg:$0x2] =	wrdreg s2  }
0xaf: {  	[dreg:$0x3] =	wrdreg s24  }
0xb0: {  	[dreg:$0x4] =	wrdreg $0xA3000  }
0xb1: {  	[dreg:$0x5] =	wrdreg $0x9  }
0xb2: {  	_ =	task.clear_ibuf [dreg:s7], $0x6FFFF;
	_ =	strace $0x90000049  }
0xb3: {  	s29 =	simm.s32 $0x9;
	_ =	strace $0x8000004B  }
0xb4: {  	_ =	swait.ge [sflag:s29], $0x1  }
0xb5: {  	[sflag:s29] =	ssyncadd.s32 $0xFFFFFFFF  }
0xb6: {  	_ =	strace $0x9000004B  }
0xb7: {  	_ =	sfence  }
0xb8: {  	s30 =	sld [smem:$0x0];
	_ =	sdelay $0x2  }
0xb9: {  	s31 =	sshll.u32 s1, $0xD;
	s1 =	sshrl.u32 s1, $0x2  }
0xba: {  	s3 =	sand.u32 $0x4000, s31;
	s1 =	sadd.s32 s1, s30  }
0xbb: {  	s0 =	sor.u32 s3, s0;
	s1 =	sshll.u32 s1, $0x11  }
0xbc: {  	s0 =	sor.u32 s1, s0  }
0xbd: {  	s0 =	sadd.s32 $0x8F2B, s0  }
0xbe: {  	[sflag:s0] =	ssyncadd.remote.s32 $0x1  }
0xbf: {  	_ =	sfence.sel $0xFFFF  }
0xc0: {  	[dreg:$0x0] =	wrdreg $0xFFFFFFFF;
	(pc) =	sbr.abs _section_cstart, $3  }
0xc1: {  	[dreg:$0x1] =	wrdreg $0xFFFFFFFF  }
0xc2: {  	_ =	task.clear_ibuf [dreg:s7], $0x2FFFF;
	_ =	strace $0x9FFFFFFF  }
0xc3: {  	(tm) =	ssettm $0x7FFFFFFF  }
tec
execute0_lowered:
.L_overlay_start_1:
0x0: {  	(tag) =	ssettag $0x1  }
0x1: {  	s0 =	rddreg [dreg:$0x0]  }
0x2: {  	s1 =	rddreg [dreg:$0x1]  }
0x3: {  	s2 =	rddreg [dreg:$0x2];
	s3 =	simm.s32 $0x0;
	s13 =	stileid.u32  }
0x4: {  	s4 =	srdreg.scid;
	s16 =	simm.s32 $0x7;
	s18 =	simm.s32 $0x1  }
0x5: {  	s19 =	simm.s32 $0x50;
	s20 =	simm.s32 $0x2780;
	s21 =	simm.s32 $0x2B00  }
0x6: {  	s28 =	simm.s32 $0x2;
	s29 =	simm.s32 $0x2A00;
	s30 =	simm.s32 $0x4  }
0x7: {  	s31 =	simm.s32 $0x3;
	[smem:$0x7FF] =	sst s3;
	s22 =	smul.u32 $0x4E2, s13  }
0x8: {  	s5 =	smul.u32 $0x2700, s13;
	s6 =	sand.u32 $0x1, s4;
	s4 =	sadd.s32 $0x30800, s1  }
0x9: {  	s10 =	smul.u32 $0x4E000, s13;
	s14 =	sadd.s32 $0xA6400, s1;
	s15 =	sadd.s32 $0xCD600, s1  }
0xa: {  	s24 =	sshll.u32 s13, $0x6;
	s11 =	sadd.s32 $0x7F000, s1;
	p2 =	seq.s32 s13, $0xF  }
0xb: {  	_ =	strace $0x8000004A;
	s7 =	ssub.s32 $0x2, s6;
	[dreg:$0x5] =	wrdreg s15  }
0xc: {  	p0 =	seq.s32 s6, $0x0;
	[dreg:$0x4] =	wrdreg s14;
	p1 =	sne.s32 s6, $0x0  }
0xd: {  	s3 =	sadd.s32 s22, s1;
	s8 =	sadd.s32 s5, s1;
	s9 =	sshrl.u32 s7, $0x1  }
0xe: {  	s23 =	sshrl.u32 s10, $0x2;
	s10 =	sadd.s32 $0x138000, s2;
	s25 =	sadd.s32 s15, s5  }
0xf: {  	s26 =	sadd.s32 s14, s5;
	s4 =	smov.u32 @p0 s0;
	p0 =	sne.s32 s13, $0xF  }
0x10: {  	s22 =	simm.s32 $0x2800;
	s0 =	simm.s32 $0x2A80;
	s1 =	simm.s32 $0x5  }
0x11: {  	s13 =	simm.s32 $0x0;
	s12 =	ssub.s32 s7, s9;
	s7 =	sadd.s32 $0x4600, s3  }
.Ltmp0:
0x12: {  	s3 =	sadd.s32 s23, s2;
	[dreg:$0x7] =	wrdreg s25;
	(pc) =	sbr.rel .LBB2_1-.Ltmp0, $4  }
0x13: {  	s8 =	sadd.s32 $0x58000, s8;
	s9 =	sor.u32 $0x1C07, s24;
	[dreg:$0x8] =	wrdreg s26  }
0x14: {  	[dreg:$0x6] =	wrdreg s10;
	s17 =	sshrl.u32 @!p0 s10, $0x3;
	s23 =	simm.s32 $0x5300  }
0x15: {  	s24 =	simm.s32 $0x2980;
	s25 =	simm.s32 $0x2880;
	s26 =	simm.s32 $0x7B00  }
0x16: {  	s14 =	smax.u32 s12, $0x1;
	s15 =	sshrl.u32 s3, $0x3;
	s12 =	simm.s32 $0x6  }
.LBB2_6:
0x17: {  	s5 =	rddreg [dreg:$0x6]  }
0x18: {  	s3 =	sadd.s32 $0x27000, s3;
	s5 =	sshrl.u32 s5, $0x3  }
0x19: {  	[hbm:s3], [sflag:s9] =	dma.local [spmem:s5], $0x100  }
0x1a: {  	_ =	swait.ge [sflag:s16], $0x100  }
0x1b: {  	[sflag:s16] =	ssyncset.done $0x0  }
0x1c: {  	[sflag:s16] =	ssyncadd.s32 $0xFFFFFF00  }
.LBB2_7:
0x1d: {  	s13 =	sadd.s32 $0x1, s13  }
0x1e: {  	p3 =	sne.s32 s13, s14  }
.Ltmp1:
0x1f: {  	_ = 	snop;
	(pc) =	sbr.rel @!p3 .LBB2_8-.Ltmp1, $1  }
0x20: {  	_ =	sdelay $0x3  }
.LBB2_1:
0x21: {  	s6 =	simm.s32 $0x0  }
0x22: {  	[tilespmem:s6], [sflag:$0x1] =	stream.linear.gather [hbm4b:s7+s6], $0x2710, $0x38;
	[tilespmem:$0x1DC00] =	vst v63  }
0x23: {  	[spmem:s15], [sflag:s9] =	dma.local [hbm:s8], $0x2700  }
0x24: {  	_ =	swait.ge [sflag:s16], $0x2700  }
0x25: {  	[sflag:s16] =	ssyncset.done $0x0  }
0x26: {  	s3 =	simm.s32 @!p0 $0x7;
	[sflag:s16] =	ssyncadd.s32 $0xFFFFD900  }
0x27: {  	[spmem:s17], [sflag:s9] =	dma.local @!p0 [hbm:s11], $0x200  }
0x28: {  	_ =	swait.ge @!p0 [sflag:s3], $0x200  }
0x29: {  	[sflag:s3] =	ssyncset.done @!p0 $0x0  }
0x2a: {  	[sflag:s3] =	ssyncadd.s32 @!p0 $0xFFFFFE00  }
0x2b: {  	_ =	swait.ge [sflag:s18], $0x2710  }
0x2c: {  	[sflag:s18] =	ssyncset.done $0x0  }
0x2d: {  	[sflag:s18] =	ssyncadd.s32 $0xFFFFD8F0  }
0x2e: {  	[bflag:$0x0] =	sbarrier.arrive $0xFFFF  }
0x2f: {  	v0 =	vld [tilespmem:$0x0];
	_ =	sdelay $0x1  }
0x30: {  	v1 =	vld [tilespmem:$0x10];
	_ =	sdelay $0x1  }
0x31: {  	v2 =	vld [tilespmem:$0x20]  }
0x32: {  	v3 =	vshrl.u32 v0, $0xE  }
0x33: {  	v0 =	vand.u32 $0x3FFF, v0;
	[tilespmem:$0x2780] =	vst v3;
	v3 =	vld [tilespmem:$0x30]  }
0x34: {  	[tilespmem:$0x2980] =	vst v0;
	v0 =	vshrl.u32 v1, $0xE  }
0x35: {  	[tilespmem:$0x2790] =	vst v0;
	v0 =	vand.u32 $0x3FFF, v1;
	v1 =	vld [tilespmem:$0x40]  }
0x36: {  	[tilespmem:$0x2990] =	vst v0;
	v0 =	vshrl.u32 v2, $0xE  }
0x37: {  	[tilespmem:$0x27A0] =	vst v0;
	v0 =	vand.u32 $0x3FFF, v2  }
0x38: {  	[tilespmem:$0x29A0] =	vst v0;
	v0 =	vshrl.u32 v3, $0xE  }
0x39: {  	[tilespmem:$0x27B0] =	vst v0;
	v0 =	vand.u32 $0x3FFF, v3  }
0x3a: {  	[tilespmem:$0x29B0] =	vst v0;
	v0 =	vshrl.u32 v1, $0xE  }
0x3b: {  	[tilespmem:$0x27C0] =	vst v0;
	v0 =	vand.u32 $0x3FFF, v1  }
0x3c: {  	[tilespmem:$0x29C0] =	vst v0  }
0x3d: {  	[tilespmem:s21], [sflag:$0x1] =	stream.indirect.gather [hbm4b:s4+s19], $0x80, s20, s19, $0xb8;
	[tilespmem:$0x1DC00] =	vst v63  }
0x3e: {  	v0 =	vld [tilespmem:$0x50];
	_ =	sdelay $0x1  }
0x3f: {  	v1 =	vld [tilespmem:$0x60];
	_ =	sdelay $0x1  }
0x40: {  	v2 =	vld [tilespmem:$0x70]  }
0x41: {  	v3 =	vshrl.u32 v0, $0xE  }
0x42: {  	v0 =	vand.u32 $0x3FFF, v0;
	[tilespmem:$0x2800] =	vst v3;
	v3 =	vld [tilespmem:$0x80]  }
0x43: {  	[tilespmem:$0x2A00] =	vst v0;
	v0 =	vshrl.u32 v1, $0xE  }
0x44: {  	[tilespmem:$0x2810] =	vst v0;
	v0 =	vand.u32 $0x3FFF, v1;
	v1 =	vld [tilespmem:$0x90]  }
0x45: {  	[tilespmem:$0x2A10] =	vst v0;
	v0 =	vshrl.u32 v2, $0xE  }
0x46: {  	[tilespmem:$0x2820] =	vst v0;
	v0 =	vand.u32 $0x3FFF, v2  }
0x47: {  	[tilespmem:$0x2A20] =	vst v0;
	v0 =	vshrl.u32 v3, $0xE  }
0x48: {  	[tilespmem:$0x2830] =	vst v0;
	v0 =	vand.u32 $0x3FFF, v3  }
0x49: {  	[tilespmem:$0x2A30] =	vst v0;
	v0 =	vshrl.u32 v1, $0xE  }
0x4a: {  	[tilespmem:$0x2840] =	vst v0;
	v0 =	vand.u32 $0x3FFF, v1  }
0x4b: {  	[tilespmem:$0x2A40] =	vst v0  }
0x4c: {  	[tilespmem:s23], [sflag:$0x2] =	stream.indirect.gather [hbm4b:s4+s19], $0x80, s22, s19, $0xb8;
	[tilespmem:$0x1DC00] =	vst v63  }
0x4d: {  	_ =	swait.ge [sflag:s18], $0x2800  }
0x4e: {  	[sflag:s18] =	ssyncset.done $0x0  }
0x4f: {  	[sflag:s18] =	ssyncadd.s32 $0xFFFFD800  }
0x50: {  	[spmem:s2] =	stream.indirect.scatter.add.f32 [tilespmem:s21], [sflag:$0x4], $0x80, s24, s19, $0xb8;
	[tilespmem:$0x1DC00] =	vst v63  }
0x51: {  	v0 =	vld [tilespmem:$0xA0];
	_ =	sdelay $0x1  }
0x52: {  	v1 =	vld [tilespmem:$0xB0];
	_ =	sdelay $0x1  }
0x53: {  	v2 =	vld [tilespmem:$0xC0]  }
0x54: {  	v3 =	vshrl.u32 v0, $0xE  }
0x55: {  	v0 =	vand.u32 $0x3FFF, v0;
	[tilespmem:$0x2880] =	vst v3;
	v3 =	vld [tilespmem:$0xD0]  }
0x56: {  	[tilespmem:$0x2A80] =	vst v0;
	v0 =	vshrl.u32 v1, $0xE  }
0x57: {  	[tilespmem:$0x2890] =	vst v0;
	v0 =	vand.u32 $0x3FFF, v1;
	v1 =	vld [tilespmem:$0xE0]  }
0x58: {  	[tilespmem:$0x2A90] =	vst v0;
	v0 =	vshrl.u32 v2, $0xE  }
0x59: {  	[tilespmem:$0x28A0] =	vst v0;
	v0 =	vand.u32 $0x3FFF, v2  }
0x5a: {  	[tilespmem:$0x2AA0] =	vst v0;
	v0 =	vshrl.u32 v3, $0xE  }
0x5b: {  	[tilespmem:$0x28B0] =	vst v0;
	v0 =	vand.u32 $0x3FFF, v3  }
0x5c: {  	[tilespmem:$0x2AB0] =	vst v0;
	v0 =	vshrl.u32 v1, $0xE  }
0x5d: {  	[tilespmem:$0x28C0] =	vst v0;
	v0 =	vand.u32 $0x3FFF, v1  }
0x5e: {  	[tilespmem:$0x2AC0] =	vst v0  }
0x5f: {  	[tilespmem:s26], [sflag:$0x3] =	stream.indirect.gather [hbm4b:s4+s19], $0x80, s25, s19, $0xb8;
	[tilespmem:$0x1DC00] =	vst v63  }
0x60: {  	_ =	swait.ge [sflag:s28], $0x2800  }
0x61: {  	[sflag:s28] =	ssyncset.done $0x0  }
0x62: {  	[sflag:s28] =	ssyncadd.s32 $0xFFFFD800  }
0x63: {  	[spmem:s2] =	stream.indirect.scatter.add.f32 [tilespmem:s23], [sflag:$0x5], $0x80, s29, s19, $0xb8;
	[tilespmem:$0x1DC00] =	vst v63  }
0x64: {  	_ =	swait.ge [sflag:s30], $0x2800  }
0x65: {  	[sflag:s30] =	ssyncset.done $0x0  }
0x66: {  	[sflag:s30] =	ssyncadd.s32 $0xFFFFD800  }
0x67: {  	v0 =	vld [tilespmem:$0xF0];
	_ =	sdelay $0x1  }
0x68: {  	v1 =	vld [tilespmem:$0x100];
	_ =	sdelay $0x1  }
0x69: {  	v2 =	vld [tilespmem:$0x110]  }
0x6a: {  	v3 =	vshrl.u32 v0, $0xE  }
0x6b: {  	v0 =	vand.u32 $0x3FFF, v0;
	[tilespmem:$0x2780] =	vst v3;
	v3 =	vld [tilespmem:$0x120]  }
0x6c: {  	[tilespmem:$0x2980] =	vst v0;
	v0 =	vshrl.u32 v1, $0xE  }
0x6d: {  	[tilespmem:$0x2790] =	vst v0;
	v0 =	vand.u32 $0x3FFF, v1;
	v1 =	vld [tilespmem:$0x130]  }
0x6e: {  	[tilespmem:$0x2990] =	vst v0;
	v0 =	vshrl.u32 v2, $0xE  }
0x6f: {  	[tilespmem:$0x27A0] =	vst v0;
	v0 =	vand.u32 $0x3FFF, v2  }
0x70: {  	[tilespmem:$0x29A0] =	vst v0;
	v0 =	vshrl.u32 v3, $0xE  }
0x71: {  	[tilespmem:$0x27B0] =	vst v0;
	v0 =	vand.u32 $0x3FFF, v3  }
0x72: {  	[tilespmem:$0x29B0] =	vst v0;
	v0 =	vshrl.u32 v1, $0xE  }
0x73: {  	[tilespmem:$0x27C0] =	vst v0;
	v0 =	vand.u32 $0x3FFF, v1  }
0x74: {  	[tilespmem:$0x29C0] =	vst v0  }
0x75: {  	[tilespmem:s21], [sflag:$0x1] =	stream.indirect.gather [hbm4b:s4+s19], $0x80, s20, s19, $0xb8;
	[tilespmem:$0x1DC00] =	vst v63  }
0x76: {  	_ =	swait.ge [sflag:s31], $0x2800  }
0x77: {  	[sflag:s31] =	ssyncset.done $0x0  }
0x78: {  	[sflag:s31] =	ssyncadd.s32 $0xFFFFD800  }
0x79: {  	[spmem:s2] =	stream.indirect.scatter.add.f32 [tilespmem:s26], [sflag:$0x6], $0x80, s0, s19, $0xb8;
	[tilespmem:$0x1DC00] =	vst v63  }
0x7a: {  	_ =	swait.ge [sflag:s1], $0x2800  }
0x7b: {  	[sflag:s1] =	ssyncset.done $0x0  }
0x7c: {  	s5 =	simm.s32 $0x220;
	[sflag:s1] =	ssyncadd.s32 $0xFFFFD800  }
0x7d: {  	v0 =	vld [tilespmem:s5+$0xFFFFFF20];
	_ =	sdelay $0x4  }
0x7e: {  	v1 =	vshrl.u32 v0, $0xE  }
0x7f: {  	v0 =	vand.u32 $0x3FFF, v0;
	[tilespmem:$0x2800] =	vst v1  }
0x80: {  	[tilespmem:$0x2A00] =	vst v0  }
0x81: {  	v0 =	vld [tilespmem:s5+$0xFFFFFF30];
	_ =	sdelay $0x4  }
0x82: {  	v1 =	vshrl.u32 v0, $0xE  }
0x83: {  	v0 =	vand.u32 $0x3FFF, v0;
	[tilespmem:$0x2810] =	vst v1  }
0x84: {  	[tilespmem:$0x2A10] =	vst v0  }
0x85: {  	v0 =	vld [tilespmem:s5+$0xFFFFFF40];
	_ =	sdelay $0x4  }
0x86: {  	v1 =	vshrl.u32 v0, $0xE  }
0x87: {  	v0 =	vand.u32 $0x3FFF, v0;
	[tilespmem:$0x2820] =	vst v1  }
0x88: {  	[tilespmem:$0x2A20] =	vst v0  }
0x89: {  	v0 =	vld [tilespmem:s5+$0xFFFFFF50];
	_ =	sdelay $0x4  }
0x8a: {  	v1 =	vshrl.u32 v0, $0xE  }
0x8b: {  	v0 =	vand.u32 $0x3FFF, v0;
	[tilespmem:$0x2830] =	vst v1  }
0x8c: {  	s10 =	sand.u32 $0x3FF0, s6;
	[tilespmem:$0x2A30] =	vst v0  }
0x8d: {  	v0 =	vld [tilespmem:s10+$0x180];
	_ =	sdelay $0x4  }
0x8e: {  	v1 =	vshrl.u32 v0, $0xE  }
0x8f: {  	v0 =	vand.u32 $0x3FFF, v0;
	[tilespmem:$0x2840] =	vst v1  }
0x90: {  	[tilespmem:$0x2A40] =	vst v0  }
0x91: {  	[tilespmem:s23], [sflag:$0x2] =	stream.indirect.gather [hbm4b:s4+s19], $0x80, s22, s19, $0xb8;
	[tilespmem:$0x1DC00] =	vst v63  }
0x92: {  	_ =	swait.ge [sflag:s18], $0x2800  }
0x93: {  	[sflag:s18] =	ssyncset.done $0x0  }
0x94: {  	[sflag:s18] =	ssyncadd.s32 $0xFFFFD800  }
0x95: {  	[spmem:s2] =	stream.indirect.scatter.add.f32 [tilespmem:s21], [sflag:$0x4], $0x80, s24, s19, $0xb8;
	[tilespmem:$0x1DC00] =	vst v63  }
0x96: {  	_ =	swait.ge [sflag:s12], $0x2800  }
0x97: {  	[sflag:s12] =	ssyncset.done $0x0  }
0x98: {  	[sflag:s12] =	ssyncadd.s32 $0xFFFFD800  }
0x99: {  	v0 =	vld [tilespmem:s5+$0xFFFFFF70];
	_ =	sdelay $0x4  }
0x9a: {  	v1 =	vshrl.u32 v0, $0xE  }
0x9b: {  	v0 =	vand.u32 $0x3FFF, v0;
	[tilespmem:$0x2880] =	vst v1  }
0x9c: {  	[tilespmem:$0x2A80] =	vst v0  }
0x9d: {  	v0 =	vld [tilespmem:s5+$0xFFFFFF80];
	_ =	sdelay $0x4  }
0x9e: {  	v1 =	vshrl.u32 v0, $0xE  }
0x9f: {  	v0 =	vand.u32 $0x3FFF, v0;
	[tilespmem:$0x2890] =	vst v1  }
0xa0: {  	[tilespmem:$0x2A90] =	vst v0  }
0xa1: {  	v0 =	vld [tilespmem:s5+$0xFFFFFF90];
	_ =	sdelay $0x4  }
0xa2: {  	v1 =	vshrl.u32 v0, $0xE  }
0xa3: {  	v0 =	vand.u32 $0x3FFF, v0;
	[tilespmem:$0x28A0] =	vst v1  }
0xa4: {  	[tilespmem:$0x2AA0] =	vst v0  }
0xa5: {  	v0 =	vld [tilespmem:s5+$0xFFFFFFA0];
	_ =	sdelay $0x4  }
0xa6: {  	v1 =	vshrl.u32 v0, $0xE  }
0xa7: {  	v0 =	vand.u32 $0x3FFF, v0;
	[tilespmem:$0x28B0] =	vst v1  }
0xa8: {  	[tilespmem:$0x2AB0] =	vst v0  }
0xa9: {  	v0 =	vld [tilespmem:s5+$0xFFFFFFB0];
	_ =	sdelay $0x4  }
0xaa: {  	v1 =	vshrl.u32 v0, $0xE  }
0xab: {  	v0 =	vand.u32 $0x3FFF, v0;
	[tilespmem:$0x28C0] =	vst v1  }
0xac: {  	[tilespmem:$0x2AC0] =	vst v0  }
0xad: {  	[tilespmem:s26], [sflag:$0x3] =	stream.indirect.gather [hbm4b:s4+s19], $0x80, s25, s19, $0xb8;
	[tilespmem:$0x1DC00] =	vst v63  }
0xae: {  	_ =	swait.ge [sflag:s28], $0x2800  }
0xaf: {  	[sflag:s28] =	ssyncset.done $0x0  }
0xb0: {  	[sflag:s28] =	ssyncadd.s32 $0xFFFFD800  }
0xb1: {  	[spmem:s2] =	stream.indirect.scatter.add.f32 [tilespmem:s23], [sflag:$0x5], $0x80, s29, s19, $0xb8;
	[tilespmem:$0x1DC00] =	vst v63  }
0xb2: {  	_ =	swait.ge [sflag:s30], $0x2800  }
0xb3: {  	[sflag:s30] =	ssyncset.done $0x0  }
0xb4: {  	[sflag:s30] =	ssyncadd.s32 $0xFFFFD800  }
0xb5: {  	v0 =	vld [tilespmem:s5+$0xFFFFFFC0];
	_ =	sdelay $0x4  }
0xb6: {  	v1 =	vshrl.u32 v0, $0xE  }
0xb7: {  	v0 =	vand.u32 $0x3FFF, v0;
	[tilespmem:$0x2780] =	vst v1  }
0xb8: {  	[tilespmem:$0x2980] =	vst v0  }
0xb9: {  	v0 =	vld [tilespmem:s5+$0xFFFFFFD0];
	_ =	sdelay $0x4  }
0xba: {  	v1 =	vshrl.u32 v0, $0xE  }
0xbb: {  	v0 =	vand.u32 $0x3FFF, v0;
	[tilespmem:$0x2790] =	vst v1  }
0xbc: {  	[tilespmem:$0x2990] =	vst v0  }
0xbd: {  	v0 =	vld [tilespmem:s10+$0x200];
	_ =	sdelay $0x4  }
0xbe: {  	v1 =	vshrl.u32 v0, $0xE  }
0xbf: {  	v0 =	vand.u32 $0x3FFF, v0;
	[tilespmem:$0x27A0] =	vst v1  }
0xc0: {  	[tilespmem:$0x29A0] =	vst v0  }
0xc1: {  	s6 =	simm.s32 $0x220;
	s10 =	simm.s32 $0xF0;
	v0 =	vld [tilespmem:s5+$0xFFFFFFF0]  }
.LBB2_2:
0xc2: {  	p3 =	sne.s32 s10, $0x2490  }
0xc3: {  	s5 =	sadd.s32 $0xF0, s5;
	s3 =	smov.u32 s10;
	s10 =	sadd.s32 $0xF0, s10  }
0xc4: {  	_ =	sdelay $0x2  }
0xc5: {  	v1 =	vshrl.u32 v0, $0xE;
	v0 =	vand.u32 $0x3FFF, v0  }
0xc6: {  	[tilespmem:$0x27B0] =	vst v1  }
0xc7: {  	[tilespmem:$0x29B0] =	vst v0  }
0xc8: {  	v0 =	vld [tilespmem:s6+$0x0];
	s6 =	smov.u32 s5;
	_ =	sdelay $0x4  }
0xc9: {  	v1 =	vshrl.u32 v0, $0xE;
	v0 =	vand.u32 $0x3FFF, v0  }
0xca: {  	[tilespmem:$0x27C0] =	vst v1  }
0xcb: {  	[tilespmem:$0x29C0] =	vst v0  }
0xcc: {  	[tilespmem:s21], [sflag:$0x1] =	stream.indirect.gather [hbm4b:s4+s19], $0x80, s20, s19, $0xb8;
	[tilespmem:$0x1DC00] =	vst v63  }
0xcd: {  	_ =	swait.ge [sflag:s31], $0x2800  }
0xce: {  	[sflag:s31] =	ssyncset.done $0x0  }
0xcf: {  	[sflag:s31] =	ssyncadd.s32 $0xFFFFD800  }
0xd0: {  	[spmem:s2] =	stream.indirect.scatter.add.f32 [tilespmem:s26], [sflag:$0x6], $0x80, s0, s19, $0xb8;
	[tilespmem:$0x1DC00] =	vst v63  }
0xd1: {  	_ =	swait.ge [sflag:s1], $0x2800  }
0xd2: {  	[sflag:s1] =	ssyncset.done $0x0  }
0xd3: {  	[sflag:s1] =	ssyncadd.s32 $0xFFFFD800  }
0xd4: {  	v0 =	vld [tilespmem:s5+$0xFFFFFF20];
	_ =	sdelay $0x4  }
0xd5: {  	v1 =	vshrl.u32 v0, $0xE;
	v0 =	vand.u32 $0x3FFF, v0  }
0xd6: {  	[tilespmem:$0x2800] =	vst v1  }
0xd7: {  	[tilespmem:$0x2A00] =	vst v0  }
0xd8: {  	v0 =	vld [tilespmem:s5+$0xFFFFFF30];
	_ =	sdelay $0x4  }
0xd9: {  	v1 =	vshrl.u32 v0, $0xE;
	v0 =	vand.u32 $0x3FFF, v0  }
0xda: {  	[tilespmem:$0x2810] =	vst v1  }
0xdb: {  	[tilespmem:$0x2A10] =	vst v0  }
0xdc: {  	v0 =	vld [tilespmem:s5+$0xFFFFFF40];
	_ =	sdelay $0x4  }
0xdd: {  	v1 =	vshrl.u32 v0, $0xE;
	v0 =	vand.u32 $0x3FFF, v0  }
0xde: {  	[tilespmem:$0x2820] =	vst v1  }
0xdf: {  	[tilespmem:$0x2A20] =	vst v0  }
0xe0: {  	v0 =	vld [tilespmem:s5+$0xFFFFFF50];
	_ =	sdelay $0x2  }
0xe1: {  	s3 =	sand.u32 $0x3FF0, s3;
	_ =	sdelay $0x1  }
0xe2: {  	v1 =	vshrl.u32 v0, $0xE;
	v0 =	vand.u32 $0x3FFF, v0  }
0xe3: {  	[tilespmem:$0x2830] =	vst v1  }
0xe4: {  	[tilespmem:$0x2A30] =	vst v0  }
0xe5: {  	v0 =	vld [tilespmem:s3+$0x180];
	_ =	sdelay $0x4  }
0xe6: {  	v1 =	vshrl.u32 v0, $0xE;
	v0 =	vand.u32 $0x3FFF, v0  }
0xe7: {  	[tilespmem:$0x2840] =	vst v1  }
0xe8: {  	[tilespmem:$0x2A40] =	vst v0  }
0xe9: {  	[tilespmem:s23], [sflag:$0x2] =	stream.indirect.gather [hbm4b:s4+s19], $0x80, s22, s19, $0xb8;
	[tilespmem:$0x1DC00] =	vst v63  }
0xea: {  	_ =	swait.ge [sflag:s18], $0x2800  }
0xeb: {  	[sflag:s18] =	ssyncset.done $0x0  }
0xec: {  	[sflag:s18] =	ssyncadd.s32 $0xFFFFD800  }
0xed: {  	[spmem:s2] =	stream.indirect.scatter.add.f32 [tilespmem:s21], [sflag:$0x4], $0x80, s24, s19, $0xb8;
	[tilespmem:$0x1DC00] =	vst v63  }
0xee: {  	_ =	swait.ge [sflag:s12], $0x2800  }
0xef: {  	[sflag:s12] =	ssyncset.done $0x0  }
0xf0: {  	[sflag:s12] =	ssyncadd.s32 $0xFFFFD800  }
0xf1: {  	v0 =	vld [tilespmem:s5+$0xFFFFFF70];
	_ =	sdelay $0x4  }
0xf2: {  	v1 =	vshrl.u32 v0, $0xE;
	v0 =	vand.u32 $0x3FFF, v0  }
0xf3: {  	[tilespmem:$0x2880] =	vst v1  }
0xf4: {  	[tilespmem:$0x2A80] =	vst v0  }
0xf5: {  	v0 =	vld [tilespmem:s5+$0xFFFFFF80];
	_ =	sdelay $0x4  }
0xf6: {  	v1 =	vshrl.u32 v0, $0xE;
	v0 =	vand.u32 $0x3FFF, v0  }
0xf7: {  	[tilespmem:$0x2890] =	vst v1  }
0xf8: {  	[tilespmem:$0x2A90] =	vst v0  }
0xf9: {  	v0 =	vld [tilespmem:s5+$0xFFFFFF90];
	_ =	sdelay $0x4  }
0xfa: {  	v1 =	vshrl.u32 v0, $0xE;
	v0 =	vand.u32 $0x3FFF, v0  }
0xfb: {  	[tilespmem:$0x28A0] =	vst v1  }
0xfc: {  	[tilespmem:$0x2AA0] =	vst v0  }
0xfd: {  	v0 =	vld [tilespmem:s5+$0xFFFFFFA0];
	_ =	sdelay $0x4  }
0xfe: {  	v1 =	vshrl.u32 v0, $0xE;
	v0 =	vand.u32 $0x3FFF, v0  }
0xff: {  	[tilespmem:$0x28B0] =	vst v1  }
0x100: {  	[tilespmem:$0x2AB0] =	vst v0  }
0x101: {  	v0 =	vld [tilespmem:s5+$0xFFFFFFB0];
	_ =	sdelay $0x4  }
0x102: {  	v1 =	vshrl.u32 v0, $0xE;
	v0 =	vand.u32 $0x3FFF, v0  }
0x103: {  	[tilespmem:$0x28C0] =	vst v1  }
0x104: {  	[tilespmem:$0x2AC0] =	vst v0  }
0x105: {  	[tilespmem:s26], [sflag:$0x3] =	stream.indirect.gather [hbm4b:s4+s19], $0x80, s25, s19, $0xb8;
	[tilespmem:$0x1DC00] =	vst v63  }
0x106: {  	_ =	swait.ge [sflag:s28], $0x2800  }
0x107: {  	[sflag:s28] =	ssyncset.done $0x0  }
0x108: {  	[sflag:s28] =	ssyncadd.s32 $0xFFFFD800  }
0x109: {  	[spmem:s2] =	stream.indirect.scatter.add.f32 [tilespmem:s23], [sflag:$0x5], $0x80, s29, s19, $0xb8;
	[tilespmem:$0x1DC00] =	vst v63  }
0x10a: {  	_ =	swait.ge [sflag:s30], $0x2800  }
0x10b: {  	[sflag:s30] =	ssyncset.done $0x0  }
0x10c: {  	[sflag:s30] =	ssyncadd.s32 $0xFFFFD800  }
0x10d: {  	v0 =	vld [tilespmem:s5+$0xFFFFFFC0];
	_ =	sdelay $0x4  }
0x10e: {  	v1 =	vshrl.u32 v0, $0xE;
	v0 =	vand.u32 $0x3FFF, v0  }
0x10f: {  	[tilespmem:$0x2780] =	vst v1  }
0x110: {  	[tilespmem:$0x2980] =	vst v0  }
0x111: {  	v0 =	vld [tilespmem:s5+$0xFFFFFFD0];
	_ =	sdelay $0x4  }
0x112: {  	v1 =	vshrl.u32 v0, $0xE;
	v0 =	vand.u32 $0x3FFF, v0  }
0x113: {  	[tilespmem:$0x2790] =	vst v1  }
0x114: {  	[tilespmem:$0x2990] =	vst v0  }
0x115: {  	v0 =	vld [tilespmem:s3+$0x200];
	_ =	sdelay $0x3  }
.Ltmp2:
0x116: {  	(pc) =	sbr.rel @p3 .LBB2_2-.Ltmp2, $4  }
0x117: {  	v1 =	vshrl.u32 v0, $0xE;
	v0 =	vand.u32 $0x3FFF, v0  }
0x118: {  	[tilespmem:$0x27A0] =	vst v1  }
0x119: {  	[tilespmem:$0x29A0] =	vst v0  }
0x11a: {  	v0 =	vld [tilespmem:s5+$0xFFFFFFF0]  }
0x11b: {  	_ =	sdelay $0x3  }
0x11c: {  	v1 =	vshrl.u32 v0, $0xE  }
0x11d: {  	v50 =	vand.u32 $0x3FFF, v0;
	[tilespmem:$0x27B0] =	vst v1  }
0x11e: {  	[tilespmem:$0x29B0] =	vst v50  }
0x11f: {  	v0 =	vld [tilespmem:s6+$0x0];
	_ =	sdelay $0x4  }
0x120: {  	v51 =	vshrl.u32 v0, $0xE  }
0x121: {  	v0 =	vand.u32 $0x3FFF, v0;
	[tilespmem:$0x27C0] =	vst v51  }
0x122: {  	[tilespmem:$0x29C0] =	vst v0  }
0x123: {  	[tilespmem:s21], [sflag:$0x1] =	stream.indirect.gather [hbm4b:s4+s19], $0x80, s20, s19, $0xb8;
	[tilespmem:$0x1DC00] =	vst v63  }
0x124: {  	_ =	swait.ge [sflag:s31], $0x2800  }
0x125: {  	[sflag:s31] =	ssyncset.done $0x0  }
0x126: {  	[sflag:s31] =	ssyncadd.s32 $0xFFFFD800  }
0x127: {  	[spmem:s2] =	stream.indirect.scatter.add.f32 [tilespmem:s26], [sflag:$0x6], $0x80, s0, s19, $0xb8;
	[tilespmem:$0x1DC00] =	vst v63  }
0x128: {  	_ =	swait.ge [sflag:s1], $0x2800  }
0x129: {  	[sflag:s1] =	ssyncset.done $0x0  }
0x12a: {  	[sflag:s1] =	ssyncadd.s32 $0xFFFFD800  }
0x12b: {  	v52 =	vld [tilespmem:$0x26C0];
	_ =	sdelay $0x1  }
0x12c: {  	v53 =	vld [tilespmem:$0x26D0];
	_ =	sdelay $0x1  }
0x12d: {  	v2 =	vld [tilespmem:$0x26E0]  }
0x12e: {  	v3 =	vshrl.u32 v52, $0xE  }
0x12f: {  	v54 =	vld [tilespmem:$0x26F0];
	v0 =	vand.u32 $0x3FFF, v52;
	[tilespmem:$0x2800] =	vst v3  }
0x130: {  	v55 =	vshrl.u32 v53, $0xE;
	[tilespmem:$0x2A00] =	vst v0  }
0x131: {  	v57 =	vld [tilespmem:$0x2700];
	v56 =	vand.u32 $0x3FFF, v53;
	[tilespmem:$0x2810] =	vst v55  }
0x132: {  	v58 =	vshrl.u32 v2, $0xE;
	[tilespmem:$0x2A10] =	vst v56  }
0x133: {  	v59 =	vand.u32 $0x3FFF, v2;
	[tilespmem:$0x2820] =	vst v58  }
0x134: {  	v60 =	vshrl.u32 v54, $0xE;
	[tilespmem:$0x2A20] =	vst v59  }
0x135: {  	v61 =	vand.u32 $0x3FFF, v54;
	[tilespmem:$0x2830] =	vst v60  }
0x136: {  	v62 =	vshrl.u32 v57, $0xE;
	[tilespmem:$0x2A30] =	vst v61  }
0x137: {  	v63 =	vand.u32 $0x3FFF, v57;
	[tilespmem:$0x2840] =	vst v62  }
0x138: {  	[tilespmem:$0x2A40] =	vst v63  }
0x139: {  	[tilespmem:s23], [sflag:$0x2] =	stream.indirect.gather [hbm4b:s4+s19], $0x80, s22, s19, $0xb8;
	[tilespmem:$0x1DC00] =	vst v63  }
0x13a: {  	_ =	swait.ge [sflag:s18], $0x2800  }
0x13b: {  	[sflag:s18] =	ssyncset.done $0x0  }
0x13c: {  	[sflag:s18] =	ssyncadd.s32 $0xFFFFD800  }
0x13d: {  	[spmem:s2] =	stream.indirect.scatter.add.f32 [tilespmem:s21], [sflag:$0x4], $0x80, s24, s19, $0xb8;
	[tilespmem:$0x1DC00] =	vst v63  }
0x13e: {  	_ =	swait.ge [sflag:s28], $0x2800  }
0x13f: {  	[sflag:s28] =	ssyncset.done $0x0  }
0x140: {  	[sflag:s28] =	ssyncadd.s32 $0xFFFFD800  }
0x141: {  	[spmem:s2] =	stream.indirect.scatter.add.f32 [tilespmem:s23], [sflag:$0x5], $0x80, s29, s19, $0xb8;
	[tilespmem:$0x1DC00] =	vst v63  }
0x142: {  	_ =	swait.ge [sflag:s12], $0x2800  }
0x143: {  	[sflag:s12] =	ssyncset.done $0x0  }
0x144: {  	[sflag:s12] =	ssyncadd.s32 $0xFFFFD800  }
0x145: {  	_ =	swait.ge [sflag:s30], $0x2800  }
0x146: {  	[sflag:s30] =	ssyncset.done $0x0  }
0x147: {  	[sflag:s30] =	ssyncadd.s32 $0xFFFFD800  }
.Ltmp3:
0x148: {  	_ =	swait.ge [sflag:s1], $0x2800;
	(pc) =	sbr.rel @p1 .LBB2_5-.Ltmp3, $3  }
0x149: {  	[sflag:s1] =	ssyncset.done $0x0  }
0x14a: {  	[sflag:s1] =	ssyncadd.s32 $0xFFFFD800  }
0x14b: {  	[bflag:$0x0] =	sbarrier.arrive $0xFFFF;
	_ =	sdelay $0x1  }
0x14c: {  	s3 =	rddreg [dreg:$0x8]  }
0x14d: {  	[hbm:s3], [sflag:s9] =	dma.local [spmem:s15], $0x2700  }
.Ltmp4:
0x14e: {  	_ = 	snop;
	(pc) =	sbr.rel @p2 .LBB2_6-.Ltmp4, $4  }
.Ltmp5:
0x14f: {  	_ = 	snop;
	(pc) =	sbr.rel @!p2 .LBB2_7-.Ltmp5, $4  }
0x150: {  	_ =	swait.ge [sflag:s16], $0x2700  }
0x151: {  	[sflag:s16] =	ssyncset.done $0x0  }
0x152: {  	s3 =	rddreg [dreg:$0x4];
	[sflag:s16] =	ssyncadd.s32 $0xFFFFD900  }
0x153: {  	_ = 	snop  }
.LBB2_5:
0x154: {  	s3 =	rddreg [dreg:$0x7]  }
0x155: {  	[hbm:s3], [sflag:s9] =	dma.local [spmem:s15], $0x2700  }
.Ltmp6:
0x156: {  	_ = 	snop;
	(pc) =	sbr.rel @p0 .LBB2_7-.Ltmp6, $4  }
.Ltmp7:
0x157: {  	_ = 	snop;
	(pc) =	sbr.rel @!p0 .LBB2_6-.Ltmp7, $4  }
0x158: {  	_ =	swait.ge [sflag:s16], $0x2700  }
0x159: {  	[sflag:s16] =	ssyncset.done $0x0  }
0x15a: {  	s3 =	rddreg [dreg:$0x5];
	[sflag:s16] =	ssyncadd.s32 $0xFFFFD900  }
0x15b: {  	_ = 	snop  }
.LBB2_8:
0x15c: {  	_ =	sfence.sel $0x180000  }
0x15d: {  	[bflag:$0x0] =	sbarrier.arrive $0xFFFF  }
0x15e: {  	_ =	strace $0x9000004A  }
0x15f: {  	s0 =	stileid.u32;
	[bflag:$0x2] =	sbarrier.arrive $0xFFFF  }
0x160: {  	p0 =	sne.s32 s0, $0x0;
	s0 =	rddreg [dreg:$0x3]  }
0x161: {  	s0 =	sadd.s32 @!p0 $0x100000, s0  }
0x162: {  	[sflag:s0] =	ssyncadd.tile.s32 @!p0 $0x1;
	_ =	shalt  }
.Lfunc_end2:
_tile_overlayer_lowered:
.L_overlay_start_2:
0x163: {  	(tag) =	ssettag $0x2  }
0x164: {  	s0 =	rddreg [dreg:$0x0];
	s2 =	stileid.u32  }
0x165: {  	s1 =	rddreg [dreg:$0x1];
	p0 =	sne.s32 s2, $0x0  }
0x166: {  	s3 =	rddreg [dreg:$0x2];
	[bflag:$0x3] =	sbarrier.arrive $0xFFFF;
	s2 =	simm.s32 @!p0 $0x1C07  }
0x167: {  	[timem:s3], [sflag:s2] =	dma.local @!p0 [hbm:s0], s1  }
0x168: {  	s0 =	simm.s32 @!p0 $0x7  }
0x169: {  	_ =	swait.ge @!p0 [sflag:s0], s1  }
0x16a: {  	s1 =	ssub.s32 @!p0 $0x0, s1;
	[sflag:s0] =	ssyncset.done @!p0 $0x0  }
0x16b: {  	[sflag:s0] =	ssyncadd.s32 @!p0 s1  }
0x16c: {  	[bflag:$0x3] =	sbarrier.arrive $0xFFFF  }
0x16d: {  	_ =	shalt  }

// kernel: kernel.9.cloned.1.call-start
scs
__scs_entry_jumppad:
0x0: {  	(pc) =	sbr.rel $0x88, $3  }
0x1: {  	(tag) =	ssettag $0x0;
	lr =	simm.s32 $0x1  }
0x2: {  	[smem:$0x3F99] =	sst lr;
	_ =	strace $0xD0000000  }
0x3: {  	_ = 	snop  }
0x4: {  	_ = 	snop  }
0x5: {  	_ = 	snop  }
0x6: {  	_ = 	snop  }
0x7: {  	_ = 	snop  }
__scs_overlays_trampoline_lowered:
0x8: {  	[smem:$0x3FA8] =	sst s0  }
0x9: {  	[smem:$0x3FA9] =	sst s1  }
0xa: {  	[smem:$0x3FAA] =	sst s2  }
0xb: {  	[smem:$0x3FAB] =	sst s3  }
0xc: {  	[smem:$0x3FAC] =	sst s4  }
0xd: {  	[smem:$0x3FAD] =	sst s5  }
0xe: {  	[smem:$0x3FAE] =	sst s6  }
0xf: {  	[smem:$0x3FAF] =	sst s7  }
0x10: {  	[smem:$0x3FB0] =	sst s8  }
0x11: {  	[smem:$0x3FB1] =	sst s9;
	s0 =	simm.s32 @!p0 $0x0  }
0x12: {  	s1 =	sld [smem:$0x3F97];
	s0 =	simm.s32 @p0 $0x1  }
0x13: {  	[smem:$0x3FB2] =	sst s0;
	s0 =	simm.s32 @!p1 $0x0  }
0x14: {  	s2 =	sld [smem:$0x3F96];
	s0 =	simm.s32 @p1 $0x1  }
0x15: {  	[smem:$0x3FB3] =	sst s0;
	s0 =	simm.s32 @!p2 $0x0  }
0x16: {  	s3 =	sld [smem:$0x3FDB];
	s0 =	simm.s32 @p2 $0x1  }
0x17: {  	s4 =	simm.s32 $0x1BF5;
	[smem:$0x3FB5] =	sst s0  }
0x18: {  	s0 =	sld [smem:$0x3F98];
	_ =	swait.ge [sflag:s4], $0x0  }
0x19: {  	s7 =	sld [smem:$0x3F99]  }
0x1a: {  	s8 =	sadd.s32 $0xFFFFE003, lr  }
0x1b: {  	s9 =	sadd.s32 $0xFFFFFEF7, lr;
	s5 =	simm.s32 $0xFFFFFFFF;
	p2 =	slt.u32 s8, $0xFFFFF086  }
0x1c: {  	p1 =	slt.u32 s9, $0xF7A;
	s5 =	simm.s32 @!p2 $0x0  }
0x1d: {  	s5 =	simm.s32 @p1 $0x1;
	p0 =	seq.s32 s7, s2  }
0x1e: {  	s7 =	smul.u32 @!p0 $0xF7A, s2;
	p2 =	seq.s32 @!p0 s5, $0x0  }
0x1f: {  	s9 =	smul.u32 $0xF7A, s1;
	s8 =	simm.s32 @!p0 $0x1BF5;
	p2 =	por !p2, p0  }
0x20: {  	[sflag:s8] =	ssyncset.s32 @!p0 $0xFFFFF086;
	s6 =	sadd.s32 @!p0 s3, s7;
	s7 =	simm.s32 @!p0 $0x108  }
0x21: {  	s3 =	sadd.s32 s3, s9;
	s6 =	sadd.s32 @!p0 $0x88, s6;
	s7 =	simm.s32 @p2 $0x1082  }
0x22: {  	[simem:s7], [sflag:s8] =	dma.local @!p0 [hbm:s6], $0xF7A  }
0x23: {  	s9 =	sor.u32 $0xD0000000, s2;
	s6 =	simm.s32 $0x108;
	_ =	swait.ge @!p0 [sflag:s8], $0x0  }
0x24: {  	s3 =	sadd.s32 $0x88, s3;
	s6 =	simm.s32 @!p1 $0x1082;
	[sflag:s4] =	ssyncset.s32 $0xFFFFF086  }
0x25: {  	[simem:s6], [sflag:s4] =	dma.local [hbm:s3], $0xF7A  }
0x26: {  	[smem:$0x3F99] =	sst s1;
	(tag) =	ssettag s2;
	_ =	strace s9  }
0x27: {  	s1 =	sld [smem:$0x3FA9]  }
0x28: {  	s2 =	sld [smem:$0x3FAA]  }
0x29: {  	s4 =	sld [smem:$0x3FAC]  }
0x2a: {  	p0 =	seq.s32 s5, $0x0;
	s5 =	sld [smem:$0x3FAD]  }
0x2b: {  	s6 =	sld [smem:$0x3FAE]  }
0x2c: {  	s7 =	sld [smem:$0x3FAF]  }
0x2d: {  	s3 =	simm.s32 $0x108;
	s8 =	sld [smem:$0x3FB0]  }
0x2e: {  	s3 =	simm.s32 @!p0 $0x1082;
	s9 =	sld [smem:$0x3FB1]  }
0x2f: {  	lr =	sadd.s32 s0, s3;
	s0 =	sld [smem:$0x3FA8]  }
0x30: {  	s3 =	sld [smem:$0x3FAB]  }
0x31: {  	[smem:$0x3FB4] =	sst s10  }
0x32: {  	s10 =	sld [smem:$0x3FB2];
	_ =	sdelay $0x3  }
0x33: {  	p0 =	seq.s32 s10, $0x1;
	s10 =	sld [smem:$0x3FB4];
	_ =	sdelay $0x3  }
0x34: {  	[smem:$0x3FB4] =	sst s10  }
0x35: {  	s10 =	sld [smem:$0x3FB3];
	_ =	sdelay $0x3  }
0x36: {  	p1 =	seq.s32 s10, $0x1;
	s10 =	sld [smem:$0x3FB4];
	_ =	sdelay $0x3  }
0x37: {  	[smem:$0x3FB4] =	sst s10  }
0x38: {  	s10 =	sld [smem:$0x3FB5]  }
0x39: {  	_ = 	snop;
	(pc) =	sbr.ind lr, $3  }
0x3a: {  	_ = 	snop  }
0x3b: {  	_ = 	snop  }
0x3c: {  	p2 =	seq.s32 s10, $0x1;
	s10 =	sld [smem:$0x3FB4]  }
0x3d: {  	_ =	shalt  }
0x3e: {  	_ =	shalt  }
0x3f: {  	_ =	shalt  }
0x40: {  	_ =	shalt  }
0x41: {  	_ =	shalt  }
0x42: {  	_ =	shalt  }
0x43: {  	_ =	shalt  }
0x44: {  	_ =	shalt  }
0x45: {  	_ =	shalt  }
0x46: {  	_ =	shalt  }
0x47: {  	_ =	shalt  }
0x48: {  	_ =	shalt  }
0x49: {  	_ =	shalt  }
0x4a: {  	_ =	shalt  }
0x4b: {  	_ =	shalt  }
0x4c: {  	_ =	shalt  }
0x4d: {  	_ =	shalt  }
0x4e: {  	_ =	shalt  }
0x4f: {  	_ =	shalt  }
0x50: {  	_ =	shalt  }
0x51: {  	_ =	shalt  }
0x52: {  	_ =	shalt  }
0x53: {  	_ =	shalt  }
0x54: {  	_ =	shalt  }
0x55: {  	_ =	shalt  }
0x56: {  	_ =	shalt  }
0x57: {  	_ =	shalt  }
0x58: {  	_ =	shalt  }
0x59: {  	_ =	shalt  }
0x5a: {  	_ =	shalt  }
0x5b: {  	_ =	shalt  }
0x5c: {  	_ =	shalt  }
0x5d: {  	_ =	shalt  }
0x5e: {  	_ =	shalt  }
0x5f: {  	_ =	shalt  }
0x60: {  	_ =	shalt  }
0x61: {  	_ =	shalt  }
0x62: {  	_ =	shalt  }
0x63: {  	_ =	shalt  }
0x64: {  	_ =	shalt  }
0x65: {  	_ =	shalt  }
0x66: {  	_ =	shalt  }
0x67: {  	_ =	shalt  }
0x68: {  	_ =	shalt  }
0x69: {  	_ =	shalt  }
0x6a: {  	_ =	shalt  }
0x6b: {  	_ =	shalt  }
0x6c: {  	_ =	shalt  }
0x6d: {  	_ =	shalt  }
0x6e: {  	_ =	shalt  }
0x6f: {  	_ =	shalt  }
0x70: {  	_ =	shalt  }
0x71: {  	_ =	shalt  }
0x72: {  	_ =	shalt  }
0x73: {  	_ =	shalt  }
0x74: {  	_ =	shalt  }
0x75: {  	_ =	shalt  }
0x76: {  	_ =	shalt  }
0x77: {  	_ =	shalt  }
0x78: {  	_ =	shalt  }
0x79: {  	_ =	shalt  }
0x7a: {  	_ =	shalt  }
0x7b: {  	_ =	shalt  }
0x7c: {  	_ =	shalt  }
0x7d: {  	_ =	shalt  }
0x7e: {  	_ =	shalt  }
0x7f: {  	_ =	shalt  }
0x80: {  	_ =	shalt  }
0x81: {  	_ =	shalt  }
0x82: {  	_ =	shalt  }
0x83: {  	_ =	shalt  }
0x84: {  	_ =	shalt  }
0x85: {  	_ =	shalt  }
0x86: {  	_ =	shalt  }
0x87: {  	_ =	shalt  }
.Lfunc_end0:
.L_simem_size_0:
called_computation_lowered:
.L_overlay_start_0:
0x88: {  	s2 =	sld [smem:$0x3FD9]  }
0x89: {  	s3 =	sld [smem:$0x3FFE];
	_ =	sdelay $0x1  }
0x8a: {  	s1 =	srdreg.scid  }
0x8b: {  	s0 =	sand.u32 $0x1, s1  }
0x8c: {  	s16 =	sshll.u32 s0, $0xA;
	s2 =	sadd.s32 s3, s2  }
0x8d: {  	s2 =	sadd.s32 s2, s16  }
0x8e: {  	[smem:$0x3FC0] =	sst s2  }
0x8f: {  	_ = 	snop  }
0x90: {  	(tm) =	ssettm $0x1  }
0x91: {  	s17 =	sld [smem:$0x3FFB];
	_ =	sdelay $0x3  }
0x92: {  	_ =	strace s17  }
0x93: {  	s2 =	sld [smem:$0x3FFC];
	_ =	sdelay $0x3  }
0x94: {  	_ =	strace s2  }
0x95: {  	s2 =	sld [smem:$0x3FFD];
	_ =	sdelay $0x3  }
0x96: {  	_ =	strace s2  }
0x97: {  	_ =	strace $0x8FFFFFFF  }
0x98: {  	s18 =	sld [smem:$0x3FDB];
	_ =	sdelay $0x1  }
0x99: {  	s19 =	simm.s32 $_scs_section_size  }
0x9a: {  	s4 =	simm.s32 $_size__tile_overlayer_lowered;
	s5 =	simm.s32 $_tile_overlayer_lowered  }
0x9b: {  	s22 =	simm.s32 $0x1BFF;
	s21 =	sshll.u32 s5, $0x1;
	s2 =	sadd.s32 s19, s18  }
0x9c: {  	s6 =	simm.s32 $0x0;
	s20 =	sshll.u32 s4, $0x1;
	s4 =	sadd.s32 s21, s2  }
0x9d: {  	[timem:s6], [sflag:s22] =	dma.local [hbm:s4], s20  }
0x9e: {  	_ =	swait.ge [sflag:s22], s20  }
0x9f: {  	s3 =	ssub.s32 $0x0, s20;
	[sflag:s22] =	ssyncset.done $0x0  }
0xa0: {  	[sflag:s22] =	ssyncadd.s32 s3;
	_ =	sdelay $0x1  }
0xa1: {  	s23 =	simm.s32 $0x1B8B  }
0xa2: {  	_ =	swait.ge [sflag:s23], $0x1  }
0xa3: {  	[sflag:s23] =	ssyncset.done $0x0  }
0xa4: {  	s25 =	simm.s32 $0x1B8E;
	s24 =	sld [smem:$0x3FFE];
	[sflag:s23] =	ssyncadd.s32 $0xFFFFFFFF  }
0xa5: {  	s26 =	simm.s32 $execute0_lowered;
	[smem:$0x3FD2] =	sst s25  }
0xa6: {  	s4 =	sshll.u32 s26, $0x1;
	_ =	strace $0x80000046;
	[dreg:$0x1] =	wrdreg $0xFFFFFFFF  }
0xa7: {  	s28 =	simm.s32 $_size_execute0_lowered;
	s2 =	sadd.s32 s2, s4;
	[dreg:$0x0] =	wrdreg $0x0  }
0xa8: {  	s4 =	sshll.u32 s28, $0x1;
	[dreg:$0x2] =	wrdreg s2  }
0xa9: {  	[dreg:$0x3] =	wrdreg s4  }
0xaa: {  	[dreg:$0x4] =	wrdreg $0xC0  }
0xab: {  	_ =	task [dreg:s6], $0x5FFFF  }
0xac: {  	[dreg:$0x1] =	wrdreg $0xFFFFFFFF  }
0xad: {  	[dreg:$0x0] =	wrdreg $0x60  }
0xae: {  	[dreg:$0x2] =	wrdreg s24  }
0xaf: {  	[dreg:$0x3] =	wrdreg $0xA3800  }
0xb0: {  	[dreg:$0x4] =	wrdreg $0x1DC800  }
0xb1: {  	[dreg:$0x5] =	wrdreg $0x9  }
0xb2: {  	_ =	task.clear_ibuf [dreg:s6], $0x6FFFF;
	_ =	strace $0x90000046  }
0xb3: {  	s29 =	simm.s32 $0x9;
	_ =	strace $0x80000048  }
0xb4: {  	_ =	swait.ge [sflag:s29], $0x1  }
0xb5: {  	[sflag:s29] =	ssyncadd.s32 $0xFFFFFFFF  }
0xb6: {  	_ =	strace $0x90000048  }
0xb7: {  	_ =	sfence  }
0xb8: {  	s30 =	sld [smem:$0x0];
	_ =	sdelay $0x2  }
0xb9: {  	s31 =	sshll.u32 s1, $0xD;
	s1 =	sshrl.u32 s1, $0x2  }
0xba: {  	s3 =	sand.u32 $0x4000, s31;
	s1 =	sadd.s32 s1, s30  }
0xbb: {  	s0 =	sor.u32 s3, s0;
	s1 =	sshll.u32 s1, $0x11  }
0xbc: {  	s0 =	sor.u32 s1, s0  }
0xbd: {  	s0 =	sadd.s32 $0x8F2B, s0  }
0xbe: {  	[sflag:s0] =	ssyncadd.remote.s32 $0x1  }
0xbf: {  	_ =	sfence.sel $0xFFFF  }
0xc0: {  	[dreg:$0x0] =	wrdreg $0xFFFFFFFF;
	(pc) =	sbr.abs _section_cstart, $3  }
0xc1: {  	[dreg:$0x1] =	wrdreg $0xFFFFFFFF  }
0xc2: {  	_ =	task.clear_ibuf [dreg:s6], $0x2FFFF;
	_ =	strace $0x9FFFFFFF  }
0xc3: {  	(tm) =	ssettm $0x7FFFFFFF  }
tec
execute0_lowered:
.L_overlay_start_1:
0x0: {  	(tag) =	ssettag $0x1  }
0x1: {  	s0 =	rddreg [dreg:$0x0]  }
0x2: {  	s2 =	rddreg [dreg:$0x1]  }
0x3: {  	s3 =	rddreg [dreg:$0x2]  }
0x4: {  	s1 =	simm.s32 $0x0;
	s10 =	stileid.u32;
	s5 =	srdreg.scid  }
0x5: {  	s28 =	simm.s32 $0x2B00;
	s29 =	simm.s32 $0x2800;
	s30 =	simm.s32 $0x5300  }
0x6: {  	s31 =	simm.s32 $0x2980;
	s16 =	simm.s32 $0x2;
	s20 =	smul.u32 $0x4E2, s10  }
0x7: {  	s17 =	simm.s32 $0x2A00;
	[smem:$0x7FF] =	sst s1;
	s4 =	smul.u32 $0x2700, s10  }
0x8: {  	s11 =	sadd.s32 $0x30800, s0;
	s12 =	sadd.s32 $0x9600, s0;
	s7 =	sadd.s32 $0x57A00, s0  }
0x9: {  	s15 =	sadd.s32 $0x7F200, s0;
	_ =	strace $0x80000047;
	[dreg:$0x6] =	wrdreg s7  }
0xa: {  	s5 =	sand.u32 $0x1, s5;
	s14 =	sadd.s32 $0xA6A00, s0;
	[dreg:$0x9] =	wrdreg s15  }
0xb: {  	s8 =	smul.u32 $0x4E000, s10;
	s13 =	sadd.s32 $0x7F800, s0;
	[dreg:$0x8] =	wrdreg s14  }
0xc: {  	s23 =	sshll.u32 s10, $0x6;
	p3 =	seq.s32 s10, $0xF;
	[dreg:$0x7] =	wrdreg s13  }
0xd: {  	s21 =	ssub.s32 $0x2, s5;
	p0 =	seq.s32 s5, $0x0;
	[dreg:$0x5] =	wrdreg s12  }
0xe: {  	s24 =	sor.u32 s5, s10;
	[dreg:$0x4] =	wrdreg s11;
	p2 =	sne.s32 s5, $0x0  }
0xf: {  	s1 =	sadd.s32 s20, s0;
	s6 =	sadd.s32 s4, s0;
	s9 =	sshrl.u32 s21, $0x1  }
0x10: {  	s8 =	sshrl.u32 s8, $0x2;
	s0 =	sadd.s32 $0x7F000, s0;
	s25 =	sadd.s32 s14, s4  }
0x11: {  	s4 =	sadd.s32 s13, s4;
	s12 =	smov.u32 @p0 s11;
	[dreg:$0xe] =	wrdreg s0  }
0x12: {  	p0 =	sne.s32 s10, $0xF;
	p1 =	sne.s32 s24, $0x0;
	[dreg:$0xf] =	wrdreg s25  }
0x13: {  	s24 =	simm.s32 $0x1;
	s7 =	ssub.s32 s21, s9;
	[dreg:$0x10] =	wrdreg s4  }
0x14: {  	s1 =	sadd.s32 $0x4600, s1;
	s22 =	sadd.s32 s8, s2;
	[dreg:$0x12] =	wrdreg s12  }
0x15: {  	s6 =	sadd.s32 $0x58000, s6;
	s8 =	sadd.s32 $0x138000, s2;
	[dreg:$0xa] =	wrdreg s1  }
0x16: {  	s12 =	simm.s32 $0x7;
	s13 =	sshrl.u32 @!p1 s3, $0x3;
	[dreg:$0xb] =	wrdreg s6  }
0x17: {  	s25 =	simm.s32 $0x50;
	s0 =	simm.s32 $0x2880;
	[dreg:$0xd] =	wrdreg s8  }
.Ltmp0:
0x18: {  	s26 =	smax.u32 s7, $0x1;
	[dreg:$0x15] =	wrdreg s13;
	(pc) =	sbr.rel .LBB2_1-.Ltmp0, $4  }
0x19: {  	s9 =	simm.s32 $0x2A80;
	s1 =	sshrl.u32 @!p0 s8, $0x3;
	[dreg:$0x11] =	wrdreg s26  }
0x1a: {  	s6 =	sor.u32 $0x1C07, s23;
	s11 =	sshrl.u32 s22, $0x3;
	[dreg:$0x14] =	wrdreg s1  }
0x1b: {  	s8 =	simm.s32 $0x3;
	s7 =	simm.s32 $0x0;
	[dreg:$0xc] =	wrdreg s6  }
0x1c: {  	v0 =	vimm.f32 $1.000000000e+00;
	s26 =	simm.s32 $0x2780;
	s1 =	simm.s32 $0x7B00;
	[dreg:$0x13] =	wrdreg s11  }
.LBB2_6:
0x1d: {  	s5 =	rddreg [dreg:$0xd]  }
0x1e: {  	s4 =	sadd.s32 $0x27000, s4;
	s5 =	sshrl.u32 s5, $0x3  }
0x1f: {  	[hbm:s4], [sflag:s6] =	dma.local [spmem:s5], $0x100  }
0x20: {  	_ =	swait.ge [sflag:s12], $0x100  }
0x21: {  	[sflag:s12] =	ssyncset.done $0x0  }
0x22: {  	[sflag:s12] =	ssyncadd.s32 $0xFFFFFF00  }
.LBB2_7:
0x23: {  	s4 =	rddreg [dreg:$0x9]  }
0x24: {  	[hbm:s4], [sflag:s6] =	dma.local @!p1 [spmem:s13], $0x4F0  }
0x25: {  	s4 =	simm.s32 @!p1 $0x7  }
0x26: {  	_ =	swait.ge @!p1 [sflag:s4], $0x4F0  }
0x27: {  	s7 =	sadd.s32 $0x1, s7;
	s5 =	rddreg [dreg:$0x11]  }
0x28: {  	p4 =	sne.s32 s7, s5  }
.Ltmp1:
0x29: {  	_ = 	snop;
	(pc) =	sbr.rel @!p4 .LBB2_8-.Ltmp1, $3  }
0x2a: {  	_ =	sdelay $0x1  }
0x2b: {  	[sflag:s4] =	ssyncset.done @!p1 $0x0  }
0x2c: {  	[sflag:s4] =	ssyncadd.s32 @!p1 $0xFFFFFB10  }
.LBB2_1:
0x2d: {  	[tilespmem:$0xA300] =	vst v0  }
0x2e: {  	[tilespmem:$0xA310] =	vst v0  }
0x2f: {  	[dreg:$0x16] =	wrdreg s7;
	[tilespmem:$0xA320] =	vst v0  }
0x30: {  	[tilespmem:$0xA330] =	vst v0;
	s4 =	rddreg [dreg:$0xa]  }
0x31: {  	[tilespmem:$0xA340] =	vst v0;
	s21 =	simm.s32 $0x0;
	s10 =	rddreg [dreg:$0xb]  }
0x32: {  	[tilespmem:s21], [sflag:$0x1] =	stream.linear.gather [hbm4b:s4+s21], $0x2710, $0x38;
	[tilespmem:$0x1DEF8] =	vst v63  }
0x33: {  	[spmem:s11], [sflag:s6] =	dma.local [hbm:s10], $0x2700  }
0x34: {  	_ =	swait.ge [sflag:s12], $0x2700  }
0x35: {  	[sflag:s12] =	ssyncset.done $0x0;
	s4 =	rddreg [dreg:$0xe]  }
0x36: {  	s5 =	rddreg [dreg:$0x14];
	[sflag:s12] =	ssyncadd.s32 $0xFFFFD900  }
0x37: {  	[spmem:s5], [sflag:s6] =	dma.local @!p0 [hbm:s4], $0x200  }
0x38: {  	s4 =	simm.s32 @!p0 $0x7  }
0x39: {  	_ =	swait.ge @!p0 [sflag:s4], $0x200  }
0x3a: {  	[sflag:s4] =	ssyncset.done @!p0 $0x0  }
0x3b: {  	[sflag:s4] =	ssyncadd.s32 @!p0 $0xFFFFFE00;
	s4 =	rddreg [dreg:$0x6]  }
0x3c: {  	[spmem:s13], [sflag:s6] =	dma.local @!p1 [hbm:s4], $0x4F0  }
0x3d: {  	s4 =	simm.s32 @!p1 $0x7  }
0x3e: {  	_ =	swait.ge @!p1 [sflag:s4], $0x4F0  }
0x3f: {  	[sflag:s4] =	ssyncset.done @!p1 $0x0  }
0x40: {  	[sflag:s4] =	ssyncadd.s32 @!p1 $0xFFFFFB10  }
0x41: {  	_ =	swait.ge [sflag:s24], $0x2710  }
0x42: {  	[sflag:s24] =	ssyncset.done $0x0  }
0x43: {  	[sflag:s24] =	ssyncadd.s32 $0xFFFFD8F0  }
0x44: {  	[bflag:$0x0] =	sbarrier.arrive $0xFFFF  }
0x45: {  	v1 =	vld [tilespmem:$0x0];
	_ =	sdelay $0x1  }
0x46: {  	v2 =	vld [tilespmem:$0x10];
	_ =	sdelay $0x1  }
0x47: {  	v3 =	vld [tilespmem:$0x20]  }
0x48: {  	v4 =	vshrl.u32 v1, $0xE  }
0x49: {  	v57 =	vld [tilespmem:$0x30];
	v1 =	vand.u32 $0x3FFF, v1;
	[tilespmem:$0x2780] =	vst v4  }
0x4a: {  	[tilespmem:$0x2980] =	vst v1;
	v1 =	vshrl.u32 v2, $0xE  }
0x4b: {  	[tilespmem:$0x2790] =	vst v1;
	v1 =	vand.u32 $0x3FFF, v2;
	v2 =	vld [tilespmem:$0x40]  }
0x4c: {  	[tilespmem:$0x2990] =	vst v1;
	v1 =	vshrl.u32 v3, $0xE  }
0x4d: {  	[tilespmem:$0x27A0] =	vst v1;
	v1 =	vand.u32 $0x3FFF, v3  }
0x4e: {  	[tilespmem:$0x29A0] =	vst v1;
	v1 =	vshrl.u32 v57, $0xE  }
0x4f: {  	[tilespmem:$0x27B0] =	vst v1;
	v1 =	vand.u32 $0x3FFF, v57  }
0x50: {  	[tilespmem:$0x29B0] =	vst v1;
	v1 =	vshrl.u32 v2, $0xE  }
0x51: {  	[tilespmem:$0x27C0] =	vst v1;
	v1 =	vand.u32 $0x3FFF, v2  }
0x52: {  	s12 =	rddreg [dreg:$0x12];
	[tilespmem:$0x29C0] =	vst v1  }
0x53: {  	[tilespmem:s28], [sflag:$0x1] =	stream.indirect.gather [hbm4b:s12+s25], $0x80, s26, s25, $0xb8;
	[tilespmem:$0x1DEF8] =	vst v63  }
0x54: {  	v1 =	vld [tilespmem:$0x50];
	_ =	sdelay $0x1  }
0x55: {  	v2 =	vld [tilespmem:$0x60];
	_ =	sdelay $0x1  }
0x56: {  	v3 =	vld [tilespmem:$0x70]  }
0x57: {  	v58 =	vshrl.u32 v1, $0xE  }
0x58: {  	v59 =	vld [tilespmem:$0x80];
	v1 =	vand.u32 $0x3FFF, v1;
	[tilespmem:$0x2800] =	vst v58  }
0x59: {  	[tilespmem:$0x2A00] =	vst v1;
	v1 =	vshrl.u32 v2, $0xE  }
0x5a: {  	[tilespmem:$0x2810] =	vst v1;
	v1 =	vand.u32 $0x3FFF, v2;
	v2 =	vld [tilespmem:$0x90]  }
0x5b: {  	[tilespmem:$0x2A10] =	vst v1;
	v1 =	vshrl.u32 v3, $0xE  }
0x5c: {  	[tilespmem:$0x2820] =	vst v1;
	v1 =	vand.u32 $0x3FFF, v3  }
0x5d: {  	[tilespmem:$0x2A20] =	vst v1;
	v1 =	vshrl.u32 v59, $0xE  }
0x5e: {  	[tilespmem:$0x2830] =	vst v1;
	v1 =	vand.u32 $0x3FFF, v59  }
0x5f: {  	[tilespmem:$0x2A30] =	vst v1;
	v1 =	vshrl.u32 v2, $0xE  }
0x60: {  	[tilespmem:$0x2840] =	vst v1;
	v1 =	vand.u32 $0x3FFF, v2  }
0x61: {  	[tilespmem:$0x2A40] =	vst v1  }
0x62: {  	[tilespmem:s30], [sflag:$0x2] =	stream.indirect.gather [hbm4b:s12+s25], $0x80, s29, s25, $0xb8;
	[tilespmem:$0x1DEF8] =	vst v63  }
0x63: {  	_ =	swait.ge [sflag:s24], $0x2800  }
0x64: {  	[sflag:s24] =	ssyncset.done $0x0  }
0x65: {  	[sflag:s24] =	ssyncadd.s32 $0xFFFFD800  }
0x66: {  	[spmem:s2] =	stream.indirect.scatter.add.f32 [tilespmem:s28], [sflag:$0x4], $0x80, s31, s25, $0xb8;
	[tilespmem:$0x1DEF8] =	vst v63  }
0x67: {  	s15 =	simm.s32 @!p2 $0x50;
	s18 =	simm.s32 @!p2 $0x2980;
	s12 =	simm.s32 @!p2 $0xA300  }
0x68: {  	[spmem:s3] =	stream.indirect.scatter.add.f32 @!p2 [tilespmem:s12], [sflag:$0x4], $0x1, s18, s15, $0xb8;
	[tilespmem:$0x1DEF8] =	vst v63  }
0x69: {  	v1 =	vld [tilespmem:$0xA0];
	_ =	sdelay $0x1  }
0x6a: {  	v2 =	vld [tilespmem:$0xB0];
	_ =	sdelay $0x1  }
0x6b: {  	v3 =	vld [tilespmem:$0xC0]  }
0x6c: {  	v60 =	vshrl.u32 v1, $0xE  }
0x6d: {  	v61 =	vld [tilespmem:$0xD0];
	v1 =	vand.u32 $0x3FFF, v1;
	[tilespmem:$0x2880] =	vst v60  }
0x6e: {  	[tilespmem:$0x2A80] =	vst v1;
	v1 =	vshrl.u32 v2, $0xE  }
0x6f: {  	[tilespmem:$0x2890] =	vst v1;
	v1 =	vand.u32 $0x3FFF, v2;
	v2 =	vld [tilespmem:$0xE0]  }
0x70: {  	[tilespmem:$0x2A90] =	vst v1;
	v1 =	vshrl.u32 v3, $0xE  }
0x71: {  	[tilespmem:$0x28A0] =	vst v1;
	v1 =	vand.u32 $0x3FFF, v3  }
0x72: {  	[tilespmem:$0x2AA0] =	vst v1;
	v1 =	vshrl.u32 v61, $0xE  }
0x73: {  	[tilespmem:$0x28B0] =	vst v1;
	v1 =	vand.u32 $0x3FFF, v61  }
0x74: {  	s5 =	rddreg [dreg:$0x4];
	[tilespmem:$0x2AB0] =	vst v1;
	v1 =	vshrl.u32 v2, $0xE  }
0x75: {  	s4 =	rddreg [dreg:$0x5];
	[tilespmem:$0x28C0] =	vst v1;
	v1 =	vand.u32 $0x3FFF, v2  }
0x76: {  	s5 =	smov.u32 @p2 s4;
	[tilespmem:$0x2AC0] =	vst v1  }
0x77: {  	[tilespmem:s1], [sflag:$0x3] =	stream.indirect.gather [hbm4b:s5+s25], $0x80, s0, s25, $0xb8;
	[tilespmem:$0x1DEF8] =	vst v63  }
0x78: {  	_ =	swait.ge [sflag:s16], $0x2800  }
0x79: {  	[sflag:s16] =	ssyncset.done $0x0  }
0x7a: {  	s6 =	simm.s32 @p2 $0x4;
	[sflag:s16] =	ssyncadd.s32 $0xFFFFD800  }
0x7b: {  	[spmem:s2] =	stream.indirect.scatter.add.f32 [tilespmem:s30], [sflag:$0x5], $0x80, s17, s25, $0xb8;
	[tilespmem:$0x1DEF8] =	vst v63  }
0x7c: {  	_ =	swait.ge @p2 [sflag:s6], $0x2800  }
0x7d: {  	[sflag:s6] =	ssyncset.done @p2 $0x0  }
0x7e: {  	s22 =	simm.s32 @!p2 $0x2A00;
	s4 =	simm.s32 @!p2 $0x4;
	[sflag:s6] =	ssyncadd.s32 @p2 $0xFFFFD800  }
0x7f: {  	[spmem:s3] =	stream.indirect.scatter.add.f32 @!p2 [tilespmem:s12], [sflag:$0x5], $0x1, s22, s15, $0xb8;
	[tilespmem:$0x1DEF8] =	vst v63  }
0x80: {  	_ =	swait.ge @!p2 [sflag:s4], $0x2800  }
0x81: {  	[sflag:s4] =	ssyncset.done @!p2 $0x0  }
0x82: {  	[sflag:s4] =	ssyncadd.s32 @!p2 $0xFFFFD800  }
0x83: {  	_ =	swait.ge @!p2 [sflag:s4], $0x50  }
0x84: {  	[sflag:s4] =	ssyncset.done @!p2 $0x0  }
0x85: {  	[sflag:s4] =	ssyncadd.s32 @!p2 $0xFFFFFFB0  }
0x86: {  	v1 =	vld [tilespmem:$0xF0];
	_ =	sdelay $0x1  }
0x87: {  	v2 =	vld [tilespmem:$0x100];
	_ =	sdelay $0x1  }
0x88: {  	v3 =	vld [tilespmem:$0x110]  }
0x89: {  	v62 =	vshrl.u32 v1, $0xE  }
0x8a: {  	v63 =	vld [tilespmem:$0x120];
	v1 =	vand.u32 $0x3FFF, v1;
	[tilespmem:$0x2780] =	vst v62  }
0x8b: {  	[tilespmem:$0x2980] =	vst v1;
	v1 =	vshrl.u32 v2, $0xE  }
0x8c: {  	[tilespmem:$0x2790] =	vst v1;
	v1 =	vand.u32 $0x3FFF, v2;
	v2 =	vld [tilespmem:$0x130]  }
0x8d: {  	[tilespmem:$0x2990] =	vst v1;
	v1 =	vshrl.u32 v3, $0xE  }
0x8e: {  	[tilespmem:$0x27A0] =	vst v1;
	v1 =	vand.u32 $0x3FFF, v3  }
0x8f: {  	[tilespmem:$0x29A0] =	vst v1;
	v1 =	vshrl.u32 v63, $0xE  }
0x90: {  	[tilespmem:$0x27B0] =	vst v1;
	v1 =	vand.u32 $0x3FFF, v63  }
0x91: {  	[tilespmem:$0x29B0] =	vst v1;
	v1 =	vshrl.u32 v2, $0xE  }
0x92: {  	[tilespmem:$0x27C0] =	vst v1;
	v1 =	vand.u32 $0x3FFF, v2  }
0x93: {  	[tilespmem:$0x29C0] =	vst v1  }
0x94: {  	[tilespmem:s28], [sflag:$0x1] =	stream.indirect.gather [hbm4b:s5+s25], $0x80, s26, s25, $0xb8;
	[tilespmem:$0x1DEF8] =	vst v63  }
0x95: {  	_ =	swait.ge [sflag:s8], $0x2800  }
0x96: {  	[sflag:s8] =	ssyncset.done $0x0  }
0x97: {  	s23 =	simm.s32 @p2 $0x5;
	[sflag:s8] =	ssyncadd.s32 $0xFFFFD800  }
0x98: {  	[spmem:s2] =	stream.indirect.scatter.add.f32 [tilespmem:s1], [sflag:$0x6], $0x80, s9, s25, $0xb8;
	[tilespmem:$0x1DEF8] =	vst v63  }
0x99: {  	_ =	swait.ge @p2 [sflag:s23], $0x2800  }
0x9a: {  	[sflag:s23] =	ssyncset.done @p2 $0x0  }
0x9b: {  	s19 =	simm.s32 @!p2 $0x2A80;
	s20 =	simm.s32 @!p2 $0x5;
	[sflag:s23] =	ssyncadd.s32 @p2 $0xFFFFD800  }
0x9c: {  	[spmem:s3] =	stream.indirect.scatter.add.f32 @!p2 [tilespmem:s12], [sflag:$0x6], $0x1, s19, s15, $0xb8;
	[tilespmem:$0x1DEF8] =	vst v63  }
0x9d: {  	_ =	swait.ge @!p2 [sflag:s20], $0x2800  }
0x9e: {  	[sflag:s20] =	ssyncset.done @!p2 $0x0  }
0x9f: {  	[sflag:s20] =	ssyncadd.s32 @!p2 $0xFFFFD800  }
0xa0: {  	_ =	swait.ge @!p2 [sflag:s20], $0x50  }
0xa1: {  	[sflag:s20] =	ssyncset.done @!p2 $0x0  }
0xa2: {  	s14 =	simm.s32 $0x220;
	[sflag:s20] =	ssyncadd.s32 @!p2 $0xFFFFFFB0  }
0xa3: {  	v1 =	vld [tilespmem:s14+$0xFFFFFF20];
	_ =	sdelay $0x4  }
0xa4: {  	v2 =	vshrl.u32 v1, $0xE  }
0xa5: {  	v1 =	vand.u32 $0x3FFF, v1;
	[tilespmem:$0x2800] =	vst v2  }
0xa6: {  	[tilespmem:$0x2A00] =	vst v1  }
0xa7: {  	v1 =	vld [tilespmem:s14+$0xFFFFFF30];
	_ =	sdelay $0x4  }
0xa8: {  	v2 =	vshrl.u32 v1, $0xE  }
0xa9: {  	v1 =	vand.u32 $0x3FFF, v1;
	[tilespmem:$0x2810] =	vst v2  }
0xaa: {  	[tilespmem:$0x2A10] =	vst v1  }
0xab: {  	v1 =	vld [tilespmem:s14+$0xFFFFFF40];
	_ =	sdelay $0x4  }
0xac: {  	v2 =	vshrl.u32 v1, $0xE  }
0xad: {  	v1 =	vand.u32 $0x3FFF, v1;
	[tilespmem:$0x2820] =	vst v2  }
0xae: {  	[tilespmem:$0x2A20] =	vst v1  }
0xaf: {  	v1 =	vld [tilespmem:s14+$0xFFFFFF50];
	_ =	sdelay $0x4  }
0xb0: {  	v2 =	vshrl.u32 v1, $0xE  }
0xb1: {  	s13 =	sand.u32 $0x3F80, s21;
	s21 =	sand.u32 $0x70, s21;
	v1 =	vand.u32 $0x3FFF, v1;
	[tilespmem:$0x2830] =	vst v2  }
0xb2: {  	s7 =	sor.u32 s21, s13;
	[tilespmem:$0x2A30] =	vst v1  }
0xb3: {  	v1 =	vld [tilespmem:s7+$0x180];
	_ =	sdelay $0x4  }
0xb4: {  	v2 =	vshrl.u32 v1, $0xE  }
0xb5: {  	v1 =	vand.u32 $0x3FFF, v1;
	[tilespmem:$0x2840] =	vst v2  }
0xb6: {  	[tilespmem:$0x2A40] =	vst v1  }
0xb7: {  	[tilespmem:s30], [sflag:$0x2] =	stream.indirect.gather [hbm4b:s5+s25], $0x80, s29, s25, $0xb8;
	[tilespmem:$0x1DEF8] =	vst v63  }
0xb8: {  	_ =	swait.ge [sflag:s24], $0x2800  }
0xb9: {  	[sflag:s24] =	ssyncset.done $0x0  }
0xba: {  	s7 =	simm.s32 @p2 $0x6;
	[sflag:s24] =	ssyncadd.s32 $0xFFFFD800  }
0xbb: {  	[spmem:s2] =	stream.indirect.scatter.add.f32 [tilespmem:s28], [sflag:$0x4], $0x80, s31, s25, $0xb8;
	[tilespmem:$0x1DEF8] =	vst v63  }
0xbc: {  	_ =	swait.ge @p2 [sflag:s7], $0x2800  }
0xbd: {  	[sflag:s7] =	ssyncset.done @p2 $0x0  }
0xbe: {  	s10 =	simm.s32 @!p2 $0x6;
	[sflag:s7] =	ssyncadd.s32 @p2 $0xFFFFD800  }
0xbf: {  	[spmem:s3] =	stream.indirect.scatter.add.f32 @!p2 [tilespmem:s12], [sflag:$0x4], $0x1, s18, s15, $0xb8;
	[tilespmem:$0x1DEF8] =	vst v63  }
0xc0: {  	_ =	swait.ge @!p2 [sflag:s10], $0x2800  }
0xc1: {  	[sflag:s10] =	ssyncset.done @!p2 $0x0  }
0xc2: {  	[sflag:s10] =	ssyncadd.s32 @!p2 $0xFFFFD800  }
0xc3: {  	_ =	swait.ge @!p2 [sflag:s10], $0x50  }
0xc4: {  	[sflag:s10] =	ssyncset.done @!p2 $0x0  }
0xc5: {  	[sflag:s10] =	ssyncadd.s32 @!p2 $0xFFFFFFB0  }
0xc6: {  	v1 =	vld [tilespmem:s14+$0xFFFFFF70];
	_ =	sdelay $0x4  }
0xc7: {  	v2 =	vshrl.u32 v1, $0xE  }
0xc8: {  	v1 =	vand.u32 $0x3FFF, v1;
	[tilespmem:$0x2880] =	vst v2  }
0xc9: {  	[tilespmem:$0x2A80] =	vst v1  }
0xca: {  	v1 =	vld [tilespmem:s14+$0xFFFFFF80];
	_ =	sdelay $0x4  }
0xcb: {  	v2 =	vshrl.u32 v1, $0xE  }
0xcc: {  	v1 =	vand.u32 $0x3FFF, v1;
	[tilespmem:$0x2890] =	vst v2  }
0xcd: {  	[tilespmem:$0x2A90] =	vst v1  }
0xce: {  	v1 =	vld [tilespmem:s14+$0xFFFFFF90];
	_ =	sdelay $0x4  }
0xcf: {  	v2 =	vshrl.u32 v1, $0xE  }
0xd0: {  	v1 =	vand.u32 $0x3FFF, v1;
	[tilespmem:$0x28A0] =	vst v2  }
0xd1: {  	[tilespmem:$0x2AA0] =	vst v1  }
0xd2: {  	v1 =	vld [tilespmem:s14+$0xFFFFFFA0];
	_ =	sdelay $0x4  }
0xd3: {  	v2 =	vshrl.u32 v1, $0xE  }
0xd4: {  	v1 =	vand.u32 $0x3FFF, v1;
	[tilespmem:$0x28B0] =	vst v2  }
0xd5: {  	[tilespmem:$0x2AB0] =	vst v1  }
0xd6: {  	v1 =	vld [tilespmem:s14+$0xFFFFFFB0];
	_ =	sdelay $0x4  }
0xd7: {  	v2 =	vshrl.u32 v1, $0xE  }
0xd8: {  	v1 =	vand.u32 $0x3FFF, v1;
	[tilespmem:$0x28C0] =	vst v2  }
0xd9: {  	[tilespmem:$0x2AC0] =	vst v1  }
0xda: {  	[tilespmem:s1], [sflag:$0x3] =	stream.indirect.gather [hbm4b:s5+s25], $0x80, s0, s25, $0xb8;
	[tilespmem:$0x1DEF8] =	vst v63  }
0xdb: {  	_ =	swait.ge [sflag:s16], $0x2800  }
0xdc: {  	[sflag:s16] =	ssyncset.done $0x0  }
0xdd: {  	[sflag:s16] =	ssyncadd.s32 $0xFFFFD800  }
0xde: {  	[spmem:s2] =	stream.indirect.scatter.add.f32 [tilespmem:s30], [sflag:$0x5], $0x80, s17, s25, $0xb8;
	[tilespmem:$0x1DEF8] =	vst v63  }
0xdf: {  	_ =	swait.ge @p2 [sflag:s6], $0x2800  }
0xe0: {  	[sflag:s6] =	ssyncset.done @p2 $0x0  }
0xe1: {  	[sflag:s6] =	ssyncadd.s32 @p2 $0xFFFFD800  }
0xe2: {  	[spmem:s3] =	stream.indirect.scatter.add.f32 @!p2 [tilespmem:s12], [sflag:$0x5], $0x1, s22, s15, $0xb8;
	[tilespmem:$0x1DEF8] =	vst v63  }
0xe3: {  	_ =	swait.ge @!p2 [sflag:s4], $0x2800  }
0xe4: {  	[sflag:s4] =	ssyncset.done @!p2 $0x0  }
0xe5: {  	[sflag:s4] =	ssyncadd.s32 @!p2 $0xFFFFD800  }
0xe6: {  	_ =	swait.ge @!p2 [sflag:s4], $0x50  }
0xe7: {  	[sflag:s4] =	ssyncset.done @!p2 $0x0  }
0xe8: {  	[sflag:s4] =	ssyncadd.s32 @!p2 $0xFFFFFFB0  }
0xe9: {  	v1 =	vld [tilespmem:s14+$0xFFFFFFC0];
	_ =	sdelay $0x4  }
0xea: {  	v2 =	vshrl.u32 v1, $0xE  }
0xeb: {  	v1 =	vand.u32 $0x3FFF, v1;
	[tilespmem:$0x2780] =	vst v2  }
0xec: {  	[tilespmem:$0x2980] =	vst v1  }
0xed: {  	v1 =	vld [tilespmem:s14+$0xFFFFFFD0];
	_ =	sdelay $0x4  }
0xee: {  	v2 =	vshrl.u32 v1, $0xE  }
0xef: {  	v1 =	vand.u32 $0x3FFF, v1;
	[tilespmem:$0x2790] =	vst v2  }
0xf0: {  	s11 =	sadd.s32 s21, s13;
	[tilespmem:$0x2990] =	vst v1  }
0xf1: {  	v1 =	vld [tilespmem:s11+$0x200];
	_ =	sdelay $0x4  }
0xf2: {  	v2 =	vshrl.u32 v1, $0xE  }
0xf3: {  	v1 =	vand.u32 $0x3FFF, v1;
	[tilespmem:$0x27A0] =	vst v2  }
0xf4: {  	[tilespmem:$0x29A0] =	vst v1  }
0xf5: {  	s13 =	simm.s32 $0xF0;
	s21 =	simm.s32 $0x220;
	v1 =	vld [tilespmem:s14+$0xFFFFFFF0]  }
.LBB2_2:
0xf6: {  	s14 =	sadd.s32 $0xF0, s14;
	s11 =	smov.u32 s13;
	s13 =	sadd.s32 $0xF0, s13  }
0xf7: {  	p4 =	sne.s32 s13, $0x2580;
	_ =	sdelay $0x2  }
0xf8: {  	v2 =	vshrl.u32 v1, $0xE;
	v1 =	vand.u32 $0x3FFF, v1  }
0xf9: {  	[tilespmem:$0x27B0] =	vst v2  }
0xfa: {  	[tilespmem:$0x29B0] =	vst v1  }
0xfb: {  	v1 =	vld [tilespmem:s21+$0x0];
	s21 =	smov.u32 s14;
	_ =	sdelay $0x4  }
0xfc: {  	v2 =	vshrl.u32 v1, $0xE;
	v1 =	vand.u32 $0x3FFF, v1  }
0xfd: {  	[tilespmem:$0x27C0] =	vst v2  }
0xfe: {  	[tilespmem:$0x29C0] =	vst v1  }
0xff: {  	[tilespmem:s28], [sflag:$0x1] =	stream.indirect.gather [hbm4b:s5+s25], $0x80, s26, s25, $0xb8;
	[tilespmem:$0x1DEF8] =	vst v63  }
0x100: {  	_ =	swait.ge [sflag:s8], $0x2800  }
0x101: {  	[sflag:s8] =	ssyncset.done $0x0  }
0x102: {  	[sflag:s8] =	ssyncadd.s32 $0xFFFFD800  }
0x103: {  	[spmem:s2] =	stream.indirect.scatter.add.f32 [tilespmem:s1], [sflag:$0x6], $0x80, s9, s25, $0xb8;
	[tilespmem:$0x1DEF8] =	vst v63  }
0x104: {  	_ =	swait.ge @p2 [sflag:s23], $0x2800  }
0x105: {  	[sflag:s23] =	ssyncset.done @p2 $0x0  }
0x106: {  	[sflag:s23] =	ssyncadd.s32 @p2 $0xFFFFD800  }
0x107: {  	[spmem:s3] =	stream.indirect.scatter.add.f32 @!p2 [tilespmem:s12], [sflag:$0x6], $0x1, s19, s15, $0xb8;
	[tilespmem:$0x1DEF8] =	vst v63  }
0x108: {  	_ =	swait.ge @!p2 [sflag:s20], $0x2800  }
0x109: {  	[sflag:s20] =	ssyncset.done @!p2 $0x0  }
0x10a: {  	[sflag:s20] =	ssyncadd.s32 @!p2 $0xFFFFD800  }
0x10b: {  	_ =	swait.ge @!p2 [sflag:s20], $0x50  }
0x10c: {  	[sflag:s20] =	ssyncset.done @!p2 $0x0  }
0x10d: {  	[sflag:s20] =	ssyncadd.s32 @!p2 $0xFFFFFFB0  }
0x10e: {  	v1 =	vld [tilespmem:s14+$0xFFFFFF20];
	_ =	sdelay $0x4  }
0x10f: {  	v2 =	vshrl.u32 v1, $0xE;
	v1 =	vand.u32 $0x3FFF, v1  }
0x110: {  	[tilespmem:$0x2800] =	vst v2  }
0x111: {  	[tilespmem:$0x2A00] =	vst v1  }
0x112: {  	v1 =	vld [tilespmem:s14+$0xFFFFFF30];
	_ =	sdelay $0x4  }
0x113: {  	v2 =	vshrl.u32 v1, $0xE;
	v1 =	vand.u32 $0x3FFF, v1  }
0x114: {  	[tilespmem:$0x2810] =	vst v2  }
0x115: {  	[tilespmem:$0x2A10] =	vst v1  }
0x116: {  	v1 =	vld [tilespmem:s14+$0xFFFFFF40];
	_ =	sdelay $0x4  }
0x117: {  	v2 =	vshrl.u32 v1, $0xE;
	v1 =	vand.u32 $0x3FFF, v1  }
0x118: {  	[tilespmem:$0x2820] =	vst v2  }
0x119: {  	[tilespmem:$0x2A20] =	vst v1  }
0x11a: {  	v1 =	vld [tilespmem:s14+$0xFFFFFF50];
	_ =	sdelay $0x1  }
0x11b: {  	s26 =	sand.u32 $0x3F80, s11;
	s11 =	sand.u32 $0x70, s11  }
0x11c: {  	s29 =	sor.u32 s11, s26;
	s11 =	sadd.s32 s11, s26;
	s26 =	simm.s32 $0x2780  }
0x11d: {  	_ = 	snop  }
0x11e: {  	v2 =	vshrl.u32 v1, $0xE;
	v1 =	vand.u32 $0x3FFF, v1  }
0x11f: {  	[tilespmem:$0x2830] =	vst v2  }
0x120: {  	[tilespmem:$0x2A30] =	vst v1  }
0x121: {  	v1 =	vld [tilespmem:s29+$0x180];
	s29 =	simm.s32 $0x2800;
	_ =	sdelay $0x4  }
0x122: {  	v2 =	vshrl.u32 v1, $0xE;
	v1 =	vand.u32 $0x3FFF, v1  }
0x123: {  	[tilespmem:$0x2840] =	vst v2  }
0x124: {  	[tilespmem:$0x2A40] =	vst v1  }
0x125: {  	[tilespmem:s30], [sflag:$0x2] =	stream.indirect.gather [hbm4b:s5+s25], $0x80, s29, s25, $0xb8;
	[tilespmem:$0x1DEF8] =	vst v63  }
0x126: {  	_ =	swait.ge [sflag:s24], $0x2800  }
0x127: {  	[sflag:s24] =	ssyncset.done $0x0  }
0x128: {  	[sflag:s24] =	ssyncadd.s32 $0xFFFFD800  }
0x129: {  	[spmem:s2] =	stream.indirect.scatter.add.f32 [tilespmem:s28], [sflag:$0x4], $0x80, s31, s25, $0xb8;
	[tilespmem:$0x1DEF8] =	vst v63  }
0x12a: {  	_ =	swait.ge @p2 [sflag:s7], $0x2800  }
0x12b: {  	[sflag:s7] =	ssyncset.done @p2 $0x0  }
0x12c: {  	[sflag:s7] =	ssyncadd.s32 @p2 $0xFFFFD800  }
0x12d: {  	[spmem:s3] =	stream.indirect.scatter.add.f32 @!p2 [tilespmem:s12], [sflag:$0x4], $0x1, s18, s15, $0xb8;
	[tilespmem:$0x1DEF8] =	vst v63  }
0x12e: {  	_ =	swait.ge @!p2 [sflag:s10], $0x2800  }
0x12f: {  	[sflag:s10] =	ssyncset.done @!p2 $0x0  }
0x130: {  	[sflag:s10] =	ssyncadd.s32 @!p2 $0xFFFFD800  }
0x131: {  	_ =	swait.ge @!p2 [sflag:s10], $0x50  }
0x132: {  	[sflag:s10] =	ssyncset.done @!p2 $0x0  }
0x133: {  	[sflag:s10] =	ssyncadd.s32 @!p2 $0xFFFFFFB0  }
0x134: {  	v1 =	vld [tilespmem:s14+$0xFFFFFF70];
	_ =	sdelay $0x4  }
0x135: {  	v2 =	vshrl.u32 v1, $0xE;
	v1 =	vand.u32 $0x3FFF, v1  }
0x136: {  	[tilespmem:$0x2880] =	vst v2  }
0x137: {  	[tilespmem:$0x2A80] =	vst v1  }
0x138: {  	v1 =	vld [tilespmem:s14+$0xFFFFFF80];
	_ =	sdelay $0x4  }
0x139: {  	v2 =	vshrl.u32 v1, $0xE;
	v1 =	vand.u32 $0x3FFF, v1  }
0x13a: {  	[tilespmem:$0x2890] =	vst v2  }
0x13b: {  	[tilespmem:$0x2A90] =	vst v1  }
0x13c: {  	v1 =	vld [tilespmem:s14+$0xFFFFFF90];
	_ =	sdelay $0x4  }
0x13d: {  	v2 =	vshrl.u32 v1, $0xE;
	v1 =	vand.u32 $0x3FFF, v1  }
0x13e: {  	[tilespmem:$0x28A0] =	vst v2  }
0x13f: {  	[tilespmem:$0x2AA0] =	vst v1  }
0x140: {  	v1 =	vld [tilespmem:s14+$0xFFFFFFA0];
	_ =	sdelay $0x4  }
0x141: {  	v2 =	vshrl.u32 v1, $0xE;
	v1 =	vand.u32 $0x3FFF, v1  }
0x142: {  	[tilespmem:$0x28B0] =	vst v2  }
0x143: {  	[tilespmem:$0x2AB0] =	vst v1  }
0x144: {  	v1 =	vld [tilespmem:s14+$0xFFFFFFB0];
	_ =	sdelay $0x4  }
0x145: {  	v2 =	vshrl.u32 v1, $0xE;
	v1 =	vand.u32 $0x3FFF, v1  }
0x146: {  	[tilespmem:$0x28C0] =	vst v2  }
0x147: {  	[tilespmem:$0x2AC0] =	vst v1  }
0x148: {  	[tilespmem:s1], [sflag:$0x3] =	stream.indirect.gather [hbm4b:s5+s25], $0x80, s0, s25, $0xb8;
	[tilespmem:$0x1DEF8] =	vst v63  }
0x149: {  	_ =	swait.ge [sflag:s16], $0x2800  }
0x14a: {  	[sflag:s16] =	ssyncset.done $0x0  }
0x14b: {  	[sflag:s16] =	ssyncadd.s32 $0xFFFFD800  }
0x14c: {  	[spmem:s2] =	stream.indirect.scatter.add.f32 [tilespmem:s30], [sflag:$0x5], $0x80, s17, s25, $0xb8;
	[tilespmem:$0x1DEF8] =	vst v63  }
0x14d: {  	_ =	swait.ge @p2 [sflag:s6], $0x2800  }
0x14e: {  	[sflag:s6] =	ssyncset.done @p2 $0x0  }
0x14f: {  	[sflag:s6] =	ssyncadd.s32 @p2 $0xFFFFD800  }
0x150: {  	[spmem:s3] =	stream.indirect.scatter.add.f32 @!p2 [tilespmem:s12], [sflag:$0x5], $0x1, s22, s15, $0xb8;
	[tilespmem:$0x1DEF8] =	vst v63  }
0x151: {  	_ =	swait.ge @!p2 [sflag:s4], $0x2800  }
0x152: {  	[sflag:s4] =	ssyncset.done @!p2 $0x0  }
0x153: {  	[sflag:s4] =	ssyncadd.s32 @!p2 $0xFFFFD800  }
0x154: {  	_ =	swait.ge @!p2 [sflag:s4], $0x50  }
0x155: {  	[sflag:s4] =	ssyncset.done @!p2 $0x0  }
0x156: {  	[sflag:s4] =	ssyncadd.s32 @!p2 $0xFFFFFFB0  }
0x157: {  	v1 =	vld [tilespmem:s14+$0xFFFFFFC0];
	_ =	sdelay $0x4  }
0x158: {  	v2 =	vshrl.u32 v1, $0xE;
	v1 =	vand.u32 $0x3FFF, v1  }
0x159: {  	[tilespmem:$0x2780] =	vst v2  }
0x15a: {  	[tilespmem:$0x2980] =	vst v1  }
0x15b: {  	v1 =	vld [tilespmem:s14+$0xFFFFFFD0];
	_ =	sdelay $0x4  }
0x15c: {  	v2 =	vshrl.u32 v1, $0xE;
	v1 =	vand.u32 $0x3FFF, v1  }
0x15d: {  	[tilespmem:$0x2790] =	vst v2  }
0x15e: {  	[tilespmem:$0x2990] =	vst v1  }
0x15f: {  	v1 =	vld [tilespmem:s11+$0x200];
	_ =	sdelay $0x3  }
.Ltmp2:
0x160: {  	(pc) =	sbr.rel @p4 .LBB2_2-.Ltmp2, $4  }
0x161: {  	v2 =	vshrl.u32 v1, $0xE;
	v1 =	vand.u32 $0x3FFF, v1  }
0x162: {  	[tilespmem:$0x27A0] =	vst v2  }
0x163: {  	[tilespmem:$0x29A0] =	vst v1  }
0x164: {  	v1 =	vld [tilespmem:s14+$0xFFFFFFF0]  }
0x165: {  	_ =	sdelay $0x3  }
0x166: {  	v2 =	vshrl.u32 v1, $0xE  }
0x167: {  	v1 =	vand.u32 $0x3FFF, v1;
	[tilespmem:$0x27B0] =	vst v2  }
0x168: {  	[tilespmem:$0x29B0] =	vst v1  }
0x169: {  	v1 =	vld [tilespmem:s21+$0x0];
	_ =	sdelay $0x4  }
0x16a: {  	v2 =	vshrl.u32 v1, $0xE  }
0x16b: {  	v1 =	vand.u32 $0x3FFF, v1;
	[tilespmem:$0x27C0] =	vst v2  }
0x16c: {  	[tilespmem:$0x29C0] =	vst v1  }
0x16d: {  	[tilespmem:s28], [sflag:$0x1] =	stream.indirect.gather [hbm4b:s5+s25], $0x80, s26, s25, $0xb8;
	[tilespmem:$0x1DEF8] =	vst v63  }
0x16e: {  	_ =	swait.ge [sflag:s8], $0x2800  }
0x16f: {  	[sflag:s8] =	ssyncset.done $0x0  }
0x170: {  	[sflag:s8] =	ssyncadd.s32 $0xFFFFD800  }
0x171: {  	[spmem:s2] =	stream.indirect.scatter.add.f32 [tilespmem:s1], [sflag:$0x6], $0x80, s9, s25, $0xb8;
	[tilespmem:$0x1DEF8] =	vst v63  }
0x172: {  	_ =	swait.ge @p2 [sflag:s23], $0x2800  }
0x173: {  	[sflag:s23] =	ssyncset.done @p2 $0x0  }
0x174: {  	s4 =	simm.s32 @!p2 $0x50;
	s6 =	simm.s32 @!p2 $0xA300;
	[sflag:s23] =	ssyncadd.s32 @p2 $0xFFFFD800  }
0x175: {  	[spmem:s3] =	stream.indirect.scatter.add.f32 @!p2 [tilespmem:s6], [sflag:$0x6], $0x1, s19, s4, $0xb8;
	[tilespmem:$0x1DEF8] =	vst v63  }
0x176: {  	_ =	swait.ge @!p2 [sflag:s20], $0x2800  }
0x177: {  	[sflag:s20] =	ssyncset.done @!p2 $0x0  }
0x178: {  	[sflag:s20] =	ssyncadd.s32 @!p2 $0xFFFFD800  }
0x179: {  	_ =	swait.ge @!p2 [sflag:s20], $0x50  }
0x17a: {  	[sflag:s20] =	ssyncset.done @!p2 $0x0  }
0x17b: {  	[sflag:s20] =	ssyncadd.s32 @!p2 $0xFFFFFFB0  }
0x17c: {  	v1 =	vld [tilespmem:$0x26C0];
	_ =	sdelay $0x1  }
0x17d: {  	v2 =	vld [tilespmem:$0x26D0];
	_ =	sdelay $0x1  }
0x17e: {  	v3 =	vld [tilespmem:$0x26E0]  }
0x17f: {  	v4 =	vshrl.u32 v1, $0xE  }
0x180: {  	v63 =	vld [tilespmem:$0x26F0];
	v1 =	vand.u32 $0x3FFF, v1;
	[tilespmem:$0x2800] =	vst v4  }
0x181: {  	[tilespmem:$0x2A00] =	vst v1;
	v1 =	vshrl.u32 v2, $0xE  }
0x182: {  	[tilespmem:$0x2810] =	vst v1;
	v1 =	vand.u32 $0x3FFF, v2;
	v2 =	vld [tilespmem:$0x2700]  }
0x183: {  	[tilespmem:$0x2A10] =	vst v1;
	v1 =	vshrl.u32 v3, $0xE  }
0x184: {  	[tilespmem:$0x2820] =	vst v1;
	v1 =	vand.u32 $0x3FFF, v3  }
0x185: {  	[tilespmem:$0x2A20] =	vst v1;
	v1 =	vshrl.u32 v63, $0xE  }
0x186: {  	[tilespmem:$0x2830] =	vst v1;
	v1 =	vand.u32 $0x3FFF, v63  }
0x187: {  	[tilespmem:$0x2A30] =	vst v1;
	v1 =	vshrl.u32 v2, $0xE  }
0x188: {  	[tilespmem:$0x2840] =	vst v1;
	v1 =	vand.u32 $0x3FFF, v2  }
0x189: {  	[tilespmem:$0x2A40] =	vst v1  }
0x18a: {  	[tilespmem:s30], [sflag:$0x2] =	stream.indirect.gather [hbm4b:s5+s25], $0x80, s29, s25, $0xb8;
	[tilespmem:$0x1DEF8] =	vst v63  }
.Ltmp3:
0x18b: {  	_ = 	snop;
	(pc) =	sbr.rel @p2 .LBB2_5-.Ltmp3, $4  }
0x18c: {  	_ =	swait.ge [sflag:s24], $0x2800  }
0x18d: {  	[sflag:s24] =	ssyncset.done $0x0  }
0x18e: {  	[sflag:s24] =	ssyncadd.s32 $0xFFFFD800  }
0x18f: {  	[spmem:s2] =	stream.indirect.scatter.add.f32 [tilespmem:s28], [sflag:$0x4], $0x80, s31, s25, $0xb8;
	[tilespmem:$0x1DEF8] =	vst v63  }
0x190: {  	s4 =	simm.s32 $0xA300  }
0x191: {  	[spmem:s3] =	stream.indirect.scatter.add.f32 [tilespmem:s4], [sflag:$0x4], $0x1, s31, s25, $0xb8;
	[tilespmem:$0x1DEF8] =	vst v63  }
0x192: {  	_ =	swait.ge [sflag:s16], $0x2800  }
0x193: {  	[sflag:s16] =	ssyncset.done $0x0  }
0x194: {  	[sflag:s16] =	ssyncadd.s32 $0xFFFFD800  }
0x195: {  	[spmem:s2] =	stream.indirect.scatter.add.f32 [tilespmem:s30], [sflag:$0x5], $0x80, s17, s25, $0xb8;
	[tilespmem:$0x1DEF8] =	vst v63  }
0x196: {  	s20 =	simm.s32 $0x6  }
0x197: {  	[spmem:s3] =	stream.indirect.scatter.add.f32 [tilespmem:s4], [sflag:$0x5], $0x1, s17, s25, $0xb8;
	[tilespmem:$0x1DEF8] =	vst v63  }
0x198: {  	_ =	swait.ge [sflag:s20], $0x2800  }
0x199: {  	[sflag:s20] =	ssyncset.done $0x0  }
0x19a: {  	[sflag:s20] =	ssyncadd.s32 $0xFFFFD800  }
0x19b: {  	_ =	swait.ge [sflag:s20], $0x50  }
0x19c: {  	[sflag:s20] =	ssyncset.done $0x0  }
0x19d: {  	s21 =	simm.s32 $0x4;
	[sflag:s20] =	ssyncadd.s32 $0xFFFFFFB0  }
0x19e: {  	_ =	swait.ge [sflag:s21], $0x2800  }
0x19f: {  	[sflag:s21] =	ssyncset.done $0x0  }
0x1a0: {  	[sflag:s21] =	ssyncadd.s32 $0xFFFFD800  }
0x1a1: {  	_ =	swait.ge [sflag:s21], $0x50  }
0x1a2: {  	[sflag:s21] =	ssyncset.done $0x0  }
0x1a3: {  	s22 =	simm.s32 $0x5;
	[sflag:s21] =	ssyncadd.s32 $0xFFFFFFB0  }
0x1a4: {  	_ =	swait.ge [sflag:s22], $0x2800  }
0x1a5: {  	[sflag:s22] =	ssyncset.done $0x0  }
0x1a6: {  	[sflag:s22] =	ssyncadd.s32 $0xFFFFD800  }
0x1a7: {  	_ =	swait.ge [sflag:s22], $0x50  }
0x1a8: {  	[sflag:s22] =	ssyncset.done $0x0  }
0x1a9: {  	[sflag:s22] =	ssyncadd.s32 $0xFFFFFFB0  }
0x1aa: {  	[bflag:$0x0] =	sbarrier.arrive $0xFFFF  }
0x1ab: {  	s6 =	rddreg [dreg:$0xc]  }
0x1ac: {  	s23 =	rddreg [dreg:$0x10]  }
0x1ad: {  	s11 =	rddreg [dreg:$0x13]  }
0x1ae: {  	[hbm:s23], [sflag:s6] =	dma.local [spmem:s11], $0x2700  }
.Ltmp4:
0x1af: {  	s12 =	simm.s32 $0x7;
	(pc) =	sbr.rel @p3 .LBB2_6-.Ltmp4, $4  }
.Ltmp5:
0x1b0: {  	_ =	swait.ge [sflag:s12], $0x2700;
	(pc) =	sbr.rel @!p3 .LBB2_7-.Ltmp5, $4  }
0x1b1: {  	s4 =	rddreg [dreg:$0x7]  }
0x1b2: {  	[sflag:s12] =	ssyncset.done $0x0;
	s13 =	rddreg [dreg:$0x15]  }
0x1b3: {  	s7 =	rddreg [dreg:$0x16];
	[sflag:s12] =	ssyncadd.s32 $0xFFFFD900  }
0x1b4: {  	_ = 	snop  }
.LBB2_5:
0x1b5: {  	_ =	swait.ge [sflag:s16], $0x2800  }
0x1b6: {  	[sflag:s16] =	ssyncset.done $0x0  }
0x1b7: {  	s4 =	simm.s32 $0x6;
	[sflag:s16] =	ssyncadd.s32 $0xFFFFD800  }
0x1b8: {  	[spmem:s2] =	stream.indirect.scatter.add.f32 [tilespmem:s30], [sflag:$0x5], $0x80, s17, s25, $0xb8;
	[tilespmem:$0x1DEF8] =	vst v63  }
0x1b9: {  	_ =	swait.ge [sflag:s4], $0x2800  }
0x1ba: {  	[sflag:s4] =	ssyncset.done $0x0  }
0x1bb: {  	s21 =	simm.s32 $0x4;
	[sflag:s4] =	ssyncadd.s32 $0xFFFFD800  }
0x1bc: {  	_ =	swait.ge [sflag:s21], $0x2800  }
0x1bd: {  	[sflag:s21] =	ssyncset.done $0x0  }
0x1be: {  	s22 =	simm.s32 $0x5;
	[sflag:s21] =	ssyncadd.s32 $0xFFFFD800  }
0x1bf: {  	_ =	swait.ge [sflag:s22], $0x2800  }
0x1c0: {  	[sflag:s22] =	ssyncset.done $0x0  }
0x1c1: {  	[sflag:s22] =	ssyncadd.s32 $0xFFFFD800  }
0x1c2: {  	[bflag:$0x0] =	sbarrier.arrive $0xFFFF  }
0x1c3: {  	s6 =	rddreg [dreg:$0xc]  }
0x1c4: {  	s23 =	rddreg [dreg:$0xf]  }
0x1c5: {  	s11 =	rddreg [dreg:$0x13]  }
0x1c6: {  	[hbm:s23], [sflag:s6] =	dma.local [spmem:s11], $0x2700  }
.Ltmp6:
0x1c7: {  	s12 =	simm.s32 $0x7;
	(pc) =	sbr.rel @p0 .LBB2_7-.Ltmp6, $4  }
.Ltmp7:
0x1c8: {  	_ =	swait.ge [sflag:s12], $0x2700;
	(pc) =	sbr.rel @!p0 .LBB2_6-.Ltmp7, $4  }
0x1c9: {  	s4 =	rddreg [dreg:$0x8]  }
0x1ca: {  	[sflag:s12] =	ssyncset.done $0x0;
	s13 =	rddreg [dreg:$0x15]  }
0x1cb: {  	s7 =	rddreg [dreg:$0x16];
	[sflag:s12] =	ssyncadd.s32 $0xFFFFD900  }
0x1cc: {  	_ = 	snop  }
.LBB2_8:
0x1cd: {  	_ =	sfence.sel $0x180000  }
0x1ce: {  	[bflag:$0x0] =	sbarrier.arrive $0xFFFF  }
0x1cf: {  	_ =	strace $0x90000047  }
0x1d0: {  	s0 =	stileid.u32;
	[bflag:$0x2] =	sbarrier.arrive $0xFFFF  }
0x1d1: {  	p0 =	sne.s32 s0, $0x0;
	s0 =	rddreg [dreg:$0x3]  }
0x1d2: {  	s0 =	sadd.s32 @!p0 $0x100000, s0  }
0x1d3: {  	[sflag:s0] =	ssyncadd.tile.s32 @!p0 $0x1;
	_ =	shalt  }
.Lfunc_end2:
_tile_overlayer_lowered:
.L_overlay_start_2:
0x1d4: {  	(tag) =	ssettag $0x2  }
0x1d5: {  	s0 =	rddreg [dreg:$0x0];
	s2 =	stileid.u32  }
0x1d6: {  	s1 =	rddreg [dreg:$0x1];
	p0 =	sne.s32 s2, $0x0  }
0x1d7: {  	s3 =	rddreg [dreg:$0x2];
	[bflag:$0x3] =	sbarrier.arrive $0xFFFF;
	s2 =	simm.s32 @!p0 $0x1C07  }
0x1d8: {  	[timem:s3], [sflag:s2] =	dma.local @!p0 [hbm:s0], s1  }
0x1d9: {  	s0 =	simm.s32 @!p0 $0x7  }
0x1da: {  	_ =	swait.ge @!p0 [sflag:s0], s1  }
0x1db: {  	s1 =	ssub.s32 @!p0 $0x0, s1;
	[sflag:s0] =	ssyncset.done @!p0 $0x0  }
0x1dc: {  	[sflag:s0] =	ssyncadd.s32 @!p0 s1  }
0x1dd: {  	[bflag:$0x3] =	sbarrier.arrive $0xFFFF  }
0x1de: {  	_ =	shalt  }

</sc_bundles>
